<compile_context>
chip_gen: v7x
topology: tpu7x:2x2x1
jax: 0.10.2.dev20260603
libtpu: 0.0.44.dev20260713+nightly
codegen_flags: <defaults>
</compile_context>

<pallas_src>
import functools

import jax
import jax.numpy as jnp
from jax import lax
from jax.experimental import pallas as pl
from jax.experimental.pallas import tpu as pltpu
from jax.experimental.pallas import tpu_sc as plsc

N = 10000
E = 320000
D_IN = 128
H = 64
L = 4
MASK_RATIO = 0.15
EPS_BN = 1e-5

NC = 2
NS = 16
NW = NC * NS
CH = 128
LN = 128
LP = 88
NR = 2 * LP
CAP = LN * LP
RW = 313
ROWS_PAD = 10112
JROW0 = 10016
NBUF = 4

BLK = 1000
NBLK = N // BLK


def _sc_agg_body(h_hbm, srcw_hbm, dstw_hbm, out_hbm,
                 src_v, dst_v, gb0, gb1, gb2, gb3,
                 agg_sh, sem0, sem1, sem2, sem3):
    c = lax.axis_index("c")
    s = lax.axis_index("s")
    w = c * NS + s

    gbufs = (gb0, gb1, gb2, gb3)
    sems = (sem0, sem1, sem2, sem3)

    pltpu.sync_copy(srcw_hbm.at[w], src_v)
    pltpu.sync_copy(dstw_hbm.at[w], dst_v)

    def _zrow(i, carry):
        for k in range(H // 16):
            gb0[i, pl.ds(16 * k, 16)] = jnp.zeros((16,), jnp.float32)
        return carry
    lax.fori_loop(0, LN, _zrow, 0)
    rbase = w * RW
    off = 0
    for sz in (LN, LN, RW - 2 * LN):
        pltpu.sync_copy(gb0.at[pl.ds(0, sz)], agg_sh.at[pl.ds(rbase + off, sz)])
        off += sz

    def _start(j, b):
        pltpu.make_async_copy(h_hbm.at[src_v.at[j]], gbufs[b], sems[b]).start()

    for b in range(NBUF - 1):
        _start(b, b)

    def _step(t, carry):
        for b in range(NBUF):
            j = t * NBUF + b
            pltpu.make_async_copy(h_hbm.at[src_v.at[j]], gbufs[b], sems[b]).wait()
            pltpu.sync_copy(gbufs[b], agg_sh.at[dst_v.at[j]], add=True)
            nj = j + NBUF - 1

            @pl.when(nj < NR)
            def _():
                _start(nj, (b + NBUF - 1) % NBUF)
        return carry
    lax.fori_loop(0, NR // NBUF, _step, 0)

    pltpu.sync_copy(agg_sh.at[pl.ds(rbase, RW)], out_hbm.at[pl.ds(rbase, RW)])


_sc_agg = functools.partial(
    pl.kernel,
    out_type=jax.ShapeDtypeStruct((ROWS_PAD, H), jnp.float32),
    mesh=plsc.VectorSubcoreMesh(core_axis_name="c", subcore_axis_name="s",
                                num_cores=NC, num_subcores=NS),
    scratch_types=[
        pltpu.VMEM((NR, LN), jnp.int32),
        pltpu.VMEM((NR, LN), jnp.int32),
        pltpu.VMEM((LN, H), jnp.float32),
        pltpu.VMEM((LN, H), jnp.float32),
        pltpu.VMEM((LN, H), jnp.float32),
        pltpu.VMEM((LN, H), jnp.float32),
        pltpu.VMEM_SHARED((ROWS_PAD, H), jnp.float32),
        pltpu.SemaphoreType.DMA,
        pltpu.SemaphoreType.DMA,
        pltpu.SemaphoreType.DMA,
        pltpu.SemaphoreType.DMA,
    ],
    compiler_params=pltpu.CompilerParams(use_tc_tiling_on_sc=False),
)(_sc_agg_body)


def _embed_body(x_ref, m_ref, tok_ref, w_ref, b_ref, h_ref):
    m = m_ref[...]
    xm = x_ref[...] * (1.0 - m) + tok_ref[...] * m
    h_ref[...] = (jnp.dot(xm, w_ref[...], preferred_element_type=jnp.float32)
                  + b_ref[...])


def _embed(x, maskf, tok, w, b):
    return pl.pallas_call(
        _embed_body,
        grid=(NBLK,),
        in_specs=[
            pl.BlockSpec((BLK, D_IN), lambda i: (i, 0)),
            pl.BlockSpec((BLK, 1), lambda i: (i, 0)),
            pl.BlockSpec((1, D_IN), lambda i: (0, 0)),
            pl.BlockSpec((D_IN, H), lambda i: (0, 0)),
            pl.BlockSpec((1, H), lambda i: (0, 0)),
        ],
        out_specs=pl.BlockSpec((BLK, H), lambda i: (i, 0)),
        out_shape=jax.ShapeDtypeStruct((N, H), jnp.float32),
    )(x, maskf, tok, w, b)


def _layer_a_body(h_ref, agg_ref, w1_ref, b1_ref, w2_ref, b2_ref,
                  y_ref, s8_ref, acc_s):
    i = pl.program_id(0)
    z = h_ref[...] + agg_ref[...]
    u = jnp.maximum(
        jnp.dot(z, w1_ref[...], preferred_element_type=jnp.float32)
        + b1_ref[...], 0.0)
    y = (jnp.dot(u, w2_ref[...], preferred_element_type=jnp.float32)
         + b2_ref[...])
    y_ref[...] = y

    @pl.when(i == 0)
    def _():
        acc_s[...] = jnp.zeros_like(acc_s)

    acc_s[...] += jnp.sum(y.reshape(BLK // 8, 8, H), axis=0)

    @pl.when(i == NBLK - 1)
    def _():
        s8_ref[...] = acc_s[...]


def _layer_a(h, agg, w1, b1, w2, b2):
    return pl.pallas_call(
        _layer_a_body,
        grid=(NBLK,),
        in_specs=[
            pl.BlockSpec((BLK, H), lambda i: (i, 0)),
            pl.BlockSpec((BLK, H), lambda i: (i, 0)),
            pl.BlockSpec((H, 2 * H), lambda i: (0, 0)),
            pl.BlockSpec((1, 2 * H), lambda i: (0, 0)),
            pl.BlockSpec((2 * H, H), lambda i: (0, 0)),
            pl.BlockSpec((1, H), lambda i: (0, 0)),
        ],
        out_specs=[
            pl.BlockSpec((BLK, H), lambda i: (i, 0)),
            pl.BlockSpec((8, H), lambda i: (0, 0)),
        ],
        out_shape=[
            jax.ShapeDtypeStruct((N, H), jnp.float32),
            jax.ShapeDtypeStruct((8, H), jnp.float32),
        ],
        scratch_shapes=[
            pltpu.VMEM((8, H), jnp.float32),
        ],
    )(h, agg, w1, b1, w2, b2)


def _layer_s_body(y_ref, s8_ref, st_ref, acc_q, mu_s):
    i = pl.program_id(0)

    @pl.when(i == 0)
    def _():
        mu_s[...] = jnp.sum(s8_ref[...], axis=0, keepdims=True) / N
        acc_q[...] = jnp.zeros_like(acc_q)

    d = y_ref[...] - mu_s[...]
    d = d * d
    acc_q[...] += jnp.sum(d.reshape(BLK // 8, 8, H), axis=0)

    @pl.when(i == NBLK - 1)
    def _():
        st_ref[...] = jnp.concatenate(
            [mu_s[...], jnp.sum(acc_q[...], axis=0, keepdims=True) / N],
            axis=0)


def _layer_s(y, s8):
    return pl.pallas_call(
        _layer_s_body,
        grid=(NBLK,),
        in_specs=[
            pl.BlockSpec((BLK, H), lambda i: (i, 0)),
            pl.BlockSpec((8, H), lambda i: (0, 0)),
        ],
        out_specs=pl.BlockSpec((2, H), lambda i: (0, 0)),
        out_shape=jax.ShapeDtypeStruct((2, H), jnp.float32),
        scratch_shapes=[
            pltpu.VMEM((8, H), jnp.float32),
            pltpu.VMEM((1, H), jnp.float32),
        ],
    )(y, s8)


def _layer_b_body(y_ref, st_ref, bw_ref, bb_ref, o_ref):
    st = st_ref[...]
    mu = st[0:1, :]
    var = st[1:2, :]
    o_ref[...] = jnp.maximum(
        (y_ref[...] - mu) / jnp.sqrt(var + EPS_BN) * bw_ref[...] + bb_ref[...],
        0.0)


def _layer_b(y, st, bw, bb):
    return pl.pallas_call(
        _layer_b_body,
        grid=(NBLK,),
        in_specs=[
            pl.BlockSpec((BLK, H), lambda i: (i, 0)),
            pl.BlockSpec((2, H), lambda i: (0, 0)),
            pl.BlockSpec((1, H), lambda i: (0, 0)),
            pl.BlockSpec((1, H), lambda i: (0, 0)),
        ],
        out_specs=pl.BlockSpec((BLK, H), lambda i: (i, 0)),
        out_shape=jax.ShapeDtypeStruct((N, H), jnp.float32),
    )(y, st, bw, bb)


def _dec_body(h_ref, x_ref, m_ref, w1_ref, b1_ref, w2_ref, b2_ref,
              recon_ref, loss_ref, cnt_ref, acc_l, acc_c):
    i = pl.program_id(0)
    r1 = jnp.maximum(
        jnp.dot(h_ref[...], w1_ref[...], preferred_element_type=jnp.float32)
        + b1_ref[...], 0.0)
    rec = (jnp.dot(r1, w2_ref[...], preferred_element_type=jnp.float32)
           + b2_ref[...])
    recon_ref[...] = rec
    x = x_ref[...]
    pn = jnp.maximum(jnp.sqrt(jnp.sum(rec * rec, axis=1, keepdims=True)), 1e-12)
    xn = jnp.maximum(jnp.sqrt(jnp.sum(x * x, axis=1, keepdims=True)), 1e-12)
    cos = jnp.sum((rec / pn) * (x / xn), axis=1, keepdims=True)
    e = 1.0 - cos
    m = m_ref[...]

    @pl.when(i == 0)
    def _():
        acc_l[...] = jnp.zeros_like(acc_l)
        acc_c[...] = jnp.zeros_like(acc_c)

    acc_l[...] += jnp.sum(e * e * m).reshape(1, 1)
    acc_c[...] += jnp.sum(m).reshape(1, 1)

    @pl.when(i == NBLK - 1)
    def _():
        loss_ref[...] = acc_l[...] / acc_c[...]
        cnt_ref[...] = acc_c[...].astype(jnp.int32)


def _dec(h, x, maskf, w1, b1, w2, b2):
    return pl.pallas_call(
        _dec_body,
        grid=(NBLK,),
        in_specs=[
            pl.BlockSpec((BLK, H), lambda i: (i, 0)),
            pl.BlockSpec((BLK, D_IN), lambda i: (i, 0)),
            pl.BlockSpec((BLK, 1), lambda i: (i, 0)),
            pl.BlockSpec((H, H), lambda i: (0, 0)),
            pl.BlockSpec((1, H), lambda i: (0, 0)),
            pl.BlockSpec((H, D_IN), lambda i: (0, 0)),
            pl.BlockSpec((1, D_IN), lambda i: (0, 0)),
        ],
        out_specs=[
            pl.BlockSpec((BLK, D_IN), lambda i: (i, 0)),
            pl.BlockSpec((1, 1), lambda i: (0, 0)),
            pl.BlockSpec((1, 1), lambda i: (0, 0)),
        ],
        out_shape=[
            jax.ShapeDtypeStruct((N, D_IN), jnp.float32),
            jax.ShapeDtypeStruct((1, 1), jnp.float32),
            jax.ShapeDtypeStruct((1, 1), jnp.int32),
        ],
        scratch_shapes=[
            pltpu.VMEM((1, 1), jnp.float32),
            pltpu.VMEM((1, 1), jnp.float32),
        ],
    )(h, x, maskf, w1, b1, w2, b2)


def kernel(x, edge_index, edge_attr, mask_token, emb_w, emb_b,
           conv_w1, conv_b1, conv_w2, conv_b2, bn_w, bn_b,
           dec_w1, dec_b1, dec_w2, dec_b2):
    mask = jax.random.uniform(jax.random.key(42), (N,)) < MASK_RATIO
    maskf = mask.astype(jnp.float32)[:, None]

    src = edge_index[0]
    dst = edge_index[1]
    order = jnp.argsort(dst, stable=True)
    pk = jnp.concatenate(
        [src[:, None], dst[:, None],
         jnp.zeros((E, 14), jnp.int32)], axis=1)
    pks = pk[order]
    srcs = pks[:, 0]
    dsts = pks[:, 1]
    iot = jnp.arange(E, dtype=jnp.int32)
    is_new = jnp.concatenate(
        [jnp.array([True]), dsts[1:] != dsts[:-1]])
    row_start_g = lax.cummax(jnp.where(is_new, iot, 0))
    pk2 = jnp.concatenate(
        [srcs[:, None], dsts[:, None], row_start_g[:, None],
         jnp.zeros((E, 13), jnp.int32)], axis=1)
    starts = jnp.searchsorted(
        dsts, (jnp.arange(NW) * RW).astype(jnp.int32)).astype(jnp.int32)
    ends = jnp.concatenate([starts[1:], jnp.array([E], jnp.int32)])
    loc = jnp.arange(CAP, dtype=jnp.int32)[None, :]
    pos = starts[:, None] + loc
    valid = pos < ends[:, None]
    posc = jnp.minimum(pos, E - 1)
    g = pk2[posc]
    e_src = g[..., 0]
    e_dst = g[..., 1]
    row_start = g[..., 2]
    lane = loc // LP
    deferred = ((row_start - starts[:, None]) // LP) < lane
    jsrc = (loc * 97) % N
    jdst = (JROW0 + jnp.arange(NW, dtype=jnp.int32))[:, None]
    m1 = valid & ~deferred
    m2 = valid & deferred

    def _grid(sv, dv, m):
        sg = jnp.where(m, sv, jsrc).reshape(NW, LN, LP).transpose(0, 2, 1)
        dg = jnp.where(m, dv, jdst).reshape(NW, LN, LP).transpose(0, 2, 1)
        return sg, dg
    s1, d1 = _grid(e_src, e_dst, m1)
    s2, d2 = _grid(e_src, e_dst, m2)
    srcw = jnp.concatenate([s1, s2], axis=1)
    dstw = jnp.concatenate([d1, d2], axis=1)

    h = _embed(x, maskf, mask_token.reshape(1, D_IN), emb_w,
               emb_b.reshape(1, H))
    for i in range(L):
        agg = _sc_agg(h, srcw, dstw)
        y, s8 = _layer_a(h, agg, conv_w1[i], conv_b1[i].reshape(1, 2 * H),
                         conv_w2[i], conv_b2[i].reshape(1, H))
        st = _layer_s(y, s8)
        h = _layer_b(y, st, bn_w[i].reshape(1, H), bn_b[i].reshape(1, H))

    recon, loss11, cnt11 = _dec(h, x, maskf, dec_w1, dec_b1.reshape(1, H),
                                dec_w2, dec_b2.reshape(1, D_IN))
    return (loss11.reshape(()), recon, mask, x, cnt11.reshape(()))

# --- scband reference (transcript-rebuilt; emitter-appended) ---
"""Pipeline reference for scband-graph-mae-39831526703452 (READ-ONLY COPY).

The authoritative reference and input builder live on the scoring server;
editing this copy changes nothing except your own understanding.
"""

import jax, jax.numpy as jnp
import numpy as np

N = 10000
E = 320000
D_IN = 128
H = 64
L = 4
MASK_RATIO = 0.15
GAMMA = 2.0
EPS_BN = 1e-5


def setup_inputs(seed: int = 0):
    key = jax.random.key(seed)
    ks = jax.random.split(key, 16)
    x = jax.random.normal(ks[0], (N, D_IN), dtype=jnp.float32)
    edge_index = jax.random.randint(ks[1], (2, E), 0, N, dtype=jnp.int32)
    edge_attr = jax.random.normal(ks[2], (E, 4), dtype=jnp.float32)
    mask_token = 0.02 * jax.random.normal(ks[3], (D_IN,), dtype=jnp.float32)
    emb_w = jax.random.normal(ks[4], (D_IN, H), dtype=jnp.float32) / np.sqrt(D_IN)
    emb_b = jnp.zeros((H,), dtype=jnp.float32)
    conv_w1 = jax.random.normal(ks[5], (L, H, 2 * H), dtype=jnp.float32) / np.sqrt(H)
    conv_b1 = jnp.zeros((L, 2 * H), dtype=jnp.float32)
    conv_w2 = jax.random.normal(ks[6], (L, 2 * H, H), dtype=jnp.float32) / np.sqrt(2 * H)
    conv_b2 = jnp.zeros((L, H), dtype=jnp.float32)
    bn_w = jnp.ones((L, H), dtype=jnp.float32)
    bn_b = jnp.zeros((L, H), dtype=jnp.float32)
    dec_w1 = jax.random.normal(ks[7], (H, H), dtype=jnp.float32) / np.sqrt(H)
    dec_b1 = jnp.zeros((H,), dtype=jnp.float32)
    dec_w2 = jax.random.normal(ks[8], (H, D_IN), dtype=jnp.float32) / np.sqrt(H)
    dec_b2 = jnp.zeros((D_IN,), dtype=jnp.float32)
    return {"x": x, "edge_index": edge_index, "edge_attr": edge_attr,
            "mask_token": mask_token, "emb_w": emb_w, "emb_b": emb_b,
            "conv_w1": conv_w1, "conv_b1": conv_b1, "conv_w2": conv_w2, "conv_b2": conv_b2,
            "bn_w": bn_w, "bn_b": bn_b,
            "dec_w1": dec_w1, "dec_b1": dec_b1, "dec_w2": dec_w2, "dec_b2": dec_b2}


def _l2norm(a):
    n = jnp.linalg.norm(a, ord=2, axis=-1, keepdims=True)
    return a / jnp.maximum(n, 1e-12)


def _forward(x, edge_index, mask, mask_token, emb_w, emb_b, conv_w1, conv_b1, conv_w2, conv_b2, bn_w, bn_b, dec_w1, dec_b1, dec_w2, dec_b2):
    # GraphMAE.create_mask: replace masked rows with learnable mask token
    masked_x = jnp.where(mask[:, None], mask_token[None, :], x)
    # GINEncoder: node_embedding
    h = masked_x @ emb_w + emb_b
    src = edge_index[0]
    dst = edge_index[1]
    for i in range(L):
        # GINConv (eps=0): mlp(x_i + sum_{j in N(i)} x_j)
        agg = jnp.zeros_like(h).at[dst].add(h[src])
        z = h + agg
        z = jax.nn.relu(z @ conv_w1[i] + conv_b1[i]) @ conv_w2[i] + conv_b2[i]
        # BatchNorm1d (training-mode batch statistics)
        mu = z.mean(axis=0)
        var = z.var(axis=0)
        z = (z - mu) / jnp.sqrt(var + EPS_BN) * bn_w[i] + bn_b[i]
        h = jax.nn.relu(z)  # dropout = identity (deterministic reference)
    # decoder
    recon = jax.nn.relu(h @ dec_w1 + dec_b1) @ dec_w2 + dec_b2
    # scaled cosine error on masked nodes
    pred = _l2norm(recon)
    targ = _l2norm(x)
    cos = (pred * targ).sum(axis=-1)
    err = (1.0 - cos) ** GAMMA
    mask_f = mask.astype(err.dtype)
    loss = jnp.sum(jnp.where(mask, err, 0.0)) / jnp.sum(mask_f)
    return loss, recon


def reference(x, edge_index, edge_attr, mask_token, emb_w, emb_b, conv_w1, conv_b1, conv_w2, conv_b2, bn_w, bn_b, dec_w1, dec_b1, dec_w2, dec_b2):
    # deterministic replacement for torch.rand masking
    mask = jax.random.uniform(jax.random.key(42), (x.shape[0],)) < MASK_RATIO
    loss, recon = _forward(x, edge_index, mask, mask_token, emb_w, emb_b, conv_w1, conv_b1, conv_w2, conv_b2, bn_w, bn_b, dec_w1, dec_b1, dec_w2, dec_b2)
    num_masked = mask.sum()
    return (loss, recon, mask, x, num_masked)

if __name__ == "__main__":
    import jax
    _d = setup_inputs()
    print(jax.jit(kernel)(*tuple(_d.values())))

</pallas_src>

<mosaic_0001>
#map = affine_map<(d0, d1) -> (0, 0)>
#map1 = affine_map<(d0, d1) -> (0, 0, 0)>
module attributes {stable_mosaic.version = 14 : i64} {
  func.func @_sc_agg_body(%arg0: i32, %arg1: i32, %arg2: memref<10000x64xf32, #tpu.memory_space<hbm>>, %arg3: memref<32x176x128xi32, #tpu.memory_space<hbm>>, %arg4: memref<32x176x128xi32, #tpu.memory_space<hbm>>, %arg5: memref<10112x64xf32, #tpu.memory_space<hbm>>, %arg6: memref<176x128xi32, #tpu.memory_space<vmem>>, %arg7: memref<176x128xi32, #tpu.memory_space<vmem>>, %arg8: memref<128x64xf32, #tpu.memory_space<vmem>>, %arg9: memref<128x64xf32, #tpu.memory_space<vmem>>, %arg10: memref<128x64xf32, #tpu.memory_space<vmem>>, %arg11: memref<128x64xf32, #tpu.memory_space<vmem>>, %arg12: memref<10112x64xf32, #tpu.memory_space<vmem_shared>>, %arg13: memref<!tpu.dma_semaphore, #tpu.memory_space<semaphore_mem>>, %arg14: memref<!tpu.dma_semaphore, #tpu.memory_space<semaphore_mem>>, %arg15: memref<!tpu.dma_semaphore, #tpu.memory_space<semaphore_mem>>, %arg16: memref<!tpu.dma_semaphore, #tpu.memory_space<semaphore_mem>>) attributes {dimension_semantics = [#tpu.dimension_semantics<core_parallel>, #tpu.dimension_semantics<subcore_parallel>], iteration_bounds = array<i64: 2, 16>, scalar_prefetch = 0 : i64, scratch_operands = 11 : i64, tpu.core_type = #tpu.core_type<sc_vector_subcore>, window_params = [{transform_indices = #map}, {transform_indices = #map1}, {transform_indices = #map1}, {transform_indices = #map}]} {
    %mul3A = arith.constant 16 : i32
    %mul3A_0 = arith.muli %arg0, %mul3A : i32
    %add3A = arith.addi %mul3A_0, %arg1 : i32
    "tpu.region"() ({
      %run_scoped3A = tpu.sem_alloc : memref<!tpu.dma_semaphore, #tpu.memory_space<semaphore_mem>>
      %dma_start3A_40 = arith.constant 0 : i32
      %dma_start3A_41 = arith.constant 0 : i32
      %dma_start3A_42 = tpu.memref_slice %arg3[%add3A, %dma_start3A_40, %dma_start3A_41] : memref<32x176x128xi32, #tpu.memory_space<hbm>> -> memref<1x176x128xi32, #tpu.memory_space<hbm>>
      %dma_start3A_43 = tpu.memref_squeeze %dma_start3A_42 : memref<1x176x128xi32, #tpu.memory_space<hbm>> -> memref<176x128xi32, #tpu.memory_space<hbm>>
      %dma_start3A_44 = arith.constant 0 : i32
      %dma_start3A_45 = arith.constant 0 : i32
      %dma_start3A_46 = tpu.memref_slice %arg3[%add3A, %dma_start3A_44, %dma_start3A_45] : memref<32x176x128xi32, #tpu.memory_space<hbm>> -> memref<1x176x128xi32, #tpu.memory_space<hbm>>
      %dma_start3A_47 = tpu.memref_squeeze %dma_start3A_46 : memref<1x176x128xi32, #tpu.memory_space<hbm>> -> memref<176x128xi32, #tpu.memory_space<hbm>>
      tpu.enqueue_dma source(%dma_start3A_47 : memref<176x128xi32, #tpu.memory_space<hbm>>) target(%arg6 : memref<176x128xi32, #tpu.memory_space<vmem>>) target_semaphore(%run_scoped3A : memref<!tpu.dma_semaphore, #tpu.memory_space<semaphore_mem>>)
      %dma_wait3A = arith.constant 0 : i32
      %dma_wait3A_48 = arith.constant 0 : i32
      %dma_wait3A_49 = tpu.memref_slice %arg3[%add3A, %dma_wait3A, %dma_wait3A_48] : memref<32x176x128xi32, #tpu.memory_space<hbm>> -> memref<1x176x128xi32, #tpu.memory_space<hbm>>
      %dma_wait3A_50 = tpu.memref_squeeze %dma_wait3A_49 : memref<1x176x128xi32, #tpu.memory_space<hbm>> -> memref<176x128xi32, #tpu.memory_space<hbm>>
      %dma_wait3A_51 = arith.constant 0 : i32
      %dma_wait3A_52 = arith.constant 0 : i32
      %dma_wait3A_53 = tpu.memref_slice %arg3[%add3A, %dma_wait3A_51, %dma_wait3A_52] : memref<32x176x128xi32, #tpu.memory_space<hbm>> -> memref<1x176x128xi32, #tpu.memory_space<hbm>>
      %dma_wait3A_54 = tpu.memref_squeeze %dma_wait3A_53 : memref<1x176x128xi32, #tpu.memory_space<hbm>> -> memref<176x128xi32, #tpu.memory_space<hbm>>
      tpu.wait_dma2 semaphore(%run_scoped3A : memref<!tpu.dma_semaphore, #tpu.memory_space<semaphore_mem>>) src(%dma_wait3A_54 : memref<176x128xi32, #tpu.memory_space<hbm>>) dst(%arg6 : memref<176x128xi32, #tpu.memory_space<vmem>>)
      tpu.yield
    }) : () -> ()
    "tpu.region"() ({
      %run_scoped3A = tpu.sem_alloc : memref<!tpu.dma_semaphore, #tpu.memory_space<semaphore_mem>>
      %dma_start3A_40 = arith.constant 0 : i32
      %dma_start3A_41 = arith.constant 0 : i32
      %dma_start3A_42 = tpu.memref_slice %arg4[%add3A, %dma_start3A_40, %dma_start3A_41] : memref<32x176x128xi32, #tpu.memory_space<hbm>> -> memref<1x176x128xi32, #tpu.memory_space<hbm>>
      %dma_start3A_43 = tpu.memref_squeeze %dma_start3A_42 : memref<1x176x128xi32, #tpu.memory_space<hbm>> -> memref<176x128xi32, #tpu.memory_space<hbm>>
      %dma_start3A_44 = arith.constant 0 : i32
      %dma_start3A_45 = arith.constant 0 : i32
      %dma_start3A_46 = tpu.memref_slice %arg4[%add3A, %dma_start3A_44, %dma_start3A_45] : memref<32x176x128xi32, #tpu.memory_space<hbm>> -> memref<1x176x128xi32, #tpu.memory_space<hbm>>
      %dma_start3A_47 = tpu.memref_squeeze %dma_start3A_46 : memref<1x176x128xi32, #tpu.memory_space<hbm>> -> memref<176x128xi32, #tpu.memory_space<hbm>>
      tpu.enqueue_dma source(%dma_start3A_47 : memref<176x128xi32, #tpu.memory_space<hbm>>) target(%arg7 : memref<176x128xi32, #tpu.memory_space<vmem>>) target_semaphore(%run_scoped3A : memref<!tpu.dma_semaphore, #tpu.memory_space<semaphore_mem>>)
      %dma_wait3A = arith.constant 0 : i32
      %dma_wait3A_48 = arith.constant 0 : i32
      %dma_wait3A_49 = tpu.memref_slice %arg4[%add3A, %dma_wait3A, %dma_wait3A_48] : memref<32x176x128xi32, #tpu.memory_space<hbm>> -> memref<1x176x128xi32, #tpu.memory_space<hbm>>
      %dma_wait3A_50 = tpu.memref_squeeze %dma_wait3A_49 : memref<1x176x128xi32, #tpu.memory_space<hbm>> -> memref<176x128xi32, #tpu.memory_space<hbm>>
      %dma_wait3A_51 = arith.constant 0 : i32
      %dma_wait3A_52 = arith.constant 0 : i32
      %dma_wait3A_53 = tpu.memref_slice %arg4[%add3A, %dma_wait3A_51, %dma_wait3A_52] : memref<32x176x128xi32, #tpu.memory_space<hbm>> -> memref<1x176x128xi32, #tpu.memory_space<hbm>>
      %dma_wait3A_54 = tpu.memref_squeeze %dma_wait3A_53 : memref<1x176x128xi32, #tpu.memory_space<hbm>> -> memref<176x128xi32, #tpu.memory_space<hbm>>
      tpu.wait_dma2 semaphore(%run_scoped3A : memref<!tpu.dma_semaphore, #tpu.memory_space<semaphore_mem>>) src(%dma_wait3A_54 : memref<176x128xi32, #tpu.memory_space<hbm>>) dst(%arg7 : memref<176x128xi32, #tpu.memory_space<vmem>>)
      tpu.yield
    }) : () -> ()
    %scan3A = arith.constant 0 : i32
    %scan3A_1 = arith.constant 0 : i32
    %scan3A_2 = arith.constant 128 : i32
    %scan3A_3 = arith.addi %scan3A_1, %scan3A_2 : i32
    %scan3A_4 = arith.constant 1 : i32
    scf.for %scan3A_40 = %scan3A_1 to %scan3A_3 step %scan3A_4  : i32 {
      %broadcast_in_dim3A = arith.constant 0.000000e+00 : f32
      %broadcast_in_dim3A_41 = vector.broadcast %broadcast_in_dim3A : f32 to vector<16xf32>
      %swap3A = arith.index_cast %scan3A_40 : i32 to index
      %swap3A_42 = arith.constant 0 : index
      %swap3A_43 = tpu.vector_load %arg8[%swap3A, %swap3A_42] {strides = array<i32>} : memref<128x64xf32, #tpu.memory_space<vmem>>, vector<1x16xf32>,
      %swap3A_44 = vector.shape_cast %swap3A_43 : vector<1x16xf32> to vector<16xf32>
      %swap3A_45 = vector.shape_cast %broadcast_in_dim3A_41 : vector<16xf32> to vector<1x16xf32>
      tpu.vector_store %arg8[%swap3A, %swap3A_42], %swap3A_45 {strides = array<i32>} : memref<128x64xf32, #tpu.memory_space<vmem>>, vector<1x16xf32>,
      %broadcast_in_dim3A_46 = arith.constant 0.000000e+00 : f32
      %broadcast_in_dim3A_47 = vector.broadcast %broadcast_in_dim3A_46 : f32 to vector<16xf32>
      %swap3A_48 = arith.index_cast %scan3A_40 : i32 to index
      %swap3A_49 = arith.constant 16 : index
      %swap3A_50 = tpu.vector_load %arg8[%swap3A_48, %swap3A_49] {strides = array<i32>} : memref<128x64xf32, #tpu.memory_space<vmem>>, vector<1x16xf32>,
      %swap3A_51 = vector.shape_cast %swap3A_50 : vector<1x16xf32> to vector<16xf32>
      %swap3A_52 = vector.shape_cast %broadcast_in_dim3A_47 : vector<16xf32> to vector<1x16xf32>
      tpu.vector_store %arg8[%swap3A_48, %swap3A_49], %swap3A_52 {strides = array<i32>} : memref<128x64xf32, #tpu.memory_space<vmem>>, vector<1x16xf32>,
      %broadcast_in_dim3A_53 = arith.constant 0.000000e+00 : f32
      %broadcast_in_dim3A_54 = vector.broadcast %broadcast_in_dim3A_53 : f32 to vector<16xf32>
      %swap3A_55 = arith.index_cast %scan3A_40 : i32 to index
      %swap3A_56 = arith.constant 32 : index
      %swap3A_57 = tpu.vector_load %arg8[%swap3A_55, %swap3A_56] {strides = array<i32>} : memref<128x64xf32, #tpu.memory_space<vmem>>, vector<1x16xf32>,
      %swap3A_58 = vector.shape_cast %swap3A_57 : vector<1x16xf32> to vector<16xf32>
      %swap3A_59 = vector.shape_cast %broadcast_in_dim3A_54 : vector<16xf32> to vector<1x16xf32>
      tpu.vector_store %arg8[%swap3A_55, %swap3A_56], %swap3A_59 {strides = array<i32>} : memref<128x64xf32, #tpu.memory_space<vmem>>, vector<1x16xf32>,
      %broadcast_in_dim3A_60 = arith.constant 0.000000e+00 : f32
      %broadcast_in_dim3A_61 = vector.broadcast %broadcast_in_dim3A_60 : f32 to vector<16xf32>
      %swap3A_62 = arith.index_cast %scan3A_40 : i32 to index
      %swap3A_63 = arith.constant 48 : index
      %swap3A_64 = tpu.vector_load %arg8[%swap3A_62, %swap3A_63] {strides = array<i32>} : memref<128x64xf32, #tpu.memory_space<vmem>>, vector<1x16xf32>,
      %swap3A_65 = vector.shape_cast %swap3A_64 : vector<1x16xf32> to vector<16xf32>
      %swap3A_66 = vector.shape_cast %broadcast_in_dim3A_61 : vector<16xf32> to vector<1x16xf32>
      tpu.vector_store %arg8[%swap3A_62, %swap3A_63], %swap3A_66 {strides = array<i32>} : memref<128x64xf32, #tpu.memory_space<vmem>>, vector<1x16xf32>,
    }
    %scan3A_5 = arith.constant 128 : i32
    %mul3A_6 = arith.constant 313 : i32
    %mul3A_7 = arith.muli %add3A, %mul3A_6 : i32
    %add3A_8 = arith.constant 0 : i32
    %add3A_9 = arith.addi %mul3A_7, %add3A_8 : i32
    "tpu.region"() ({
      %run_scoped3A = tpu.sem_alloc : memref<!tpu.dma_semaphore, #tpu.memory_space<semaphore_mem>>
      %dma_start3A_40 = arith.constant 0 : i32
      %dma_start3A_41 = arith.constant 0 : i32
      %dma_start3A_42 = tpu.memref_slice %arg8[%dma_start3A_40, %dma_start3A_41] : memref<128x64xf32, #tpu.memory_space<vmem>> -> memref<128x64xf32, #tpu.memory_space<vmem>>
      %dma_start3A_43 = arith.constant 0 : i32
      %dma_start3A_44 = tpu.memref_slice %arg12[%add3A_9, %dma_start3A_43] : memref<10112x64xf32, #tpu.memory_space<vmem_shared>> -> memref<128x64xf32, #tpu.memory_space<vmem_shared>>
      %dma_start3A_45 = arith.constant 0 : i32
      %dma_start3A_46 = tpu.memref_slice %arg12[%add3A_9, %dma_start3A_45] : memref<10112x64xf32, #tpu.memory_space<vmem_shared>> -> memref<128x64xf32, #tpu.memory_space<vmem_shared>>
      %dma_start3A_47 = arith.constant 0 : i32
      %dma_start3A_48 = arith.constant 0 : i32
      %dma_start3A_49 = tpu.memref_slice %arg8[%dma_start3A_47, %dma_start3A_48] : memref<128x64xf32, #tpu.memory_space<vmem>> -> memref<128x64xf32, #tpu.memory_space<vmem>>
      tpu.enqueue_dma source(%dma_start3A_49 : memref<128x64xf32, #tpu.memory_space<vmem>>) target(%dma_start3A_46 : memref<128x64xf32, #tpu.memory_space<vmem_shared>>) target_semaphore(%run_scoped3A : memref<!tpu.dma_semaphore, #tpu.memory_space<semaphore_mem>>)
      %dma_wait3A = arith.constant 0 : i32
      %dma_wait3A_50 = arith.constant 0 : i32
      %dma_wait3A_51 = tpu.memref_slice %arg8[%dma_wait3A, %dma_wait3A_50] : memref<128x64xf32, #tpu.memory_space<vmem>> -> memref<128x64xf32, #tpu.memory_space<vmem>>
      %dma_wait3A_52 = arith.constant 0 : i32
      %dma_wait3A_53 = tpu.memref_slice %arg12[%add3A_9, %dma_wait3A_52] : memref<10112x64xf32, #tpu.memory_space<vmem_shared>> -> memref<128x64xf32, #tpu.memory_space<vmem_shared>>
      %dma_wait3A_54 = arith.constant 0 : i32
      %dma_wait3A_55 = tpu.memref_slice %arg12[%add3A_9, %dma_wait3A_54] : memref<10112x64xf32, #tpu.memory_space<vmem_shared>> -> memref<128x64xf32, #tpu.memory_space<vmem_shared>>
      %dma_wait3A_56 = arith.constant 0 : i32
      %dma_wait3A_57 = arith.constant 0 : i32
      %dma_wait3A_58 = tpu.memref_slice %arg8[%dma_wait3A_56, %dma_wait3A_57] : memref<128x64xf32, #tpu.memory_space<vmem>> -> memref<128x64xf32, #tpu.memory_space<vmem>>
      tpu.wait_dma2 semaphore(%run_scoped3A : memref<!tpu.dma_semaphore, #tpu.memory_space<semaphore_mem>>) src(%dma_wait3A_58 : memref<128x64xf32, #tpu.memory_space<vmem>>) dst(%dma_wait3A_55 : memref<128x64xf32, #tpu.memory_space<vmem_shared>>)
      tpu.yield
    }) : () -> ()
    %add3A_10 = arith.constant 128 : i32
    %add3A_11 = arith.addi %mul3A_7, %add3A_10 : i32
    "tpu.region"() ({
      %run_scoped3A = tpu.sem_alloc : memref<!tpu.dma_semaphore, #tpu.memory_space<semaphore_mem>>
      %dma_start3A_40 = arith.constant 0 : i32
      %dma_start3A_41 = arith.constant 0 : i32
      %dma_start3A_42 = tpu.memref_slice %arg8[%dma_start3A_40, %dma_start3A_41] : memref<128x64xf32, #tpu.memory_space<vmem>> -> memref<128x64xf32, #tpu.memory_space<vmem>>
      %dma_start3A_43 = arith.constant 0 : i32
      %dma_start3A_44 = tpu.memref_slice %arg12[%add3A_11, %dma_start3A_43] : memref<10112x64xf32, #tpu.memory_space<vmem_shared>> -> memref<128x64xf32, #tpu.memory_space<vmem_shared>>
      %dma_start3A_45 = arith.constant 0 : i32
      %dma_start3A_46 = tpu.memref_slice %arg12[%add3A_11, %dma_start3A_45] : memref<10112x64xf32, #tpu.memory_space<vmem_shared>> -> memref<128x64xf32, #tpu.memory_space<vmem_shared>>
      %dma_start3A_47 = arith.constant 0 : i32
      %dma_start3A_48 = arith.constant 0 : i32
      %dma_start3A_49 = tpu.memref_slice %arg8[%dma_start3A_47, %dma_start3A_48] : memref<128x64xf32, #tpu.memory_space<vmem>> -> memref<128x64xf32, #tpu.memory_space<vmem>>
      tpu.enqueue_dma source(%dma_start3A_49 : memref<128x64xf32, #tpu.memory_space<vmem>>) target(%dma_start3A_46 : memref<128x64xf32, #tpu.memory_space<vmem_shared>>) target_semaphore(%run_scoped3A : memref<!tpu.dma_semaphore, #tpu.memory_space<semaphore_mem>>)
      %dma_wait3A = arith.constant 0 : i32
      %dma_wait3A_50 = arith.constant 0 : i32
      %dma_wait3A_51 = tpu.memref_slice %arg8[%dma_wait3A, %dma_wait3A_50] : memref<128x64xf32, #tpu.memory_space<vmem>> -> memref<128x64xf32, #tpu.memory_space<vmem>>
      %dma_wait3A_52 = arith.constant 0 : i32
      %dma_wait3A_53 = tpu.memref_slice %arg12[%add3A_11, %dma_wait3A_52] : memref<10112x64xf32, #tpu.memory_space<vmem_shared>> -> memref<128x64xf32, #tpu.memory_space<vmem_shared>>
      %dma_wait3A_54 = arith.constant 0 : i32
      %dma_wait3A_55 = tpu.memref_slice %arg12[%add3A_11, %dma_wait3A_54] : memref<10112x64xf32, #tpu.memory_space<vmem_shared>> -> memref<128x64xf32, #tpu.memory_space<vmem_shared>>
      %dma_wait3A_56 = arith.constant 0 : i32
      %dma_wait3A_57 = arith.constant 0 : i32
      %dma_wait3A_58 = tpu.memref_slice %arg8[%dma_wait3A_56, %dma_wait3A_57] : memref<128x64xf32, #tpu.memory_space<vmem>> -> memref<128x64xf32, #tpu.memory_space<vmem>>
      tpu.wait_dma2 semaphore(%run_scoped3A : memref<!tpu.dma_semaphore, #tpu.memory_space<semaphore_mem>>) src(%dma_wait3A_58 : memref<128x64xf32, #tpu.memory_space<vmem>>) dst(%dma_wait3A_55 : memref<128x64xf32, #tpu.memory_space<vmem_shared>>)
      tpu.yield
    }) : () -> ()
    %add3A_12 = arith.constant 256 : i32
    %add3A_13 = arith.addi %mul3A_7, %add3A_12 : i32
    "tpu.region"() ({
      %run_scoped3A = tpu.sem_alloc : memref<!tpu.dma_semaphore, #tpu.memory_space<semaphore_mem>>
      %dma_start3A_40 = arith.constant 0 : i32
      %dma_start3A_41 = arith.constant 0 : i32
      %dma_start3A_42 = tpu.memref_slice %arg8[%dma_start3A_40, %dma_start3A_41] : memref<128x64xf32, #tpu.memory_space<vmem>> -> memref<57x64xf32, #tpu.memory_space<vmem>>
      %dma_start3A_43 = arith.constant 0 : i32
      %dma_start3A_44 = tpu.memref_slice %arg12[%add3A_13, %dma_start3A_43] : memref<10112x64xf32, #tpu.memory_space<vmem_shared>> -> memref<57x64xf32, #tpu.memory_space<vmem_shared>>
      %dma_start3A_45 = arith.constant 0 : i32
      %dma_start3A_46 = tpu.memref_slice %arg12[%add3A_13, %dma_start3A_45] : memref<10112x64xf32, #tpu.memory_space<vmem_shared>> -> memref<57x64xf32, #tpu.memory_space<vmem_shared>>
      %dma_start3A_47 = arith.constant 0 : i32
      %dma_start3A_48 = arith.constant 0 : i32
      %dma_start3A_49 = tpu.memref_slice %arg8[%dma_start3A_47, %dma_start3A_48] : memref<128x64xf32, #tpu.memory_space<vmem>> -> memref<57x64xf32, #tpu.memory_space<vmem>>
      tpu.enqueue_dma source(%dma_start3A_49 : memref<57x64xf32, #tpu.memory_space<vmem>>) target(%dma_start3A_46 : memref<57x64xf32, #tpu.memory_space<vmem_shared>>) target_semaphore(%run_scoped3A : memref<!tpu.dma_semaphore, #tpu.memory_space<semaphore_mem>>)
      %dma_wait3A = arith.constant 0 : i32
      %dma_wait3A_50 = arith.constant 0 : i32
      %dma_wait3A_51 = tpu.memref_slice %arg8[%dma_wait3A, %dma_wait3A_50] : memref<128x64xf32, #tpu.memory_space<vmem>> -> memref<57x64xf32, #tpu.memory_space<vmem>>
      %dma_wait3A_52 = arith.constant 0 : i32
      %dma_wait3A_53 = tpu.memref_slice %arg12[%add3A_13, %dma_wait3A_52] : memref<10112x64xf32, #tpu.memory_space<vmem_shared>> -> memref<57x64xf32, #tpu.memory_space<vmem_shared>>
      %dma_wait3A_54 = arith.constant 0 : i32
      %dma_wait3A_55 = tpu.memref_slice %arg12[%add3A_13, %dma_wait3A_54] : memref<10112x64xf32, #tpu.memory_space<vmem_shared>> -> memref<57x64xf32, #tpu.memory_space<vmem_shared>>
      %dma_wait3A_56 = arith.constant 0 : i32
      %dma_wait3A_57 = arith.constant 0 : i32
      %dma_wait3A_58 = tpu.memref_slice %arg8[%dma_wait3A_56, %dma_wait3A_57] : memref<128x64xf32, #tpu.memory_space<vmem>> -> memref<57x64xf32, #tpu.memory_space<vmem>>
      tpu.wait_dma2 semaphore(%run_scoped3A : memref<!tpu.dma_semaphore, #tpu.memory_space<semaphore_mem>>) src(%dma_wait3A_58 : memref<57x64xf32, #tpu.memory_space<vmem>>) dst(%dma_wait3A_55 : memref<57x64xf32, #tpu.memory_space<vmem_shared>>)
      tpu.yield
    }) : () -> ()
    %dma_start3A = arith.constant 0 : i32
    %dma_start3A_14 = arith.constant 0 : i32
    %dma_start3A_15 = tpu.memref_slice %arg6[%dma_start3A, %dma_start3A_14] : memref<176x128xi32, #tpu.memory_space<vmem>> -> memref<1x128xi32, #tpu.memory_space<vmem>>
    %dma_start3A_16 = tpu.memref_squeeze %dma_start3A_15 : memref<1x128xi32, #tpu.memory_space<vmem>> -> memref<128xi32, #tpu.memory_space<vmem>>
    %dma_start3A_17 = arith.constant 0 : i32
    %dma_start3A_18 = arith.constant 0 : i32
    %dma_start3A_19 = tpu.memref_slice %arg2[%dma_start3A_17, %dma_start3A_18] : memref<10000x64xf32, #tpu.memory_space<hbm>> -> memref<10000x64xf32, #tpu.memory_space<hbm>>
    tpu.enqueue_indirect_dma source(%dma_start3A_19 : memref<10000x64xf32, #tpu.memory_space<hbm>>) target(%arg8 : memref<128x64xf32, #tpu.memory_space<vmem>>) offsets(%dma_start3A_16 : memref<128xi32, #tpu.memory_space<vmem>>) semaphore(%arg13 : memref<!tpu.dma_semaphore, #tpu.memory_space<semaphore_mem>>)
    %dma_start3A_20 = arith.constant 1 : i32
    %dma_start3A_21 = arith.constant 0 : i32
    %dma_start3A_22 = tpu.memref_slice %arg6[%dma_start3A_20, %dma_start3A_21] : memref<176x128xi32, #tpu.memory_space<vmem>> -> memref<1x128xi32, #tpu.memory_space<vmem>>
    %dma_start3A_23 = tpu.memref_squeeze %dma_start3A_22 : memref<1x128xi32, #tpu.memory_space<vmem>> -> memref<128xi32, #tpu.memory_space<vmem>>
    %dma_start3A_24 = arith.constant 0 : i32
    %dma_start3A_25 = arith.constant 0 : i32
    %dma_start3A_26 = tpu.memref_slice %arg2[%dma_start3A_24, %dma_start3A_25] : memref<10000x64xf32, #tpu.memory_space<hbm>> -> memref<10000x64xf32, #tpu.memory_space<hbm>>
    tpu.enqueue_indirect_dma source(%dma_start3A_26 : memref<10000x64xf32, #tpu.memory_space<hbm>>) target(%arg9 : memref<128x64xf32, #tpu.memory_space<vmem>>) offsets(%dma_start3A_23 : memref<128xi32, #tpu.memory_space<vmem>>) semaphore(%arg14 : memref<!tpu.dma_semaphore, #tpu.memory_space<semaphore_mem>>)
    %dma_start3A_27 = arith.constant 2 : i32
    %dma_start3A_28 = arith.constant 0 : i32
    %dma_start3A_29 = tpu.memref_slice %arg6[%dma_start3A_27, %dma_start3A_28] : memref<176x128xi32, #tpu.memory_space<vmem>> -> memref<1x128xi32, #tpu.memory_space<vmem>>
    %dma_start3A_30 = tpu.memref_squeeze %dma_start3A_29 : memref<1x128xi32, #tpu.memory_space<vmem>> -> memref<128xi32, #tpu.memory_space<vmem>>
    %dma_start3A_31 = arith.constant 0 : i32
    %dma_start3A_32 = arith.constant 0 : i32
    %dma_start3A_33 = tpu.memref_slice %arg2[%dma_start3A_31, %dma_start3A_32] : memref<10000x64xf32, #tpu.memory_space<hbm>> -> memref<10000x64xf32, #tpu.memory_space<hbm>>
    tpu.enqueue_indirect_dma source(%dma_start3A_33 : memref<10000x64xf32, #tpu.memory_space<hbm>>) target(%arg10 : memref<128x64xf32, #tpu.memory_space<vmem>>) offsets(%dma_start3A_30 : memref<128xi32, #tpu.memory_space<vmem>>) semaphore(%arg15 : memref<!tpu.dma_semaphore, #tpu.memory_space<semaphore_mem>>)
    %scan3A_34 = arith.constant 0 : i32
    %scan3A_35 = arith.constant 0 : i32
    %scan3A_36 = arith.constant 44 : i32
    %scan3A_37 = arith.addi %scan3A_35, %scan3A_36 : i32
    %scan3A_38 = arith.constant 1 : i32
    scf.for %scan3A_40 = %scan3A_35 to %scan3A_37 step %scan3A_38  : i32 {
      %mul3A_41 = arith.constant 4 : i32
      %mul3A_42 = arith.muli %scan3A_40, %mul3A_41 : i32
      %add3A_43 = arith.constant 0 : i32
      %add3A_44 = arith.addi %mul3A_42, %add3A_43 : i32
      %dma_wait3A = arith.constant 0 : i32
      %dma_wait3A_45 = tpu.memref_slice %arg6[%add3A_44, %dma_wait3A] : memref<176x128xi32, #tpu.memory_space<vmem>> -> memref<1x128xi32, #tpu.memory_space<vmem>>
      %dma_wait3A_46 = tpu.memref_squeeze %dma_wait3A_45 : memref<1x128xi32, #tpu.memory_space<vmem>> -> memref<128xi32, #tpu.memory_space<vmem>>
      %dma_wait3A_47 = arith.constant 0 : i32
      %dma_wait3A_48 = arith.constant 0 : i32
      %dma_wait3A_49 = tpu.memref_slice %arg2[%dma_wait3A_47, %dma_wait3A_48] : memref<10000x64xf32, #tpu.memory_space<hbm>> -> memref<10000x64xf32, #tpu.memory_space<hbm>>
      tpu.wait_indirect_dma semaphore(%arg13 : memref<!tpu.dma_semaphore, #tpu.memory_space<semaphore_mem>>) src(%dma_wait3A_49 : memref<10000x64xf32, #tpu.memory_space<hbm>>) dst(%arg8 : memref<128x64xf32, #tpu.memory_space<vmem>>)
      "tpu.region"() ({
        %run_scoped3A = tpu.sem_alloc : memref<!tpu.dma_semaphore, #tpu.memory_space<semaphore_mem>>
        %dma_start3A_112 = arith.constant 0 : i32
        %dma_start3A_113 = tpu.memref_slice %arg7[%add3A_44, %dma_start3A_112] : memref<176x128xi32, #tpu.memory_space<vmem>> -> memref<1x128xi32, #tpu.memory_space<vmem>>
        %dma_start3A_114 = tpu.memref_squeeze %dma_start3A_113 : memref<1x128xi32, #tpu.memory_space<vmem>> -> memref<128xi32, #tpu.memory_space<vmem>>
        %dma_start3A_115 = arith.constant 0 : i32
        %dma_start3A_116 = arith.constant 0 : i32
        %dma_start3A_117 = tpu.memref_slice %arg12[%dma_start3A_115, %dma_start3A_116] : memref<10112x64xf32, #tpu.memory_space<vmem_shared>> -> memref<10112x64xf32, #tpu.memory_space<vmem_shared>>
        tpu.enqueue_indirect_dma source(%arg8 : memref<128x64xf32, #tpu.memory_space<vmem>>) target(%dma_start3A_117 : memref<10112x64xf32, #tpu.memory_space<vmem_shared>>) offsets(%dma_start3A_114 : memref<128xi32, #tpu.memory_space<vmem>>) semaphore(%run_scoped3A : memref<!tpu.dma_semaphore, #tpu.memory_space<semaphore_mem>>) {add = true}
        %dma_wait3A_118 = arith.constant 0 : i32
        %dma_wait3A_119 = tpu.memref_slice %arg7[%add3A_44, %dma_wait3A_118] : memref<176x128xi32, #tpu.memory_space<vmem>> -> memref<1x128xi32, #tpu.memory_space<vmem>>
        %dma_wait3A_120 = tpu.memref_squeeze %dma_wait3A_119 : memref<1x128xi32, #tpu.memory_space<vmem>> -> memref<128xi32, #tpu.memory_space<vmem>>
        %dma_wait3A_121 = arith.constant 0 : i32
        %dma_wait3A_122 = arith.constant 0 : i32
        %dma_wait3A_123 = tpu.memref_slice %arg12[%dma_wait3A_121, %dma_wait3A_122] : memref<10112x64xf32, #tpu.memory_space<vmem_shared>> -> memref<10112x64xf32, #tpu.memory_space<vmem_shared>>
        tpu.wait_indirect_dma semaphore(%run_scoped3A : memref<!tpu.dma_semaphore, #tpu.memory_space<semaphore_mem>>) src(%arg8 : memref<128x64xf32, #tpu.memory_space<vmem>>) dst(%dma_wait3A_123 : memref<10112x64xf32, #tpu.memory_space<vmem_shared>>)
        tpu.yield
      }) : () -> ()
      %add3A_50 = arith.constant 4 : i32
      %add3A_51 = arith.addi %add3A_44, %add3A_50 : i32
      %sub3A = arith.constant 1 : i32
      %sub3A_52 = arith.subi %add3A_51, %sub3A : i32
      %lt3A = arith.constant 176 : i32
      %lt3A_53 = arith.cmpi slt, %sub3A_52, %lt3A : i32
      %convert_element_type3A = arith.extui %lt3A_53 : i1 to i32
      %cond3A = arith.constant 0 : i32
      %cond3A_54 = arith.cmpi ne, %convert_element_type3A, %cond3A : i32
      scf.if %cond3A_54 {
        %dma_start3A_112 = arith.constant 0 : i32
        %dma_start3A_113 = tpu.memref_slice %arg6[%sub3A_52, %dma_start3A_112] : memref<176x128xi32, #tpu.memory_space<vmem>> -> memref<1x128xi32, #tpu.memory_space<vmem>>
        %dma_start3A_114 = tpu.memref_squeeze %dma_start3A_113 : memref<1x128xi32, #tpu.memory_space<vmem>> -> memref<128xi32, #tpu.memory_space<vmem>>
        %dma_start3A_115 = arith.constant 0 : i32
        %dma_start3A_116 = arith.constant 0 : i32
        %dma_start3A_117 = tpu.memref_slice %arg2[%dma_start3A_115, %dma_start3A_116] : memref<10000x64xf32, #tpu.memory_space<hbm>> -> memref<10000x64xf32, #tpu.memory_space<hbm>>
        tpu.enqueue_indirect_dma source(%dma_start3A_117 : memref<10000x64xf32, #tpu.memory_space<hbm>>) target(%arg11 : memref<128x64xf32, #tpu.memory_space<vmem>>) offsets(%dma_start3A_114 : memref<128xi32, #tpu.memory_space<vmem>>) semaphore(%arg16 : memref<!tpu.dma_semaphore, #tpu.memory_space<semaphore_mem>>)
      } else {
      }
      %mul3A_55 = arith.constant 4 : i32
      %mul3A_56 = arith.muli %scan3A_40, %mul3A_55 : i32
      %add3A_57 = arith.constant 1 : i32
      %add3A_58 = arith.addi %mul3A_56, %add3A_57 : i32
      %dma_wait3A_59 = arith.constant 0 : i32
      %dma_wait3A_60 = tpu.memref_slice %arg6[%add3A_58, %dma_wait3A_59] : memref<176x128xi32, #tpu.memory_space<vmem>> -> memref<1x128xi32, #tpu.memory_space<vmem>>
      %dma_wait3A_61 = tpu.memref_squeeze %dma_wait3A_60 : memref<1x128xi32, #tpu.memory_space<vmem>> -> memref<128xi32, #tpu.memory_space<vmem>>
      %dma_wait3A_62 = arith.constant 0 : i32
      %dma_wait3A_63 = arith.constant 0 : i32
      %dma_wait3A_64 = tpu.memref_slice %arg2[%dma_wait3A_62, %dma_wait3A_63] : memref<10000x64xf32, #tpu.memory_space<hbm>> -> memref<10000x64xf32, #tpu.memory_space<hbm>>
      tpu.wait_indirect_dma semaphore(%arg14 : memref<!tpu.dma_semaphore, #tpu.memory_space<semaphore_mem>>) src(%dma_wait3A_64 : memref<10000x64xf32, #tpu.memory_space<hbm>>) dst(%arg9 : memref<128x64xf32, #tpu.memory_space<vmem>>)
      "tpu.region"() ({
        %run_scoped3A = tpu.sem_alloc : memref<!tpu.dma_semaphore, #tpu.memory_space<semaphore_mem>>
        %dma_start3A_112 = arith.constant 0 : i32
        %dma_start3A_113 = tpu.memref_slice %arg7[%add3A_58, %dma_start3A_112] : memref<176x128xi32, #tpu.memory_space<vmem>> -> memref<1x128xi32, #tpu.memory_space<vmem>>
        %dma_start3A_114 = tpu.memref_squeeze %dma_start3A_113 : memref<1x128xi32, #tpu.memory_space<vmem>> -> memref<128xi32, #tpu.memory_space<vmem>>
        %dma_start3A_115 = arith.constant 0 : i32
        %dma_start3A_116 = arith.constant 0 : i32
        %dma_start3A_117 = tpu.memref_slice %arg12[%dma_start3A_115, %dma_start3A_116] : memref<10112x64xf32, #tpu.memory_space<vmem_shared>> -> memref<10112x64xf32, #tpu.memory_space<vmem_shared>>
        tpu.enqueue_indirect_dma source(%arg9 : memref<128x64xf32, #tpu.memory_space<vmem>>) target(%dma_start3A_117 : memref<10112x64xf32, #tpu.memory_space<vmem_shared>>) offsets(%dma_start3A_114 : memref<128xi32, #tpu.memory_space<vmem>>) semaphore(%run_scoped3A : memref<!tpu.dma_semaphore, #tpu.memory_space<semaphore_mem>>) {add = true}
        %dma_wait3A_118 = arith.constant 0 : i32
        %dma_wait3A_119 = tpu.memref_slice %arg7[%add3A_58, %dma_wait3A_118] : memref<176x128xi32, #tpu.memory_space<vmem>> -> memref<1x128xi32, #tpu.memory_space<vmem>>
        %dma_wait3A_120 = tpu.memref_squeeze %dma_wait3A_119 : memref<1x128xi32, #tpu.memory_space<vmem>> -> memref<128xi32, #tpu.memory_space<vmem>>
        %dma_wait3A_121 = arith.constant 0 : i32
        %dma_wait3A_122 = arith.constant 0 : i32
        %dma_wait3A_123 = tpu.memref_slice %arg12[%dma_wait3A_121, %dma_wait3A_122] : memref<10112x64xf32, #tpu.memory_space<vmem_shared>> -> memref<10112x64xf32, #tpu.memory_space<vmem_shared>>
        tpu.wait_indirect_dma semaphore(%run_scoped3A : memref<!tpu.dma_semaphore, #tpu.memory_space<semaphore_mem>>) src(%arg9 : memref<128x64xf32, #tpu.memory_space<vmem>>) dst(%dma_wait3A_123 : memref<10112x64xf32, #tpu.memory_space<vmem_shared>>)
        tpu.yield
      }) : () -> ()
      %add3A_65 = arith.constant 4 : i32
      %add3A_66 = arith.addi %add3A_58, %add3A_65 : i32
      %sub3A_67 = arith.constant 1 : i32
      %sub3A_68 = arith.subi %add3A_66, %sub3A_67 : i32
      %lt3A_69 = arith.constant 176 : i32
      %lt3A_70 = arith.cmpi slt, %sub3A_68, %lt3A_69 : i32
      %convert_element_type3A_71 = arith.extui %lt3A_70 : i1 to i32
      %cond3A_72 = arith.constant 0 : i32
      %cond3A_73 = arith.cmpi ne, %convert_element_type3A_71, %cond3A_72 : i32
      scf.if %cond3A_73 {
        %dma_start3A_112 = arith.constant 0 : i32
        %dma_start3A_113 = tpu.memref_slice %arg6[%sub3A_68, %dma_start3A_112] : memref<176x128xi32, #tpu.memory_space<vmem>> -> memref<1x128xi32, #tpu.memory_space<vmem>>
        %dma_start3A_114 = tpu.memref_squeeze %dma_start3A_113 : memref<1x128xi32, #tpu.memory_space<vmem>> -> memref<128xi32, #tpu.memory_space<vmem>>
        %dma_start3A_115 = arith.constant 0 : i32
        %dma_start3A_116 = arith.constant 0 : i32
        %dma_start3A_117 = tpu.memref_slice %arg2[%dma_start3A_115, %dma_start3A_116] : memref<10000x64xf32, #tpu.memory_space<hbm>> -> memref<10000x64xf32, #tpu.memory_space<hbm>>
        tpu.enqueue_indirect_dma source(%dma_start3A_117 : memref<10000x64xf32, #tpu.memory_space<hbm>>) target(%arg8 : memref<128x64xf32, #tpu.memory_space<vmem>>) offsets(%dma_start3A_114 : memref<128xi32, #tpu.memory_space<vmem>>) semaphore(%arg13 : memref<!tpu.dma_semaphore, #tpu.memory_space<semaphore_mem>>)
      } else {
      }
      %mul3A_74 = arith.constant 4 : i32
      %mul3A_75 = arith.muli %scan3A_40, %mul3A_74 : i32
      %add3A_76 = arith.constant 2 : i32
      %add3A_77 = arith.addi %mul3A_75, %add3A_76 : i32
      %dma_wait3A_78 = arith.constant 0 : i32
      %dma_wait3A_79 = tpu.memref_slice %arg6[%add3A_77, %dma_wait3A_78] : memref<176x128xi32, #tpu.memory_space<vmem>> -> memref<1x128xi32, #tpu.memory_space<vmem>>
      %dma_wait3A_80 = tpu.memref_squeeze %dma_wait3A_79 : memref<1x128xi32, #tpu.memory_space<vmem>> -> memref<128xi32, #tpu.memory_space<vmem>>
      %dma_wait3A_81 = arith.constant 0 : i32
      %dma_wait3A_82 = arith.constant 0 : i32
      %dma_wait3A_83 = tpu.memref_slice %arg2[%dma_wait3A_81, %dma_wait3A_82] : memref<10000x64xf32, #tpu.memory_space<hbm>> -> memref<10000x64xf32, #tpu.memory_space<hbm>>
      tpu.wait_indirect_dma semaphore(%arg15 : memref<!tpu.dma_semaphore, #tpu.memory_space<semaphore_mem>>) src(%dma_wait3A_83 : memref<10000x64xf32, #tpu.memory_space<hbm>>) dst(%arg10 : memref<128x64xf32, #tpu.memory_space<vmem>>)
      "tpu.region"() ({
        %run_scoped3A = tpu.sem_alloc : memref<!tpu.dma_semaphore, #tpu.memory_space<semaphore_mem>>
        %dma_start3A_112 = arith.constant 0 : i32
        %dma_start3A_113 = tpu.memref_slice %arg7[%add3A_77, %dma_start3A_112] : memref<176x128xi32, #tpu.memory_space<vmem>> -> memref<1x128xi32, #tpu.memory_space<vmem>>
        %dma_start3A_114 = tpu.memref_squeeze %dma_start3A_113 : memref<1x128xi32, #tpu.memory_space<vmem>> -> memref<128xi32, #tpu.memory_space<vmem>>
        %dma_start3A_115 = arith.constant 0 : i32
        %dma_start3A_116 = arith.constant 0 : i32
        %dma_start3A_117 = tpu.memref_slice %arg12[%dma_start3A_115, %dma_start3A_116] : memref<10112x64xf32, #tpu.memory_space<vmem_shared>> -> memref<10112x64xf32, #tpu.memory_space<vmem_shared>>
        tpu.enqueue_indirect_dma source(%arg10 : memref<128x64xf32, #tpu.memory_space<vmem>>) target(%dma_start3A_117 : memref<10112x64xf32, #tpu.memory_space<vmem_shared>>) offsets(%dma_start3A_114 : memref<128xi32, #tpu.memory_space<vmem>>) semaphore(%run_scoped3A : memref<!tpu.dma_semaphore, #tpu.memory_space<semaphore_mem>>) {add = true}
        %dma_wait3A_118 = arith.constant 0 : i32
        %dma_wait3A_119 = tpu.memref_slice %arg7[%add3A_77, %dma_wait3A_118] : memref<176x128xi32, #tpu.memory_space<vmem>> -> memref<1x128xi32, #tpu.memory_space<vmem>>
        %dma_wait3A_120 = tpu.memref_squeeze %dma_wait3A_119 : memref<1x128xi32, #tpu.memory_space<vmem>> -> memref<128xi32, #tpu.memory_space<vmem>>
        %dma_wait3A_121 = arith.constant 0 : i32
        %dma_wait3A_122 = arith.constant 0 : i32
        %dma_wait3A_123 = tpu.memref_slice %arg12[%dma_wait3A_121, %dma_wait3A_122] : memref<10112x64xf32, #tpu.memory_space<vmem_shared>> -> memref<10112x64xf32, #tpu.memory_space<vmem_shared>>
        tpu.wait_indirect_dma semaphore(%run_scoped3A : memref<!tpu.dma_semaphore, #tpu.memory_space<semaphore_mem>>) src(%arg10 : memref<128x64xf32, #tpu.memory_space<vmem>>) dst(%dma_wait3A_123 : memref<10112x64xf32, #tpu.memory_space<vmem_shared>>)
        tpu.yield
      }) : () -> ()
      %add3A_84 = arith.constant 4 : i32
      %add3A_85 = arith.addi %add3A_77, %add3A_84 : i32
      %sub3A_86 = arith.constant 1 : i32
      %sub3A_87 = arith.subi %add3A_85, %sub3A_86 : i32
      %lt3A_88 = arith.constant 176 : i32
      %lt3A_89 = arith.cmpi slt, %sub3A_87, %lt3A_88 : i32
      %convert_element_type3A_90 = arith.extui %lt3A_89 : i1 to i32
      %cond3A_91 = arith.constant 0 : i32
      %cond3A_92 = arith.cmpi ne, %convert_element_type3A_90, %cond3A_91 : i32
      scf.if %cond3A_92 {
        %dma_start3A_112 = arith.constant 0 : i32
        %dma_start3A_113 = tpu.memref_slice %arg6[%sub3A_87, %dma_start3A_112] : memref<176x128xi32, #tpu.memory_space<vmem>> -> memref<1x128xi32, #tpu.memory_space<vmem>>
        %dma_start3A_114 = tpu.memref_squeeze %dma_start3A_113 : memref<1x128xi32, #tpu.memory_space<vmem>> -> memref<128xi32, #tpu.memory_space<vmem>>
        %dma_start3A_115 = arith.constant 0 : i32
        %dma_start3A_116 = arith.constant 0 : i32
        %dma_start3A_117 = tpu.memref_slice %arg2[%dma_start3A_115, %dma_start3A_116] : memref<10000x64xf32, #tpu.memory_space<hbm>> -> memref<10000x64xf32, #tpu.memory_space<hbm>>
        tpu.enqueue_indirect_dma source(%dma_start3A_117 : memref<10000x64xf32, #tpu.memory_space<hbm>>) target(%arg9 : memref<128x64xf32, #tpu.memory_space<vmem>>) offsets(%dma_start3A_114 : memref<128xi32, #tpu.memory_space<vmem>>) semaphore(%arg14 : memref<!tpu.dma_semaphore, #tpu.memory_space<semaphore_mem>>)
      } else {
      }
      %mul3A_93 = arith.constant 4 : i32
      %mul3A_94 = arith.muli %scan3A_40, %mul3A_93 : i32
      %add3A_95 = arith.constant 3 : i32
      %add3A_96 = arith.addi %mul3A_94, %add3A_95 : i32
      %dma_wait3A_97 = arith.constant 0 : i32
      %dma_wait3A_98 = tpu.memref_slice %arg6[%add3A_96, %dma_wait3A_97] : memref<176x128xi32, #tpu.memory_space<vmem>> -> memref<1x128xi32, #tpu.memory_space<vmem>>
      %dma_wait3A_99 = tpu.memref_squeeze %dma_wait3A_98 : memref<1x128xi32, #tpu.memory_space<vmem>> -> memref<128xi32, #tpu.memory_space<vmem>>
      %dma_wait3A_100 = arith.constant 0 : i32
      %dma_wait3A_101 = arith.constant 0 : i32
      %dma_wait3A_102 = tpu.memref_slice %arg2[%dma_wait3A_100, %dma_wait3A_101] : memref<10000x64xf32, #tpu.memory_space<hbm>> -> memref<10000x64xf32, #tpu.memory_space<hbm>>
      tpu.wait_indirect_dma semaphore(%arg16 : memref<!tpu.dma_semaphore, #tpu.memory_space<semaphore_mem>>) src(%dma_wait3A_102 : memref<10000x64xf32, #tpu.memory_space<hbm>>) dst(%arg11 : memref<128x64xf32, #tpu.memory_space<vmem>>)
      "tpu.region"() ({
        %run_scoped3A = tpu.sem_alloc : memref<!tpu.dma_semaphore, #tpu.memory_space<semaphore_mem>>
        %dma_start3A_112 = arith.constant 0 : i32
        %dma_start3A_113 = tpu.memref_slice %arg7[%add3A_96, %dma_start3A_112] : memref<176x128xi32, #tpu.memory_space<vmem>> -> memref<1x128xi32, #tpu.memory_space<vmem>>
        %dma_start3A_114 = tpu.memref_squeeze %dma_start3A_113 : memref<1x128xi32, #tpu.memory_space<vmem>> -> memref<128xi32, #tpu.memory_space<vmem>>
        %dma_start3A_115 = arith.constant 0 : i32
        %dma_start3A_116 = arith.constant 0 : i32
        %dma_start3A_117 = tpu.memref_slice %arg12[%dma_start3A_115, %dma_start3A_116] : memref<10112x64xf32, #tpu.memory_space<vmem_shared>> -> memref<10112x64xf32, #tpu.memory_space<vmem_shared>>
        tpu.enqueue_indirect_dma source(%arg11 : memref<128x64xf32, #tpu.memory_space<vmem>>) target(%dma_start3A_117 : memref<10112x64xf32, #tpu.memory_space<vmem_shared>>) offsets(%dma_start3A_114 : memref<128xi32, #tpu.memory_space<vmem>>) semaphore(%run_scoped3A : memref<!tpu.dma_semaphore, #tpu.memory_space<semaphore_mem>>) {add = true}
        %dma_wait3A_118 = arith.constant 0 : i32
        %dma_wait3A_119 = tpu.memref_slice %arg7[%add3A_96, %dma_wait3A_118] : memref<176x128xi32, #tpu.memory_space<vmem>> -> memref<1x128xi32, #tpu.memory_space<vmem>>
        %dma_wait3A_120 = tpu.memref_squeeze %dma_wait3A_119 : memref<1x128xi32, #tpu.memory_space<vmem>> -> memref<128xi32, #tpu.memory_space<vmem>>
        %dma_wait3A_121 = arith.constant 0 : i32
        %dma_wait3A_122 = arith.constant 0 : i32
        %dma_wait3A_123 = tpu.memref_slice %arg12[%dma_wait3A_121, %dma_wait3A_122] : memref<10112x64xf32, #tpu.memory_space<vmem_shared>> -> memref<10112x64xf32, #tpu.memory_space<vmem_shared>>
        tpu.wait_indirect_dma semaphore(%run_scoped3A : memref<!tpu.dma_semaphore, #tpu.memory_space<semaphore_mem>>) src(%arg11 : memref<128x64xf32, #tpu.memory_space<vmem>>) dst(%dma_wait3A_123 : memref<10112x64xf32, #tpu.memory_space<vmem_shared>>)
        tpu.yield
      }) : () -> ()
      %add3A_103 = arith.constant 4 : i32
      %add3A_104 = arith.addi %add3A_96, %add3A_103 : i32
      %sub3A_105 = arith.constant 1 : i32
      %sub3A_106 = arith.subi %add3A_104, %sub3A_105 : i32
      %lt3A_107 = arith.constant 176 : i32
      %lt3A_108 = arith.cmpi slt, %sub3A_106, %lt3A_107 : i32
      %convert_element_type3A_109 = arith.extui %lt3A_108 : i1 to i32
      %cond3A_110 = arith.constant 0 : i32
      %cond3A_111 = arith.cmpi ne, %convert_element_type3A_109, %cond3A_110 : i32
      scf.if %cond3A_111 {
        %dma_start3A_112 = arith.constant 0 : i32
        %dma_start3A_113 = tpu.memref_slice %arg6[%sub3A_106, %dma_start3A_112] : memref<176x128xi32, #tpu.memory_space<vmem>> -> memref<1x128xi32, #tpu.memory_space<vmem>>
        %dma_start3A_114 = tpu.memref_squeeze %dma_start3A_113 : memref<1x128xi32, #tpu.memory_space<vmem>> -> memref<128xi32, #tpu.memory_space<vmem>>
        %dma_start3A_115 = arith.constant 0 : i32
        %dma_start3A_116 = arith.constant 0 : i32
        %dma_start3A_117 = tpu.memref_slice %arg2[%dma_start3A_115, %dma_start3A_116] : memref<10000x64xf32, #tpu.memory_space<hbm>> -> memref<10000x64xf32, #tpu.memory_space<hbm>>
        tpu.enqueue_indirect_dma source(%dma_start3A_117 : memref<10000x64xf32, #tpu.memory_space<hbm>>) target(%arg10 : memref<128x64xf32, #tpu.memory_space<vmem>>) offsets(%dma_start3A_114 : memref<128xi32, #tpu.memory_space<vmem>>) semaphore(%arg15 : memref<!tpu.dma_semaphore, #tpu.memory_space<semaphore_mem>>)
      } else {
      }
    }
    %scan3A_39 = arith.constant 44 : i32
    "tpu.region"() ({
      %run_scoped3A = tpu.sem_alloc : memref<!tpu.dma_semaphore, #tpu.memory_space<semaphore_mem>>
      %dma_start3A_40 = arith.constant 0 : i32
      %dma_start3A_41 = tpu.memref_slice %arg5[%mul3A_7, %dma_start3A_40] : memref<10112x64xf32, #tpu.memory_space<hbm>> -> memref<313x64xf32, #tpu.memory_space<hbm>>
      %dma_start3A_42 = arith.constant 0 : i32
      %dma_start3A_43 = tpu.memref_slice %arg12[%mul3A_7, %dma_start3A_42] : memref<10112x64xf32, #tpu.memory_space<vmem_shared>> -> memref<313x64xf32, #tpu.memory_space<vmem_shared>>
      tpu.enqueue_dma source(%dma_start3A_43 : memref<313x64xf32, #tpu.memory_space<vmem_shared>>) target(%dma_start3A_41 : memref<313x64xf32, #tpu.memory_space<hbm>>) target_semaphore(%run_scoped3A : memref<!tpu.dma_semaphore, #tpu.memory_space<semaphore_mem>>)
      %dma_wait3A = arith.constant 0 : i32
      %dma_wait3A_44 = tpu.memref_slice %arg5[%mul3A_7, %dma_wait3A] : memref<10112x64xf32, #tpu.memory_space<hbm>> -> memref<313x64xf32, #tpu.memory_space<hbm>>
      %dma_wait3A_45 = arith.constant 0 : i32
      %dma_wait3A_46 = tpu.memref_slice %arg12[%mul3A_7, %dma_wait3A_45] : memref<10112x64xf32, #tpu.memory_space<vmem_shared>> -> memref<313x64xf32, #tpu.memory_space<vmem_shared>>
      tpu.wait_dma2 semaphore(%run_scoped3A : memref<!tpu.dma_semaphore, #tpu.memory_space<semaphore_mem>>) src(%dma_wait3A_46 : memref<313x64xf32, #tpu.memory_space<vmem_shared>>) dst(%dma_wait3A_44 : memref<313x64xf32, #tpu.memory_space<hbm>>)
      tpu.yield
    }) : () -> ()
    return
  }
}

#map = affine_map<(d0, d1) -> (0, 0)>
#map1 = affine_map<(d0, d1) -> (0, 0, 0)>
module attributes {stable_mosaic.version = 14 : i64} {
  func.func @_sc_agg_body(%arg0: i32, %arg1: i32, %arg2: memref<10000x64xf32, #tpu.memory_space<hbm>>, %arg3: memref<32x176x128xi32, #tpu.memory_space<hbm>>, %arg4: memref<32x176x128xi32, #tpu.memory_space<hbm>>, %arg5: memref<10112x64xf32, #tpu.memory_space<hbm>>, %arg6: memref<176x128xi32, #tpu.memory_space<vmem>>, %arg7: memref<176x128xi32, #tpu.memory_space<vmem>>, %arg8: memref<128x64xf32, #tpu.memory_space<vmem>>, %arg9: memref<128x64xf32, #tpu.memory_space<vmem>>, %arg10: memref<128x64xf32, #tpu.memory_space<vmem>>, %arg11: memref<128x64xf32, #tpu.memory_space<vmem>>, %arg12: memref<10112x64xf32, #tpu.memory_space<vmem_shared>>, %arg13: memref<!tpu.dma_semaphore, #tpu.memory_space<semaphore_mem>>, %arg14: memref<!tpu.dma_semaphore, #tpu.memory_space<semaphore_mem>>, %arg15: memref<!tpu.dma_semaphore, #tpu.memory_space<semaphore_mem>>, %arg16: memref<!tpu.dma_semaphore, #tpu.memory_space<semaphore_mem>>) attributes {dimension_semantics = [#tpu.dimension_semantics<core_parallel>, #tpu.dimension_semantics<subcore_parallel>], iteration_bounds = array<i64: 2, 16>, scalar_prefetch = 0 : i64, scratch_operands = 11 : i64, tpu.core_type = #tpu.core_type<sc_vector_subcore>, window_params = [{transform_indices = #map}, {transform_indices = #map1}, {transform_indices = #map1}, {transform_indices = #map}]} {
    %mul3A = arith.constant 16 : i32
    %mul3A_0 = arith.muli %arg0, %mul3A : i32
    %add3A = arith.addi %mul3A_0, %arg1 : i32
    "tpu.region"() ({
      %run_scoped3A = tpu.sem_alloc : memref<!tpu.dma_semaphore, #tpu.memory_space<semaphore_mem>>
      %dma_start3A_40 = arith.constant 0 : i32
      %dma_start3A_41 = arith.constant 0 : i32
      %dma_start3A_42 = tpu.memref_slice %arg3[%add3A, %dma_start3A_40, %dma_start3A_41] : memref<32x176x128xi32, #tpu.memory_space<hbm>> -> memref<1x176x128xi32, #tpu.memory_space<hbm>>
      %dma_start3A_43 = tpu.memref_squeeze %dma_start3A_42 : memref<1x176x128xi32, #tpu.memory_space<hbm>> -> memref<176x128xi32, #tpu.memory_space<hbm>>
      %dma_start3A_44 = arith.constant 0 : i32
      %dma_start3A_45 = arith.constant 0 : i32
      %dma_start3A_46 = tpu.memref_slice %arg3[%add3A, %dma_start3A_44, %dma_start3A_45] : memref<32x176x128xi32, #tpu.memory_space<hbm>> -> memref<1x176x128xi32, #tpu.memory_space<hbm>>
      %dma_start3A_47 = tpu.memref_squeeze %dma_start3A_46 : memref<1x176x128xi32, #tpu.memory_space<hbm>> -> memref<176x128xi32, #tpu.memory_space<hbm>>
      tpu.enqueue_dma source(%dma_start3A_47 : memref<176x128xi32, #tpu.memory_space<hbm>>) target(%arg6 : memref<176x128xi32, #tpu.memory_space<vmem>>) target_semaphore(%run_scoped3A : memref<!tpu.dma_semaphore, #tpu.memory_space<semaphore_mem>>)
      %dma_wait3A = arith.constant 0 : i32
      %dma_wait3A_48 = arith.constant 0 : i32
      %dma_wait3A_49 = tpu.memref_slice %arg3[%add3A, %dma_wait3A, %dma_wait3A_48] : memref<32x176x128xi32, #tpu.memory_space<hbm>> -> memref<1x176x128xi32, #tpu.memory_space<hbm>>
      %dma_wait3A_50 = tpu.memref_squeeze %dma_wait3A_49 : memref<1x176x128xi32, #tpu.memory_space<hbm>> -> memref<176x128xi32, #tpu.memory_space<hbm>>
      %dma_wait3A_51 = arith.constant 0 : i32
      %dma_wait3A_52 = arith.constant 0 : i32
      %dma_wait3A_53 = tpu.memref_slice %arg3[%add3A, %dma_wait3A_51, %dma_wait3A_52] : memref<32x176x128xi32, #tpu.memory_space<hbm>> -> memref<1x176x128xi32, #tpu.memory_space<hbm>>
      %dma_wait3A_54 = tpu.memref_squeeze %dma_wait3A_53 : memref<1x176x128xi32, #tpu.memory_space<hbm>> -> memref<176x128xi32, #tpu.memory_space<hbm>>
      tpu.wait_dma2 semaphore(%run_scoped3A : memref<!tpu.dma_semaphore, #tpu.memory_space<semaphore_mem>>) src(%dma_wait3A_54 : memref<176x128xi32, #tpu.memory_space<hbm>>) dst(%arg6 : memref<176x128xi32, #tpu.memory_space<vmem>>)
      tpu.yield
    }) : () -> ()
    "tpu.region"() ({
      %run_scoped3A = tpu.sem_alloc : memref<!tpu.dma_semaphore, #tpu.memory_space<semaphore_mem>>
      %dma_start3A_40 = arith.constant 0 : i32
      %dma_start3A_41 = arith.constant 0 : i32
      %dma_start3A_42 = tpu.memref_slice %arg4[%add3A, %dma_start3A_40, %dma_start3A_41] : memref<32x176x128xi32, #tpu.memory_space<hbm>> -> memref<1x176x128xi32, #tpu.memory_space<hbm>>
      %dma_start3A_43 = tpu.memref_squeeze %dma_start3A_42 : memref<1x176x128xi32, #tpu.memory_space<hbm>> -> memref<176x128xi32, #tpu.memory_space<hbm>>
      %dma_start3A_44 = arith.constant 0 : i32
      %dma_start3A_45 = arith.constant 0 : i32
      %dma_start3A_46 = tpu.memref_slice %arg4[%add3A, %dma_start3A_44, %dma_start3A_45] : memref<32x176x128xi32, #tpu.memory_space<hbm>> -> memref<1x176x128xi32, #tpu.memory_space<hbm>>
      %dma_start3A_47 = tpu.memref_squeeze %dma_start3A_46 : memref<1x176x128xi32, #tpu.memory_space<hbm>> -> memref<176x128xi32, #tpu.memory_space<hbm>>
      tpu.enqueue_dma source(%dma_start3A_47 : memref<176x128xi32, #tpu.memory_space<hbm>>) target(%arg7 : memref<176x128xi32, #tpu.memory_space<vmem>>) target_semaphore(%run_scoped3A : memref<!tpu.dma_semaphore, #tpu.memory_space<semaphore_mem>>)
      %dma_wait3A = arith.constant 0 : i32
      %dma_wait3A_48 = arith.constant 0 : i32
      %dma_wait3A_49 = tpu.memref_slice %arg4[%add3A, %dma_wait3A, %dma_wait3A_48] : memref<32x176x128xi32, #tpu.memory_space<hbm>> -> memref<1x176x128xi32, #tpu.memory_space<hbm>>
      %dma_wait3A_50 = tpu.memref_squeeze %dma_wait3A_49 : memref<1x176x128xi32, #tpu.memory_space<hbm>> -> memref<176x128xi32, #tpu.memory_space<hbm>>
      %dma_wait3A_51 = arith.constant 0 : i32
      %dma_wait3A_52 = arith.constant 0 : i32
      %dma_wait3A_53 = tpu.memref_slice %arg4[%add3A, %dma_wait3A_51, %dma_wait3A_52] : memref<32x176x128xi32, #tpu.memory_space<hbm>> -> memref<1x176x128xi32, #tpu.memory_space<hbm>>
      %dma_wait3A_54 = tpu.memref_squeeze %dma_wait3A_53 : memref<1x176x128xi32, #tpu.memory_space<hbm>> -> memref<176x128xi32, #tpu.memory_space<hbm>>
      tpu.wait_dma2 semaphore(%run_scoped3A : memref<!tpu.dma_semaphore, #tpu.memory_space<semaphore_mem>>) src(%dma_wait3A_54 : memref<176x128xi32, #tpu.memory_space<hbm>>) dst(%arg7 : memref<176x128xi32, #tpu.memory_space<vmem>>)
      tpu.yield
    }) : () -> ()
    %scan3A = arith.constant 0 : i32
    %scan3A_1 = arith.constant 0 : i32
    %scan3A_2 = arith.constant 128 : i32
    %scan3A_3 = arith.addi %scan3A_1, %scan3A_2 : i32
    %scan3A_4 = arith.constant 1 : i32
    scf.for %scan3A_40 = %scan3A_1 to %scan3A_3 step %scan3A_4  : i32 {
      %broadcast_in_dim3A = arith.constant 0.000000e+00 : f32
      %broadcast_in_dim3A_41 = vector.broadcast %broadcast_in_dim3A : f32 to vector<16xf32>
      %swap3A = arith.index_cast %scan3A_40 : i32 to index
      %swap3A_42 = arith.constant 0 : index
      %swap3A_43 = tpu.vector_load %arg8[%swap3A, %swap3A_42] {strides = array<i32>} : memref<128x64xf32, #tpu.memory_space<vmem>>, vector<1x16xf32>,
      %swap3A_44 = vector.shape_cast %swap3A_43 : vector<1x16xf32> to vector<16xf32>
      %swap3A_45 = vector.shape_cast %broadcast_in_dim3A_41 : vector<16xf32> to vector<1x16xf32>
      tpu.vector_store %arg8[%swap3A, %swap3A_42], %swap3A_45 {strides = array<i32>} : memref<128x64xf32, #tpu.memory_space<vmem>>, vector<1x16xf32>,
      %broadcast_in_dim3A_46 = arith.constant 0.000000e+00 : f32
      %broadcast_in_dim3A_47 = vector.broadcast %broadcast_in_dim3A_46 : f32 to vector<16xf32>
      %swap3A_48 = arith.index_cast %scan3A_40 : i32 to index
      %swap3A_49 = arith.constant 16 : index
      %swap3A_50 = tpu.vector_load %arg8[%swap3A_48, %swap3A_49] {strides = array<i32>} : memref<128x64xf32, #tpu.memory_space<vmem>>, vector<1x16xf32>,
      %swap3A_51 = vector.shape_cast %swap3A_50 : vector<1x16xf32> to vector<16xf32>
      %swap3A_52 = vector.shape_cast %broadcast_in_dim3A_47 : vector<16xf32> to vector<1x16xf32>
      tpu.vector_store %arg8[%swap3A_48, %swap3A_49], %swap3A_52 {strides = array<i32>} : memref<128x64xf32, #tpu.memory_space<vmem>>, vector<1x16xf32>,
      %broadcast_in_dim3A_53 = arith.constant 0.000000e+00 : f32
      %broadcast_in_dim3A_54 = vector.broadcast %broadcast_in_dim3A_53 : f32 to vector<16xf32>
      %swap3A_55 = arith.index_cast %scan3A_40 : i32 to index
      %swap3A_56 = arith.constant 32 : index
      %swap3A_57 = tpu.vector_load %arg8[%swap3A_55, %swap3A_56] {strides = array<i32>} : memref<128x64xf32, #tpu.memory_space<vmem>>, vector<1x16xf32>,
      %swap3A_58 = vector.shape_cast %swap3A_57 : vector<1x16xf32> to vector<16xf32>
      %swap3A_59 = vector.shape_cast %broadcast_in_dim3A_54 : vector<16xf32> to vector<1x16xf32>
      tpu.vector_store %arg8[%swap3A_55, %swap3A_56], %swap3A_59 {strides = array<i32>} : memref<128x64xf32, #tpu.memory_space<vmem>>, vector<1x16xf32>,
      %broadcast_in_dim3A_60 = arith.constant 0.000000e+00 : f32
      %broadcast_in_dim3A_61 = vector.broadcast %broadcast_in_dim3A_60 : f32 to vector<16xf32>
      %swap3A_62 = arith.index_cast %scan3A_40 : i32 to index
      %swap3A_63 = arith.constant 48 : index
      %swap3A_64 = tpu.vector_load %arg8[%swap3A_62, %swap3A_63] {strides = array<i32>} : memref<128x64xf32, #tpu.memory_space<vmem>>, vector<1x16xf32>,
      %swap3A_65 = vector.shape_cast %swap3A_64 : vector<1x16xf32> to vector<16xf32>
      %swap3A_66 = vector.shape_cast %broadcast_in_dim3A_61 : vector<16xf32> to vector<1x16xf32>
      tpu.vector_store %arg8[%swap3A_62, %swap3A_63], %swap3A_66 {strides = array<i32>} : memref<128x64xf32, #tpu.memory_space<vmem>>, vector<1x16xf32>,
    }
    %scan3A_5 = arith.constant 128 : i32
    %mul3A_6 = arith.constant 313 : i32
    %mul3A_7 = arith.muli %add3A, %mul3A_6 : i32
    %add3A_8 = arith.constant 0 : i32
    %add3A_9 = arith.addi %mul3A_7, %add3A_8 : i32
    "tpu.region"() ({
      %run_scoped3A = tpu.sem_alloc : memref<!tpu.dma_semaphore, #tpu.memory_space<semaphore_mem>>
      %dma_start3A_40 = arith.constant 0 : i32
      %dma_start3A_41 = arith.constant 0 : i32
      %dma_start3A_42 = tpu.memref_slice %arg8[%dma_start3A_40, %dma_start3A_41] : memref<128x64xf32, #tpu.memory_space<vmem>> -> memref<128x64xf32, #tpu.memory_space<vmem>>
      %dma_start3A_43 = arith.constant 0 : i32
      %dma_start3A_44 = tpu.memref_slice %arg12[%add3A_9, %dma_start3A_43] : memref<10112x64xf32, #tpu.memory_space<vmem_shared>> -> memref<128x64xf32, #tpu.memory_space<vmem_shared>>
      %dma_start3A_45 = arith.constant 0 : i32
      %dma_start3A_46 = tpu.memref_slice %arg12[%add3A_9, %dma_start3A_45] : memref<10112x64xf32, #tpu.memory_space<vmem_shared>> -> memref<128x64xf32, #tpu.memory_space<vmem_shared>>
      %dma_start3A_47 = arith.constant 0 : i32
      %dma_start3A_48 = arith.constant 0 : i32
      %dma_start3A_49 = tpu.memref_slice %arg8[%dma_start3A_47, %dma_start3A_48] : memref<128x64xf32, #tpu.memory_space<vmem>> -> memref<128x64xf32, #tpu.memory_space<vmem>>
      tpu.enqueue_dma source(%dma_start3A_49 : memref<128x64xf32, #tpu.memory_space<vmem>>) target(%dma_start3A_46 : memref<128x64xf32, #tpu.memory_space<vmem_shared>>) target_semaphore(%run_scoped3A : memref<!tpu.dma_semaphore, #tpu.memory_space<semaphore_mem>>)
      %dma_wait3A = arith.constant 0 : i32
      %dma_wait3A_50 = arith.constant 0 : i32
      %dma_wait3A_51 = tpu.memref_slice %arg8[%dma_wait3A, %dma_wait3A_50] : memref<128x64xf32, #tpu.memory_space<vmem>> -> memref<128x64xf32, #tpu.memory_space<vmem>>
      %dma_wait3A_52 = arith.constant 0 : i32
      %dma_wait3A_53 = tpu.memref_slice %arg12[%add3A_9, %dma_wait3A_52] : memref<10112x64xf32, #tpu.memory_space<vmem_shared>> -> memref<128x64xf32, #tpu.memory_space<vmem_shared>>
      %dma_wait3A_54 = arith.constant 0 : i32
      %dma_wait3A_55 = tpu.memref_slice %arg12[%add3A_9, %dma_wait3A_54] : memref<10112x64xf32, #tpu.memory_space<vmem_shared>> -> memref<128x64xf32, #tpu.memory_space<vmem_shared>>
      %dma_wait3A_56 = arith.constant 0 : i32
      %dma_wait3A_57 = arith.constant 0 : i32
      %dma_wait3A_58 = tpu.memref_slice %arg8[%dma_wait3A_56, %dma_wait3A_57] : memref<128x64xf32, #tpu.memory_space<vmem>> -> memref<128x64xf32, #tpu.memory_space<vmem>>
      tpu.wait_dma2 semaphore(%run_scoped3A : memref<!tpu.dma_semaphore, #tpu.memory_space<semaphore_mem>>) src(%dma_wait3A_58 : memref<128x64xf32, #tpu.memory_space<vmem>>) dst(%dma_wait3A_55 : memref<128x64xf32, #tpu.memory_space<vmem_shared>>)
      tpu.yield
    }) : () -> ()
    %add3A_10 = arith.constant 128 : i32
    %add3A_11 = arith.addi %mul3A_7, %add3A_10 : i32
    "tpu.region"() ({
      %run_scoped3A = tpu.sem_alloc : memref<!tpu.dma_semaphore, #tpu.memory_space<semaphore_mem>>
      %dma_start3A_40 = arith.constant 0 : i32
      %dma_start3A_41 = arith.constant 0 : i32
      %dma_start3A_42 = tpu.memref_slice %arg8[%dma_start3A_40, %dma_start3A_41] : memref<128x64xf32, #tpu.memory_space<vmem>> -> memref<128x64xf32, #tpu.memory_space<vmem>>
      %dma_start3A_43 = arith.constant 0 : i32
      %dma_start3A_44 = tpu.memref_slice %arg12[%add3A_11, %dma_start3A_43] : memref<10112x64xf32, #tpu.memory_space<vmem_shared>> -> memref<128x64xf32, #tpu.memory_space<vmem_shared>>
      %dma_start3A_45 = arith.constant 0 : i32
      %dma_start3A_46 = tpu.memref_slice %arg12[%add3A_11, %dma_start3A_45] : memref<10112x64xf32, #tpu.memory_space<vmem_shared>> -> memref<128x64xf32, #tpu.memory_space<vmem_shared>>
      %dma_start3A_47 = arith.constant 0 : i32
      %dma_start3A_48 = arith.constant 0 : i32
      %dma_start3A_49 = tpu.memref_slice %arg8[%dma_start3A_47, %dma_start3A_48] : memref<128x64xf32, #tpu.memory_space<vmem>> -> memref<128x64xf32, #tpu.memory_space<vmem>>
      tpu.enqueue_dma source(%dma_start3A_49 : memref<128x64xf32, #tpu.memory_space<vmem>>) target(%dma_start3A_46 : memref<128x64xf32, #tpu.memory_space<vmem_shared>>) target_semaphore(%run_scoped3A : memref<!tpu.dma_semaphore, #tpu.memory_space<semaphore_mem>>)
      %dma_wait3A = arith.constant 0 : i32
      %dma_wait3A_50 = arith.constant 0 : i32
      %dma_wait3A_51 = tpu.memref_slice %arg8[%dma_wait3A, %dma_wait3A_50] : memref<128x64xf32, #tpu.memory_space<vmem>> -> memref<128x64xf32, #tpu.memory_space<vmem>>
      %dma_wait3A_52 = arith.constant 0 : i32
      %dma_wait3A_53 = tpu.memref_slice %arg12[%add3A_11, %dma_wait3A_52] : memref<10112x64xf32, #tpu.memory_space<vmem_shared>> -> memref<128x64xf32, #tpu.memory_space<vmem_shared>>
      %dma_wait3A_54 = arith.constant 0 : i32
      %dma_wait3A_55 = tpu.memref_slice %arg12[%add3A_11, %dma_wait3A_54] : memref<10112x64xf32, #tpu.memory_space<vmem_shared>> -> memref<128x64xf32, #tpu.memory_space<vmem_shared>>
      %dma_wait3A_56 = arith.constant 0 : i32
      %dma_wait3A_57 = arith.constant 0 : i32
      %dma_wait3A_58 = tpu.memref_slice %arg8[%dma_wait3A_56, %dma_wait3A_57] : memref<128x64xf32, #tpu.memory_space<vmem>> -> memref<128x64xf32, #tpu.memory_space<vmem>>
      tpu.wait_dma2 semaphore(%run_scoped3A : memref<!tpu.dma_semaphore, #tpu.memory_space<semaphore_mem>>) src(%dma_wait3A_58 : memref<128x64xf32, #tpu.memory_space<vmem>>) dst(%dma_wait3A_55 : memref<128x64xf32, #tpu.memory_space<vmem_shared>>)
      tpu.yield
    }) : () -> ()
    %add3A_12 = arith.constant 256 : i32
    %add3A_13 = arith.addi %mul3A_7, %add3A_12 : i32
    "tpu.region"() ({
      %run_scoped3A = tpu.sem_alloc : memref<!tpu.dma_semaphore, #tpu.memory_space<semaphore_mem>>
      %dma_start3A_40 = arith.constant 0 : i32
      %dma_start3A_41 = arith.constant 0 : i32
      %dma_start3A_42 = tpu.memref_slice %arg8[%dma_start3A_40, %dma_start3A_41] : memref<128x64xf32, #tpu.memory_space<vmem>> -> memref<57x64xf32, #tpu.memory_space<vmem>>
      %dma_start3A_43 = arith.constant 0 : i32
      %dma_start3A_44 = tpu.memref_slice %arg12[%add3A_13, %dma_start3A_43] : memref<10112x64xf32, #tpu.memory_space<vmem_shared>> -> memref<57x64xf32, #tpu.memory_space<vmem_shared>>
      %dma_start3A_45 = arith.constant 0 : i32
      %dma_start3A_46 = tpu.memref_slice %arg12[%add3A_13, %dma_start3A_45] : memref<10112x64xf32, #tpu.memory_space<vmem_shared>> -> memref<57x64xf32, #tpu.memory_space<vmem_shared>>
      %dma_start3A_47 = arith.constant 0 : i32
      %dma_start3A_48 = arith.constant 0 : i32
      %dma_start3A_49 = tpu.memref_slice %arg8[%dma_start3A_47, %dma_start3A_48] : memref<128x64xf32, #tpu.memory_space<vmem>> -> memref<57x64xf32, #tpu.memory_space<vmem>>
      tpu.enqueue_dma source(%dma_start3A_49 : memref<57x64xf32, #tpu.memory_space<vmem>>) target(%dma_start3A_46 : memref<57x64xf32, #tpu.memory_space<vmem_shared>>) target_semaphore(%run_scoped3A : memref<!tpu.dma_semaphore, #tpu.memory_space<semaphore_mem>>)
      %dma_wait3A = arith.constant 0 : i32
      %dma_wait3A_50 = arith.constant 0 : i32
      %dma_wait3A_51 = tpu.memref_slice %arg8[%dma_wait3A, %dma_wait3A_50] : memref<128x64xf32, #tpu.memory_space<vmem>> -> memref<57x64xf32, #tpu.memory_space<vmem>>
      %dma_wait3A_52 = arith.constant 0 : i32
      %dma_wait3A_53 = tpu.memref_slice %arg12[%add3A_13, %dma_wait3A_52] : memref<10112x64xf32, #tpu.memory_space<vmem_shared>> -> memref<57x64xf32, #tpu.memory_space<vmem_shared>>
      %dma_wait3A_54 = arith.constant 0 : i32
      %dma_wait3A_55 = tpu.memref_slice %arg12[%add3A_13, %dma_wait3A_54] : memref<10112x64xf32, #tpu.memory_space<vmem_shared>> -> memref<57x64xf32, #tpu.memory_space<vmem_shared>>
      %dma_wait3A_56 = arith.constant 0 : i32
      %dma_wait3A_57 = arith.constant 0 : i32
      %dma_wait3A_58 = tpu.memref_slice %arg8[%dma_wait3A_56, %dma_wait3A_57] : memref<128x64xf32, #tpu.memory_space<vmem>> -> memref<57x64xf32, #tpu.memory_space<vmem>>
      tpu.wait_dma2 semaphore(%run_scoped3A : memref<!tpu.dma_semaphore, #tpu.memory_space<semaphore_mem>>) src(%dma_wait3A_58 : memref<57x64xf32, #tpu.memory_space<vmem>>) dst(%dma_wait3A_55 : memref<57x64xf32, #tpu.memory_space<vmem_shared>>)
      tpu.yield
    }) : () -> ()
    %dma_start3A = arith.constant 0 : i32
    %dma_start3A_14 = arith.constant 0 : i32
    %dma_start3A_15 = tpu.memref_slice %arg6[%dma_start3A, %dma_start3A_14] : memref<176x128xi32, #tpu.memory_space<vmem>> -> memref<1x128xi32, #tpu.memory_space<vmem>>
    %dma_start3A_16 = tpu.memref_squeeze %dma_start3A_15 : memref<1x128xi32, #tpu.memory_space<vmem>> -> memref<128xi32, #tpu.memory_space<vmem>>
    %dma_start3A_17 = arith.constant 0 : i32
    %dma_start3A_18 = arith.constant 0 : i32
    %dma_start3A_19 = tpu.memref_slice %arg2[%dma_start3A_17, %dma_start3A_18] : memref<10000x64xf32, #tpu.memory_space<hbm>> -> memref<10000x64xf32, #tpu.memory_space<hbm>>
    tpu.enqueue_indirect_dma source(%dma_start3A_19 : memref<10000x64xf32, #tpu.memory_space<hbm>>) target(%arg8 : memref<128x64xf32, #tpu.memory_space<vmem>>) offsets(%dma_start3A_16 : memref<128xi32, #tpu.memory_space<vmem>>) semaphore(%arg13 : memref<!tpu.dma_semaphore, #tpu.memory_space<semaphore_mem>>)
    %dma_start3A_20 = arith.constant 1 : i32
    %dma_start3A_21 = arith.constant 0 : i32
    %dma_start3A_22 = tpu.memref_slice %arg6[%dma_start3A_20, %dma_start3A_21] : memref<176x128xi32, #tpu.memory_space<vmem>> -> memref<1x128xi32, #tpu.memory_space<vmem>>
    %dma_start3A_23 = tpu.memref_squeeze %dma_start3A_22 : memref<1x128xi32, #tpu.memory_space<vmem>> -> memref<128xi32, #tpu.memory_space<vmem>>
    %dma_start3A_24 = arith.constant 0 : i32
    %dma_start3A_25 = arith.constant 0 : i32
    %dma_start3A_26 = tpu.memref_slice %arg2[%dma_start3A_24, %dma_start3A_25] : memref<10000x64xf32, #tpu.memory_space<hbm>> -> memref<10000x64xf32, #tpu.memory_space<hbm>>
    tpu.enqueue_indirect_dma source(%dma_start3A_26 : memref<10000x64xf32, #tpu.memory_space<hbm>>) target(%arg9 : memref<128x64xf32, #tpu.memory_space<vmem>>) offsets(%dma_start3A_23 : memref<128xi32, #tpu.memory_space<vmem>>) semaphore(%arg14 : memref<!tpu.dma_semaphore, #tpu.memory_space<semaphore_mem>>)
    %dma_start3A_27 = arith.constant 2 : i32
    %dma_start3A_28 = arith.constant 0 : i32
    %dma_start3A_29 = tpu.memref_slice %arg6[%dma_start3A_27, %dma_start3A_28] : memref<176x128xi32, #tpu.memory_space<vmem>> -> memref<1x128xi32, #tpu.memory_space<vmem>>
    %dma_start3A_30 = tpu.memref_squeeze %dma_start3A_29 : memref<1x128xi32, #tpu.memory_space<vmem>> -> memref<128xi32, #tpu.memory_space<vmem>>
    %dma_start3A_31 = arith.constant 0 : i32
    %dma_start3A_32 = arith.constant 0 : i32
    %dma_start3A_33 = tpu.memref_slice %arg2[%dma_start3A_31, %dma_start3A_32] : memref<10000x64xf32, #tpu.memory_space<hbm>> -> memref<10000x64xf32, #tpu.memory_space<hbm>>
    tpu.enqueue_indirect_dma source(%dma_start3A_33 : memref<10000x64xf32, #tpu.memory_space<hbm>>) target(%arg10 : memref<128x64xf32, #tpu.memory_space<vmem>>) offsets(%dma_start3A_30 : memref<128xi32, #tpu.memory_space<vmem>>) semaphore(%arg15 : memref<!tpu.dma_semaphore, #tpu.memory_space<semaphore_mem>>)
    %scan3A_34 = arith.constant 0 : i32
    %scan3A_35 = arith.constant 0 : i32
    %scan3A_36 = arith.constant 44 : i32
    %scan3A_37 = arith.addi %scan3A_35, %scan3A_36 : i32
    %scan3A_38 = arith.constant 1 : i32
    scf.for %scan3A_40 = %scan3A_35 to %scan3A_37 step %scan3A_38  : i32 {
      %mul3A_41 = arith.constant 4 : i32
      %mul3A_42 = arith.muli %scan3A_40, %mul3A_41 : i32
      %add3A_43 = arith.constant 0 : i32
      %add3A_44 = arith.addi %mul3A_42, %add3A_43 : i32
      %dma_wait3A = arith.constant 0 : i32
      %dma_wait3A_45 = tpu.memref_slice %arg6[%add3A_44, %dma_wait3A] : memref<176x128xi32, #tpu.memory_space<vmem>> -> memref<1x128xi32, #tpu.memory_space<vmem>>
      %dma_wait3A_46 = tpu.memref_squeeze %dma_wait3A_45 : memref<1x128xi32, #tpu.memory_space<vmem>> -> memref<128xi32, #tpu.memory_space<vmem>>
      %dma_wait3A_47 = arith.constant 0 : i32
      %dma_wait3A_48 = arith.constant 0 : i32
      %dma_wait3A_49 = tpu.memref_slice %arg2[%dma_wait3A_47, %dma_wait3A_48] : memref<10000x64xf32, #tpu.memory_space<hbm>> -> memref<10000x64xf32, #tpu.memory_space<hbm>>
      tpu.wait_indirect_dma semaphore(%arg13 : memref<!tpu.dma_semaphore, #tpu.memory_space<semaphore_mem>>) src(%dma_wait3A_49 : memref<10000x64xf32, #tpu.memory_space<hbm>>) dst(%arg8 : memref<128x64xf32, #tpu.memory_space<vmem>>)
      "tpu.region"() ({
        %run_scoped3A = tpu.sem_alloc : memref<!tpu.dma_semaphore, #tpu.memory_space<semaphore_mem>>
        %dma_start3A_112 = arith.constant 0 : i32
        %dma_start3A_113 = tpu.memref_slice %arg7[%add3A_44, %dma_start3A_112] : memref<176x128xi32, #tpu.memory_space<vmem>> -> memref<1x128xi32, #tpu.memory_space<vmem>>
        %dma_start3A_114 = tpu.memref_squeeze %dma_start3A_113 : memref<1x128xi32, #tpu.memory_space<vmem>> -> memref<128xi32, #tpu.memory_space<vmem>>
        %dma_start3A_115 = arith.constant 0 : i32
        %dma_start3A_116 = arith.constant 0 : i32
        %dma_start3A_117 = tpu.memref_slice %arg12[%dma_start3A_115, %dma_start3A_116] : memref<10112x64xf32, #tpu.memory_space<vmem_shared>> -> memref<10112x64xf32, #tpu.memory_space<vmem_shared>>
        tpu.enqueue_indirect_dma source(%arg8 : memref<128x64xf32, #tpu.memory_space<vmem>>) target(%dma_start3A_117 : memref<10112x64xf32, #tpu.memory_space<vmem_shared>>) offsets(%dma_start3A_114 : memref<128xi32, #tpu.memory_space<vmem>>) semaphore(%run_scoped3A : memref<!tpu.dma_semaphore, #tpu.memory_space<semaphore_mem>>) {add = true}
        %dma_wait3A_118 = arith.constant 0 : i32
        %dma_wait3A_119 = tpu.memref_slice %arg7[%add3A_44, %dma_wait3A_118] : memref<176x128xi32, #tpu.memory_space<vmem>> -> memref<1x128xi32, #tpu.memory_space<vmem>>
        %dma_wait3A_120 = tpu.memref_squeeze %dma_wait3A_119 : memref<1x128xi32, #tpu.memory_space<vmem>> -> memref<128xi32, #tpu.memory_space<vmem>>
        %dma_wait3A_121 = arith.constant 0 : i32
        %dma_wait3A_122 = arith.constant 0 : i32
        %dma_wait3A_123 = tpu.memref_slice %arg12[%dma_wait3A_121, %dma_wait3A_122] : memref<10112x64xf32, #tpu.memory_space<vmem_shared>> -> memref<10112x64xf32, #tpu.memory_space<vmem_shared>>
        tpu.wait_indirect_dma semaphore(%run_scoped3A : memref<!tpu.dma_semaphore, #tpu.memory_space<semaphore_mem>>) src(%arg8 : memref<128x64xf32, #tpu.memory_space<vmem>>) dst(%dma_wait3A_123 : memref<10112x64xf32, #tpu.memory_space<vmem_shared>>)
        tpu.yield
      }) : () -> ()
      %add3A_50 = arith.constant 4 : i32
      %add3A_51 = arith.addi %add3A_44, %add3A_50 : i32
      %sub3A = arith.constant 1 : i32
      %sub3A_52 = arith.subi %add3A_51, %sub3A : i32
      %lt3A = arith.constant 176 : i32
      %lt3A_53 = arith.cmpi slt, %sub3A_52, %lt3A : i32
      %convert_element_type3A = arith.extui %lt3A_53 : i1 to i32
      %cond3A = arith.constant 0 : i32
      %cond3A_54 = arith.cmpi ne, %convert_element_type3A, %cond3A : i32
      scf.if %cond3A_54 {
        %dma_start3A_112 = arith.constant 0 : i32
        %dma_start3A_113 = tpu.memref_slice %arg6[%sub3A_52, %dma_start3A_112] : memref<176x128xi32, #tpu.memory_space<vmem>> -> memref<1x128xi32, #tpu.memory_space<vmem>>
        %dma_start3A_114 = tpu.memref_squeeze %dma_start3A_113 : memref<1x128xi32, #tpu.memory_space<vmem>> -> memref<128xi32, #tpu.memory_space<vmem>>
        %dma_start3A_115 = arith.constant 0 : i32
        %dma_start3A_116 = arith.constant 0 : i32
        %dma_start3A_117 = tpu.memref_slice %arg2[%dma_start3A_115, %dma_start3A_116] : memref<10000x64xf32, #tpu.memory_space<hbm>> -> memref<10000x64xf32, #tpu.memory_space<hbm>>
        tpu.enqueue_indirect_dma source(%dma_start3A_117 : memref<10000x64xf32, #tpu.memory_space<hbm>>) target(%arg11 : memref<128x64xf32, #tpu.memory_space<vmem>>) offsets(%dma_start3A_114 : memref<128xi32, #tpu.memory_space<vmem>>) semaphore(%arg16 : memref<!tpu.dma_semaphore, #tpu.memory_space<semaphore_mem>>)
      } else {
      }
      %mul3A_55 = arith.constant 4 : i32
      %mul3A_56 = arith.muli %scan3A_40, %mul3A_55 : i32
      %add3A_57 = arith.constant 1 : i32
      %add3A_58 = arith.addi %mul3A_56, %add3A_57 : i32
      %dma_wait3A_59 = arith.constant 0 : i32
      %dma_wait3A_60 = tpu.memref_slice %arg6[%add3A_58, %dma_wait3A_59] : memref<176x128xi32, #tpu.memory_space<vmem>> -> memref<1x128xi32, #tpu.memory_space<vmem>>
      %dma_wait3A_61 = tpu.memref_squeeze %dma_wait3A_60 : memref<1x128xi32, #tpu.memory_space<vmem>> -> memref<128xi32, #tpu.memory_space<vmem>>
      %dma_wait3A_62 = arith.constant 0 : i32
      %dma_wait3A_63 = arith.constant 0 : i32
      %dma_wait3A_64 = tpu.memref_slice %arg2[%dma_wait3A_62, %dma_wait3A_63] : memref<10000x64xf32, #tpu.memory_space<hbm>> -> memref<10000x64xf32, #tpu.memory_space<hbm>>
      tpu.wait_indirect_dma semaphore(%arg14 : memref<!tpu.dma_semaphore, #tpu.memory_space<semaphore_mem>>) src(%dma_wait3A_64 : memref<10000x64xf32, #tpu.memory_space<hbm>>) dst(%arg9 : memref<128x64xf32, #tpu.memory_space<vmem>>)
      "tpu.region"() ({
        %run_scoped3A = tpu.sem_alloc : memref<!tpu.dma_semaphore, #tpu.memory_space<semaphore_mem>>
        %dma_start3A_112 = arith.constant 0 : i32
        %dma_start3A_113 = tpu.memref_slice %arg7[%add3A_58, %dma_start3A_112] : memref<176x128xi32, #tpu.memory_space<vmem>> -> memref<1x128xi32, #tpu.memory_space<vmem>>
        %dma_start3A_114 = tpu.memref_squeeze %dma_start3A_113 : memref<1x128xi32, #tpu.memory_space<vmem>> -> memref<128xi32, #tpu.memory_space<vmem>>
        %dma_start3A_115 = arith.constant 0 : i32
        %dma_start3A_116 = arith.constant 0 : i32
        %dma_start3A_117 = tpu.memref_slice %arg12[%dma_start3A_115, %dma_start3A_116] : memref<10112x64xf32, #tpu.memory_space<vmem_shared>> -> memref<10112x64xf32, #tpu.memory_space<vmem_shared>>
        tpu.enqueue_indirect_dma source(%arg9 : memref<128x64xf32, #tpu.memory_space<vmem>>) target(%dma_start3A_117 : memref<10112x64xf32, #tpu.memory_space<vmem_shared>>) offsets(%dma_start3A_114 : memref<128xi32, #tpu.memory_space<vmem>>) semaphore(%run_scoped3A : memref<!tpu.dma_semaphore, #tpu.memory_space<semaphore_mem>>) {add = true}
        %dma_wait3A_118 = arith.constant 0 : i32
        %dma_wait3A_119 = tpu.memref_slice %arg7[%add3A_58, %dma_wait3A_118] : memref<176x128xi32, #tpu.memory_space<vmem>> -> memref<1x128xi32, #tpu.memory_space<vmem>>
        %dma_wait3A_120 = tpu.memref_squeeze %dma_wait3A_119 : memref<1x128xi32, #tpu.memory_space<vmem>> -> memref<128xi32, #tpu.memory_space<vmem>>
        %dma_wait3A_121 = arith.constant 0 : i32
        %dma_wait3A_122 = arith.constant 0 : i32
        %dma_wait3A_123 = tpu.memref_slice %arg12[%dma_wait3A_121, %dma_wait3A_122] : memref<10112x64xf32, #tpu.memory_space<vmem_shared>> -> memref<10112x64xf32, #tpu.memory_space<vmem_shared>>
        tpu.wait_indirect_dma semaphore(%run_scoped3A : memref<!tpu.dma_semaphore, #tpu.memory_space<semaphore_mem>>) src(%arg9 : memref<128x64xf32, #tpu.memory_space<vmem>>) dst(%dma_wait3A_123 : memref<10112x64xf32, #tpu.memory_space<vmem_shared>>)
        tpu.yield
      }) : () -> ()
      %add3A_65 = arith.constant 4 : i32
      %add3A_66 = arith.addi %add3A_58, %add3A_65 : i32
      %sub3A_67 = arith.constant 1 : i32
      %sub3A_68 = arith.subi %add3A_66, %sub3A_67 : i32
      %lt3A_69 = arith.constant 176 : i32
      %lt3A_70 = arith.cmpi slt, %sub3A_68, %lt3A_69 : i32
      %convert_element_type3A_71 = arith.extui %lt3A_70 : i1 to i32
      %cond3A_72 = arith.constant 0 : i32
      %cond3A_73 = arith.cmpi ne, %convert_element_type3A_71, %cond3A_72 : i32
      scf.if %cond3A_73 {
        %dma_start3A_112 = arith.constant 0 : i32
        %dma_start3A_113 = tpu.memref_slice %arg6[%sub3A_68, %dma_start3A_112] : memref<176x128xi32, #tpu.memory_space<vmem>> -> memref<1x128xi32, #tpu.memory_space<vmem>>
        %dma_start3A_114 = tpu.memref_squeeze %dma_start3A_113 : memref<1x128xi32, #tpu.memory_space<vmem>> -> memref<128xi32, #tpu.memory_space<vmem>>
        %dma_start3A_115 = arith.constant 0 : i32
        %dma_start3A_116 = arith.constant 0 : i32
        %dma_start3A_117 = tpu.memref_slice %arg2[%dma_start3A_115, %dma_start3A_116] : memref<10000x64xf32, #tpu.memory_space<hbm>> -> memref<10000x64xf32, #tpu.memory_space<hbm>>
        tpu.enqueue_indirect_dma source(%dma_start3A_117 : memref<10000x64xf32, #tpu.memory_space<hbm>>) target(%arg8 : memref<128x64xf32, #tpu.memory_space<vmem>>) offsets(%dma_start3A_114 : memref<128xi32, #tpu.memory_space<vmem>>) semaphore(%arg13 : memref<!tpu.dma_semaphore, #tpu.memory_space<semaphore_mem>>)
      } else {
      }
      %mul3A_74 = arith.constant 4 : i32
      %mul3A_75 = arith.muli %scan3A_40, %mul3A_74 : i32
      %add3A_76 = arith.constant 2 : i32
      %add3A_77 = arith.addi %mul3A_75, %add3A_76 : i32
      %dma_wait3A_78 = arith.constant 0 : i32
      %dma_wait3A_79 = tpu.memref_slice %arg6[%add3A_77, %dma_wait3A_78] : memref<176x128xi32, #tpu.memory_space<vmem>> -> memref<1x128xi32, #tpu.memory_space<vmem>>
      %dma_wait3A_80 = tpu.memref_squeeze %dma_wait3A_79 : memref<1x128xi32, #tpu.memory_space<vmem>> -> memref<128xi32, #tpu.memory_space<vmem>>
      %dma_wait3A_81 = arith.constant 0 : i32
      %dma_wait3A_82 = arith.constant 0 : i32
      %dma_wait3A_83 = tpu.memref_slice %arg2[%dma_wait3A_81, %dma_wait3A_82] : memref<10000x64xf32, #tpu.memory_space<hbm>> -> memref<10000x64xf32, #tpu.memory_space<hbm>>
      tpu.wait_indirect_dma semaphore(%arg15 : memref<!tpu.dma_semaphore, #tpu.memory_space<semaphore_mem>>) src(%dma_wait3A_83 : memref<10000x64xf32, #tpu.memory_space<hbm>>) dst(%arg10 : memref<128x64xf32, #tpu.memory_space<vmem>>)
      "tpu.region"() ({
        %run_scoped3A = tpu.sem_alloc : memref<!tpu.dma_semaphore, #tpu.memory_space<semaphore_mem>>
        %dma_start3A_112 = arith.constant 0 : i32
        %dma_start3A_113 = tpu.memref_slice %arg7[%add3A_77, %dma_start3A_112] : memref<176x128xi32, #tpu.memory_space<vmem>> -> memref<1x128xi32, #tpu.memory_space<vmem>>
        %dma_start3A_114 = tpu.memref_squeeze %dma_start3A_113 : memref<1x128xi32, #tpu.memory_space<vmem>> -> memref<128xi32, #tpu.memory_space<vmem>>
        %dma_start3A_115 = arith.constant 0 : i32
        %dma_start3A_116 = arith.constant 0 : i32
        %dma_start3A_117 = tpu.memref_slice %arg12[%dma_start3A_115, %dma_start3A_116] : memref<10112x64xf32, #tpu.memory_space<vmem_shared>> -> memref<10112x64xf32, #tpu.memory_space<vmem_shared>>
        tpu.enqueue_indirect_dma source(%arg10 : memref<128x64xf32, #tpu.memory_space<vmem>>) target(%dma_start3A_117 : memref<10112x64xf32, #tpu.memory_space<vmem_shared>>) offsets(%dma_start3A_114 : memref<128xi32, #tpu.memory_space<vmem>>) semaphore(%run_scoped3A : memref<!tpu.dma_semaphore, #tpu.memory_space<semaphore_mem>>) {add = true}
        %dma_wait3A_118 = arith.constant 0 : i32
        %dma_wait3A_119 = tpu.memref_slice %arg7[%add3A_77, %dma_wait3A_118] : memref<176x128xi32, #tpu.memory_space<vmem>> -> memref<1x128xi32, #tpu.memory_space<vmem>>
        %dma_wait3A_120 = tpu.memref_squeeze %dma_wait3A_119 : memref<1x128xi32, #tpu.memory_space<vmem>> -> memref<128xi32, #tpu.memory_space<vmem>>
        %dma_wait3A_121 = arith.constant 0 : i32
        %dma_wait3A_122 = arith.constant 0 : i32
        %dma_wait3A_123 = tpu.memref_slice %arg12[%dma_wait3A_121, %dma_wait3A_122] : memref<10112x64xf32, #tpu.memory_space<vmem_shared>> -> memref<10112x64xf32, #tpu.memory_space<vmem_shared>>
        tpu.wait_indirect_dma semaphore(%run_scoped3A : memref<!tpu.dma_semaphore, #tpu.memory_space<semaphore_mem>>) src(%arg10 : memref<128x64xf32, #tpu.memory_space<vmem>>) dst(%dma_wait3A_123 : memref<10112x64xf32, #tpu.memory_space<vmem_shared>>)
        tpu.yield
      }) : () -> ()
      %add3A_84 = arith.constant 4 : i32
      %add3A_85 = arith.addi %add3A_77, %add3A_84 : i32
      %sub3A_86 = arith.constant 1 : i32
      %sub3A_87 = arith.subi %add3A_85, %sub3A_86 : i32
      %lt3A_88 = arith.constant 176 : i32
      %lt3A_89 = arith.cmpi slt, %sub3A_87, %lt3A_88 : i32
      %convert_element_type3A_90 = arith.extui %lt3A_89 : i1 to i32
      %cond3A_91 = arith.constant 0 : i32
      %cond3A_92 = arith.cmpi ne, %convert_element_type3A_90, %cond3A_91 : i32
      scf.if %cond3A_92 {
        %dma_start3A_112 = arith.constant 0 : i32
        %dma_start3A_113 = tpu.memref_slice %arg6[%sub3A_87, %dma_start3A_112] : memref<176x128xi32, #tpu.memory_space<vmem>> -> memref<1x128xi32, #tpu.memory_space<vmem>>
        %dma_start3A_114 = tpu.memref_squeeze %dma_start3A_113 : memref<1x128xi32, #tpu.memory_space<vmem>> -> memref<128xi32, #tpu.memory_space<vmem>>
        %dma_start3A_115 = arith.constant 0 : i32
        %dma_start3A_116 = arith.constant 0 : i32
        %dma_start3A_117 = tpu.memref_slice %arg2[%dma_start3A_115, %dma_start3A_116] : memref<10000x64xf32, #tpu.memory_space<hbm>> -> memref<10000x64xf32, #tpu.memory_space<hbm>>
        tpu.enqueue_indirect_dma source(%dma_start3A_117 : memref<10000x64xf32, #tpu.memory_space<hbm>>) target(%arg9 : memref<128x64xf32, #tpu.memory_space<vmem>>) offsets(%dma_start3A_114 : memref<128xi32, #tpu.memory_space<vmem>>) semaphore(%arg14 : memref<!tpu.dma_semaphore, #tpu.memory_space<semaphore_mem>>)
      } else {
      }
      %mul3A_93 = arith.constant 4 : i32
      %mul3A_94 = arith.muli %scan3A_40, %mul3A_93 : i32
      %add3A_95 = arith.constant 3 : i32
      %add3A_96 = arith.addi %mul3A_94, %add3A_95 : i32
      %dma_wait3A_97 = arith.constant 0 : i32
      %dma_wait3A_98 = tpu.memref_slice %arg6[%add3A_96, %dma_wait3A_97] : memref<176x128xi32, #tpu.memory_space<vmem>> -> memref<1x128xi32, #tpu.memory_space<vmem>>
      %dma_wait3A_99 = tpu.memref_squeeze %dma_wait3A_98 : memref<1x128xi32, #tpu.memory_space<vmem>> -> memref<128xi32, #tpu.memory_space<vmem>>
      %dma_wait3A_100 = arith.constant 0 : i32
      %dma_wait3A_101 = arith.constant 0 : i32
      %dma_wait3A_102 = tpu.memref_slice %arg2[%dma_wait3A_100, %dma_wait3A_101] : memref<10000x64xf32, #tpu.memory_space<hbm>> -> memref<10000x64xf32, #tpu.memory_space<hbm>>
      tpu.wait_indirect_dma semaphore(%arg16 : memref<!tpu.dma_semaphore, #tpu.memory_space<semaphore_mem>>) src(%dma_wait3A_102 : memref<10000x64xf32, #tpu.memory_space<hbm>>) dst(%arg11 : memref<128x64xf32, #tpu.memory_space<vmem>>)
      "tpu.region"() ({
        %run_scoped3A = tpu.sem_alloc : memref<!tpu.dma_semaphore, #tpu.memory_space<semaphore_mem>>
        %dma_start3A_112 = arith.constant 0 : i32
        %dma_start3A_113 = tpu.memref_slice %arg7[%add3A_96, %dma_start3A_112] : memref<176x128xi32, #tpu.memory_space<vmem>> -> memref<1x128xi32, #tpu.memory_space<vmem>>
        %dma_start3A_114 = tpu.memref_squeeze %dma_start3A_113 : memref<1x128xi32, #tpu.memory_space<vmem>> -> memref<128xi32, #tpu.memory_space<vmem>>
        %dma_start3A_115 = arith.constant 0 : i32
        %dma_start3A_116 = arith.constant 0 : i32
        %dma_start3A_117 = tpu.memref_slice %arg12[%dma_start3A_115, %dma_start3A_116] : memref<10112x64xf32, #tpu.memory_space<vmem_shared>> -> memref<10112x64xf32, #tpu.memory_space<vmem_shared>>
        tpu.enqueue_indirect_dma source(%arg11 : memref<128x64xf32, #tpu.memory_space<vmem>>) target(%dma_start3A_117 : memref<10112x64xf32, #tpu.memory_space<vmem_shared>>) offsets(%dma_start3A_114 : memref<128xi32, #tpu.memory_space<vmem>>) semaphore(%run_scoped3A : memref<!tpu.dma_semaphore, #tpu.memory_space<semaphore_mem>>) {add = true}
        %dma_wait3A_118 = arith.constant 0 : i32
        %dma_wait3A_119 = tpu.memref_slice %arg7[%add3A_96, %dma_wait3A_118] : memref<176x128xi32, #tpu.memory_space<vmem>> -> memref<1x128xi32, #tpu.memory_space<vmem>>
        %dma_wait3A_120 = tpu.memref_squeeze %dma_wait3A_119 : memref<1x128xi32, #tpu.memory_space<vmem>> -> memref<128xi32, #tpu.memory_space<vmem>>
        %dma_wait3A_121 = arith.constant 0 : i32
        %dma_wait3A_122 = arith.constant 0 : i32
        %dma_wait3A_123 = tpu.memref_slice %arg12[%dma_wait3A_121, %dma_wait3A_122] : memref<10112x64xf32, #tpu.memory_space<vmem_shared>> -> memref<10112x64xf32, #tpu.memory_space<vmem_shared>>
        tpu.wait_indirect_dma semaphore(%run_scoped3A : memref<!tpu.dma_semaphore, #tpu.memory_space<semaphore_mem>>) src(%arg11 : memref<128x64xf32, #tpu.memory_space<vmem>>) dst(%dma_wait3A_123 : memref<10112x64xf32, #tpu.memory_space<vmem_shared>>)
        tpu.yield
      }) : () -> ()
      %add3A_103 = arith.constant 4 : i32
      %add3A_104 = arith.addi %add3A_96, %add3A_103 : i32
      %sub3A_105 = arith.constant 1 : i32
      %sub3A_106 = arith.subi %add3A_104, %sub3A_105 : i32
      %lt3A_107 = arith.constant 176 : i32
      %lt3A_108 = arith.cmpi slt, %sub3A_106, %lt3A_107 : i32
      %convert_element_type3A_109 = arith.extui %lt3A_108 : i1 to i32
      %cond3A_110 = arith.constant 0 : i32
      %cond3A_111 = arith.cmpi ne, %convert_element_type3A_109, %cond3A_110 : i32
      scf.if %cond3A_111 {
        %dma_start3A_112 = arith.constant 0 : i32
        %dma_start3A_113 = tpu.memref_slice %arg6[%sub3A_106, %dma_start3A_112] : memref<176x128xi32, #tpu.memory_space<vmem>> -> memref<1x128xi32, #tpu.memory_space<vmem>>
        %dma_start3A_114 = tpu.memref_squeeze %dma_start3A_113 : memref<1x128xi32, #tpu.memory_space<vmem>> -> memref<128xi32, #tpu.memory_space<vmem>>
        %dma_start3A_115 = arith.constant 0 : i32
        %dma_start3A_116 = arith.constant 0 : i32
        %dma_start3A_117 = tpu.memref_slice %arg2[%dma_start3A_115, %dma_start3A_116] : memref<10000x64xf32, #tpu.memory_space<hbm>> -> memref<10000x64xf32, #tpu.memory_space<hbm>>
        tpu.enqueue_indirect_dma source(%dma_start3A_117 : memref<10000x64xf32, #tpu.memory_space<hbm>>) target(%arg10 : memref<128x64xf32, #tpu.memory_space<vmem>>) offsets(%dma_start3A_114 : memref<128xi32, #tpu.memory_space<vmem>>) semaphore(%arg15 : memref<!tpu.dma_semaphore, #tpu.memory_space<semaphore_mem>>)
      } else {
      }
    }
    %scan3A_39 = arith.constant 44 : i32
    "tpu.region"() ({
      %run_scoped3A = tpu.sem_alloc : memref<!tpu.dma_semaphore, #tpu.memory_space<semaphore_mem>>
      %dma_start3A_40 = arith.constant 0 : i32
      %dma_start3A_41 = tpu.memref_slice %arg5[%mul3A_7, %dma_start3A_40] : memref<10112x64xf32, #tpu.memory_space<hbm>> -> memref<313x64xf32, #tpu.memory_space<hbm>>
      %dma_start3A_42 = arith.constant 0 : i32
      %dma_start3A_43 = tpu.memref_slice %arg12[%mul3A_7, %dma_start3A_42] : memref<10112x64xf32, #tpu.memory_space<vmem_shared>> -> memref<313x64xf32, #tpu.memory_space<vmem_shared>>
      tpu.enqueue_dma source(%dma_start3A_43 : memref<313x64xf32, #tpu.memory_space<vmem_shared>>) target(%dma_start3A_41 : memref<313x64xf32, #tpu.memory_space<hbm>>) target_semaphore(%run_scoped3A : memref<!tpu.dma_semaphore, #tpu.memory_space<semaphore_mem>>)
      %dma_wait3A = arith.constant 0 : i32
      %dma_wait3A_44 = tpu.memref_slice %arg5[%mul3A_7, %dma_wait3A] : memref<10112x64xf32, #tpu.memory_space<hbm>> -> memref<313x64xf32, #tpu.memory_space<hbm>>
      %dma_wait3A_45 = arith.constant 0 : i32
      %dma_wait3A_46 = tpu.memref_slice %arg12[%mul3A_7, %dma_wait3A_45] : memref<10112x64xf32, #tpu.memory_space<vmem_shared>> -> memref<313x64xf32, #tpu.memory_space<vmem_shared>>
      tpu.wait_dma2 semaphore(%run_scoped3A : memref<!tpu.dma_semaphore, #tpu.memory_space<semaphore_mem>>) src(%dma_wait3A_46 : memref<313x64xf32, #tpu.memory_space<vmem_shared>>) dst(%dma_wait3A_44 : memref<313x64xf32, #tpu.memory_space<hbm>>)
      tpu.yield
    }) : () -> ()
    return
  }
}

#map = affine_map<(d0, d1) -> (0, 0)>
#map1 = affine_map<(d0, d1) -> (0, 0, 0)>
module attributes {stable_mosaic.version = 14 : i64} {
  func.func @_sc_agg_body(%arg0: i32, %arg1: i32, %arg2: memref<10000x64xf32, #tpu.memory_space<hbm>>, %arg3: memref<32x176x128xi32, #tpu.memory_space<hbm>>, %arg4: memref<32x176x128xi32, #tpu.memory_space<hbm>>, %arg5: memref<10112x64xf32, #tpu.memory_space<hbm>>, %arg6: memref<176x128xi32, #tpu.memory_space<vmem>>, %arg7: memref<176x128xi32, #tpu.memory_space<vmem>>, %arg8: memref<128x64xf32, #tpu.memory_space<vmem>>, %arg9: memref<128x64xf32, #tpu.memory_space<vmem>>, %arg10: memref<128x64xf32, #tpu.memory_space<vmem>>, %arg11: memref<128x64xf32, #tpu.memory_space<vmem>>, %arg12: memref<10112x64xf32, #tpu.memory_space<vmem_shared>>, %arg13: memref<!tpu.dma_semaphore, #tpu.memory_space<semaphore_mem>>, %arg14: memref<!tpu.dma_semaphore, #tpu.memory_space<semaphore_mem>>, %arg15: memref<!tpu.dma_semaphore, #tpu.memory_space<semaphore_mem>>, %arg16: memref<!tpu.dma_semaphore, #tpu.memory_space<semaphore_mem>>) attributes {dimension_semantics = [#tpu.dimension_semantics<core_parallel>, #tpu.dimension_semantics<subcore_parallel>], iteration_bounds = array<i64: 2, 16>, scalar_prefetch = 0 : i64, scratch_operands = 11 : i64, tpu.core_type = #tpu.core_type<sc_vector_subcore>, window_params = [{transform_indices = #map}, {transform_indices = #map1}, {transform_indices = #map1}, {transform_indices = #map}]} {
    %mul3A = arith.constant 16 : i32
    %mul3A_0 = arith.muli %arg0, %mul3A : i32
    %add3A = arith.addi %mul3A_0, %arg1 : i32
    "tpu.region"() ({
      %run_scoped3A = tpu.sem_alloc : memref<!tpu.dma_semaphore, #tpu.memory_space<semaphore_mem>>
      %dma_start3A_40 = arith.constant 0 : i32
      %dma_start3A_41 = arith.constant 0 : i32
      %dma_start3A_42 = tpu.memref_slice %arg3[%add3A, %dma_start3A_40, %dma_start3A_41] : memref<32x176x128xi32, #tpu.memory_space<hbm>> -> memref<1x176x128xi32, #tpu.memory_space<hbm>>
      %dma_start3A_43 = tpu.memref_squeeze %dma_start3A_42 : memref<1x176x128xi32, #tpu.memory_space<hbm>> -> memref<176x128xi32, #tpu.memory_space<hbm>>
      %dma_start3A_44 = arith.constant 0 : i32
      %dma_start3A_45 = arith.constant 0 : i32
      %dma_start3A_46 = tpu.memref_slice %arg3[%add3A, %dma_start3A_44, %dma_start3A_45] : memref<32x176x128xi32, #tpu.memory_space<hbm>> -> memref<1x176x128xi32, #tpu.memory_space<hbm>>
      %dma_start3A_47 = tpu.memref_squeeze %dma_start3A_46 : memref<1x176x128xi32, #tpu.memory_space<hbm>> -> memref<176x128xi32, #tpu.memory_space<hbm>>
      tpu.enqueue_dma source(%dma_start3A_47 : memref<176x128xi32, #tpu.memory_space<hbm>>) target(%arg6 : memref<176x128xi32, #tpu.memory_space<vmem>>) target_semaphore(%run_scoped3A : memref<!tpu.dma_semaphore, #tpu.memory_space<semaphore_mem>>)
      %dma_wait3A = arith.constant 0 : i32
      %dma_wait3A_48 = arith.constant 0 : i32
      %dma_wait3A_49 = tpu.memref_slice %arg3[%add3A, %dma_wait3A, %dma_wait3A_48] : memref<32x176x128xi32, #tpu.memory_space<hbm>> -> memref<1x176x128xi32, #tpu.memory_space<hbm>>
      %dma_wait3A_50 = tpu.memref_squeeze %dma_wait3A_49 : memref<1x176x128xi32, #tpu.memory_space<hbm>> -> memref<176x128xi32, #tpu.memory_space<hbm>>
      %dma_wait3A_51 = arith.constant 0 : i32
      %dma_wait3A_52 = arith.constant 0 : i32
      %dma_wait3A_53 = tpu.memref_slice %arg3[%add3A, %dma_wait3A_51, %dma_wait3A_52] : memref<32x176x128xi32, #tpu.memory_space<hbm>> -> memref<1x176x128xi32, #tpu.memory_space<hbm>>
      %dma_wait3A_54 = tpu.memref_squeeze %dma_wait3A_53 : memref<1x176x128xi32, #tpu.memory_space<hbm>> -> memref<176x128xi32, #tpu.memory_space<hbm>>
      tpu.wait_dma2 semaphore(%run_scoped3A : memref<!tpu.dma_semaphore, #tpu.memory_space<semaphore_mem>>) src(%dma_wait3A_54 : memref<176x128xi32, #tpu.memory_space<hbm>>) dst(%arg6 : memref<176x128xi32, #tpu.memory_space<vmem>>)
      tpu.yield
    }) : () -> ()
    "tpu.region"() ({
      %run_scoped3A = tpu.sem_alloc : memref<!tpu.dma_semaphore, #tpu.memory_space<semaphore_mem>>
      %dma_start3A_40 = arith.constant 0 : i32
      %dma_start3A_41 = arith.constant 0 : i32
      %dma_start3A_42 = tpu.memref_slice %arg4[%add3A, %dma_start3A_40, %dma_start3A_41] : memref<32x176x128xi32, #tpu.memory_space<hbm>> -> memref<1x176x128xi32, #tpu.memory_space<hbm>>
      %dma_start3A_43 = tpu.memref_squeeze %dma_start3A_42 : memref<1x176x128xi32, #tpu.memory_space<hbm>> -> memref<176x128xi32, #tpu.memory_space<hbm>>
      %dma_start3A_44 = arith.constant 0 : i32
      %dma_start3A_45 = arith.constant 0 : i32
      %dma_start3A_46 = tpu.memref_slice %arg4[%add3A, %dma_start3A_44, %dma_start3A_45] : memref<32x176x128xi32, #tpu.memory_space<hbm>> -> memref<1x176x128xi32, #tpu.memory_space<hbm>>
      %dma_start3A_47 = tpu.memref_squeeze %dma_start3A_46 : memref<1x176x128xi32, #tpu.memory_space<hbm>> -> memref<176x128xi32, #tpu.memory_space<hbm>>
      tpu.enqueue_dma source(%dma_start3A_47 : memref<176x128xi32, #tpu.memory_space<hbm>>) target(%arg7 : memref<176x128xi32, #tpu.memory_space<vmem>>) target_semaphore(%run_scoped3A : memref<!tpu.dma_semaphore, #tpu.memory_space<semaphore_mem>>)
      %dma_wait3A = arith.constant 0 : i32
      %dma_wait3A_48 = arith.constant 0 : i32
      %dma_wait3A_49 = tpu.memref_slice %arg4[%add3A, %dma_wait3A, %dma_wait3A_48] : memref<32x176x128xi32, #tpu.memory_space<hbm>> -> memref<1x176x128xi32, #tpu.memory_space<hbm>>
      %dma_wait3A_50 = tpu.memref_squeeze %dma_wait3A_49 : memref<1x176x128xi32, #tpu.memory_space<hbm>> -> memref<176x128xi32, #tpu.memory_space<hbm>>
      %dma_wait3A_51 = arith.constant 0 : i32
      %dma_wait3A_52 = arith.constant 0 : i32
      %dma_wait3A_53 = tpu.memref_slice %arg4[%add3A, %dma_wait3A_51, %dma_wait3A_52] : memref<32x176x128xi32, #tpu.memory_space<hbm>> -> memref<1x176x128xi32, #tpu.memory_space<hbm>>
      %dma_wait3A_54 = tpu.memref_squeeze %dma_wait3A_53 : memref<1x176x128xi32, #tpu.memory_space<hbm>> -> memref<176x128xi32, #tpu.memory_space<hbm>>
      tpu.wait_dma2 semaphore(%run_scoped3A : memref<!tpu.dma_semaphore, #tpu.memory_space<semaphore_mem>>) src(%dma_wait3A_54 : memref<176x128xi32, #tpu.memory_space<hbm>>) dst(%arg7 : memref<176x128xi32, #tpu.memory_space<vmem>>)
      tpu.yield
    }) : () -> ()
    %scan3A = arith.constant 0 : i32
    %scan3A_1 = arith.constant 0 : i32
    %scan3A_2 = arith.constant 128 : i32
    %scan3A_3 = arith.addi %scan3A_1, %scan3A_2 : i32
    %scan3A_4 = arith.constant 1 : i32
    scf.for %scan3A_40 = %scan3A_1 to %scan3A_3 step %scan3A_4  : i32 {
      %broadcast_in_dim3A = arith.constant 0.000000e+00 : f32
      %broadcast_in_dim3A_41 = vector.broadcast %broadcast_in_dim3A : f32 to vector<16xf32>
      %swap3A = arith.index_cast %scan3A_40 : i32 to index
      %swap3A_42 = arith.constant 0 : index
      %swap3A_43 = tpu.vector_load %arg8[%swap3A, %swap3A_42] {strides = array<i32>} : memref<128x64xf32, #tpu.memory_space<vmem>>, vector<1x16xf32>,
      %swap3A_44 = vector.shape_cast %swap3A_43 : vector<1x16xf32> to vector<16xf32>
      %swap3A_45 = vector.shape_cast %broadcast_in_dim3A_41 : vector<16xf32> to vector<1x16xf32>
      tpu.vector_store %arg8[%swap3A, %swap3A_42], %swap3A_45 {strides = array<i32>} : memref<128x64xf32, #tpu.memory_space<vmem>>, vector<1x16xf32>,
      %broadcast_in_dim3A_46 = arith.constant 0.000000e+00 : f32
      %broadcast_in_dim3A_47 = vector.broadcast %broadcast_in_dim3A_46 : f32 to vector<16xf32>
      %swap3A_48 = arith.index_cast %scan3A_40 : i32 to index
      %swap3A_49 = arith.constant 16 : index
      %swap3A_50 = tpu.vector_load %arg8[%swap3A_48, %swap3A_49] {strides = array<i32>} : memref<128x64xf32, #tpu.memory_space<vmem>>, vector<1x16xf32>,
      %swap3A_51 = vector.shape_cast %swap3A_50 : vector<1x16xf32> to vector<16xf32>
      %swap3A_52 = vector.shape_cast %broadcast_in_dim3A_47 : vector<16xf32> to vector<1x16xf32>
      tpu.vector_store %arg8[%swap3A_48, %swap3A_49], %swap3A_52 {strides = array<i32>} : memref<128x64xf32, #tpu.memory_space<vmem>>, vector<1x16xf32>,
      %broadcast_in_dim3A_53 = arith.constant 0.000000e+00 : f32
      %broadcast_in_dim3A_54 = vector.broadcast %broadcast_in_dim3A_53 : f32 to vector<16xf32>
      %swap3A_55 = arith.index_cast %scan3A_40 : i32 to index
      %swap3A_56 = arith.constant 32 : index
      %swap3A_57 = tpu.vector_load %arg8[%swap3A_55, %swap3A_56] {strides = array<i32>} : memref<128x64xf32, #tpu.memory_space<vmem>>, vector<1x16xf32>,
      %swap3A_58 = vector.shape_cast %swap3A_57 : vector<1x16xf32> to vector<16xf32>
      %swap3A_59 = vector.shape_cast %broadcast_in_dim3A_54 : vector<16xf32> to vector<1x16xf32>
      tpu.vector_store %arg8[%swap3A_55, %swap3A_56], %swap3A_59 {strides = array<i32>} : memref<128x64xf32, #tpu.memory_space<vmem>>, vector<1x16xf32>,
      %broadcast_in_dim3A_60 = arith.constant 0.000000e+00 : f32
      %broadcast_in_dim3A_61 = vector.broadcast %broadcast_in_dim3A_60 : f32 to vector<16xf32>
      %swap3A_62 = arith.index_cast %scan3A_40 : i32 to index
      %swap3A_63 = arith.constant 48 : index
      %swap3A_64 = tpu.vector_load %arg8[%swap3A_62, %swap3A_63] {strides = array<i32>} : memref<128x64xf32, #tpu.memory_space<vmem>>, vector<1x16xf32>,
      %swap3A_65 = vector.shape_cast %swap3A_64 : vector<1x16xf32> to vector<16xf32>
      %swap3A_66 = vector.shape_cast %broadcast_in_dim3A_61 : vector<16xf32> to vector<1x16xf32>
      tpu.vector_store %arg8[%swap3A_62, %swap3A_63], %swap3A_66 {strides = array<i32>} : memref<128x64xf32, #tpu.memory_space<vmem>>, vector<1x16xf32>,
    }
    %scan3A_5 = arith.constant 128 : i32
    %mul3A_6 = arith.constant 313 : i32
    %mul3A_7 = arith.muli %add3A, %mul3A_6 : i32
    %add3A_8 = arith.constant 0 : i32
    %add3A_9 = arith.addi %mul3A_7, %add3A_8 : i32
    "tpu.region"() ({
      %run_scoped3A = tpu.sem_alloc : memref<!tpu.dma_semaphore, #tpu.memory_space<semaphore_mem>>
      %dma_start3A_40 = arith.constant 0 : i32
      %dma_start3A_41 = arith.constant 0 : i32
      %dma_start3A_42 = tpu.memref_slice %arg8[%dma_start3A_40, %dma_start3A_41] : memref<128x64xf32, #tpu.memory_space<vmem>> -> memref<128x64xf32, #tpu.memory_space<vmem>>
      %dma_start3A_43 = arith.constant 0 : i32
      %dma_start3A_44 = tpu.memref_slice %arg12[%add3A_9, %dma_start3A_43] : memref<10112x64xf32, #tpu.memory_space<vmem_shared>> -> memref<128x64xf32, #tpu.memory_space<vmem_shared>>
      %dma_start3A_45 = arith.constant 0 : i32
      %dma_start3A_46 = tpu.memref_slice %arg12[%add3A_9, %dma_start3A_45] : memref<10112x64xf32, #tpu.memory_space<vmem_shared>> -> memref<128x64xf32, #tpu.memory_space<vmem_shared>>
      %dma_start3A_47 = arith.constant 0 : i32
      %dma_start3A_48 = arith.constant 0 : i32
      %dma_start3A_49 = tpu.memref_slice %arg8[%dma_start3A_47, %dma_start3A_48] : memref<128x64xf32, #tpu.memory_space<vmem>> -> memref<128x64xf32, #tpu.memory_space<vmem>>
      tpu.enqueue_dma source(%dma_start3A_49 : memref<128x64xf32, #tpu.memory_space<vmem>>) target(%dma_start3A_46 : memref<128x64xf32, #tpu.memory_space<vmem_shared>>) target_semaphore(%run_scoped3A : memref<!tpu.dma_semaphore, #tpu.memory_space<semaphore_mem>>)
      %dma_wait3A = arith.constant 0 : i32
      %dma_wait3A_50 = arith.constant 0 : i32
      %dma_wait3A_51 = tpu.memref_slice %arg8[%dma_wait3A, %dma_wait3A_50] : memref<128x64xf32, #tpu.memory_space<vmem>> -> memref<128x64xf32, #tpu.memory_space<vmem>>
      %dma_wait3A_52 = arith.constant 0 : i32
      %dma_wait3A_53 = tpu.memref_slice %arg12[%add3A_9, %dma_wait3A_52] : memref<10112x64xf32, #tpu.memory_space<vmem_shared>> -> memref<128x64xf32, #tpu.memory_space<vmem_shared>>
      %dma_wait3A_54 = arith.constant 0 : i32
      %dma_wait3A_55 = tpu.memref_slice %arg12[%add3A_9, %dma_wait3A_54] : memref<10112x64xf32, #tpu.memory_space<vmem_shared>> -> memref<128x64xf32, #tpu.memory_space<vmem_shared>>
      %dma_wait3A_56 = arith.constant 0 : i32
      %dma_wait3A_57 = arith.constant 0 : i32
      %dma_wait3A_58 = tpu.memref_slice %arg8[%dma_wait3A_56, %dma_wait3A_57] : memref<128x64xf32, #tpu.memory_space<vmem>> -> memref<128x64xf32, #tpu.memory_space<vmem>>
      tpu.wait_dma2 semaphore(%run_scoped3A : memref<!tpu.dma_semaphore, #tpu.memory_space<semaphore_mem>>) src(%dma_wait3A_58 : memref<128x64xf32, #tpu.memory_space<vmem>>) dst(%dma_wait3A_55 : memref<128x64xf32, #tpu.memory_space<vmem_shared>>)
      tpu.yield
    }) : () -> ()
    %add3A_10 = arith.constant 128 : i32
    %add3A_11 = arith.addi %mul3A_7, %add3A_10 : i32
    "tpu.region"() ({
      %run_scoped3A = tpu.sem_alloc : memref<!tpu.dma_semaphore, #tpu.memory_space<semaphore_mem>>
      %dma_start3A_40 = arith.constant 0 : i32
      %dma_start3A_41 = arith.constant 0 : i32
      %dma_start3A_42 = tpu.memref_slice %arg8[%dma_start3A_40, %dma_start3A_41] : memref<128x64xf32, #tpu.memory_space<vmem>> -> memref<128x64xf32, #tpu.memory_space<vmem>>
      %dma_start3A_43 = arith.constant 0 : i32
      %dma_start3A_44 = tpu.memref_slice %arg12[%add3A_11, %dma_start3A_43] : memref<10112x64xf32, #tpu.memory_space<vmem_shared>> -> memref<128x64xf32, #tpu.memory_space<vmem_shared>>
      %dma_start3A_45 = arith.constant 0 : i32
      %dma_start3A_46 = tpu.memref_slice %arg12[%add3A_11, %dma_start3A_45] : memref<10112x64xf32, #tpu.memory_space<vmem_shared>> -> memref<128x64xf32, #tpu.memory_space<vmem_shared>>
      %dma_start3A_47 = arith.constant 0 : i32
      %dma_start3A_48 = arith.constant 0 : i32
      %dma_start3A_49 = tpu.memref_slice %arg8[%dma_start3A_47, %dma_start3A_48] : memref<128x64xf32, #tpu.memory_space<vmem>> -> memref<128x64xf32, #tpu.memory_space<vmem>>
      tpu.enqueue_dma source(%dma_start3A_49 : memref<128x64xf32, #tpu.memory_space<vmem>>) target(%dma_start3A_46 : memref<128x64xf32, #tpu.memory_space<vmem_shared>>) target_semaphore(%run_scoped3A : memref<!tpu.dma_semaphore, #tpu.memory_space<semaphore_mem>>)
      %dma_wait3A = arith.constant 0 : i32
      %dma_wait3A_50 = arith.constant 0 : i32
      %dma_wait3A_51 = tpu.memref_slice %arg8[%dma_wait3A, %dma_wait3A_50] : memref<128x64xf32, #tpu.memory_space<vmem>> -> memref<128x64xf32, #tpu.memory_space<vmem>>
      %dma_wait3A_52 = arith.constant 0 : i32
      %dma_wait3A_53 = tpu.memref_slice %arg12[%add3A_11, %dma_wait3A_52] : memref<10112x64xf32, #tpu.memory_space<vmem_shared>> -> memref<128x64xf32, #tpu.memory_space<vmem_shared>>
      %dma_wait3A_54 = arith.constant 0 : i32
      %dma_wait3A_55 = tpu.memref_slice %arg12[%add3A_11, %dma_wait3A_54] : memref<10112x64xf32, #tpu.memory_space<vmem_shared>> -> memref<128x64xf32, #tpu.memory_space<vmem_shared>>
      %dma_wait3A_56 = arith.constant 0 : i32
      %dma_wait3A_57 = arith.constant 0 : i32
      %dma_wait3A_58 = tpu.memref_slice %arg8[%dma_wait3A_56, %dma_wait3A_57] : memref<128x64xf32, #tpu.memory_space<vmem>> -> memref<128x64xf32, #tpu.memory_space<vmem>>
      tpu.wait_dma2 semaphore(%run_scoped3A : memref<!tpu.dma_semaphore, #tpu.memory_space<semaphore_mem>>) src(%dma_wait3A_58 : memref<128x64xf32, #tpu.memory_space<vmem>>) dst(%dma_wait3A_55 : memref<128x64xf32, #tpu.memory_space<vmem_shared>>)
      tpu.yield
    }) : () -> ()
    %add3A_12 = arith.constant 256 : i32
    %add3A_13 = arith.addi %mul3A_7, %add3A_12 : i32
    "tpu.region"() ({
      %run_scoped3A = tpu.sem_alloc : memref<!tpu.dma_semaphore, #tpu.memory_space<semaphore_mem>>
      %dma_start3A_40 = arith.constant 0 : i32
      %dma_start3A_41 = arith.constant 0 : i32
      %dma_start3A_42 = tpu.memref_slice %arg8[%dma_start3A_40, %dma_start3A_41] : memref<128x64xf32, #tpu.memory_space<vmem>> -> memref<57x64xf32, #tpu.memory_space<vmem>>
      %dma_start3A_43 = arith.constant 0 : i32
      %dma_start3A_44 = tpu.memref_slice %arg12[%add3A_13, %dma_start3A_43] : memref<10112x64xf32, #tpu.memory_space<vmem_shared>> -> memref<57x64xf32, #tpu.memory_space<vmem_shared>>
      %dma_start3A_45 = arith.constant 0 : i32
      %dma_start3A_46 = tpu.memref_slice %arg12[%add3A_13, %dma_start3A_45] : memref<10112x64xf32, #tpu.memory_space<vmem_shared>> -> memref<57x64xf32, #tpu.memory_space<vmem_shared>>
      %dma_start3A_47 = arith.constant 0 : i32
      %dma_start3A_48 = arith.constant 0 : i32
      %dma_start3A_49 = tpu.memref_slice %arg8[%dma_start3A_47, %dma_start3A_48] : memref<128x64xf32, #tpu.memory_space<vmem>> -> memref<57x64xf32, #tpu.memory_space<vmem>>
      tpu.enqueue_dma source(%dma_start3A_49 : memref<57x64xf32, #tpu.memory_space<vmem>>) target(%dma_start3A_46 : memref<57x64xf32, #tpu.memory_space<vmem_shared>>) target_semaphore(%run_scoped3A : memref<!tpu.dma_semaphore, #tpu.memory_space<semaphore_mem>>)
      %dma_wait3A = arith.constant 0 : i32
      %dma_wait3A_50 = arith.constant 0 : i32
      %dma_wait3A_51 = tpu.memref_slice %arg8[%dma_wait3A, %dma_wait3A_50] : memref<128x64xf32, #tpu.memory_space<vmem>> -> memref<57x64xf32, #tpu.memory_space<vmem>>
      %dma_wait3A_52 = arith.constant 0 : i32
      %dma_wait3A_53 = tpu.memref_slice %arg12[%add3A_13, %dma_wait3A_52] : memref<10112x64xf32, #tpu.memory_space<vmem_shared>> -> memref<57x64xf32, #tpu.memory_space<vmem_shared>>
      %dma_wait3A_54 = arith.constant 0 : i32
      %dma_wait3A_55 = tpu.memref_slice %arg12[%add3A_13, %dma_wait3A_54] : memref<10112x64xf32, #tpu.memory_space<vmem_shared>> -> memref<57x64xf32, #tpu.memory_space<vmem_shared>>
      %dma_wait3A_56 = arith.constant 0 : i32
      %dma_wait3A_57 = arith.constant 0 : i32
      %dma_wait3A_58 = tpu.memref_slice %arg8[%dma_wait3A_56, %dma_wait3A_57] : memref<128x64xf32, #tpu.memory_space<vmem>> -> memref<57x64xf32, #tpu.memory_space<vmem>>
      tpu.wait_dma2 semaphore(%run_scoped3A : memref<!tpu.dma_semaphore, #tpu.memory_space<semaphore_mem>>) src(%dma_wait3A_58 : memref<57x64xf32, #tpu.memory_space<vmem>>) dst(%dma_wait3A_55 : memref<57x64xf32, #tpu.memory_space<vmem_shared>>)
      tpu.yield
    }) : () -> ()
    %dma_start3A = arith.constant 0 : i32
    %dma_start3A_14 = arith.constant 0 : i32
    %dma_start3A_15 = tpu.memref_slice %arg6[%dma_start3A, %dma_start3A_14] : memref<176x128xi32, #tpu.memory_space<vmem>> -> memref<1x128xi32, #tpu.memory_space<vmem>>
    %dma_start3A_16 = tpu.memref_squeeze %dma_start3A_15 : memref<1x128xi32, #tpu.memory_space<vmem>> -> memref<128xi32, #tpu.memory_space<vmem>>
    %dma_start3A_17 = arith.constant 0 : i32
    %dma_start3A_18 = arith.constant 0 : i32
    %dma_start3A_19 = tpu.memref_slice %arg2[%dma_start3A_17, %dma_start3A_18] : memref<10000x64xf32, #tpu.memory_space<hbm>> -> memref<10000x64xf32, #tpu.memory_space<hbm>>
    tpu.enqueue_indirect_dma source(%dma_start3A_19 : memref<10000x64xf32, #tpu.memory_space<hbm>>) target(%arg8 : memref<128x64xf32, #tpu.memory_space<vmem>>) offsets(%dma_start3A_16 : memref<128xi32, #tpu.memory_space<vmem>>) semaphore(%arg13 : memref<!tpu.dma_semaphore, #tpu.memory_space<semaphore_mem>>)
    %dma_start3A_20 = arith.constant 1 : i32
    %dma_start3A_21 = arith.constant 0 : i32
    %dma_start3A_22 = tpu.memref_slice %arg6[%dma_start3A_20, %dma_start3A_21] : memref<176x128xi32, #tpu.memory_space<vmem>> -> memref<1x128xi32, #tpu.memory_space<vmem>>
    %dma_start3A_23 = tpu.memref_squeeze %dma_start3A_22 : memref<1x128xi32, #tpu.memory_space<vmem>> -> memref<128xi32, #tpu.memory_space<vmem>>
    %dma_start3A_24 = arith.constant 0 : i32
    %dma_start3A_25 = arith.constant 0 : i32
    %dma_start3A_26 = tpu.memref_slice %arg2[%dma_start3A_24, %dma_start3A_25] : memref<10000x64xf32, #tpu.memory_space<hbm>> -> memref<10000x64xf32, #tpu.memory_space<hbm>>
    tpu.enqueue_indirect_dma source(%dma_start3A_26 : memref<10000x64xf32, #tpu.memory_space<hbm>>) target(%arg9 : memref<128x64xf32, #tpu.memory_space<vmem>>) offsets(%dma_start3A_23 : memref<128xi32, #tpu.memory_space<vmem>>) semaphore(%arg14 : memref<!tpu.dma_semaphore, #tpu.memory_space<semaphore_mem>>)
    %dma_start3A_27 = arith.constant 2 : i32
    %dma_start3A_28 = arith.constant 0 : i32
    %dma_start3A_29 = tpu.memref_slice %arg6[%dma_start3A_27, %dma_start3A_28] : memref<176x128xi32, #tpu.memory_space<vmem>> -> memref<1x128xi32, #tpu.memory_space<vmem>>
    %dma_start3A_30 = tpu.memref_squeeze %dma_start3A_29 : memref<1x128xi32, #tpu.memory_space<vmem>> -> memref<128xi32, #tpu.memory_space<vmem>>
    %dma_start3A_31 = arith.constant 0 : i32
    %dma_start3A_32 = arith.constant 0 : i32
    %dma_start3A_33 = tpu.memref_slice %arg2[%dma_start3A_31, %dma_start3A_32] : memref<10000x64xf32, #tpu.memory_space<hbm>> -> memref<10000x64xf32, #tpu.memory_space<hbm>>
    tpu.enqueue_indirect_dma source(%dma_start3A_33 : memref<10000x64xf32, #tpu.memory_space<hbm>>) target(%arg10 : memref<128x64xf32, #tpu.memory_space<vmem>>) offsets(%dma_start3A_30 : memref<128xi32, #tpu.memory_space<vmem>>) semaphore(%arg15 : memref<!tpu.dma_semaphore, #tpu.memory_space<semaphore_mem>>)
    %scan3A_34 = arith.constant 0 : i32
    %scan3A_35 = arith.constant 0 : i32
    %scan3A_36 = arith.constant 44 : i32
    %scan3A_37 = arith.addi %scan3A_35, %scan3A_36 : i32
    %scan3A_38 = arith.constant 1 : i32
    scf.for %scan3A_40 = %scan3A_35 to %scan3A_37 step %scan3A_38  : i32 {
      %mul3A_41 = arith.constant 4 : i32
      %mul3A_42 = arith.muli %scan3A_40, %mul3A_41 : i32
      %add3A_43 = arith.constant 0 : i32
      %add3A_44 = arith.addi %mul3A_42, %add3A_43 : i32
      %dma_wait3A = arith.constant 0 : i32
      %dma_wait3A_45 = tpu.memref_slice %arg6[%add3A_44, %dma_wait3A] : memref<176x128xi32, #tpu.memory_space<vmem>> -> memref<1x128xi32, #tpu.memory_space<vmem>>
      %dma_wait3A_46 = tpu.memref_squeeze %dma_wait3A_45 : memref<1x128xi32, #tpu.memory_space<vmem>> -> memref<128xi32, #tpu.memory_space<vmem>>
      %dma_wait3A_47 = arith.constant 0 : i32
      %dma_wait3A_48 = arith.constant 0 : i32
      %dma_wait3A_49 = tpu.memref_slice %arg2[%dma_wait3A_47, %dma_wait3A_48] : memref<10000x64xf32, #tpu.memory_space<hbm>> -> memref<10000x64xf32, #tpu.memory_space<hbm>>
      tpu.wait_indirect_dma semaphore(%arg13 : memref<!tpu.dma_semaphore, #tpu.memory_space<semaphore_mem>>) src(%dma_wait3A_49 : memref<10000x64xf32, #tpu.memory_space<hbm>>) dst(%arg8 : memref<128x64xf32, #tpu.memory_space<vmem>>)
      "tpu.region"() ({
        %run_scoped3A = tpu.sem_alloc : memref<!tpu.dma_semaphore, #tpu.memory_space<semaphore_mem>>
        %dma_start3A_112 = arith.constant 0 : i32
        %dma_start3A_113 = tpu.memref_slice %arg7[%add3A_44, %dma_start3A_112] : memref<176x128xi32, #tpu.memory_space<vmem>> -> memref<1x128xi32, #tpu.memory_space<vmem>>
        %dma_start3A_114 = tpu.memref_squeeze %dma_start3A_113 : memref<1x128xi32, #tpu.memory_space<vmem>> -> memref<128xi32, #tpu.memory_space<vmem>>
        %dma_start3A_115 = arith.constant 0 : i32
        %dma_start3A_116 = arith.constant 0 : i32
        %dma_start3A_117 = tpu.memref_slice %arg12[%dma_start3A_115, %dma_start3A_116] : memref<10112x64xf32, #tpu.memory_space<vmem_shared>> -> memref<10112x64xf32, #tpu.memory_space<vmem_shared>>
        tpu.enqueue_indirect_dma source(%arg8 : memref<128x64xf32, #tpu.memory_space<vmem>>) target(%dma_start3A_117 : memref<10112x64xf32, #tpu.memory_space<vmem_shared>>) offsets(%dma_start3A_114 : memref<128xi32, #tpu.memory_space<vmem>>) semaphore(%run_scoped3A : memref<!tpu.dma_semaphore, #tpu.memory_space<semaphore_mem>>) {add = true}
        %dma_wait3A_118 = arith.constant 0 : i32
        %dma_wait3A_119 = tpu.memref_slice %arg7[%add3A_44, %dma_wait3A_118] : memref<176x128xi32, #tpu.memory_space<vmem>> -> memref<1x128xi32, #tpu.memory_space<vmem>>
        %dma_wait3A_120 = tpu.memref_squeeze %dma_wait3A_119 : memref<1x128xi32, #tpu.memory_space<vmem>> -> memref<128xi32, #tpu.memory_space<vmem>>
        %dma_wait3A_121 = arith.constant 0 : i32
        %dma_wait3A_122 = arith.constant 0 : i32
        %dma_wait3A_123 = tpu.memref_slice %arg12[%dma_wait3A_121, %dma_wait3A_122] : memref<10112x64xf32, #tpu.memory_space<vmem_shared>> -> memref<10112x64xf32, #tpu.memory_space<vmem_shared>>
        tpu.wait_indirect_dma semaphore(%run_scoped3A : memref<!tpu.dma_semaphore, #tpu.memory_space<semaphore_mem>>) src(%arg8 : memref<128x64xf32, #tpu.memory_space<vmem>>) dst(%dma_wait3A_123 : memref<10112x64xf32, #tpu.memory_space<vmem_shared>>)
        tpu.yield
      }) : () -> ()
      %add3A_50 = arith.constant 4 : i32
      %add3A_51 = arith.addi %add3A_44, %add3A_50 : i32
      %sub3A = arith.constant 1 : i32
      %sub3A_52 = arith.subi %add3A_51, %sub3A : i32
      %lt3A = arith.constant 176 : i32
      %lt3A_53 = arith.cmpi slt, %sub3A_52, %lt3A : i32
      %convert_element_type3A = arith.extui %lt3A_53 : i1 to i32
      %cond3A = arith.constant 0 : i32
      %cond3A_54 = arith.cmpi ne, %convert_element_type3A, %cond3A : i32
      scf.if %cond3A_54 {
        %dma_start3A_112 = arith.constant 0 : i32
        %dma_start3A_113 = tpu.memref_slice %arg6[%sub3A_52, %dma_start3A_112] : memref<176x128xi32, #tpu.memory_space<vmem>> -> memref<1x128xi32, #tpu.memory_space<vmem>>
        %dma_start3A_114 = tpu.memref_squeeze %dma_start3A_113 : memref<1x128xi32, #tpu.memory_space<vmem>> -> memref<128xi32, #tpu.memory_space<vmem>>
        %dma_start3A_115 = arith.constant 0 : i32
        %dma_start3A_116 = arith.constant 0 : i32
        %dma_start3A_117 = tpu.memref_slice %arg2[%dma_start3A_115, %dma_start3A_116] : memref<10000x64xf32, #tpu.memory_space<hbm>> -> memref<10000x64xf32, #tpu.memory_space<hbm>>
        tpu.enqueue_indirect_dma source(%dma_start3A_117 : memref<10000x64xf32, #tpu.memory_space<hbm>>) target(%arg11 : memref<128x64xf32, #tpu.memory_space<vmem>>) offsets(%dma_start3A_114 : memref<128xi32, #tpu.memory_space<vmem>>) semaphore(%arg16 : memref<!tpu.dma_semaphore, #tpu.memory_space<semaphore_mem>>)
      } else {
      }
      %mul3A_55 = arith.constant 4 : i32
      %mul3A_56 = arith.muli %scan3A_40, %mul3A_55 : i32
      %add3A_57 = arith.constant 1 : i32
      %add3A_58 = arith.addi %mul3A_56, %add3A_57 : i32
      %dma_wait3A_59 = arith.constant 0 : i32
      %dma_wait3A_60 = tpu.memref_slice %arg6[%add3A_58, %dma_wait3A_59] : memref<176x128xi32, #tpu.memory_space<vmem>> -> memref<1x128xi32, #tpu.memory_space<vmem>>
      %dma_wait3A_61 = tpu.memref_squeeze %dma_wait3A_60 : memref<1x128xi32, #tpu.memory_space<vmem>> -> memref<128xi32, #tpu.memory_space<vmem>>
      %dma_wait3A_62 = arith.constant 0 : i32
      %dma_wait3A_63 = arith.constant 0 : i32
      %dma_wait3A_64 = tpu.memref_slice %arg2[%dma_wait3A_62, %dma_wait3A_63] : memref<10000x64xf32, #tpu.memory_space<hbm>> -> memref<10000x64xf32, #tpu.memory_space<hbm>>
      tpu.wait_indirect_dma semaphore(%arg14 : memref<!tpu.dma_semaphore, #tpu.memory_space<semaphore_mem>>) src(%dma_wait3A_64 : memref<10000x64xf32, #tpu.memory_space<hbm>>) dst(%arg9 : memref<128x64xf32, #tpu.memory_space<vmem>>)
      "tpu.region"() ({
        %run_scoped3A = tpu.sem_alloc : memref<!tpu.dma_semaphore, #tpu.memory_space<semaphore_mem>>
        %dma_start3A_112 = arith.constant 0 : i32
        %dma_start3A_113 = tpu.memref_slice %arg7[%add3A_58, %dma_start3A_112] : memref<176x128xi32, #tpu.memory_space<vmem>> -> memref<1x128xi32, #tpu.memory_space<vmem>>
        %dma_start3A_114 = tpu.memref_squeeze %dma_start3A_113 : memref<1x128xi32, #tpu.memory_space<vmem>> -> memref<128xi32, #tpu.memory_space<vmem>>
        %dma_start3A_115 = arith.constant 0 : i32
        %dma_start3A_116 = arith.constant 0 : i32
        %dma_start3A_117 = tpu.memref_slice %arg12[%dma_start3A_115, %dma_start3A_116] : memref<10112x64xf32, #tpu.memory_space<vmem_shared>> -> memref<10112x64xf32, #tpu.memory_space<vmem_shared>>
        tpu.enqueue_indirect_dma source(%arg9 : memref<128x64xf32, #tpu.memory_space<vmem>>) target(%dma_start3A_117 : memref<10112x64xf32, #tpu.memory_space<vmem_shared>>) offsets(%dma_start3A_114 : memref<128xi32, #tpu.memory_space<vmem>>) semaphore(%run_scoped3A : memref<!tpu.dma_semaphore, #tpu.memory_space<semaphore_mem>>) {add = true}
        %dma_wait3A_118 = arith.constant 0 : i32
        %dma_wait3A_119 = tpu.memref_slice %arg7[%add3A_58, %dma_wait3A_118] : memref<176x128xi32, #tpu.memory_space<vmem>> -> memref<1x128xi32, #tpu.memory_space<vmem>>
        %dma_wait3A_120 = tpu.memref_squeeze %dma_wait3A_119 : memref<1x128xi32, #tpu.memory_space<vmem>> -> memref<128xi32, #tpu.memory_space<vmem>>
        %dma_wait3A_121 = arith.constant 0 : i32
        %dma_wait3A_122 = arith.constant 0 : i32
        %dma_wait3A_123 = tpu.memref_slice %arg12[%dma_wait3A_121, %dma_wait3A_122] : memref<10112x64xf32, #tpu.memory_space<vmem_shared>> -> memref<10112x64xf32, #tpu.memory_space<vmem_shared>>
        tpu.wait_indirect_dma semaphore(%run_scoped3A : memref<!tpu.dma_semaphore, #tpu.memory_space<semaphore_mem>>) src(%arg9 : memref<128x64xf32, #tpu.memory_space<vmem>>) dst(%dma_wait3A_123 : memref<10112x64xf32, #tpu.memory_space<vmem_shared>>)
        tpu.yield
      }) : () -> ()
      %add3A_65 = arith.constant 4 : i32
      %add3A_66 = arith.addi %add3A_58, %add3A_65 : i32
      %sub3A_67 = arith.constant 1 : i32
      %sub3A_68 = arith.subi %add3A_66, %sub3A_67 : i32
      %lt3A_69 = arith.constant 176 : i32
      %lt3A_70 = arith.cmpi slt, %sub3A_68, %lt3A_69 : i32
      %convert_element_type3A_71 = arith.extui %lt3A_70 : i1 to i32
      %cond3A_72 = arith.constant 0 : i32
      %cond3A_73 = arith.cmpi ne, %convert_element_type3A_71, %cond3A_72 : i32
      scf.if %cond3A_73 {
        %dma_start3A_112 = arith.constant 0 : i32
        %dma_start3A_113 = tpu.memref_slice %arg6[%sub3A_68, %dma_start3A_112] : memref<176x128xi32, #tpu.memory_space<vmem>> -> memref<1x128xi32, #tpu.memory_space<vmem>>
        %dma_start3A_114 = tpu.memref_squeeze %dma_start3A_113 : memref<1x128xi32, #tpu.memory_space<vmem>> -> memref<128xi32, #tpu.memory_space<vmem>>
        %dma_start3A_115 = arith.constant 0 : i32
        %dma_start3A_116 = arith.constant 0 : i32
        %dma_start3A_117 = tpu.memref_slice %arg2[%dma_start3A_115, %dma_start3A_116] : memref<10000x64xf32, #tpu.memory_space<hbm>> -> memref<10000x64xf32, #tpu.memory_space<hbm>>
        tpu.enqueue_indirect_dma source(%dma_start3A_117 : memref<10000x64xf32, #tpu.memory_space<hbm>>) target(%arg8 : memref<128x64xf32, #tpu.memory_space<vmem>>) offsets(%dma_start3A_114 : memref<128xi32, #tpu.memory_space<vmem>>) semaphore(%arg13 : memref<!tpu.dma_semaphore, #tpu.memory_space<semaphore_mem>>)
      } else {
      }
      %mul3A_74 = arith.constant 4 : i32
      %mul3A_75 = arith.muli %scan3A_40, %mul3A_74 : i32
      %add3A_76 = arith.constant 2 : i32
      %add3A_77 = arith.addi %mul3A_75, %add3A_76 : i32
      %dma_wait3A_78 = arith.constant 0 : i32
      %dma_wait3A_79 = tpu.memref_slice %arg6[%add3A_77, %dma_wait3A_78] : memref<176x128xi32, #tpu.memory_space<vmem>> -> memref<1x128xi32, #tpu.memory_space<vmem>>
      %dma_wait3A_80 = tpu.memref_squeeze %dma_wait3A_79 : memref<1x128xi32, #tpu.memory_space<vmem>> -> memref<128xi32, #tpu.memory_space<vmem>>
      %dma_wait3A_81 = arith.constant 0 : i32
      %dma_wait3A_82 = arith.constant 0 : i32
      %dma_wait3A_83 = tpu.memref_slice %arg2[%dma_wait3A_81, %dma_wait3A_82] : memref<10000x64xf32, #tpu.memory_space<hbm>> -> memref<10000x64xf32, #tpu.memory_space<hbm>>
      tpu.wait_indirect_dma semaphore(%arg15 : memref<!tpu.dma_semaphore, #tpu.memory_space<semaphore_mem>>) src(%dma_wait3A_83 : memref<10000x64xf32, #tpu.memory_space<hbm>>) dst(%arg10 : memref<128x64xf32, #tpu.memory_space<vmem>>)
      "tpu.region"() ({
        %run_scoped3A = tpu.sem_alloc : memref<!tpu.dma_semaphore, #tpu.memory_space<semaphore_mem>>
        %dma_start3A_112 = arith.constant 0 : i32
        %dma_start3A_113 = tpu.memref_slice %arg7[%add3A_77, %dma_start3A_112] : memref<176x128xi32, #tpu.memory_space<vmem>> -> memref<1x128xi32, #tpu.memory_space<vmem>>
        %dma_start3A_114 = tpu.memref_squeeze %dma_start3A_113 : memref<1x128xi32, #tpu.memory_space<vmem>> -> memref<128xi32, #tpu.memory_space<vmem>>
        %dma_start3A_115 = arith.constant 0 : i32
        %dma_start3A_116 = arith.constant 0 : i32
        %dma_start3A_117 = tpu.memref_slice %arg12[%dma_start3A_115, %dma_start3A_116] : memref<10112x64xf32, #tpu.memory_space<vmem_shared>> -> memref<10112x64xf32, #tpu.memory_space<vmem_shared>>
        tpu.enqueue_indirect_dma source(%arg10 : memref<128x64xf32, #tpu.memory_space<vmem>>) target(%dma_start3A_117 : memref<10112x64xf32, #tpu.memory_space<vmem_shared>>) offsets(%dma_start3A_114 : memref<128xi32, #tpu.memory_space<vmem>>) semaphore(%run_scoped3A : memref<!tpu.dma_semaphore, #tpu.memory_space<semaphore_mem>>) {add = true}
        %dma_wait3A_118 = arith.constant 0 : i32
        %dma_wait3A_119 = tpu.memref_slice %arg7[%add3A_77, %dma_wait3A_118] : memref<176x128xi32, #tpu.memory_space<vmem>> -> memref<1x128xi32, #tpu.memory_space<vmem>>
        %dma_wait3A_120 = tpu.memref_squeeze %dma_wait3A_119 : memref<1x128xi32, #tpu.memory_space<vmem>> -> memref<128xi32, #tpu.memory_space<vmem>>
        %dma_wait3A_121 = arith.constant 0 : i32
        %dma_wait3A_122 = arith.constant 0 : i32
        %dma_wait3A_123 = tpu.memref_slice %arg12[%dma_wait3A_121, %dma_wait3A_122] : memref<10112x64xf32, #tpu.memory_space<vmem_shared>> -> memref<10112x64xf32, #tpu.memory_space<vmem_shared>>
        tpu.wait_indirect_dma semaphore(%run_scoped3A : memref<!tpu.dma_semaphore, #tpu.memory_space<semaphore_mem>>) src(%arg10 : memref<128x64xf32, #tpu.memory_space<vmem>>) dst(%dma_wait3A_123 : memref<10112x64xf32, #tpu.memory_space<vmem_shared>>)
        tpu.yield
      }) : () -> ()
      %add3A_84 = arith.constant 4 : i32
      %add3A_85 = arith.addi %add3A_77, %add3A_84 : i32
      %sub3A_86 = arith.constant 1 : i32
      %sub3A_87 = arith.subi %add3A_85, %sub3A_86 : i32
      %lt3A_88 = arith.constant 176 : i32
      %lt3A_89 = arith.cmpi slt, %sub3A_87, %lt3A_88 : i32
      %convert_element_type3A_90 = arith.extui %lt3A_89 : i1 to i32
      %cond3A_91 = arith.constant 0 : i32
      %cond3A_92 = arith.cmpi ne, %convert_element_type3A_90, %cond3A_91 : i32
      scf.if %cond3A_92 {
        %dma_start3A_112 = arith.constant 0 : i32
        %dma_start3A_113 = tpu.memref_slice %arg6[%sub3A_87, %dma_start3A_112] : memref<176x128xi32, #tpu.memory_space<vmem>> -> memref<1x128xi32, #tpu.memory_space<vmem>>
        %dma_start3A_114 = tpu.memref_squeeze %dma_start3A_113 : memref<1x128xi32, #tpu.memory_space<vmem>> -> memref<128xi32, #tpu.memory_space<vmem>>
        %dma_start3A_115 = arith.constant 0 : i32
        %dma_start3A_116 = arith.constant 0 : i32
        %dma_start3A_117 = tpu.memref_slice %arg2[%dma_start3A_115, %dma_start3A_116] : memref<10000x64xf32, #tpu.memory_space<hbm>> -> memref<10000x64xf32, #tpu.memory_space<hbm>>
        tpu.enqueue_indirect_dma source(%dma_start3A_117 : memref<10000x64xf32, #tpu.memory_space<hbm>>) target(%arg9 : memref<128x64xf32, #tpu.memory_space<vmem>>) offsets(%dma_start3A_114 : memref<128xi32, #tpu.memory_space<vmem>>) semaphore(%arg14 : memref<!tpu.dma_semaphore, #tpu.memory_space<semaphore_mem>>)
      } else {
      }
      %mul3A_93 = arith.constant 4 : i32
      %mul3A_94 = arith.muli %scan3A_40, %mul3A_93 : i32
      %add3A_95 = arith.constant 3 : i32
      %add3A_96 = arith.addi %mul3A_94, %add3A_95 : i32
      %dma_wait3A_97 = arith.constant 0 : i32
      %dma_wait3A_98 = tpu.memref_slice %arg6[%add3A_96, %dma_wait3A_97] : memref<176x128xi32, #tpu.memory_space<vmem>> -> memref<1x128xi32, #tpu.memory_space<vmem>>
      %dma_wait3A_99 = tpu.memref_squeeze %dma_wait3A_98 : memref<1x128xi32, #tpu.memory_space<vmem>> -> memref<128xi32, #tpu.memory_space<vmem>>
      %dma_wait3A_100 = arith.constant 0 : i32
      %dma_wait3A_101 = arith.constant 0 : i32
      %dma_wait3A_102 = tpu.memref_slice %arg2[%dma_wait3A_100, %dma_wait3A_101] : memref<10000x64xf32, #tpu.memory_space<hbm>> -> memref<10000x64xf32, #tpu.memory_space<hbm>>
      tpu.wait_indirect_dma semaphore(%arg16 : memref<!tpu.dma_semaphore, #tpu.memory_space<semaphore_mem>>) src(%dma_wait3A_102 : memref<10000x64xf32, #tpu.memory_space<hbm>>) dst(%arg11 : memref<128x64xf32, #tpu.memory_space<vmem>>)
      "tpu.region"() ({
        %run_scoped3A = tpu.sem_alloc : memref<!tpu.dma_semaphore, #tpu.memory_space<semaphore_mem>>
        %dma_start3A_112 = arith.constant 0 : i32
        %dma_start3A_113 = tpu.memref_slice %arg7[%add3A_96, %dma_start3A_112] : memref<176x128xi32, #tpu.memory_space<vmem>> -> memref<1x128xi32, #tpu.memory_space<vmem>>
        %dma_start3A_114 = tpu.memref_squeeze %dma_start3A_113 : memref<1x128xi32, #tpu.memory_space<vmem>> -> memref<128xi32, #tpu.memory_space<vmem>>
        %dma_start3A_115 = arith.constant 0 : i32
        %dma_start3A_116 = arith.constant 0 : i32
        %dma_start3A_117 = tpu.memref_slice %arg12[%dma_start3A_115, %dma_start3A_116] : memref<10112x64xf32, #tpu.memory_space<vmem_shared>> -> memref<10112x64xf32, #tpu.memory_space<vmem_shared>>
        tpu.enqueue_indirect_dma source(%arg11 : memref<128x64xf32, #tpu.memory_space<vmem>>) target(%dma_start3A_117 : memref<10112x64xf32, #tpu.memory_space<vmem_shared>>) offsets(%dma_start3A_114 : memref<128xi32, #tpu.memory_space<vmem>>) semaphore(%run_scoped3A : memref<!tpu.dma_semaphore, #tpu.memory_space<semaphore_mem>>) {add = true}
        %dma_wait3A_118 = arith.constant 0 : i32
        %dma_wait3A_119 = tpu.memref_slice %arg7[%add3A_96, %dma_wait3A_118] : memref<176x128xi32, #tpu.memory_space<vmem>> -> memref<1x128xi32, #tpu.memory_space<vmem>>
        %dma_wait3A_120 = tpu.memref_squeeze %dma_wait3A_119 : memref<1x128xi32, #tpu.memory_space<vmem>> -> memref<128xi32, #tpu.memory_space<vmem>>
        %dma_wait3A_121 = arith.constant 0 : i32
        %dma_wait3A_122 = arith.constant 0 : i32
        %dma_wait3A_123 = tpu.memref_slice %arg12[%dma_wait3A_121, %dma_wait3A_122] : memref<10112x64xf32, #tpu.memory_space<vmem_shared>> -> memref<10112x64xf32, #tpu.memory_space<vmem_shared>>
        tpu.wait_indirect_dma semaphore(%run_scoped3A : memref<!tpu.dma_semaphore, #tpu.memory_space<semaphore_mem>>) src(%arg11 : memref<128x64xf32, #tpu.memory_space<vmem>>) dst(%dma_wait3A_123 : memref<10112x64xf32, #tpu.memory_space<vmem_shared>>)
        tpu.yield
      }) : () -> ()
      %add3A_103 = arith.constant 4 : i32
      %add3A_104 = arith.addi %add3A_96, %add3A_103 : i32
      %sub3A_105 = arith.constant 1 : i32
      %sub3A_106 = arith.subi %add3A_104, %sub3A_105 : i32
      %lt3A_107 = arith.constant 176 : i32
      %lt3A_108 = arith.cmpi slt, %sub3A_106, %lt3A_107 : i32
      %convert_element_type3A_109 = arith.extui %lt3A_108 : i1 to i32
      %cond3A_110 = arith.constant 0 : i32
      %cond3A_111 = arith.cmpi ne, %convert_element_type3A_109, %cond3A_110 : i32
      scf.if %cond3A_111 {
        %dma_start3A_112 = arith.constant 0 : i32
        %dma_start3A_113 = tpu.memref_slice %arg6[%sub3A_106, %dma_start3A_112] : memref<176x128xi32, #tpu.memory_space<vmem>> -> memref<1x128xi32, #tpu.memory_space<vmem>>
        %dma_start3A_114 = tpu.memref_squeeze %dma_start3A_113 : memref<1x128xi32, #tpu.memory_space<vmem>> -> memref<128xi32, #tpu.memory_space<vmem>>
        %dma_start3A_115 = arith.constant 0 : i32
        %dma_start3A_116 = arith.constant 0 : i32
        %dma_start3A_117 = tpu.memref_slice %arg2[%dma_start3A_115, %dma_start3A_116] : memref<10000x64xf32, #tpu.memory_space<hbm>> -> memref<10000x64xf32, #tpu.memory_space<hbm>>
        tpu.enqueue_indirect_dma source(%dma_start3A_117 : memref<10000x64xf32, #tpu.memory_space<hbm>>) target(%arg10 : memref<128x64xf32, #tpu.memory_space<vmem>>) offsets(%dma_start3A_114 : memref<128xi32, #tpu.memory_space<vmem>>) semaphore(%arg15 : memref<!tpu.dma_semaphore, #tpu.memory_space<semaphore_mem>>)
      } else {
      }
    }
    %scan3A_39 = arith.constant 44 : i32
    "tpu.region"() ({
      %run_scoped3A = tpu.sem_alloc : memref<!tpu.dma_semaphore, #tpu.memory_space<semaphore_mem>>
      %dma_start3A_40 = arith.constant 0 : i32
      %dma_start3A_41 = tpu.memref_slice %arg5[%mul3A_7, %dma_start3A_40] : memref<10112x64xf32, #tpu.memory_space<hbm>> -> memref<313x64xf32, #tpu.memory_space<hbm>>
      %dma_start3A_42 = arith.constant 0 : i32
      %dma_start3A_43 = tpu.memref_slice %arg12[%mul3A_7, %dma_start3A_42] : memref<10112x64xf32, #tpu.memory_space<vmem_shared>> -> memref<313x64xf32, #tpu.memory_space<vmem_shared>>
      tpu.enqueue_dma source(%dma_start3A_43 : memref<313x64xf32, #tpu.memory_space<vmem_shared>>) target(%dma_start3A_41 : memref<313x64xf32, #tpu.memory_space<hbm>>) target_semaphore(%run_scoped3A : memref<!tpu.dma_semaphore, #tpu.memory_space<semaphore_mem>>)
      %dma_wait3A = arith.constant 0 : i32
      %dma_wait3A_44 = tpu.memref_slice %arg5[%mul3A_7, %dma_wait3A] : memref<10112x64xf32, #tpu.memory_space<hbm>> -> memref<313x64xf32, #tpu.memory_space<hbm>>
      %dma_wait3A_45 = arith.constant 0 : i32
      %dma_wait3A_46 = tpu.memref_slice %arg12[%mul3A_7, %dma_wait3A_45] : memref<10112x64xf32, #tpu.memory_space<vmem_shared>> -> memref<313x64xf32, #tpu.memory_space<vmem_shared>>
      tpu.wait_dma2 semaphore(%run_scoped3A : memref<!tpu.dma_semaphore, #tpu.memory_space<semaphore_mem>>) src(%dma_wait3A_46 : memref<313x64xf32, #tpu.memory_space<vmem_shared>>) dst(%dma_wait3A_44 : memref<313x64xf32, #tpu.memory_space<hbm>>)
      tpu.yield
    }) : () -> ()
    return
  }
}

#map = affine_map<(d0, d1) -> (0, 0)>
#map1 = affine_map<(d0, d1) -> (0, 0, 0)>
module attributes {stable_mosaic.version = 14 : i64} {
  func.func @_sc_agg_body(%arg0: i32, %arg1: i32, %arg2: memref<10000x64xf32, #tpu.memory_space<hbm>>, %arg3: memref<32x176x128xi32, #tpu.memory_space<hbm>>, %arg4: memref<32x176x128xi32, #tpu.memory_space<hbm>>, %arg5: memref<10112x64xf32, #tpu.memory_space<hbm>>, %arg6: memref<176x128xi32, #tpu.memory_space<vmem>>, %arg7: memref<176x128xi32, #tpu.memory_space<vmem>>, %arg8: memref<128x64xf32, #tpu.memory_space<vmem>>, %arg9: memref<128x64xf32, #tpu.memory_space<vmem>>, %arg10: memref<128x64xf32, #tpu.memory_space<vmem>>, %arg11: memref<128x64xf32, #tpu.memory_space<vmem>>, %arg12: memref<10112x64xf32, #tpu.memory_space<vmem_shared>>, %arg13: memref<!tpu.dma_semaphore, #tpu.memory_space<semaphore_mem>>, %arg14: memref<!tpu.dma_semaphore, #tpu.memory_space<semaphore_mem>>, %arg15: memref<!tpu.dma_semaphore, #tpu.memory_space<semaphore_mem>>, %arg16: memref<!tpu.dma_semaphore, #tpu.memory_space<semaphore_mem>>) attributes {dimension_semantics = [#tpu.dimension_semantics<core_parallel>, #tpu.dimension_semantics<subcore_parallel>], iteration_bounds = array<i64: 2, 16>, scalar_prefetch = 0 : i64, scratch_operands = 11 : i64, tpu.core_type = #tpu.core_type<sc_vector_subcore>, window_params = [{transform_indices = #map}, {transform_indices = #map1}, {transform_indices = #map1}, {transform_indices = #map}]} {
    %mul3A = arith.constant 16 : i32
    %mul3A_0 = arith.muli %arg0, %mul3A : i32
    %add3A = arith.addi %mul3A_0, %arg1 : i32
    "tpu.region"() ({
      %run_scoped3A = tpu.sem_alloc : memref<!tpu.dma_semaphore, #tpu.memory_space<semaphore_mem>>
      %dma_start3A_40 = arith.constant 0 : i32
      %dma_start3A_41 = arith.constant 0 : i32
      %dma_start3A_42 = tpu.memref_slice %arg3[%add3A, %dma_start3A_40, %dma_start3A_41] : memref<32x176x128xi32, #tpu.memory_space<hbm>> -> memref<1x176x128xi32, #tpu.memory_space<hbm>>
      %dma_start3A_43 = tpu.memref_squeeze %dma_start3A_42 : memref<1x176x128xi32, #tpu.memory_space<hbm>> -> memref<176x128xi32, #tpu.memory_space<hbm>>
      %dma_start3A_44 = arith.constant 0 : i32
      %dma_start3A_45 = arith.constant 0 : i32
      %dma_start3A_46 = tpu.memref_slice %arg3[%add3A, %dma_start3A_44, %dma_start3A_45] : memref<32x176x128xi32, #tpu.memory_space<hbm>> -> memref<1x176x128xi32, #tpu.memory_space<hbm>>
      %dma_start3A_47 = tpu.memref_squeeze %dma_start3A_46 : memref<1x176x128xi32, #tpu.memory_space<hbm>> -> memref<176x128xi32, #tpu.memory_space<hbm>>
      tpu.enqueue_dma source(%dma_start3A_47 : memref<176x128xi32, #tpu.memory_space<hbm>>) target(%arg6 : memref<176x128xi32, #tpu.memory_space<vmem>>) target_semaphore(%run_scoped3A : memref<!tpu.dma_semaphore, #tpu.memory_space<semaphore_mem>>)
      %dma_wait3A = arith.constant 0 : i32
      %dma_wait3A_48 = arith.constant 0 : i32
      %dma_wait3A_49 = tpu.memref_slice %arg3[%add3A, %dma_wait3A, %dma_wait3A_48] : memref<32x176x128xi32, #tpu.memory_space<hbm>> -> memref<1x176x128xi32, #tpu.memory_space<hbm>>
      %dma_wait3A_50 = tpu.memref_squeeze %dma_wait3A_49 : memref<1x176x128xi32, #tpu.memory_space<hbm>> -> memref<176x128xi32, #tpu.memory_space<hbm>>
      %dma_wait3A_51 = arith.constant 0 : i32
      %dma_wait3A_52 = arith.constant 0 : i32
      %dma_wait3A_53 = tpu.memref_slice %arg3[%add3A, %dma_wait3A_51, %dma_wait3A_52] : memref<32x176x128xi32, #tpu.memory_space<hbm>> -> memref<1x176x128xi32, #tpu.memory_space<hbm>>
      %dma_wait3A_54 = tpu.memref_squeeze %dma_wait3A_53 : memref<1x176x128xi32, #tpu.memory_space<hbm>> -> memref<176x128xi32, #tpu.memory_space<hbm>>
      tpu.wait_dma2 semaphore(%run_scoped3A : memref<!tpu.dma_semaphore, #tpu.memory_space<semaphore_mem>>) src(%dma_wait3A_54 : memref<176x128xi32, #tpu.memory_space<hbm>>) dst(%arg6 : memref<176x128xi32, #tpu.memory_space<vmem>>)
      tpu.yield
    }) : () -> ()
    "tpu.region"() ({
      %run_scoped3A = tpu.sem_alloc : memref<!tpu.dma_semaphore, #tpu.memory_space<semaphore_mem>>
      %dma_start3A_40 = arith.constant 0 : i32
      %dma_start3A_41 = arith.constant 0 : i32
      %dma_start3A_42 = tpu.memref_slice %arg4[%add3A, %dma_start3A_40, %dma_start3A_41] : memref<32x176x128xi32, #tpu.memory_space<hbm>> -> memref<1x176x128xi32, #tpu.memory_space<hbm>>
      %dma_start3A_43 = tpu.memref_squeeze %dma_start3A_42 : memref<1x176x128xi32, #tpu.memory_space<hbm>> -> memref<176x128xi32, #tpu.memory_space<hbm>>
      %dma_start3A_44 = arith.constant 0 : i32
      %dma_start3A_45 = arith.constant 0 : i32
      %dma_start3A_46 = tpu.memref_slice %arg4[%add3A, %dma_start3A_44, %dma_start3A_45] : memref<32x176x128xi32, #tpu.memory_space<hbm>> -> memref<1x176x128xi32, #tpu.memory_space<hbm>>
      %dma_start3A_47 = tpu.memref_squeeze %dma_start3A_46 : memref<1x176x128xi32, #tpu.memory_space<hbm>> -> memref<176x128xi32, #tpu.memory_space<hbm>>
      tpu.enqueue_dma source(%dma_start3A_47 : memref<176x128xi32, #tpu.memory_space<hbm>>) target(%arg7 : memref<176x128xi32, #tpu.memory_space<vmem>>) target_semaphore(%run_scoped3A : memref<!tpu.dma_semaphore, #tpu.memory_space<semaphore_mem>>)
      %dma_wait3A = arith.constant 0 : i32
      %dma_wait3A_48 = arith.constant 0 : i32
      %dma_wait3A_49 = tpu.memref_slice %arg4[%add3A, %dma_wait3A, %dma_wait3A_48] : memref<32x176x128xi32, #tpu.memory_space<hbm>> -> memref<1x176x128xi32, #tpu.memory_space<hbm>>
      %dma_wait3A_50 = tpu.memref_squeeze %dma_wait3A_49 : memref<1x176x128xi32, #tpu.memory_space<hbm>> -> memref<176x128xi32, #tpu.memory_space<hbm>>
      %dma_wait3A_51 = arith.constant 0 : i32
      %dma_wait3A_52 = arith.constant 0 : i32
      %dma_wait3A_53 = tpu.memref_slice %arg4[%add3A, %dma_wait3A_51, %dma_wait3A_52] : memref<32x176x128xi32, #tpu.memory_space<hbm>> -> memref<1x176x128xi32, #tpu.memory_space<hbm>>
      %dma_wait3A_54 = tpu.memref_squeeze %dma_wait3A_53 : memref<1x176x128xi32, #tpu.memory_space<hbm>> -> memref<176x128xi32, #tpu.memory_space<hbm>>
      tpu.wait_dma2 semaphore(%run_scoped3A : memref<!tpu.dma_semaphore, #tpu.memory_space<semaphore_mem>>) src(%dma_wait3A_54 : memref<176x128xi32, #tpu.memory_space<hbm>>) dst(%arg7 : memref<176x128xi32, #tpu.memory_space<vmem>>)
      tpu.yield
    }) : () -> ()
    %scan3A = arith.constant 0 : i32
    %scan3A_1 = arith.constant 0 : i32
    %scan3A_2 = arith.constant 128 : i32
    %scan3A_3 = arith.addi %scan3A_1, %scan3A_2 : i32
    %scan3A_4 = arith.constant 1 : i32
    scf.for %scan3A_40 = %scan3A_1 to %scan3A_3 step %scan3A_4  : i32 {
      %broadcast_in_dim3A = arith.constant 0.000000e+00 : f32
      %broadcast_in_dim3A_41 = vector.broadcast %broadcast_in_dim3A : f32 to vector<16xf32>
      %swap3A = arith.index_cast %scan3A_40 : i32 to index
      %swap3A_42 = arith.constant 0 : index
      %swap3A_43 = tpu.vector_load %arg8[%swap3A, %swap3A_42] {strides = array<i32>} : memref<128x64xf32, #tpu.memory_space<vmem>>, vector<1x16xf32>,
      %swap3A_44 = vector.shape_cast %swap3A_43 : vector<1x16xf32> to vector<16xf32>
      %swap3A_45 = vector.shape_cast %broadcast_in_dim3A_41 : vector<16xf32> to vector<1x16xf32>
      tpu.vector_store %arg8[%swap3A, %swap3A_42], %swap3A_45 {strides = array<i32>} : memref<128x64xf32, #tpu.memory_space<vmem>>, vector<1x16xf32>,
      %broadcast_in_dim3A_46 = arith.constant 0.000000e+00 : f32
      %broadcast_in_dim3A_47 = vector.broadcast %broadcast_in_dim3A_46 : f32 to vector<16xf32>
      %swap3A_48 = arith.index_cast %scan3A_40 : i32 to index
      %swap3A_49 = arith.constant 16 : index
      %swap3A_50 = tpu.vector_load %arg8[%swap3A_48, %swap3A_49] {strides = array<i32>} : memref<128x64xf32, #tpu.memory_space<vmem>>, vector<1x16xf32>,
      %swap3A_51 = vector.shape_cast %swap3A_50 : vector<1x16xf32> to vector<16xf32>
      %swap3A_52 = vector.shape_cast %broadcast_in_dim3A_47 : vector<16xf32> to vector<1x16xf32>
      tpu.vector_store %arg8[%swap3A_48, %swap3A_49], %swap3A_52 {strides = array<i32>} : memref<128x64xf32, #tpu.memory_space<vmem>>, vector<1x16xf32>,
      %broadcast_in_dim3A_53 = arith.constant 0.000000e+00 : f32
      %broadcast_in_dim3A_54 = vector.broadcast %broadcast_in_dim3A_53 : f32 to vector<16xf32>
      %swap3A_55 = arith.index_cast %scan3A_40 : i32 to index
      %swap3A_56 = arith.constant 32 : index
      %swap3A_57 = tpu.vector_load %arg8[%swap3A_55, %swap3A_56] {strides = array<i32>} : memref<128x64xf32, #tpu.memory_space<vmem>>, vector<1x16xf32>,
      %swap3A_58 = vector.shape_cast %swap3A_57 : vector<1x16xf32> to vector<16xf32>
      %swap3A_59 = vector.shape_cast %broadcast_in_dim3A_54 : vector<16xf32> to vector<1x16xf32>
      tpu.vector_store %arg8[%swap3A_55, %swap3A_56], %swap3A_59 {strides = array<i32>} : memref<128x64xf32, #tpu.memory_space<vmem>>, vector<1x16xf32>,
      %broadcast_in_dim3A_60 = arith.constant 0.000000e+00 : f32
      %broadcast_in_dim3A_61 = vector.broadcast %broadcast_in_dim3A_60 : f32 to vector<16xf32>
      %swap3A_62 = arith.index_cast %scan3A_40 : i32 to index
      %swap3A_63 = arith.constant 48 : index
      %swap3A_64 = tpu.vector_load %arg8[%swap3A_62, %swap3A_63] {strides = array<i32>} : memref<128x64xf32, #tpu.memory_space<vmem>>, vector<1x16xf32>,
      %swap3A_65 = vector.shape_cast %swap3A_64 : vector<1x16xf32> to vector<16xf32>
      %swap3A_66 = vector.shape_cast %broadcast_in_dim3A_61 : vector<16xf32> to vector<1x16xf32>
      tpu.vector_store %arg8[%swap3A_62, %swap3A_63], %swap3A_66 {strides = array<i32>} : memref<128x64xf32, #tpu.memory_space<vmem>>, vector<1x16xf32>,
    }
    %scan3A_5 = arith.constant 128 : i32
    %mul3A_6 = arith.constant 313 : i32
    %mul3A_7 = arith.muli %add3A, %mul3A_6 : i32
    %add3A_8 = arith.constant 0 : i32
    %add3A_9 = arith.addi %mul3A_7, %add3A_8 : i32
    "tpu.region"() ({
      %run_scoped3A = tpu.sem_alloc : memref<!tpu.dma_semaphore, #tpu.memory_space<semaphore_mem>>
      %dma_start3A_40 = arith.constant 0 : i32
      %dma_start3A_41 = arith.constant 0 : i32
      %dma_start3A_42 = tpu.memref_slice %arg8[%dma_start3A_40, %dma_start3A_41] : memref<128x64xf32, #tpu.memory_space<vmem>> -> memref<128x64xf32, #tpu.memory_space<vmem>>
      %dma_start3A_43 = arith.constant 0 : i32
      %dma_start3A_44 = tpu.memref_slice %arg12[%add3A_9, %dma_start3A_43] : memref<10112x64xf32, #tpu.memory_space<vmem_shared>> -> memref<128x64xf32, #tpu.memory_space<vmem_shared>>
      %dma_start3A_45 = arith.constant 0 : i32
      %dma_start3A_46 = tpu.memref_slice %arg12[%add3A_9, %dma_start3A_45] : memref<10112x64xf32, #tpu.memory_space<vmem_shared>> -> memref<128x64xf32, #tpu.memory_space<vmem_shared>>
      %dma_start3A_47 = arith.constant 0 : i32
      %dma_start3A_48 = arith.constant 0 : i32
      %dma_start3A_49 = tpu.memref_slice %arg8[%dma_start3A_47, %dma_start3A_48] : memref<128x64xf32, #tpu.memory_space<vmem>> -> memref<128x64xf32, #tpu.memory_space<vmem>>
      tpu.enqueue_dma source(%dma_start3A_49 : memref<128x64xf32, #tpu.memory_space<vmem>>) target(%dma_start3A_46 : memref<128x64xf32, #tpu.memory_space<vmem_shared>>) target_semaphore(%run_scoped3A : memref<!tpu.dma_semaphore, #tpu.memory_space<semaphore_mem>>)
      %dma_wait3A = arith.constant 0 : i32
      %dma_wait3A_50 = arith.constant 0 : i32
      %dma_wait3A_51 = tpu.memref_slice %arg8[%dma_wait3A, %dma_wait3A_50] : memref<128x64xf32, #tpu.memory_space<vmem>> -> memref<128x64xf32, #tpu.memory_space<vmem>>
      %dma_wait3A_52 = arith.constant 0 : i32
      %dma_wait3A_53 = tpu.memref_slice %arg12[%add3A_9, %dma_wait3A_52] : memref<10112x64xf32, #tpu.memory_space<vmem_shared>> -> memref<128x64xf32, #tpu.memory_space<vmem_shared>>
      %dma_wait3A_54 = arith.constant 0 : i32
      %dma_wait3A_55 = tpu.memref_slice %arg12[%add3A_9, %dma_wait3A_54] : memref<10112x64xf32, #tpu.memory_space<vmem_shared>> -> memref<128x64xf32, #tpu.memory_space<vmem_shared>>
      %dma_wait3A_56 = arith.constant 0 : i32
      %dma_wait3A_57 = arith.constant 0 : i32
      %dma_wait3A_58 = tpu.memref_slice %arg8[%dma_wait3A_56, %dma_wait3A_57] : memref<128x64xf32, #tpu.memory_space<vmem>> -> memref<128x64xf32, #tpu.memory_space<vmem>>
      tpu.wait_dma2 semaphore(%run_scoped3A : memref<!tpu.dma_semaphore, #tpu.memory_space<semaphore_mem>>) src(%dma_wait3A_58 : memref<128x64xf32, #tpu.memory_space<vmem>>) dst(%dma_wait3A_55 : memref<128x64xf32, #tpu.memory_space<vmem_shared>>)
      tpu.yield
    }) : () -> ()
    %add3A_10 = arith.constant 128 : i32
    %add3A_11 = arith.addi %mul3A_7, %add3A_10 : i32
    "tpu.region"() ({
      %run_scoped3A = tpu.sem_alloc : memref<!tpu.dma_semaphore, #tpu.memory_space<semaphore_mem>>
      %dma_start3A_40 = arith.constant 0 : i32
      %dma_start3A_41 = arith.constant 0 : i32
      %dma_start3A_42 = tpu.memref_slice %arg8[%dma_start3A_40, %dma_start3A_41] : memref<128x64xf32, #tpu.memory_space<vmem>> -> memref<128x64xf32, #tpu.memory_space<vmem>>
      %dma_start3A_43 = arith.constant 0 : i32
      %dma_start3A_44 = tpu.memref_slice %arg12[%add3A_11, %dma_start3A_43] : memref<10112x64xf32, #tpu.memory_space<vmem_shared>> -> memref<128x64xf32, #tpu.memory_space<vmem_shared>>
      %dma_start3A_45 = arith.constant 0 : i32
      %dma_start3A_46 = tpu.memref_slice %arg12[%add3A_11, %dma_start3A_45] : memref<10112x64xf32, #tpu.memory_space<vmem_shared>> -> memref<128x64xf32, #tpu.memory_space<vmem_shared>>
      %dma_start3A_47 = arith.constant 0 : i32
      %dma_start3A_48 = arith.constant 0 : i32
      %dma_start3A_49 = tpu.memref_slice %arg8[%dma_start3A_47, %dma_start3A_48] : memref<128x64xf32, #tpu.memory_space<vmem>> -> memref<128x64xf32, #tpu.memory_space<vmem>>
      tpu.enqueue_dma source(%dma_start3A_49 : memref<128x64xf32, #tpu.memory_space<vmem>>) target(%dma_start3A_46 : memref<128x64xf32, #tpu.memory_space<vmem_shared>>) target_semaphore(%run_scoped3A : memref<!tpu.dma_semaphore, #tpu.memory_space<semaphore_mem>>)
      %dma_wait3A = arith.constant 0 : i32
      %dma_wait3A_50 = arith.constant 0 : i32
      %dma_wait3A_51 = tpu.memref_slice %arg8[%dma_wait3A, %dma_wait3A_50] : memref<128x64xf32, #tpu.memory_space<vmem>> -> memref<128x64xf32, #tpu.memory_space<vmem>>
      %dma_wait3A_52 = arith.constant 0 : i32
      %dma_wait3A_53 = tpu.memref_slice %arg12[%add3A_11, %dma_wait3A_52] : memref<10112x64xf32, #tpu.memory_space<vmem_shared>> -> memref<128x64xf32, #tpu.memory_space<vmem_shared>>
      %dma_wait3A_54 = arith.constant 0 : i32
      %dma_wait3A_55 = tpu.memref_slice %arg12[%add3A_11, %dma_wait3A_54] : memref<10112x64xf32, #tpu.memory_space<vmem_shared>> -> memref<128x64xf32, #tpu.memory_space<vmem_shared>>
      %dma_wait3A_56 = arith.constant 0 : i32
      %dma_wait3A_57 = arith.constant 0 : i32
      %dma_wait3A_58 = tpu.memref_slice %arg8[%dma_wait3A_56, %dma_wait3A_57] : memref<128x64xf32, #tpu.memory_space<vmem>> -> memref<128x64xf32, #tpu.memory_space<vmem>>
      tpu.wait_dma2 semaphore(%run_scoped3A : memref<!tpu.dma_semaphore, #tpu.memory_space<semaphore_mem>>) src(%dma_wait3A_58 : memref<128x64xf32, #tpu.memory_space<vmem>>) dst(%dma_wait3A_55 : memref<128x64xf32, #tpu.memory_space<vmem_shared>>)
      tpu.yield
    }) : () -> ()
    %add3A_12 = arith.constant 256 : i32
    %add3A_13 = arith.addi %mul3A_7, %add3A_12 : i32
    "tpu.region"() ({
      %run_scoped3A = tpu.sem_alloc : memref<!tpu.dma_semaphore, #tpu.memory_space<semaphore_mem>>
      %dma_start3A_40 = arith.constant 0 : i32
      %dma_start3A_41 = arith.constant 0 : i32
      %dma_start3A_42 = tpu.memref_slice %arg8[%dma_start3A_40, %dma_start3A_41] : memref<128x64xf32, #tpu.memory_space<vmem>> -> memref<57x64xf32, #tpu.memory_space<vmem>>
      %dma_start3A_43 = arith.constant 0 : i32
      %dma_start3A_44 = tpu.memref_slice %arg12[%add3A_13, %dma_start3A_43] : memref<10112x64xf32, #tpu.memory_space<vmem_shared>> -> memref<57x64xf32, #tpu.memory_space<vmem_shared>>
      %dma_start3A_45 = arith.constant 0 : i32
      %dma_start3A_46 = tpu.memref_slice %arg12[%add3A_13, %dma_start3A_45] : memref<10112x64xf32, #tpu.memory_space<vmem_shared>> -> memref<57x64xf32, #tpu.memory_space<vmem_shared>>
      %dma_start3A_47 = arith.constant 0 : i32
      %dma_start3A_48 = arith.constant 0 : i32
      %dma_start3A_49 = tpu.memref_slice %arg8[%dma_start3A_47, %dma_start3A_48] : memref<128x64xf32, #tpu.memory_space<vmem>> -> memref<57x64xf32, #tpu.memory_space<vmem>>
      tpu.enqueue_dma source(%dma_start3A_49 : memref<57x64xf32, #tpu.memory_space<vmem>>) target(%dma_start3A_46 : memref<57x64xf32, #tpu.memory_space<vmem_shared>>) target_semaphore(%run_scoped3A : memref<!tpu.dma_semaphore, #tpu.memory_space<semaphore_mem>>)
      %dma_wait3A = arith.constant 0 : i32
      %dma_wait3A_50 = arith.constant 0 : i32
      %dma_wait3A_51 = tpu.memref_slice %arg8[%dma_wait3A, %dma_wait3A_50] : memref<128x64xf32, #tpu.memory_space<vmem>> -> memref<57x64xf32, #tpu.memory_space<vmem>>
      %dma_wait3A_52 = arith.constant 0 : i32
      %dma_wait3A_53 = tpu.memref_slice %arg12[%add3A_13, %dma_wait3A_52] : memref<10112x64xf32, #tpu.memory_space<vmem_shared>> -> memref<57x64xf32, #tpu.memory_space<vmem_shared>>
      %dma_wait3A_54 = arith.constant 0 : i32
      %dma_wait3A_55 = tpu.memref_slice %arg12[%add3A_13, %dma_wait3A_54] : memref<10112x64xf32, #tpu.memory_space<vmem_shared>> -> memref<57x64xf32, #tpu.memory_space<vmem_shared>>
      %dma_wait3A_56 = arith.constant 0 : i32
      %dma_wait3A_57 = arith.constant 0 : i32
      %dma_wait3A_58 = tpu.memref_slice %arg8[%dma_wait3A_56, %dma_wait3A_57] : memref<128x64xf32, #tpu.memory_space<vmem>> -> memref<57x64xf32, #tpu.memory_space<vmem>>
      tpu.wait_dma2 semaphore(%run_scoped3A : memref<!tpu.dma_semaphore, #tpu.memory_space<semaphore_mem>>) src(%dma_wait3A_58 : memref<57x64xf32, #tpu.memory_space<vmem>>) dst(%dma_wait3A_55 : memref<57x64xf32, #tpu.memory_space<vmem_shared>>)
      tpu.yield
    }) : () -> ()
    %dma_start3A = arith.constant 0 : i32
    %dma_start3A_14 = arith.constant 0 : i32
    %dma_start3A_15 = tpu.memref_slice %arg6[%dma_start3A, %dma_start3A_14] : memref<176x128xi32, #tpu.memory_space<vmem>> -> memref<1x128xi32, #tpu.memory_space<vmem>>
    %dma_start3A_16 = tpu.memref_squeeze %dma_start3A_15 : memref<1x128xi32, #tpu.memory_space<vmem>> -> memref<128xi32, #tpu.memory_space<vmem>>
    %dma_start3A_17 = arith.constant 0 : i32
    %dma_start3A_18 = arith.constant 0 : i32
    %dma_start3A_19 = tpu.memref_slice %arg2[%dma_start3A_17, %dma_start3A_18] : memref<10000x64xf32, #tpu.memory_space<hbm>> -> memref<10000x64xf32, #tpu.memory_space<hbm>>
    tpu.enqueue_indirect_dma source(%dma_start3A_19 : memref<10000x64xf32, #tpu.memory_space<hbm>>) target(%arg8 : memref<128x64xf32, #tpu.memory_space<vmem>>) offsets(%dma_start3A_16 : memref<128xi32, #tpu.memory_space<vmem>>) semaphore(%arg13 : memref<!tpu.dma_semaphore, #tpu.memory_space<semaphore_mem>>)
    %dma_start3A_20 = arith.constant 1 : i32
    %dma_start3A_21 = arith.constant 0 : i32
    %dma_start3A_22 = tpu.memref_slice %arg6[%dma_start3A_20, %dma_start3A_21] : memref<176x128xi32, #tpu.memory_space<vmem>> -> memref<1x128xi32, #tpu.memory_space<vmem>>
    %dma_start3A_23 = tpu.memref_squeeze %dma_start3A_22 : memref<1x128xi32, #tpu.memory_space<vmem>> -> memref<128xi32, #tpu.memory_space<vmem>>
    %dma_start3A_24 = arith.constant 0 : i32
    %dma_start3A_25 = arith.constant 0 : i32
    %dma_start3A_26 = tpu.memref_slice %arg2[%dma_start3A_24, %dma_start3A_25] : memref<10000x64xf32, #tpu.memory_space<hbm>> -> memref<10000x64xf32, #tpu.memory_space<hbm>>
    tpu.enqueue_indirect_dma source(%dma_start3A_26 : memref<10000x64xf32, #tpu.memory_space<hbm>>) target(%arg9 : memref<128x64xf32, #tpu.memory_space<vmem>>) offsets(%dma_start3A_23 : memref<128xi32, #tpu.memory_space<vmem>>) semaphore(%arg14 : memref<!tpu.dma_semaphore, #tpu.memory_space<semaphore_mem>>)
    %dma_start3A_27 = arith.constant 2 : i32
    %dma_start3A_28 = arith.constant 0 : i32
    %dma_start3A_29 = tpu.memref_slice %arg6[%dma_start3A_27, %dma_start3A_28] : memref<176x128xi32, #tpu.memory_space<vmem>> -> memref<1x128xi32, #tpu.memory_space<vmem>>
    %dma_start3A_30 = tpu.memref_squeeze %dma_start3A_29 : memref<1x128xi32, #tpu.memory_space<vmem>> -> memref<128xi32, #tpu.memory_space<vmem>>
    %dma_start3A_31 = arith.constant 0 : i32
    %dma_start3A_32 = arith.constant 0 : i32
    %dma_start3A_33 = tpu.memref_slice %arg2[%dma_start3A_31, %dma_start3A_32] : memref<10000x64xf32, #tpu.memory_space<hbm>> -> memref<10000x64xf32, #tpu.memory_space<hbm>>
    tpu.enqueue_indirect_dma source(%dma_start3A_33 : memref<10000x64xf32, #tpu.memory_space<hbm>>) target(%arg10 : memref<128x64xf32, #tpu.memory_space<vmem>>) offsets(%dma_start3A_30 : memref<128xi32, #tpu.memory_space<vmem>>) semaphore(%arg15 : memref<!tpu.dma_semaphore, #tpu.memory_space<semaphore_mem>>)
    %scan3A_34 = arith.constant 0 : i32
    %scan3A_35 = arith.constant 0 : i32
    %scan3A_36 = arith.constant 44 : i32
    %scan3A_37 = arith.addi %scan3A_35, %scan3A_36 : i32
    %scan3A_38 = arith.constant 1 : i32
    scf.for %scan3A_40 = %scan3A_35 to %scan3A_37 step %scan3A_38  : i32 {
      %mul3A_41 = arith.constant 4 : i32
      %mul3A_42 = arith.muli %scan3A_40, %mul3A_41 : i32
      %add3A_43 = arith.constant 0 : i32
      %add3A_44 = arith.addi %mul3A_42, %add3A_43 : i32
      %dma_wait3A = arith.constant 0 : i32
      %dma_wait3A_45 = tpu.memref_slice %arg6[%add3A_44, %dma_wait3A] : memref<176x128xi32, #tpu.memory_space<vmem>> -> memref<1x128xi32, #tpu.memory_space<vmem>>
      %dma_wait3A_46 = tpu.memref_squeeze %dma_wait3A_45 : memref<1x128xi32, #tpu.memory_space<vmem>> -> memref<128xi32, #tpu.memory_space<vmem>>
      %dma_wait3A_47 = arith.constant 0 : i32
      %dma_wait3A_48 = arith.constant 0 : i32
      %dma_wait3A_49 = tpu.memref_slice %arg2[%dma_wait3A_47, %dma_wait3A_48] : memref<10000x64xf32, #tpu.memory_space<hbm>> -> memref<10000x64xf32, #tpu.memory_space<hbm>>
      tpu.wait_indirect_dma semaphore(%arg13 : memref<!tpu.dma_semaphore, #tpu.memory_space<semaphore_mem>>) src(%dma_wait3A_49 : memref<10000x64xf32, #tpu.memory_space<hbm>>) dst(%arg8 : memref<128x64xf32, #tpu.memory_space<vmem>>)
      "tpu.region"() ({
        %run_scoped3A = tpu.sem_alloc : memref<!tpu.dma_semaphore, #tpu.memory_space<semaphore_mem>>
        %dma_start3A_112 = arith.constant 0 : i32
        %dma_start3A_113 = tpu.memref_slice %arg7[%add3A_44, %dma_start3A_112] : memref<176x128xi32, #tpu.memory_space<vmem>> -> memref<1x128xi32, #tpu.memory_space<vmem>>
        %dma_start3A_114 = tpu.memref_squeeze %dma_start3A_113 : memref<1x128xi32, #tpu.memory_space<vmem>> -> memref<128xi32, #tpu.memory_space<vmem>>
        %dma_start3A_115 = arith.constant 0 : i32
        %dma_start3A_116 = arith.constant 0 : i32
        %dma_start3A_117 = tpu.memref_slice %arg12[%dma_start3A_115, %dma_start3A_116] : memref<10112x64xf32, #tpu.memory_space<vmem_shared>> -> memref<10112x64xf32, #tpu.memory_space<vmem_shared>>
        tpu.enqueue_indirect_dma source(%arg8 : memref<128x64xf32, #tpu.memory_space<vmem>>) target(%dma_start3A_117 : memref<10112x64xf32, #tpu.memory_space<vmem_shared>>) offsets(%dma_start3A_114 : memref<128xi32, #tpu.memory_space<vmem>>) semaphore(%run_scoped3A : memref<!tpu.dma_semaphore, #tpu.memory_space<semaphore_mem>>) {add = true}
        %dma_wait3A_118 = arith.constant 0 : i32
        %dma_wait3A_119 = tpu.memref_slice %arg7[%add3A_44, %dma_wait3A_118] : memref<176x128xi32, #tpu.memory_space<vmem>> -> memref<1x128xi32, #tpu.memory_space<vmem>>
        %dma_wait3A_120 = tpu.memref_squeeze %dma_wait3A_119 : memref<1x128xi32, #tpu.memory_space<vmem>> -> memref<128xi32, #tpu.memory_space<vmem>>
        %dma_wait3A_121 = arith.constant 0 : i32
        %dma_wait3A_122 = arith.constant 0 : i32
        %dma_wait3A_123 = tpu.memref_slice %arg12[%dma_wait3A_121, %dma_wait3A_122] : memref<10112x64xf32, #tpu.memory_space<vmem_shared>> -> memref<10112x64xf32, #tpu.memory_space<vmem_shared>>
        tpu.wait_indirect_dma semaphore(%run_scoped3A : memref<!tpu.dma_semaphore, #tpu.memory_space<semaphore_mem>>) src(%arg8 : memref<128x64xf32, #tpu.memory_space<vmem>>) dst(%dma_wait3A_123 : memref<10112x64xf32, #tpu.memory_space<vmem_shared>>)
        tpu.yield
      }) : () -> ()
      %add3A_50 = arith.constant 4 : i32
      %add3A_51 = arith.addi %add3A_44, %add3A_50 : i32
      %sub3A = arith.constant 1 : i32
      %sub3A_52 = arith.subi %add3A_51, %sub3A : i32
      %lt3A = arith.constant 176 : i32
      %lt3A_53 = arith.cmpi slt, %sub3A_52, %lt3A : i32
      %convert_element_type3A = arith.extui %lt3A_53 : i1 to i32
      %cond3A = arith.constant 0 : i32
      %cond3A_54 = arith.cmpi ne, %convert_element_type3A, %cond3A : i32
      scf.if %cond3A_54 {
        %dma_start3A_112 = arith.constant 0 : i32
        %dma_start3A_113 = tpu.memref_slice %arg6[%sub3A_52, %dma_start3A_112] : memref<176x128xi32, #tpu.memory_space<vmem>> -> memref<1x128xi32, #tpu.memory_space<vmem>>
        %dma_start3A_114 = tpu.memref_squeeze %dma_start3A_113 : memref<1x128xi32, #tpu.memory_space<vmem>> -> memref<128xi32, #tpu.memory_space<vmem>>
        %dma_start3A_115 = arith.constant 0 : i32
        %dma_start3A_116 = arith.constant 0 : i32
        %dma_start3A_117 = tpu.memref_slice %arg2[%dma_start3A_115, %dma_start3A_116] : memref<10000x64xf32, #tpu.memory_space<hbm>> -> memref<10000x64xf32, #tpu.memory_space<hbm>>
        tpu.enqueue_indirect_dma source(%dma_start3A_117 : memref<10000x64xf32, #tpu.memory_space<hbm>>) target(%arg11 : memref<128x64xf32, #tpu.memory_space<vmem>>) offsets(%dma_start3A_114 : memref<128xi32, #tpu.memory_space<vmem>>) semaphore(%arg16 : memref<!tpu.dma_semaphore, #tpu.memory_space<semaphore_mem>>)
      } else {
      }
      %mul3A_55 = arith.constant 4 : i32
      %mul3A_56 = arith.muli %scan3A_40, %mul3A_55 : i32
      %add3A_57 = arith.constant 1 : i32
      %add3A_58 = arith.addi %mul3A_56, %add3A_57 : i32
      %dma_wait3A_59 = arith.constant 0 : i32
      %dma_wait3A_60 = tpu.memref_slice %arg6[%add3A_58, %dma_wait3A_59] : memref<176x128xi32, #tpu.memory_space<vmem>> -> memref<1x128xi32, #tpu.memory_space<vmem>>
      %dma_wait3A_61 = tpu.memref_squeeze %dma_wait3A_60 : memref<1x128xi32, #tpu.memory_space<vmem>> -> memref<128xi32, #tpu.memory_space<vmem>>
      %dma_wait3A_62 = arith.constant 0 : i32
      %dma_wait3A_63 = arith.constant 0 : i32
      %dma_wait3A_64 = tpu.memref_slice %arg2[%dma_wait3A_62, %dma_wait3A_63] : memref<10000x64xf32, #tpu.memory_space<hbm>> -> memref<10000x64xf32, #tpu.memory_space<hbm>>
      tpu.wait_indirect_dma semaphore(%arg14 : memref<!tpu.dma_semaphore, #tpu.memory_space<semaphore_mem>>) src(%dma_wait3A_64 : memref<10000x64xf32, #tpu.memory_space<hbm>>) dst(%arg9 : memref<128x64xf32, #tpu.memory_space<vmem>>)
      "tpu.region"() ({
        %run_scoped3A = tpu.sem_alloc : memref<!tpu.dma_semaphore, #tpu.memory_space<semaphore_mem>>
        %dma_start3A_112 = arith.constant 0 : i32
        %dma_start3A_113 = tpu.memref_slice %arg7[%add3A_58, %dma_start3A_112] : memref<176x128xi32, #tpu.memory_space<vmem>> -> memref<1x128xi32, #tpu.memory_space<vmem>>
        %dma_start3A_114 = tpu.memref_squeeze %dma_start3A_113 : memref<1x128xi32, #tpu.memory_space<vmem>> -> memref<128xi32, #tpu.memory_space<vmem>>
        %dma_start3A_115 = arith.constant 0 : i32
        %dma_start3A_116 = arith.constant 0 : i32
        %dma_start3A_117 = tpu.memref_slice %arg12[%dma_start3A_115, %dma_start3A_116] : memref<10112x64xf32, #tpu.memory_space<vmem_shared>> -> memref<10112x64xf32, #tpu.memory_space<vmem_shared>>
        tpu.enqueue_indirect_dma source(%arg9 : memref<128x64xf32, #tpu.memory_space<vmem>>) target(%dma_start3A_117 : memref<10112x64xf32, #tpu.memory_space<vmem_shared>>) offsets(%dma_start3A_114 : memref<128xi32, #tpu.memory_space<vmem>>) semaphore(%run_scoped3A : memref<!tpu.dma_semaphore, #tpu.memory_space<semaphore_mem>>) {add = true}
        %dma_wait3A_118 = arith.constant 0 : i32
        %dma_wait3A_119 = tpu.memref_slice %arg7[%add3A_58, %dma_wait3A_118] : memref<176x128xi32, #tpu.memory_space<vmem>> -> memref<1x128xi32, #tpu.memory_space<vmem>>
        %dma_wait3A_120 = tpu.memref_squeeze %dma_wait3A_119 : memref<1x128xi32, #tpu.memory_space<vmem>> -> memref<128xi32, #tpu.memory_space<vmem>>
        %dma_wait3A_121 = arith.constant 0 : i32
        %dma_wait3A_122 = arith.constant 0 : i32
        %dma_wait3A_123 = tpu.memref_slice %arg12[%dma_wait3A_121, %dma_wait3A_122] : memref<10112x64xf32, #tpu.memory_space<vmem_shared>> -> memref<10112x64xf32, #tpu.memory_space<vmem_shared>>
        tpu.wait_indirect_dma semaphore(%run_scoped3A : memref<!tpu.dma_semaphore, #tpu.memory_space<semaphore_mem>>) src(%arg9 : memref<128x64xf32, #tpu.memory_space<vmem>>) dst(%dma_wait3A_123 : memref<10112x64xf32, #tpu.memory_space<vmem_shared>>)
        tpu.yield
      }) : () -> ()
      %add3A_65 = arith.constant 4 : i32
      %add3A_66 = arith.addi %add3A_58, %add3A_65 : i32
      %sub3A_67 = arith.constant 1 : i32
      %sub3A_68 = arith.subi %add3A_66, %sub3A_67 : i32
      %lt3A_69 = arith.constant 176 : i32
      %lt3A_70 = arith.cmpi slt, %sub3A_68, %lt3A_69 : i32
      %convert_element_type3A_71 = arith.extui %lt3A_70 : i1 to i32
      %cond3A_72 = arith.constant 0 : i32
      %cond3A_73 = arith.cmpi ne, %convert_element_type3A_71, %cond3A_72 : i32
      scf.if %cond3A_73 {
        %dma_start3A_112 = arith.constant 0 : i32
        %dma_start3A_113 = tpu.memref_slice %arg6[%sub3A_68, %dma_start3A_112] : memref<176x128xi32, #tpu.memory_space<vmem>> -> memref<1x128xi32, #tpu.memory_space<vmem>>
        %dma_start3A_114 = tpu.memref_squeeze %dma_start3A_113 : memref<1x128xi32, #tpu.memory_space<vmem>> -> memref<128xi32, #tpu.memory_space<vmem>>
        %dma_start3A_115 = arith.constant 0 : i32
        %dma_start3A_116 = arith.constant 0 : i32
        %dma_start3A_117 = tpu.memref_slice %arg2[%dma_start3A_115, %dma_start3A_116] : memref<10000x64xf32, #tpu.memory_space<hbm>> -> memref<10000x64xf32, #tpu.memory_space<hbm>>
        tpu.enqueue_indirect_dma source(%dma_start3A_117 : memref<10000x64xf32, #tpu.memory_space<hbm>>) target(%arg8 : memref<128x64xf32, #tpu.memory_space<vmem>>) offsets(%dma_start3A_114 : memref<128xi32, #tpu.memory_space<vmem>>) semaphore(%arg13 : memref<!tpu.dma_semaphore, #tpu.memory_space<semaphore_mem>>)
      } else {
      }
      %mul3A_74 = arith.constant 4 : i32
      %mul3A_75 = arith.muli %scan3A_40, %mul3A_74 : i32
      %add3A_76 = arith.constant 2 : i32
      %add3A_77 = arith.addi %mul3A_75, %add3A_76 : i32
      %dma_wait3A_78 = arith.constant 0 : i32
      %dma_wait3A_79 = tpu.memref_slice %arg6[%add3A_77, %dma_wait3A_78] : memref<176x128xi32, #tpu.memory_space<vmem>> -> memref<1x128xi32, #tpu.memory_space<vmem>>
      %dma_wait3A_80 = tpu.memref_squeeze %dma_wait3A_79 : memref<1x128xi32, #tpu.memory_space<vmem>> -> memref<128xi32, #tpu.memory_space<vmem>>
      %dma_wait3A_81 = arith.constant 0 : i32
      %dma_wait3A_82 = arith.constant 0 : i32
      %dma_wait3A_83 = tpu.memref_slice %arg2[%dma_wait3A_81, %dma_wait3A_82] : memref<10000x64xf32, #tpu.memory_space<hbm>> -> memref<10000x64xf32, #tpu.memory_space<hbm>>
      tpu.wait_indirect_dma semaphore(%arg15 : memref<!tpu.dma_semaphore, #tpu.memory_space<semaphore_mem>>) src(%dma_wait3A_83 : memref<10000x64xf32, #tpu.memory_space<hbm>>) dst(%arg10 : memref<128x64xf32, #tpu.memory_space<vmem>>)
      "tpu.region"() ({
        %run_scoped3A = tpu.sem_alloc : memref<!tpu.dma_semaphore, #tpu.memory_space<semaphore_mem>>
        %dma_start3A_112 = arith.constant 0 : i32
        %dma_start3A_113 = tpu.memref_slice %arg7[%add3A_77, %dma_start3A_112] : memref<176x128xi32, #tpu.memory_space<vmem>> -> memref<1x128xi32, #tpu.memory_space<vmem>>
        %dma_start3A_114 = tpu.memref_squeeze %dma_start3A_113 : memref<1x128xi32, #tpu.memory_space<vmem>> -> memref<128xi32, #tpu.memory_space<vmem>>
        %dma_start3A_115 = arith.constant 0 : i32
        %dma_start3A_116 = arith.constant 0 : i32
        %dma_start3A_117 = tpu.memref_slice %arg12[%dma_start3A_115, %dma_start3A_116] : memref<10112x64xf32, #tpu.memory_space<vmem_shared>> -> memref<10112x64xf32, #tpu.memory_space<vmem_shared>>
        tpu.enqueue_indirect_dma source(%arg10 : memref<128x64xf32, #tpu.memory_space<vmem>>) target(%dma_start3A_117 : memref<10112x64xf32, #tpu.memory_space<vmem_shared>>) offsets(%dma_start3A_114 : memref<128xi32, #tpu.memory_space<vmem>>) semaphore(%run_scoped3A : memref<!tpu.dma_semaphore, #tpu.memory_space<semaphore_mem>>) {add = true}
        %dma_wait3A_118 = arith.constant 0 : i32
        %dma_wait3A_119 = tpu.memref_slice %arg7[%add3A_77, %dma_wait3A_118] : memref<176x128xi32, #tpu.memory_space<vmem>> -> memref<1x128xi32, #tpu.memory_space<vmem>>
        %dma_wait3A_120 = tpu.memref_squeeze %dma_wait3A_119 : memref<1x128xi32, #tpu.memory_space<vmem>> -> memref<128xi32, #tpu.memory_space<vmem>>
        %dma_wait3A_121 = arith.constant 0 : i32
        %dma_wait3A_122 = arith.constant 0 : i32
        %dma_wait3A_123 = tpu.memref_slice %arg12[%dma_wait3A_121, %dma_wait3A_122] : memref<10112x64xf32, #tpu.memory_space<vmem_shared>> -> memref<10112x64xf32, #tpu.memory_space<vmem_shared>>
        tpu.wait_indirect_dma semaphore(%run_scoped3A : memref<!tpu.dma_semaphore, #tpu.memory_space<semaphore_mem>>) src(%arg10 : memref<128x64xf32, #tpu.memory_space<vmem>>) dst(%dma_wait3A_123 : memref<10112x64xf32, #tpu.memory_space<vmem_shared>>)
        tpu.yield
      }) : () -> ()
      %add3A_84 = arith.constant 4 : i32
      %add3A_85 = arith.addi %add3A_77, %add3A_84 : i32
      %sub3A_86 = arith.constant 1 : i32
      %sub3A_87 = arith.subi %add3A_85, %sub3A_86 : i32
      %lt3A_88 = arith.constant 176 : i32
      %lt3A_89 = arith.cmpi slt, %sub3A_87, %lt3A_88 : i32
      %convert_element_type3A_90 = arith.extui %lt3A_89 : i1 to i32
      %cond3A_91 = arith.constant 0 : i32
      %cond3A_92 = arith.cmpi ne, %convert_element_type3A_90, %cond3A_91 : i32
      scf.if %cond3A_92 {
        %dma_start3A_112 = arith.constant 0 : i32
        %dma_start3A_113 = tpu.memref_slice %arg6[%sub3A_87, %dma_start3A_112] : memref<176x128xi32, #tpu.memory_space<vmem>> -> memref<1x128xi32, #tpu.memory_space<vmem>>
        %dma_start3A_114 = tpu.memref_squeeze %dma_start3A_113 : memref<1x128xi32, #tpu.memory_space<vmem>> -> memref<128xi32, #tpu.memory_space<vmem>>
        %dma_start3A_115 = arith.constant 0 : i32
        %dma_start3A_116 = arith.constant 0 : i32
        %dma_start3A_117 = tpu.memref_slice %arg2[%dma_start3A_115, %dma_start3A_116] : memref<10000x64xf32, #tpu.memory_space<hbm>> -> memref<10000x64xf32, #tpu.memory_space<hbm>>
        tpu.enqueue_indirect_dma source(%dma_start3A_117 : memref<10000x64xf32, #tpu.memory_space<hbm>>) target(%arg9 : memref<128x64xf32, #tpu.memory_space<vmem>>) offsets(%dma_start3A_114 : memref<128xi32, #tpu.memory_space<vmem>>) semaphore(%arg14 : memref<!tpu.dma_semaphore, #tpu.memory_space<semaphore_mem>>)
      } else {
      }
      %mul3A_93 = arith.constant 4 : i32
      %mul3A_94 = arith.muli %scan3A_40, %mul3A_93 : i32
      %add3A_95 = arith.constant 3 : i32
      %add3A_96 = arith.addi %mul3A_94, %add3A_95 : i32
      %dma_wait3A_97 = arith.constant 0 : i32
      %dma_wait3A_98 = tpu.memref_slice %arg6[%add3A_96, %dma_wait3A_97] : memref<176x128xi32, #tpu.memory_space<vmem>> -> memref<1x128xi32, #tpu.memory_space<vmem>>
      %dma_wait3A_99 = tpu.memref_squeeze %dma_wait3A_98 : memref<1x128xi32, #tpu.memory_space<vmem>> -> memref<128xi32, #tpu.memory_space<vmem>>
      %dma_wait3A_100 = arith.constant 0 : i32
      %dma_wait3A_101 = arith.constant 0 : i32
      %dma_wait3A_102 = tpu.memref_slice %arg2[%dma_wait3A_100, %dma_wait3A_101] : memref<10000x64xf32, #tpu.memory_space<hbm>> -> memref<10000x64xf32, #tpu.memory_space<hbm>>
      tpu.wait_indirect_dma semaphore(%arg16 : memref<!tpu.dma_semaphore, #tpu.memory_space<semaphore_mem>>) src(%dma_wait3A_102 : memref<10000x64xf32, #tpu.memory_space<hbm>>) dst(%arg11 : memref<128x64xf32, #tpu.memory_space<vmem>>)
      "tpu.region"() ({
        %run_scoped3A = tpu.sem_alloc : memref<!tpu.dma_semaphore, #tpu.memory_space<semaphore_mem>>
        %dma_start3A_112 = arith.constant 0 : i32
        %dma_start3A_113 = tpu.memref_slice %arg7[%add3A_96, %dma_start3A_112] : memref<176x128xi32, #tpu.memory_space<vmem>> -> memref<1x128xi32, #tpu.memory_space<vmem>>
        %dma_start3A_114 = tpu.memref_squeeze %dma_start3A_113 : memref<1x128xi32, #tpu.memory_space<vmem>> -> memref<128xi32, #tpu.memory_space<vmem>>
        %dma_start3A_115 = arith.constant 0 : i32
        %dma_start3A_116 = arith.constant 0 : i32
        %dma_start3A_117 = tpu.memref_slice %arg12[%dma_start3A_115, %dma_start3A_116] : memref<10112x64xf32, #tpu.memory_space<vmem_shared>> -> memref<10112x64xf32, #tpu.memory_space<vmem_shared>>
        tpu.enqueue_indirect_dma source(%arg11 : memref<128x64xf32, #tpu.memory_space<vmem>>) target(%dma_start3A_117 : memref<10112x64xf32, #tpu.memory_space<vmem_shared>>) offsets(%dma_start3A_114 : memref<128xi32, #tpu.memory_space<vmem>>) semaphore(%run_scoped3A : memref<!tpu.dma_semaphore, #tpu.memory_space<semaphore_mem>>) {add = true}
        %dma_wait3A_118 = arith.constant 0 : i32
        %dma_wait3A_119 = tpu.memref_slice %arg7[%add3A_96, %dma_wait3A_118] : memref<176x128xi32, #tpu.memory_space<vmem>> -> memref<1x128xi32, #tpu.memory_space<vmem>>
        %dma_wait3A_120 = tpu.memref_squeeze %dma_wait3A_119 : memref<1x128xi32, #tpu.memory_space<vmem>> -> memref<128xi32, #tpu.memory_space<vmem>>
        %dma_wait3A_121 = arith.constant 0 : i32
        %dma_wait3A_122 = arith.constant 0 : i32
        %dma_wait3A_123 = tpu.memref_slice %arg12[%dma_wait3A_121, %dma_wait3A_122] : memref<10112x64xf32, #tpu.memory_space<vmem_shared>> -> memref<10112x64xf32, #tpu.memory_space<vmem_shared>>
        tpu.wait_indirect_dma semaphore(%run_scoped3A : memref<!tpu.dma_semaphore, #tpu.memory_space<semaphore_mem>>) src(%arg11 : memref<128x64xf32, #tpu.memory_space<vmem>>) dst(%dma_wait3A_123 : memref<10112x64xf32, #tpu.memory_space<vmem_shared>>)
        tpu.yield
      }) : () -> ()
      %add3A_103 = arith.constant 4 : i32
      %add3A_104 = arith.addi %add3A_96, %add3A_103 : i32
      %sub3A_105 = arith.constant 1 : i32
      %sub3A_106 = arith.subi %add3A_104, %sub3A_105 : i32
      %lt3A_107 = arith.constant 176 : i32
      %lt3A_108 = arith.cmpi slt, %sub3A_106, %lt3A_107 : i32
      %convert_element_type3A_109 = arith.extui %lt3A_108 : i1 to i32
      %cond3A_110 = arith.constant 0 : i32
      %cond3A_111 = arith.cmpi ne, %convert_element_type3A_109, %cond3A_110 : i32
      scf.if %cond3A_111 {
        %dma_start3A_112 = arith.constant 0 : i32
        %dma_start3A_113 = tpu.memref_slice %arg6[%sub3A_106, %dma_start3A_112] : memref<176x128xi32, #tpu.memory_space<vmem>> -> memref<1x128xi32, #tpu.memory_space<vmem>>
        %dma_start3A_114 = tpu.memref_squeeze %dma_start3A_113 : memref<1x128xi32, #tpu.memory_space<vmem>> -> memref<128xi32, #tpu.memory_space<vmem>>
        %dma_start3A_115 = arith.constant 0 : i32
        %dma_start3A_116 = arith.constant 0 : i32
        %dma_start3A_117 = tpu.memref_slice %arg2[%dma_start3A_115, %dma_start3A_116] : memref<10000x64xf32, #tpu.memory_space<hbm>> -> memref<10000x64xf32, #tpu.memory_space<hbm>>
        tpu.enqueue_indirect_dma source(%dma_start3A_117 : memref<10000x64xf32, #tpu.memory_space<hbm>>) target(%arg10 : memref<128x64xf32, #tpu.memory_space<vmem>>) offsets(%dma_start3A_114 : memref<128xi32, #tpu.memory_space<vmem>>) semaphore(%arg15 : memref<!tpu.dma_semaphore, #tpu.memory_space<semaphore_mem>>)
      } else {
      }
    }
    %scan3A_39 = arith.constant 44 : i32
    "tpu.region"() ({
      %run_scoped3A = tpu.sem_alloc : memref<!tpu.dma_semaphore, #tpu.memory_space<semaphore_mem>>
      %dma_start3A_40 = arith.constant 0 : i32
      %dma_start3A_41 = tpu.memref_slice %arg5[%mul3A_7, %dma_start3A_40] : memref<10112x64xf32, #tpu.memory_space<hbm>> -> memref<313x64xf32, #tpu.memory_space<hbm>>
      %dma_start3A_42 = arith.constant 0 : i32
      %dma_start3A_43 = tpu.memref_slice %arg12[%mul3A_7, %dma_start3A_42] : memref<10112x64xf32, #tpu.memory_space<vmem_shared>> -> memref<313x64xf32, #tpu.memory_space<vmem_shared>>
      tpu.enqueue_dma source(%dma_start3A_43 : memref<313x64xf32, #tpu.memory_space<vmem_shared>>) target(%dma_start3A_41 : memref<313x64xf32, #tpu.memory_space<hbm>>) target_semaphore(%run_scoped3A : memref<!tpu.dma_semaphore, #tpu.memory_space<semaphore_mem>>)
      %dma_wait3A = arith.constant 0 : i32
      %dma_wait3A_44 = tpu.memref_slice %arg5[%mul3A_7, %dma_wait3A] : memref<10112x64xf32, #tpu.memory_space<hbm>> -> memref<313x64xf32, #tpu.memory_space<hbm>>
      %dma_wait3A_45 = arith.constant 0 : i32
      %dma_wait3A_46 = tpu.memref_slice %arg12[%mul3A_7, %dma_wait3A_45] : memref<10112x64xf32, #tpu.memory_space<vmem_shared>> -> memref<313x64xf32, #tpu.memory_space<vmem_shared>>
      tpu.wait_dma2 semaphore(%run_scoped3A : memref<!tpu.dma_semaphore, #tpu.memory_space<semaphore_mem>>) src(%dma_wait3A_46 : memref<313x64xf32, #tpu.memory_space<vmem_shared>>) dst(%dma_wait3A_44 : memref<313x64xf32, #tpu.memory_space<hbm>>)
      tpu.yield
    }) : () -> ()
    return
  }
}

module attributes {stable_mosaic.version = 14 : i64} {
  func.func @_embed_body(%arg0: i32, %arg1: memref<1000x128xf32, #tpu.memory_space<vmem>>, %arg2: memref<1000x1xf32, #tpu.memory_space<vmem>>, %arg3: memref<1x128xf32, #tpu.memory_space<vmem>>, %arg4: memref<128x64xf32, #tpu.memory_space<vmem>>, %arg5: memref<1x64xf32, #tpu.memory_space<vmem>>, %arg6: memref<1000x64xf32, #tpu.memory_space<vmem>>) attributes {dimension_semantics = [#tpu.dimension_semantics<arbitrary>], iteration_bounds = array<i64: 10>, scalar_prefetch = 0 : i64, scratch_operands = 0 : i64, tpu.core_type = #tpu.core_type<tc>, window_params = [{transform_indices = @transform_0, window_bounds = array<i64: 1000, 128>}, {transform_indices = @transform_1, window_bounds = array<i64: 1000, 1>}, {pipeline_mode = #tpu.pipeline_mode<synchronous>, transform_indices = @transform_2, window_bounds = array<i64: 1, 128>}, {pipeline_mode = #tpu.pipeline_mode<synchronous>, transform_indices = @transform_3, window_bounds = array<i64: 128, 64>}, {pipeline_mode = #tpu.pipeline_mode<synchronous>, transform_indices = @transform_4, window_bounds = array<i64: 1, 64>}, {transform_indices = @transform_5, window_bounds = array<i64: 1000, 64>}]} {
    %get3A = arith.constant 0 : index
    %get3A_0 = arith.constant 0 : index
    %get3A_1 = vector.load %arg2[%get3A, %get3A_0] : memref<1000x1xf32, #tpu.memory_space<vmem>>, vector<1000x1xf32>
    %get3A_2 = arith.constant 0 : index
    %get3A_3 = arith.constant 0 : index
    %get3A_4 = vector.load %arg1[%get3A_2, %get3A_3] : memref<1000x128xf32, #tpu.memory_space<vmem>>, vector<1000x128xf32>
    %sub3A = arith.constant 1.000000e+00 : f32
    %sub3A_5 = vector.broadcast %sub3A : f32 to vector<1000x1xf32>
    %sub3A_6 = arith.subf %sub3A_5, %get3A_1 : vector<1000x1xf32>
    %mul3A = vector.broadcast %sub3A_6 : vector<1000x1xf32> to vector<1000x128xf32>
    %mul3A_7 = arith.mulf %get3A_4, %mul3A : vector<1000x128xf32>
    %get3A_8 = arith.constant 0 : index
    %get3A_9 = arith.constant 0 : index
    %get3A_10 = vector.load %arg3[%get3A_8, %get3A_9] : memref<1x128xf32, #tpu.memory_space<vmem>>, vector<1x128xf32>
    %mul3A_11 = vector.broadcast %get3A_10 : vector<1x128xf32> to vector<1000x128xf32>
    %mul3A_12 = vector.broadcast %get3A_1 : vector<1000x1xf32> to vector<1000x128xf32>
    %mul3A_13 = arith.mulf %mul3A_11, %mul3A_12 : vector<1000x128xf32>
    %add3A = arith.addf %mul3A_7, %mul3A_13 : vector<1000x128xf32>
    %get3A_14 = arith.constant 0 : index
    %get3A_15 = arith.constant 0 : index
    %get3A_16 = vector.load %arg4[%get3A_14, %get3A_15] : memref<128x64xf32, #tpu.memory_space<vmem>>, vector<128x64xf32>
    %dot_general3A = arith.constant dense<0.000000e+00> : vector<1000x64xf32>
    %dot_general3A_17 = tpu.matmul %add3A, %get3A_16, %dot_general3A {dimension_numbers = #tpu.dot_dimension_numbers<[1], [0], [0], [1], [0, 0, 1, 1], [], []>, transpose_lhs_hint = false} : vector<1000x128xf32>, vector<128x64xf32>, vector<1000x64xf32> -> vector<1000x64xf32>
    %get3A_18 = arith.constant 0 : index
    %get3A_19 = arith.constant 0 : index
    %get3A_20 = vector.load %arg5[%get3A_18, %get3A_19] : memref<1x64xf32, #tpu.memory_space<vmem>>, vector<1x64xf32>
    %add3A_21 = vector.broadcast %get3A_20 : vector<1x64xf32> to vector<1000x64xf32>
    %add3A_22 = arith.addf %dot_general3A_17, %add3A_21 : vector<1000x64xf32>
    %swap3A = arith.constant 0 : index
    %swap3A_23 = arith.constant 0 : index
    %swap3A_24 = vector.load %arg6[%swap3A, %swap3A_23] : memref<1000x64xf32, #tpu.memory_space<vmem>>, vector<1000x64xf32>
    tpu.vector_store %arg6[%swap3A, %swap3A_23], %add3A_22 {strides = array<i32>} : memref<1000x64xf32, #tpu.memory_space<vmem>>, vector<1000x64xf32>,
    return
  }
  func.func @transform_0(%arg0: i32) -> (i32, i32) {
    %c0_i32 = arith.constant 0 : i32
    %c0_i32_0 = arith.constant 0 : i32
    return %arg0, %c0_i32 : i32, i32
  }
  func.func @transform_1(%arg0: i32) -> (i32, i32) {
    %c0_i32 = arith.constant 0 : i32
    %c0_i32_0 = arith.constant 0 : i32
    return %arg0, %c0_i32 : i32, i32
  }
  func.func @transform_2(%arg0: i32) -> (i32, i32) {
    %c0_i32 = arith.constant 0 : i32
    %c0_i32_0 = arith.constant 0 : i32
    %c0_i32_1 = arith.constant 0 : i32
    return %c0_i32, %c0_i32_0 : i32, i32
  }
  func.func @transform_3(%arg0: i32) -> (i32, i32) {
    %c0_i32 = arith.constant 0 : i32
    %c0_i32_0 = arith.constant 0 : i32
    %c0_i32_1 = arith.constant 0 : i32
    return %c0_i32, %c0_i32_0 : i32, i32
  }
  func.func @transform_4(%arg0: i32) -> (i32, i32) {
    %c0_i32 = arith.constant 0 : i32
    %c0_i32_0 = arith.constant 0 : i32
    %c0_i32_1 = arith.constant 0 : i32
    return %c0_i32, %c0_i32_0 : i32, i32
  }
  func.func @transform_5(%arg0: i32) -> (i32, i32) {
    %c0_i32 = arith.constant 0 : i32
    %c0_i32_0 = arith.constant 0 : i32
    return %arg0, %c0_i32 : i32, i32
  }
}

module attributes {stable_mosaic.version = 14 : i64} {
  func.func @_layer_a_body(%arg0: i32, %arg1: memref<1000x64xf32, #tpu.memory_space<vmem>>, %arg2: memref<1000x64xf32, #tpu.memory_space<vmem>>, %arg3: memref<64x128xf32, #tpu.memory_space<vmem>>, %arg4: memref<1x128xf32, #tpu.memory_space<vmem>>, %arg5: memref<128x64xf32, #tpu.memory_space<vmem>>, %arg6: memref<1x64xf32, #tpu.memory_space<vmem>>, %arg7: memref<1000x64xf32, #tpu.memory_space<vmem>>, %arg8: memref<8x64xf32, #tpu.memory_space<vmem>>, %arg9: memref<8x64xf32, #tpu.memory_space<vmem>>) attributes {dimension_semantics = [#tpu.dimension_semantics<arbitrary>], iteration_bounds = array<i64: 10>, scalar_prefetch = 0 : i64, scratch_operands = 1 : i64, tpu.core_type = #tpu.core_type<tc>, window_params = [{transform_indices = @transform_0, window_bounds = array<i64: 1000, 64>}, {transform_indices = @transform_1, window_bounds = array<i64: 1000, 64>}, {pipeline_mode = #tpu.pipeline_mode<synchronous>, transform_indices = @transform_2, window_bounds = array<i64: 64, 128>}, {pipeline_mode = #tpu.pipeline_mode<synchronous>, transform_indices = @transform_3, window_bounds = array<i64: 1, 128>}, {pipeline_mode = #tpu.pipeline_mode<synchronous>, transform_indices = @transform_4, window_bounds = array<i64: 128, 64>}, {pipeline_mode = #tpu.pipeline_mode<synchronous>, transform_indices = @transform_5, window_bounds = array<i64: 1, 64>}, {transform_indices = @transform_6, window_bounds = array<i64: 1000, 64>}, {pipeline_mode = #tpu.pipeline_mode<synchronous>, transform_indices = @transform_7, window_bounds = array<i64: 8, 64>}]} {
    %get3A = arith.constant 0 : index
    %get3A_0 = arith.constant 0 : index
    %get3A_1 = vector.load %arg1[%get3A, %get3A_0] : memref<1000x64xf32, #tpu.memory_space<vmem>>, vector<1000x64xf32>
    %get3A_2 = arith.constant 0 : index
    %get3A_3 = arith.constant 0 : index
    %get3A_4 = vector.load %arg2[%get3A_2, %get3A_3] : memref<1000x64xf32, #tpu.memory_space<vmem>>, vector<1000x64xf32>
    %add3A = arith.addf %get3A_1, %get3A_4 : vector<1000x64xf32>
    %get3A_5 = arith.constant 0 : index
    %get3A_6 = arith.constant 0 : index
    %get3A_7 = vector.load %arg3[%get3A_5, %get3A_6] : memref<64x128xf32, #tpu.memory_space<vmem>>, vector<64x128xf32>
    %dot_general3A = arith.constant dense<0.000000e+00> : vector<1000x128xf32>
    %dot_general3A_8 = tpu.matmul %add3A, %get3A_7, %dot_general3A {dimension_numbers = #tpu.dot_dimension_numbers<[1], [0], [0], [1], [0, 0, 1, 1], [], []>, transpose_lhs_hint = false} : vector<1000x64xf32>, vector<64x128xf32>, vector<1000x128xf32> -> vector<1000x128xf32>
    %get3A_9 = arith.constant 0 : index
    %get3A_10 = arith.constant 0 : index
    %get3A_11 = vector.load %arg4[%get3A_9, %get3A_10] : memref<1x128xf32, #tpu.memory_space<vmem>>, vector<1x128xf32>
    %add3A_12 = vector.broadcast %get3A_11 : vector<1x128xf32> to vector<1000x128xf32>
    %add3A_13 = arith.addf %dot_general3A_8, %add3A_12 : vector<1000x128xf32>
    %max3A = arith.constant 0.000000e+00 : f32
    %max3A_14 = vector.broadcast %max3A : f32 to vector<1000x128xf32>
    %max3A_15 = arith.maximumf %add3A_13, %max3A_14 : vector<1000x128xf32>
    %get3A_16 = arith.constant 0 : index
    %get3A_17 = arith.constant 0 : index
    %get3A_18 = vector.load %arg5[%get3A_16, %get3A_17] : memref<128x64xf32, #tpu.memory_space<vmem>>, vector<128x64xf32>
    %dot_general3A_19 = arith.constant dense<0.000000e+00> : vector<1000x64xf32>
    %dot_general3A_20 = tpu.matmul %max3A_15, %get3A_18, %dot_general3A_19 {dimension_numbers = #tpu.dot_dimension_numbers<[1], [0], [0], [1], [0, 0, 1, 1], [], []>, transpose_lhs_hint = false} : vector<1000x128xf32>, vector<128x64xf32>, vector<1000x64xf32> -> vector<1000x64xf32>
    %get3A_21 = arith.constant 0 : index
    %get3A_22 = arith.constant 0 : index
    %get3A_23 = vector.load %arg6[%get3A_21, %get3A_22] : memref<1x64xf32, #tpu.memory_space<vmem>>, vector<1x64xf32>
    %add3A_24 = vector.broadcast %get3A_23 : vector<1x64xf32> to vector<1000x64xf32>
    %add3A_25 = arith.addf %dot_general3A_20, %add3A_24 : vector<1000x64xf32>
    %swap3A = arith.constant 0 : index
    %swap3A_26 = arith.constant 0 : index
    %swap3A_27 = vector.load %arg7[%swap3A, %swap3A_26] : memref<1000x64xf32, #tpu.memory_space<vmem>>, vector<1000x64xf32>
    tpu.vector_store %arg7[%swap3A, %swap3A_26], %add3A_25 {strides = array<i32>} : memref<1000x64xf32, #tpu.memory_space<vmem>>, vector<1000x64xf32>,
    %eq3A = arith.constant 0 : i32
    %eq3A_28 = arith.cmpi eq, %arg0, %eq3A : i32
    %convert_element_type3A = arith.extui %eq3A_28 : i1 to i32
    %cond3A = arith.constant 0 : i32
    %cond3A_29 = arith.cmpi ne, %convert_element_type3A, %cond3A : i32
    scf.if %cond3A_29 {
      %broadcast_in_dim3A = arith.constant 0.000000e+00 : f32
      %broadcast_in_dim3A_43 = vector.broadcast %broadcast_in_dim3A : f32 to vector<8x64xf32>
      %swap3A_44 = arith.constant 0 : index
      %swap3A_45 = arith.constant 0 : index
      %swap3A_46 = vector.load %arg9[%swap3A_44, %swap3A_45] : memref<8x64xf32, #tpu.memory_space<vmem>>, vector<8x64xf32>
      tpu.vector_store %arg9[%swap3A_44, %swap3A_45], %broadcast_in_dim3A_43 {strides = array<i32>} : memref<8x64xf32, #tpu.memory_space<vmem>>, vector<8x64xf32>,
    } else {
    }
    %get3A_30 = arith.constant 0 : index
    %get3A_31 = arith.constant 0 : index
    %get3A_32 = vector.load %arg9[%get3A_30, %get3A_31] : memref<8x64xf32, #tpu.memory_space<vmem>>, vector<8x64xf32>
    %reshape3A = vector.shape_cast %add3A_25 : vector<1000x64xf32> to vector<125x8x64xf32>
    %reduce_sum3A = arith.constant dense<0.000000e+00> : vector<8x64xf32>
    %reduce_sum3A_33 = vector.multi_reduction <add>, %reshape3A, %reduce_sum3A [0] : vector<125x8x64xf32> to vector<8x64xf32>
    %add3A_34 = arith.addf %get3A_32, %reduce_sum3A_33 : vector<8x64xf32>
    %swap3A_35 = arith.constant 0 : index
    %swap3A_36 = arith.constant 0 : index
    %swap3A_37 = vector.load %arg9[%swap3A_35, %swap3A_36] : memref<8x64xf32, #tpu.memory_space<vmem>>, vector<8x64xf32>
    tpu.vector_store %arg9[%swap3A_35, %swap3A_36], %add3A_34 {strides = array<i32>} : memref<8x64xf32, #tpu.memory_space<vmem>>, vector<8x64xf32>,
    %eq3A_38 = arith.constant 9 : i32
    %eq3A_39 = arith.cmpi eq, %arg0, %eq3A_38 : i32
    %convert_element_type3A_40 = arith.extui %eq3A_39 : i1 to i32
    %cond3A_41 = arith.constant 0 : i32
    %cond3A_42 = arith.cmpi ne, %convert_element_type3A_40, %cond3A_41 : i32
    scf.if %cond3A_42 {
      %get3A_43 = arith.constant 0 : index
      %get3A_44 = arith.constant 0 : index
      %get3A_45 = vector.load %arg9[%get3A_43, %get3A_44] : memref<8x64xf32, #tpu.memory_space<vmem>>, vector<8x64xf32>
      %swap3A_46 = arith.constant 0 : index
      %swap3A_47 = arith.constant 0 : index
      %swap3A_48 = vector.load %arg8[%swap3A_46, %swap3A_47] : memref<8x64xf32, #tpu.memory_space<vmem>>, vector<8x64xf32>
      tpu.vector_store %arg8[%swap3A_46, %swap3A_47], %get3A_45 {strides = array<i32>} : memref<8x64xf32, #tpu.memory_space<vmem>>, vector<8x64xf32>,
    } else {
    }
    return
  }
  func.func @transform_0(%arg0: i32) -> (i32, i32) {
    %c0_i32 = arith.constant 0 : i32
    %c0_i32_0 = arith.constant 0 : i32
    return %arg0, %c0_i32 : i32, i32
  }
  func.func @transform_1(%arg0: i32) -> (i32, i32) {
    %c0_i32 = arith.constant 0 : i32
    %c0_i32_0 = arith.constant 0 : i32
    return %arg0, %c0_i32 : i32, i32
  }
  func.func @transform_2(%arg0: i32) -> (i32, i32) {
    %c0_i32 = arith.constant 0 : i32
    %c0_i32_0 = arith.constant 0 : i32
    %c0_i32_1 = arith.constant 0 : i32
    return %c0_i32, %c0_i32_0 : i32, i32
  }
  func.func @transform_3(%arg0: i32) -> (i32, i32) {
    %c0_i32 = arith.constant 0 : i32
    %c0_i32_0 = arith.constant 0 : i32
    %c0_i32_1 = arith.constant 0 : i32
    return %c0_i32, %c0_i32_0 : i32, i32
  }
  func.func @transform_4(%arg0: i32) -> (i32, i32) {
    %c0_i32 = arith.constant 0 : i32
    %c0_i32_0 = arith.constant 0 : i32
    %c0_i32_1 = arith.constant 0 : i32
    return %c0_i32, %c0_i32_0 : i32, i32
  }
  func.func @transform_5(%arg0: i32) -> (i32, i32) {
    %c0_i32 = arith.constant 0 : i32
    %c0_i32_0 = arith.constant 0 : i32
    %c0_i32_1 = arith.constant 0 : i32
    return %c0_i32, %c0_i32_0 : i32, i32
  }
  func.func @transform_6(%arg0: i32) -> (i32, i32) {
    %c0_i32 = arith.constant 0 : i32
    %c0_i32_0 = arith.constant 0 : i32
    return %arg0, %c0_i32 : i32, i32
  }
  func.func @transform_7(%arg0: i32) -> (i32, i32) {
    %c0_i32 = arith.constant 0 : i32
    %c0_i32_0 = arith.constant 0 : i32
    %c0_i32_1 = arith.constant 0 : i32
    return %c0_i32, %c0_i32_0 : i32, i32
  }
}

module attributes {stable_mosaic.version = 14 : i64} {
  func.func @_layer_s_body(%arg0: i32, %arg1: memref<1000x64xf32, #tpu.memory_space<vmem>>, %arg2: memref<8x64xf32, #tpu.memory_space<vmem>>, %arg3: memref<2x64xf32, #tpu.memory_space<vmem>>, %arg4: memref<8x64xf32, #tpu.memory_space<vmem>>, %arg5: memref<1x64xf32, #tpu.memory_space<vmem>>) attributes {dimension_semantics = [#tpu.dimension_semantics<arbitrary>], iteration_bounds = array<i64: 10>, scalar_prefetch = 0 : i64, scratch_operands = 2 : i64, tpu.core_type = #tpu.core_type<tc>, window_params = [{transform_indices = @transform_0, window_bounds = array<i64: 1000, 64>}, {pipeline_mode = #tpu.pipeline_mode<synchronous>, transform_indices = @transform_1, window_bounds = array<i64: 8, 64>}, {pipeline_mode = #tpu.pipeline_mode<synchronous>, transform_indices = @transform_2, window_bounds = array<i64: 2, 64>}]} {
    %eq3A = arith.constant 0 : i32
    %eq3A_0 = arith.cmpi eq, %arg0, %eq3A : i32
    %convert_element_type3A = arith.extui %eq3A_0 : i1 to i32
    %cond3A = arith.constant 0 : i32
    %cond3A_1 = arith.cmpi ne, %convert_element_type3A, %cond3A : i32
    scf.if %cond3A_1 {
      %get3A_19 = arith.constant 0 : index
      %get3A_20 = arith.constant 0 : index
      %get3A_21 = vector.load %arg2[%get3A_19, %get3A_20] : memref<8x64xf32, #tpu.memory_space<vmem>>, vector<8x64xf32>
      %reduce_sum3A_22 = arith.constant dense<0.000000e+00> : vector<64xf32>
      %reduce_sum3A_23 = vector.multi_reduction <add>, %get3A_21, %reduce_sum3A_22 [0] : vector<8x64xf32> to vector<64xf32>
      %broadcast_in_dim3A = vector.shape_cast %reduce_sum3A_23 : vector<64xf32> to vector<1x64xf32>
      %div3A = arith.constant 1.000000e+04 : f32
      %div3A_24 = vector.broadcast %div3A : f32 to vector<1x64xf32>
      %div3A_25 = arith.divf %broadcast_in_dim3A, %div3A_24 : vector<1x64xf32>
      %swap3A_26 = arith.constant 0 : index
      %swap3A_27 = arith.constant 0 : index
      %swap3A_28 = vector.load %arg5[%swap3A_26, %swap3A_27] : memref<1x64xf32, #tpu.memory_space<vmem>>, vector<1x64xf32>
      tpu.vector_store %arg5[%swap3A_26, %swap3A_27], %div3A_25 {strides = array<i32>} : memref<1x64xf32, #tpu.memory_space<vmem>>, vector<1x64xf32>,
      %broadcast_in_dim3A_29 = arith.constant 0.000000e+00 : f32
      %broadcast_in_dim3A_30 = vector.broadcast %broadcast_in_dim3A_29 : f32 to vector<8x64xf32>
      %swap3A_31 = arith.constant 0 : index
      %swap3A_32 = arith.constant 0 : index
      %swap3A_33 = vector.load %arg4[%swap3A_31, %swap3A_32] : memref<8x64xf32, #tpu.memory_space<vmem>>, vector<8x64xf32>
      tpu.vector_store %arg4[%swap3A_31, %swap3A_32], %broadcast_in_dim3A_30 {strides = array<i32>} : memref<8x64xf32, #tpu.memory_space<vmem>>, vector<8x64xf32>,
    } else {
    }
    %get3A = arith.constant 0 : index
    %get3A_2 = arith.constant 0 : index
    %get3A_3 = vector.load %arg1[%get3A, %get3A_2] : memref<1000x64xf32, #tpu.memory_space<vmem>>, vector<1000x64xf32>
    %get3A_4 = arith.constant 0 : index
    %get3A_5 = arith.constant 0 : index
    %get3A_6 = vector.load %arg5[%get3A_4, %get3A_5] : memref<1x64xf32, #tpu.memory_space<vmem>>, vector<1x64xf32>
    %sub3A = vector.broadcast %get3A_6 : vector<1x64xf32> to vector<1000x64xf32>
    %sub3A_7 = arith.subf %get3A_3, %sub3A : vector<1000x64xf32>
    %mul3A = arith.mulf %sub3A_7, %sub3A_7 : vector<1000x64xf32>
    %get3A_8 = arith.constant 0 : index
    %get3A_9 = arith.constant 0 : index
    %get3A_10 = vector.load %arg4[%get3A_8, %get3A_9] : memref<8x64xf32, #tpu.memory_space<vmem>>, vector<8x64xf32>
    %reshape3A = vector.shape_cast %mul3A : vector<1000x64xf32> to vector<125x8x64xf32>
    %reduce_sum3A = arith.constant dense<0.000000e+00> : vector<8x64xf32>
    %reduce_sum3A_11 = vector.multi_reduction <add>, %reshape3A, %reduce_sum3A [0] : vector<125x8x64xf32> to vector<8x64xf32>
    %add3A = arith.addf %get3A_10, %reduce_sum3A_11 : vector<8x64xf32>
    %swap3A = arith.constant 0 : index
    %swap3A_12 = arith.constant 0 : index
    %swap3A_13 = vector.load %arg4[%swap3A, %swap3A_12] : memref<8x64xf32, #tpu.memory_space<vmem>>, vector<8x64xf32>
    tpu.vector_store %arg4[%swap3A, %swap3A_12], %add3A {strides = array<i32>} : memref<8x64xf32, #tpu.memory_space<vmem>>, vector<8x64xf32>,
    %eq3A_14 = arith.constant 9 : i32
    %eq3A_15 = arith.cmpi eq, %arg0, %eq3A_14 : i32
    %convert_element_type3A_16 = arith.extui %eq3A_15 : i1 to i32
    %cond3A_17 = arith.constant 0 : i32
    %cond3A_18 = arith.cmpi ne, %convert_element_type3A_16, %cond3A_17 : i32
    scf.if %cond3A_18 {
      %get3A_19 = arith.constant 0 : index
      %get3A_20 = arith.constant 0 : index
      %get3A_21 = vector.load %arg5[%get3A_19, %get3A_20] : memref<1x64xf32, #tpu.memory_space<vmem>>, vector<1x64xf32>
      %get3A_22 = arith.constant 0 : index
      %get3A_23 = arith.constant 0 : index
      %get3A_24 = vector.load %arg4[%get3A_22, %get3A_23] : memref<8x64xf32, #tpu.memory_space<vmem>>, vector<8x64xf32>
      %reduce_sum3A_25 = arith.constant dense<0.000000e+00> : vector<64xf32>
      %reduce_sum3A_26 = vector.multi_reduction <add>, %get3A_24, %reduce_sum3A_25 [0] : vector<8x64xf32> to vector<64xf32>
      %broadcast_in_dim3A = vector.shape_cast %reduce_sum3A_26 : vector<64xf32> to vector<1x64xf32>
      %div3A = arith.constant 1.000000e+04 : f32
      %div3A_27 = vector.broadcast %div3A : f32 to vector<1x64xf32>
      %div3A_28 = arith.divf %broadcast_in_dim3A, %div3A_27 : vector<1x64xf32>
      %concatenate3A = tpu.concatenate %get3A_21, %div3A_28 in 0 : vector<1x64xf32>, vector<1x64xf32> -> vector<2x64xf32>
      %swap3A_29 = arith.constant 0 : index
      %swap3A_30 = arith.constant 0 : index
      %swap3A_31 = vector.load %arg3[%swap3A_29, %swap3A_30] : memref<2x64xf32, #tpu.memory_space<vmem>>, vector<2x64xf32>
      tpu.vector_store %arg3[%swap3A_29, %swap3A_30], %concatenate3A {strides = array<i32>} : memref<2x64xf32, #tpu.memory_space<vmem>>, vector<2x64xf32>,
    } else {
    }
    return
  }
  func.func @transform_0(%arg0: i32) -> (i32, i32) {
    %c0_i32 = arith.constant 0 : i32
    %c0_i32_0 = arith.constant 0 : i32
    return %arg0, %c0_i32 : i32, i32
  }
  func.func @transform_1(%arg0: i32) -> (i32, i32) {
    %c0_i32 = arith.constant 0 : i32
    %c0_i32_0 = arith.constant 0 : i32
    %c0_i32_1 = arith.constant 0 : i32
    return %c0_i32, %c0_i32_0 : i32, i32
  }
  func.func @transform_2(%arg0: i32) -> (i32, i32) {
    %c0_i32 = arith.constant 0 : i32
    %c0_i32_0 = arith.constant 0 : i32
    %c0_i32_1 = arith.constant 0 : i32
    return %c0_i32, %c0_i32_0 : i32, i32
  }
}

module attributes {stable_mosaic.version = 14 : i64} {
  func.func @_layer_b_body(%arg0: i32, %arg1: memref<1000x64xf32, #tpu.memory_space<vmem>>, %arg2: memref<2x64xf32, #tpu.memory_space<vmem>>, %arg3: memref<1x64xf32, #tpu.memory_space<vmem>>, %arg4: memref<1x64xf32, #tpu.memory_space<vmem>>, %arg5: memref<1000x64xf32, #tpu.memory_space<vmem>>) attributes {dimension_semantics = [#tpu.dimension_semantics<arbitrary>], iteration_bounds = array<i64: 10>, scalar_prefetch = 0 : i64, scratch_operands = 0 : i64, tpu.core_type = #tpu.core_type<tc>, window_params = [{transform_indices = @transform_0, window_bounds = array<i64: 1000, 64>}, {pipeline_mode = #tpu.pipeline_mode<synchronous>, transform_indices = @transform_1, window_bounds = array<i64: 2, 64>}, {pipeline_mode = #tpu.pipeline_mode<synchronous>, transform_indices = @transform_2, window_bounds = array<i64: 1, 64>}, {pipeline_mode = #tpu.pipeline_mode<synchronous>, transform_indices = @transform_3, window_bounds = array<i64: 1, 64>}, {transform_indices = @transform_4, window_bounds = array<i64: 1000, 64>}]} {
    %get3A = arith.constant 0 : index
    %get3A_0 = arith.constant 0 : index
    %get3A_1 = vector.load %arg2[%get3A, %get3A_0] : memref<2x64xf32, #tpu.memory_space<vmem>>, vector<2x64xf32>
    %slice3A = vector.extract_strided_slice %get3A_1 {offsets = [0, 0], sizes = [1, 64], strides = [1, 1]} : vector<2x64xf32> to vector<1x64xf32>
    %slice3A_2 = vector.extract_strided_slice %get3A_1 {offsets = [1, 0], sizes = [1, 64], strides = [1, 1]} : vector<2x64xf32> to vector<1x64xf32>
    %get3A_3 = arith.constant 0 : index
    %get3A_4 = arith.constant 0 : index
    %get3A_5 = vector.load %arg1[%get3A_3, %get3A_4] : memref<1000x64xf32, #tpu.memory_space<vmem>>, vector<1000x64xf32>
    %sub3A = vector.broadcast %slice3A : vector<1x64xf32> to vector<1000x64xf32>
    %sub3A_6 = arith.subf %get3A_5, %sub3A : vector<1000x64xf32>
    %add3A = arith.constant 9.99999974E-6 : f32
    %add3A_7 = vector.broadcast %add3A : f32 to vector<1x64xf32>
    %add3A_8 = arith.addf %slice3A_2, %add3A_7 : vector<1x64xf32>
    %sqrt3A = math.sqrt %add3A_8 : vector<1x64xf32>
    %div3A = vector.broadcast %sqrt3A : vector<1x64xf32> to vector<1000x64xf32>
    %div3A_9 = arith.divf %sub3A_6, %div3A : vector<1000x64xf32>
    %get3A_10 = arith.constant 0 : index
    %get3A_11 = arith.constant 0 : index
    %get3A_12 = vector.load %arg3[%get3A_10, %get3A_11] : memref<1x64xf32, #tpu.memory_space<vmem>>, vector<1x64xf32>
    %mul3A = vector.broadcast %get3A_12 : vector<1x64xf32> to vector<1000x64xf32>
    %mul3A_13 = arith.mulf %div3A_9, %mul3A : vector<1000x64xf32>
    %get3A_14 = arith.constant 0 : index
    %get3A_15 = arith.constant 0 : index
    %get3A_16 = vector.load %arg4[%get3A_14, %get3A_15] : memref<1x64xf32, #tpu.memory_space<vmem>>, vector<1x64xf32>
    %add3A_17 = vector.broadcast %get3A_16 : vector<1x64xf32> to vector<1000x64xf32>
    %add3A_18 = arith.addf %mul3A_13, %add3A_17 : vector<1000x64xf32>
    %max3A = arith.constant 0.000000e+00 : f32
    %max3A_19 = vector.broadcast %max3A : f32 to vector<1000x64xf32>
    %max3A_20 = arith.maximumf %add3A_18, %max3A_19 : vector<1000x64xf32>
    %swap3A = arith.constant 0 : index
    %swap3A_21 = arith.constant 0 : index
    %swap3A_22 = vector.load %arg5[%swap3A, %swap3A_21] : memref<1000x64xf32, #tpu.memory_space<vmem>>, vector<1000x64xf32>
    tpu.vector_store %arg5[%swap3A, %swap3A_21], %max3A_20 {strides = array<i32>} : memref<1000x64xf32, #tpu.memory_space<vmem>>, vector<1000x64xf32>,
    return
  }
  func.func @transform_0(%arg0: i32) -> (i32, i32) {
    %c0_i32 = arith.constant 0 : i32
    %c0_i32_0 = arith.constant 0 : i32
    return %arg0, %c0_i32 : i32, i32
  }
  func.func @transform_1(%arg0: i32) -> (i32, i32) {
    %c0_i32 = arith.constant 0 : i32
    %c0_i32_0 = arith.constant 0 : i32
    %c0_i32_1 = arith.constant 0 : i32
    return %c0_i32, %c0_i32_0 : i32, i32
  }
  func.func @transform_2(%arg0: i32) -> (i32, i32) {
    %c0_i32 = arith.constant 0 : i32
    %c0_i32_0 = arith.constant 0 : i32
    %c0_i32_1 = arith.constant 0 : i32
    return %c0_i32, %c0_i32_0 : i32, i32
  }
  func.func @transform_3(%arg0: i32) -> (i32, i32) {
    %c0_i32 = arith.constant 0 : i32
    %c0_i32_0 = arith.constant 0 : i32
    %c0_i32_1 = arith.constant 0 : i32
    return %c0_i32, %c0_i32_0 : i32, i32
  }
  func.func @transform_4(%arg0: i32) -> (i32, i32) {
    %c0_i32 = arith.constant 0 : i32
    %c0_i32_0 = arith.constant 0 : i32
    return %arg0, %c0_i32 : i32, i32
  }
}

module attributes {stable_mosaic.version = 14 : i64} {
  func.func @_dec_body(%arg0: i32, %arg1: memref<1000x64xf32, #tpu.memory_space<vmem>>, %arg2: memref<1000x128xf32, #tpu.memory_space<vmem>>, %arg3: memref<1000x1xf32, #tpu.memory_space<vmem>>, %arg4: memref<64x64xf32, #tpu.memory_space<vmem>>, %arg5: memref<1x64xf32, #tpu.memory_space<vmem>>, %arg6: memref<64x128xf32, #tpu.memory_space<vmem>>, %arg7: memref<1x128xf32, #tpu.memory_space<vmem>>, %arg8: memref<1000x128xf32, #tpu.memory_space<vmem>>, %arg9: memref<1x1xf32, #tpu.memory_space<vmem>>, %arg10: memref<1x1xi32, #tpu.memory_space<vmem>>, %arg11: memref<1x1xf32, #tpu.memory_space<vmem>>, %arg12: memref<1x1xf32, #tpu.memory_space<vmem>>) attributes {dimension_semantics = [#tpu.dimension_semantics<arbitrary>], iteration_bounds = array<i64: 10>, scalar_prefetch = 0 : i64, scratch_operands = 2 : i64, tpu.core_type = #tpu.core_type<tc>, window_params = [{transform_indices = @transform_0, window_bounds = array<i64: 1000, 64>}, {transform_indices = @transform_1, window_bounds = array<i64: 1000, 128>}, {transform_indices = @transform_2, window_bounds = array<i64: 1000, 1>}, {pipeline_mode = #tpu.pipeline_mode<synchronous>, transform_indices = @transform_3, window_bounds = array<i64: 64, 64>}, {pipeline_mode = #tpu.pipeline_mode<synchronous>, transform_indices = @transform_4, window_bounds = array<i64: 1, 64>}, {pipeline_mode = #tpu.pipeline_mode<synchronous>, transform_indices = @transform_5, window_bounds = array<i64: 64, 128>}, {pipeline_mode = #tpu.pipeline_mode<synchronous>, transform_indices = @transform_6, window_bounds = array<i64: 1, 128>}, {transform_indices = @transform_7, window_bounds = array<i64: 1000, 128>}, {pipeline_mode = #tpu.pipeline_mode<synchronous>, transform_indices = @transform_8, window_bounds = array<i64: 1, 1>}, {pipeline_mode = #tpu.pipeline_mode<synchronous>, transform_indices = @transform_9, window_bounds = array<i64: 1, 1>}]} {
    %get3A = arith.constant 0 : index
    %get3A_0 = arith.constant 0 : index
    %get3A_1 = vector.load %arg1[%get3A, %get3A_0] : memref<1000x64xf32, #tpu.memory_space<vmem>>, vector<1000x64xf32>
    %get3A_2 = arith.constant 0 : index
    %get3A_3 = arith.constant 0 : index
    %get3A_4 = vector.load %arg4[%get3A_2, %get3A_3] : memref<64x64xf32, #tpu.memory_space<vmem>>, vector<64x64xf32>
    %dot_general3A = arith.constant dense<0.000000e+00> : vector<1000x64xf32>
    %dot_general3A_5 = tpu.matmul %get3A_1, %get3A_4, %dot_general3A {dimension_numbers = #tpu.dot_dimension_numbers<[1], [0], [0], [1], [0, 0, 1, 1], [], []>, transpose_lhs_hint = false} : vector<1000x64xf32>, vector<64x64xf32>, vector<1000x64xf32> -> vector<1000x64xf32>
    %get3A_6 = arith.constant 0 : index
    %get3A_7 = arith.constant 0 : index
    %get3A_8 = vector.load %arg5[%get3A_6, %get3A_7] : memref<1x64xf32, #tpu.memory_space<vmem>>, vector<1x64xf32>
    %add3A = vector.broadcast %get3A_8 : vector<1x64xf32> to vector<1000x64xf32>
    %add3A_9 = arith.addf %dot_general3A_5, %add3A : vector<1000x64xf32>
    %max3A = arith.constant 0.000000e+00 : f32
    %max3A_10 = vector.broadcast %max3A : f32 to vector<1000x64xf32>
    %max3A_11 = arith.maximumf %add3A_9, %max3A_10 : vector<1000x64xf32>
    %get3A_12 = arith.constant 0 : index
    %get3A_13 = arith.constant 0 : index
    %get3A_14 = vector.load %arg6[%get3A_12, %get3A_13] : memref<64x128xf32, #tpu.memory_space<vmem>>, vector<64x128xf32>
    %dot_general3A_15 = arith.constant dense<0.000000e+00> : vector<1000x128xf32>
    %dot_general3A_16 = tpu.matmul %max3A_11, %get3A_14, %dot_general3A_15 {dimension_numbers = #tpu.dot_dimension_numbers<[1], [0], [0], [1], [0, 0, 1, 1], [], []>, transpose_lhs_hint = false} : vector<1000x64xf32>, vector<64x128xf32>, vector<1000x128xf32> -> vector<1000x128xf32>
    %get3A_17 = arith.constant 0 : index
    %get3A_18 = arith.constant 0 : index
    %get3A_19 = vector.load %arg7[%get3A_17, %get3A_18] : memref<1x128xf32, #tpu.memory_space<vmem>>, vector<1x128xf32>
    %add3A_20 = vector.broadcast %get3A_19 : vector<1x128xf32> to vector<1000x128xf32>
    %add3A_21 = arith.addf %dot_general3A_16, %add3A_20 : vector<1000x128xf32>
    %swap3A = arith.constant 0 : index
    %swap3A_22 = arith.constant 0 : index
    %swap3A_23 = vector.load %arg8[%swap3A, %swap3A_22] : memref<1000x128xf32, #tpu.memory_space<vmem>>, vector<1000x128xf32>
    tpu.vector_store %arg8[%swap3A, %swap3A_22], %add3A_21 {strides = array<i32>} : memref<1000x128xf32, #tpu.memory_space<vmem>>, vector<1000x128xf32>,
    %get3A_24 = arith.constant 0 : index
    %get3A_25 = arith.constant 0 : index
    %get3A_26 = vector.load %arg2[%get3A_24, %get3A_25] : memref<1000x128xf32, #tpu.memory_space<vmem>>, vector<1000x128xf32>
    %mul3A = arith.mulf %add3A_21, %add3A_21 : vector<1000x128xf32>
    %reduce_sum3A = arith.constant dense<0.000000e+00> : vector<1000xf32>
    %reduce_sum3A_27 = vector.multi_reduction <add>, %mul3A, %reduce_sum3A [1] : vector<1000x128xf32> to vector<1000xf32>
    %broadcast_in_dim3A = vector.shape_cast %reduce_sum3A_27 : vector<1000xf32> to vector<1000x1xf32>
    %sqrt3A = math.sqrt %broadcast_in_dim3A : vector<1000x1xf32>
    %max3A_28 = arith.constant 9.99999996E-13 : f32
    %max3A_29 = vector.broadcast %max3A_28 : f32 to vector<1000x1xf32>
    %max3A_30 = arith.maximumf %sqrt3A, %max3A_29 : vector<1000x1xf32>
    %mul3A_31 = arith.mulf %get3A_26, %get3A_26 : vector<1000x128xf32>
    %reduce_sum3A_32 = arith.constant dense<0.000000e+00> : vector<1000xf32>
    %reduce_sum3A_33 = vector.multi_reduction <add>, %mul3A_31, %reduce_sum3A_32 [1] : vector<1000x128xf32> to vector<1000xf32>
    %broadcast_in_dim3A_34 = vector.shape_cast %reduce_sum3A_33 : vector<1000xf32> to vector<1000x1xf32>
    %sqrt3A_35 = math.sqrt %broadcast_in_dim3A_34 : vector<1000x1xf32>
    %max3A_36 = arith.constant 9.99999996E-13 : f32
    %max3A_37 = vector.broadcast %max3A_36 : f32 to vector<1000x1xf32>
    %max3A_38 = arith.maximumf %sqrt3A_35, %max3A_37 : vector<1000x1xf32>
    %div3A = vector.broadcast %max3A_30 : vector<1000x1xf32> to vector<1000x128xf32>
    %div3A_39 = arith.divf %add3A_21, %div3A : vector<1000x128xf32>
    %div3A_40 = vector.broadcast %max3A_38 : vector<1000x1xf32> to vector<1000x128xf32>
    %div3A_41 = arith.divf %get3A_26, %div3A_40 : vector<1000x128xf32>
    %mul3A_42 = arith.mulf %div3A_39, %div3A_41 : vector<1000x128xf32>
    %reduce_sum3A_43 = arith.constant dense<0.000000e+00> : vector<1000xf32>
    %reduce_sum3A_44 = vector.multi_reduction <add>, %mul3A_42, %reduce_sum3A_43 [1] : vector<1000x128xf32> to vector<1000xf32>
    %broadcast_in_dim3A_45 = vector.shape_cast %reduce_sum3A_44 : vector<1000xf32> to vector<1000x1xf32>
    %sub3A = arith.constant 1.000000e+00 : f32
    %sub3A_46 = vector.broadcast %sub3A : f32 to vector<1000x1xf32>
    %sub3A_47 = arith.subf %sub3A_46, %broadcast_in_dim3A_45 : vector<1000x1xf32>
    %get3A_48 = arith.constant 0 : index
    %get3A_49 = arith.constant 0 : index
    %get3A_50 = vector.load %arg3[%get3A_48, %get3A_49] : memref<1000x1xf32, #tpu.memory_space<vmem>>, vector<1000x1xf32>
    %eq3A = arith.constant 0 : i32
    %eq3A_51 = arith.cmpi eq, %arg0, %eq3A : i32
    %convert_element_type3A = arith.extui %eq3A_51 : i1 to i32
    %cond3A = arith.constant 0 : i32
    %cond3A_52 = arith.cmpi ne, %convert_element_type3A, %cond3A : i32
    scf.if %cond3A_52 {
      %broadcast_in_dim3A_85 = arith.constant 0.000000e+00 : f32
      %broadcast_in_dim3A_86 = vector.broadcast %broadcast_in_dim3A_85 : f32 to vector<1x1xf32>
      %swap3A_87 = arith.constant 0 : index
      %swap3A_88 = arith.constant 0 : index
      %swap3A_89 = vector.load %arg11[%swap3A_87, %swap3A_88] : memref<1x1xf32, #tpu.memory_space<vmem>>, vector<1x1xf32>
      tpu.vector_store %arg11[%swap3A_87, %swap3A_88], %broadcast_in_dim3A_86 {strides = array<i32>} : memref<1x1xf32, #tpu.memory_space<vmem>>, vector<1x1xf32>,
      %broadcast_in_dim3A_90 = arith.constant 0.000000e+00 : f32
      %broadcast_in_dim3A_91 = vector.broadcast %broadcast_in_dim3A_90 : f32 to vector<1x1xf32>
      %swap3A_92 = arith.constant 0 : index
      %swap3A_93 = arith.constant 0 : index
      %swap3A_94 = vector.load %arg12[%swap3A_92, %swap3A_93] : memref<1x1xf32, #tpu.memory_space<vmem>>, vector<1x1xf32>
      tpu.vector_store %arg12[%swap3A_92, %swap3A_93], %broadcast_in_dim3A_91 {strides = array<i32>} : memref<1x1xf32, #tpu.memory_space<vmem>>, vector<1x1xf32>,
    } else {
    }
    %get3A_53 = arith.constant 0 : index
    %get3A_54 = arith.constant 0 : index
    %get3A_55 = vector.load %arg11[%get3A_53, %get3A_54] : memref<1x1xf32, #tpu.memory_space<vmem>>, vector<1x1xf32>
    %mul3A_56 = arith.mulf %sub3A_47, %sub3A_47 : vector<1000x1xf32>
    %mul3A_57 = arith.mulf %mul3A_56, %get3A_50 : vector<1000x1xf32>
    %reduce_sum3A_58 = vector.shape_cast %mul3A_57 : vector<1000x1xf32> to vector<1x1000x1xf32>
    %reduce_sum3A_59 = arith.constant dense<0.000000e+00> : vector<1xf32>
    %reduce_sum3A_60 = vector.multi_reduction <add>, %reduce_sum3A_58, %reduce_sum3A_59 [1, 2] : vector<1x1000x1xf32> to vector<1xf32>
    %reduce_sum3A_61 = vector.shape_cast %reduce_sum3A_60 : vector<1xf32> to vector<1x1x1xf32>
    %reduce_sum3A_62 = vector.extract %reduce_sum3A_61[0, 0, 0] : f32 from vector<1x1x1xf32>
    %reshape3A = vector.broadcast %reduce_sum3A_62 : f32 to vector<1x1xf32>
    %add3A_63 = arith.addf %get3A_55, %reshape3A : vector<1x1xf32>
    %swap3A_64 = arith.constant 0 : index
    %swap3A_65 = arith.constant 0 : index
    %swap3A_66 = vector.load %arg11[%swap3A_64, %swap3A_65] : memref<1x1xf32, #tpu.memory_space<vmem>>, vector<1x1xf32>
    tpu.vector_store %arg11[%swap3A_64, %swap3A_65], %add3A_63 {strides = array<i32>} : memref<1x1xf32, #tpu.memory_space<vmem>>, vector<1x1xf32>,
    %get3A_67 = arith.constant 0 : index
    %get3A_68 = arith.constant 0 : index
    %get3A_69 = vector.load %arg12[%get3A_67, %get3A_68] : memref<1x1xf32, #tpu.memory_space<vmem>>, vector<1x1xf32>
    %reduce_sum3A_70 = vector.shape_cast %get3A_50 : vector<1000x1xf32> to vector<1x1000x1xf32>
    %reduce_sum3A_71 = arith.constant dense<0.000000e+00> : vector<1xf32>
    %reduce_sum3A_72 = vector.multi_reduction <add>, %reduce_sum3A_70, %reduce_sum3A_71 [1, 2] : vector<1x1000x1xf32> to vector<1xf32>
    %reduce_sum3A_73 = vector.shape_cast %reduce_sum3A_72 : vector<1xf32> to vector<1x1x1xf32>
    %reduce_sum3A_74 = vector.extract %reduce_sum3A_73[0, 0, 0] : f32 from vector<1x1x1xf32>
    %reshape3A_75 = vector.broadcast %reduce_sum3A_74 : f32 to vector<1x1xf32>
    %add3A_76 = arith.addf %get3A_69, %reshape3A_75 : vector<1x1xf32>
    %swap3A_77 = arith.constant 0 : index
    %swap3A_78 = arith.constant 0 : index
    %swap3A_79 = vector.load %arg12[%swap3A_77, %swap3A_78] : memref<1x1xf32, #tpu.memory_space<vmem>>, vector<1x1xf32>
    tpu.vector_store %arg12[%swap3A_77, %swap3A_78], %add3A_76 {strides = array<i32>} : memref<1x1xf32, #tpu.memory_space<vmem>>, vector<1x1xf32>,
    %eq3A_80 = arith.constant 9 : i32
    %eq3A_81 = arith.cmpi eq, %arg0, %eq3A_80 : i32
    %convert_element_type3A_82 = arith.extui %eq3A_81 : i1 to i32
    %cond3A_83 = arith.constant 0 : i32
    %cond3A_84 = arith.cmpi ne, %convert_element_type3A_82, %cond3A_83 : i32
    scf.if %cond3A_84 {
      %get3A_85 = arith.constant 0 : index
      %get3A_86 = arith.constant 0 : index
      %get3A_87 = vector.load %arg11[%get3A_85, %get3A_86] : memref<1x1xf32, #tpu.memory_space<vmem>>, vector<1x1xf32>
      %get3A_88 = arith.constant 0 : index
      %get3A_89 = arith.constant 0 : index
      %get3A_90 = vector.load %arg12[%get3A_88, %get3A_89] : memref<1x1xf32, #tpu.memory_space<vmem>>, vector<1x1xf32>
      %div3A_91 = arith.divf %get3A_87, %get3A_90 : vector<1x1xf32>
      %swap3A_92 = arith.constant 0 : index
      %swap3A_93 = arith.constant 0 : index
      %swap3A_94 = vector.load %arg9[%swap3A_92, %swap3A_93] : memref<1x1xf32, #tpu.memory_space<vmem>>, vector<1x1xf32>
      tpu.vector_store %arg9[%swap3A_92, %swap3A_93], %div3A_91 {strides = array<i32>} : memref<1x1xf32, #tpu.memory_space<vmem>>, vector<1x1xf32>,
      %get3A_95 = arith.constant 0 : index
      %get3A_96 = arith.constant 0 : index
      %get3A_97 = vector.load %arg12[%get3A_95, %get3A_96] : memref<1x1xf32, #tpu.memory_space<vmem>>, vector<1x1xf32>
      %convert_element_type3A_98 = arith.fptosi %get3A_97 : vector<1x1xf32> to vector<1x1xi32>
      %swap3A_99 = arith.constant 0 : index
      %swap3A_100 = arith.constant 0 : index
      %swap3A_101 = vector.load %arg10[%swap3A_99, %swap3A_100] : memref<1x1xi32, #tpu.memory_space<vmem>>, vector<1x1xi32>
      tpu.vector_store %arg10[%swap3A_99, %swap3A_100], %convert_element_type3A_98 {strides = array<i32>} : memref<1x1xi32, #tpu.memory_space<vmem>>, vector<1x1xi32>,
    } else {
    }
    return
  }
  func.func @transform_0(%arg0: i32) -> (i32, i32) {
    %c0_i32 = arith.constant 0 : i32
    %c0_i32_0 = arith.constant 0 : i32
    return %arg0, %c0_i32 : i32, i32
  }
  func.func @transform_1(%arg0: i32) -> (i32, i32) {
    %c0_i32 = arith.constant 0 : i32
    %c0_i32_0 = arith.constant 0 : i32
    return %arg0, %c0_i32 : i32, i32
  }
  func.func @transform_2(%arg0: i32) -> (i32, i32) {
    %c0_i32 = arith.constant 0 : i32
    %c0_i32_0 = arith.constant 0 : i32
    return %arg0, %c0_i32 : i32, i32
  }
  func.func @transform_3(%arg0: i32) -> (i32, i32) {
    %c0_i32 = arith.constant 0 : i32
    %c0_i32_0 = arith.constant 0 : i32
    %c0_i32_1 = arith.constant 0 : i32
    return %c0_i32, %c0_i32_0 : i32, i32
  }
  func.func @transform_4(%arg0: i32) -> (i32, i32) {
    %c0_i32 = arith.constant 0 : i32
    %c0_i32_0 = arith.constant 0 : i32
    %c0_i32_1 = arith.constant 0 : i32
    return %c0_i32, %c0_i32_0 : i32, i32
  }
  func.func @transform_5(%arg0: i32) -> (i32, i32) {
    %c0_i32 = arith.constant 0 : i32
    %c0_i32_0 = arith.constant 0 : i32
    %c0_i32_1 = arith.constant 0 : i32
    return %c0_i32, %c0_i32_0 : i32, i32
  }
  func.func @transform_6(%arg0: i32) -> (i32, i32) {
    %c0_i32 = arith.constant 0 : i32
    %c0_i32_0 = arith.constant 0 : i32
    %c0_i32_1 = arith.constant 0 : i32
    return %c0_i32, %c0_i32_0 : i32, i32
  }
  func.func @transform_7(%arg0: i32) -> (i32, i32) {
    %c0_i32 = arith.constant 0 : i32
    %c0_i32_0 = arith.constant 0 : i32
    return %arg0, %c0_i32 : i32, i32
  }
  func.func @transform_8(%arg0: i32) -> (i32, i32) {
    %c0_i32 = arith.constant 0 : i32
    %c0_i32_0 = arith.constant 0 : i32
    %c0_i32_1 = arith.constant 0 : i32
    return %c0_i32, %c0_i32_0 : i32, i32
  }
  func.func @transform_9(%arg0: i32) -> (i32, i32) {
    %c0_i32 = arith.constant 0 : i32
    %c0_i32_0 = arith.constant 0 : i32
    %c0_i32_1 = arith.constant 0 : i32
    return %c0_i32, %c0_i32_0 : i32, i32
  }
}

</mosaic_0001>

<sc_bundles>
// kernel: gather_offload_async_start.1
scs
__scs_entry_jumppad:
0x0: {  	(pc) =	sbr.rel $0x88, $3  }
0x1: {  	(tag) =	ssettag $0x0;
	lr =	simm.s32 $0x1  }
0x2: {  	[smem:$0x3F92] =	sst lr;
	_ =	strace $0xD0000000  }
0x3: {  	_ = 	snop  }
0x4: {  	_ = 	snop  }
0x5: {  	_ = 	snop  }
0x6: {  	_ = 	snop  }
0x7: {  	_ = 	snop  }
__scs_overlays_trampoline_lowered:
0x8: {  	[smem:$0x3FA1] =	sst s0  }
0x9: {  	[smem:$0x3FA2] =	sst s1  }
0xa: {  	[smem:$0x3FA3] =	sst s2  }
0xb: {  	[smem:$0x3FA4] =	sst s3  }
0xc: {  	[smem:$0x3FA5] =	sst s4  }
0xd: {  	[smem:$0x3FA6] =	sst s5  }
0xe: {  	[smem:$0x3FA7] =	sst s6  }
0xf: {  	[smem:$0x3FA8] =	sst s7  }
0x10: {  	[smem:$0x3FA9] =	sst s8  }
0x11: {  	[smem:$0x3FAA] =	sst s9;
	s0 =	simm.s32 @!p0 $0x0  }
0x12: {  	s1 =	sld [smem:$0x3F90];
	s0 =	simm.s32 @p0 $0x1  }
0x13: {  	[smem:$0x3FAB] =	sst s0;
	s0 =	simm.s32 @!p1 $0x0  }
0x14: {  	s2 =	sld [smem:$0x3F8F];
	s0 =	simm.s32 @p1 $0x1  }
0x15: {  	[smem:$0x3FAC] =	sst s0;
	s0 =	simm.s32 @!p2 $0x0  }
0x16: {  	s3 =	sld [smem:$0x3FDB];
	s0 =	simm.s32 @p2 $0x1  }
0x17: {  	s4 =	simm.s32 $0x1BF5;
	[smem:$0x3FAE] =	sst s0  }
0x18: {  	s0 =	sld [smem:$0x3F91];
	_ =	swait.ge [sflag:s4], $0x0  }
0x19: {  	s7 =	sld [smem:$0x3F92]  }
0x1a: {  	s8 =	sadd.s32 $0xFFFFE003, lr  }
0x1b: {  	s9 =	sadd.s32 $0xFFFFFEF7, lr;
	s5 =	simm.s32 $0xFFFFFFFF;
	p2 =	slt.u32 s8, $0xFFFFF086  }
0x1c: {  	p1 =	slt.u32 s9, $0xF7A;
	s5 =	simm.s32 @!p2 $0x0  }
0x1d: {  	s5 =	simm.s32 @p1 $0x1;
	p0 =	seq.s32 s7, s2  }
0x1e: {  	s7 =	smul.u32 @!p0 $0xF7A, s2;
	p2 =	seq.s32 @!p0 s5, $0x0  }
0x1f: {  	s9 =	smul.u32 $0xF7A, s1;
	s8 =	simm.s32 @!p0 $0x1BF5;
	p2 =	por !p2, p0  }
0x20: {  	[sflag:s8] =	ssyncset.s32 @!p0 $0xFFFFF086;
	s6 =	sadd.s32 @!p0 s3, s7;
	s7 =	simm.s32 @!p0 $0x108  }
0x21: {  	s3 =	sadd.s32 s3, s9;
	s6 =	sadd.s32 @!p0 $0x88, s6;
	s7 =	simm.s32 @p2 $0x1082  }
0x22: {  	[simem:s7], [sflag:s8] =	dma.local @!p0 [hbm:s6], $0xF7A  }
0x23: {  	s9 =	sor.u32 $0xD0000000, s2;
	s6 =	simm.s32 $0x108;
	_ =	swait.ge @!p0 [sflag:s8], $0x0  }
0x24: {  	s3 =	sadd.s32 $0x88, s3;
	s6 =	simm.s32 @!p1 $0x1082;
	[sflag:s4] =	ssyncset.s32 $0xFFFFF086  }
0x25: {  	[simem:s6], [sflag:s4] =	dma.local [hbm:s3], $0xF7A  }
0x26: {  	[smem:$0x3F92] =	sst s1;
	(tag) =	ssettag s2;
	_ =	strace s9  }
0x27: {  	s1 =	sld [smem:$0x3FA2]  }
0x28: {  	s2 =	sld [smem:$0x3FA3]  }
0x29: {  	s4 =	sld [smem:$0x3FA5]  }
0x2a: {  	p0 =	seq.s32 s5, $0x0;
	s5 =	sld [smem:$0x3FA6]  }
0x2b: {  	s6 =	sld [smem:$0x3FA7]  }
0x2c: {  	s7 =	sld [smem:$0x3FA8]  }
0x2d: {  	s3 =	simm.s32 $0x108;
	s8 =	sld [smem:$0x3FA9]  }
0x2e: {  	s3 =	simm.s32 @!p0 $0x1082;
	s9 =	sld [smem:$0x3FAA]  }
0x2f: {  	lr =	sadd.s32 s0, s3;
	s0 =	sld [smem:$0x3FA1]  }
0x30: {  	s3 =	sld [smem:$0x3FA4]  }
0x31: {  	[smem:$0x3FAD] =	sst s10  }
0x32: {  	s10 =	sld [smem:$0x3FAB];
	_ =	sdelay $0x3  }
0x33: {  	p0 =	seq.s32 s10, $0x1;
	s10 =	sld [smem:$0x3FAD];
	_ =	sdelay $0x3  }
0x34: {  	[smem:$0x3FAD] =	sst s10  }
0x35: {  	s10 =	sld [smem:$0x3FAC];
	_ =	sdelay $0x3  }
0x36: {  	p1 =	seq.s32 s10, $0x1;
	s10 =	sld [smem:$0x3FAD];
	_ =	sdelay $0x3  }
0x37: {  	[smem:$0x3FAD] =	sst s10  }
0x38: {  	s10 =	sld [smem:$0x3FAE]  }
0x39: {  	_ = 	snop;
	(pc) =	sbr.ind lr, $3  }
0x3a: {  	_ = 	snop  }
0x3b: {  	_ = 	snop  }
0x3c: {  	p2 =	seq.s32 s10, $0x1;
	s10 =	sld [smem:$0x3FAD]  }
0x3d: {  	_ =	shalt  }
0x3e: {  	_ =	shalt  }
0x3f: {  	_ =	shalt  }
0x40: {  	_ =	shalt  }
0x41: {  	_ =	shalt  }
0x42: {  	_ =	shalt  }
0x43: {  	_ =	shalt  }
0x44: {  	_ =	shalt  }
0x45: {  	_ =	shalt  }
0x46: {  	_ =	shalt  }
0x47: {  	_ =	shalt  }
0x48: {  	_ =	shalt  }
0x49: {  	_ =	shalt  }
0x4a: {  	_ =	shalt  }
0x4b: {  	_ =	shalt  }
0x4c: {  	_ =	shalt  }
0x4d: {  	_ =	shalt  }
0x4e: {  	_ =	shalt  }
0x4f: {  	_ =	shalt  }
0x50: {  	_ =	shalt  }
0x51: {  	_ =	shalt  }
0x52: {  	_ =	shalt  }
0x53: {  	_ =	shalt  }
0x54: {  	_ =	shalt  }
0x55: {  	_ =	shalt  }
0x56: {  	_ =	shalt  }
0x57: {  	_ =	shalt  }
0x58: {  	_ =	shalt  }
0x59: {  	_ =	shalt  }
0x5a: {  	_ =	shalt  }
0x5b: {  	_ =	shalt  }
0x5c: {  	_ =	shalt  }
0x5d: {  	_ =	shalt  }
0x5e: {  	_ =	shalt  }
0x5f: {  	_ =	shalt  }
0x60: {  	_ =	shalt  }
0x61: {  	_ =	shalt  }
0x62: {  	_ =	shalt  }
0x63: {  	_ =	shalt  }
0x64: {  	_ =	shalt  }
0x65: {  	_ =	shalt  }
0x66: {  	_ =	shalt  }
0x67: {  	_ =	shalt  }
0x68: {  	_ =	shalt  }
0x69: {  	_ =	shalt  }
0x6a: {  	_ =	shalt  }
0x6b: {  	_ =	shalt  }
0x6c: {  	_ =	shalt  }
0x6d: {  	_ =	shalt  }
0x6e: {  	_ =	shalt  }
0x6f: {  	_ =	shalt  }
0x70: {  	_ =	shalt  }
0x71: {  	_ =	shalt  }
0x72: {  	_ =	shalt  }
0x73: {  	_ =	shalt  }
0x74: {  	_ =	shalt  }
0x75: {  	_ =	shalt  }
0x76: {  	_ =	shalt  }
0x77: {  	_ =	shalt  }
0x78: {  	_ =	shalt  }
0x79: {  	_ =	shalt  }
0x7a: {  	_ =	shalt  }
0x7b: {  	_ =	shalt  }
0x7c: {  	_ =	shalt  }
0x7d: {  	_ =	shalt  }
0x7e: {  	_ =	shalt  }
0x7f: {  	_ =	shalt  }
0x80: {  	_ =	shalt  }
0x81: {  	_ =	shalt  }
0x82: {  	_ =	shalt  }
0x83: {  	_ =	shalt  }
0x84: {  	_ =	shalt  }
0x85: {  	_ =	shalt  }
0x86: {  	_ =	shalt  }
0x87: {  	_ =	shalt  }
.Lfunc_end0:
.L_simem_size_0:
called_computation.1_lowered:
.L_overlay_start_0:
0x88: {  	s2 =	sld [smem:$0x3FD9]  }
0x89: {  	s3 =	sld [smem:$0x3FFE];
	_ =	sdelay $0x1  }
0x8a: {  	s1 =	srdreg.scid  }
0x8b: {  	s0 =	sand.u32 $0x1, s1  }
0x8c: {  	s14 =	sshll.u32 s0, $0xA;
	s2 =	sadd.s32 s3, s2  }
0x8d: {  	s2 =	sadd.s32 s2, s14  }
0x8e: {  	[smem:$0x3FB9] =	sst s2  }
0x8f: {  	_ = 	snop  }
0x90: {  	s2 =	sld [smem:$0x3FD0];
	_ =	sdelay $0x2  }
0x91: {  	s15 =	simm.s32 $0xA;
	s4 =	simm.s32 $0x10  }
0x92: {  	[smem:s4], [sflag:s15] =	dma.local [hbm:s2], $0x1  }
0x93: {  	_ =	swait.eq [sflag:s15], $0x1  }
0x94: {  	[sflag:s15] =	ssyncset.done $0x0  }
0x95: {  	[sflag:s15] =	ssyncadd.s32 $0xFFFFFFFF  }
0x96: {  	s16 =	sld [smem:$0x13];
	(tm) =	ssettm $0x1  }
0x97: {  	s17 =	sld [smem:$0x3FFB];
	_ =	sdelay $0x3  }
0x98: {  	_ =	strace s17  }
0x99: {  	s3 =	sld [smem:$0x3FFC];
	_ =	sdelay $0x3  }
0x9a: {  	_ =	strace s3  }
0x9b: {  	s3 =	sld [smem:$0x3FFD];
	_ =	sdelay $0x3  }
0x9c: {  	_ =	strace s3  }
0x9d: {  	_ =	strace $0x8FFFFFFF  }
0x9e: {  	s18 =	sld [smem:$0x3FDB];
	_ =	sdelay $0x1  }
0x9f: {  	s19 =	simm.s32 $_scs_section_size  }
0xa0: {  	s5 =	simm.s32 $_size__tile_overlayer_lowered;
	s6 =	simm.s32 $_tile_overlayer_lowered  }
0xa1: {  	s22 =	simm.s32 $0x1BFF;
	s21 =	sshll.u32 s6, $0x1;
	s3 =	sadd.s32 s19, s18  }
0xa2: {  	s7 =	simm.s32 $0x0;
	s20 =	sshll.u32 s5, $0x1;
	s5 =	sadd.s32 s21, s3  }
0xa3: {  	[timem:s7], [sflag:s22] =	dma.local [hbm:s5], s20  }
0xa4: {  	_ =	swait.ge [sflag:s22], s20  }
0xa5: {  	s4 =	ssub.s32 $0x0, s20;
	[sflag:s22] =	ssyncset.done $0x0  }
0xa6: {  	[sflag:s22] =	ssyncadd.s32 s4;
	_ =	sdelay $0x1  }
0xa7: {  	s23 =	simm.s32 $0x1B8B  }
0xa8: {  	_ =	swait.ge [sflag:s23], $0x1  }
0xa9: {  	[sflag:s23] =	ssyncset.done $0x0  }
0xaa: {  	s25 =	simm.s32 $0x1B8E;
	s24 =	sld [smem:$0x3FFE];
	[sflag:s23] =	ssyncadd.s32 $0xFFFFFFFF  }
0xab: {  	s26 =	simm.s32 $execute0_lowered;
	[smem:$0x3FD2] =	sst s25  }
0xac: {  	s5 =	sshll.u32 s26, $0x1;
	_ =	strace $0x80000049;
	[dreg:$0x1] =	wrdreg $0xFFFFFFFF  }
0xad: {  	s28 =	simm.s32 $_size_execute0_lowered;
	s3 =	sadd.s32 s3, s5;
	[dreg:$0x0] =	wrdreg $0x0  }
0xae: {  	s5 =	sshll.u32 s28, $0x1;
	[dreg:$0x2] =	wrdreg s3  }
0xaf: {  	[dreg:$0x3] =	wrdreg s5  }
0xb0: {  	[dreg:$0x4] =	wrdreg $0xC0  }
0xb1: {  	_ =	task [dreg:s7], $0x5FFFF  }
0xb2: {  	[dreg:$0x1] =	wrdreg $0xFFFFFFFF  }
0xb3: {  	[dreg:$0x0] =	wrdreg $0x60  }
0xb4: {  	[dreg:$0x2] =	wrdreg s24  }
0xb5: {  	[dreg:$0x3] =	wrdreg s16  }
0xb6: {  	[dreg:$0x4] =	wrdreg $0x9  }
0xb7: {  	_ =	task.clear_ibuf [dreg:s7], $0x5FFFF;
	_ =	strace $0x90000049  }
0xb8: {  	s29 =	simm.s32 $0x9;
	_ =	strace $0x8000004B  }
0xb9: {  	_ =	swait.ge [sflag:s29], $0x1  }
0xba: {  	[sflag:s29] =	ssyncadd.s32 $0xFFFFFFFF  }
0xbb: {  	_ =	strace $0x9000004B  }
0xbc: {  	_ =	sfence  }
0xbd: {  	s30 =	sld [smem:$0x0];
	_ =	sdelay $0x2  }
0xbe: {  	s31 =	sshll.u32 s1, $0xD;
	s1 =	sshrl.u32 s1, $0x2  }
0xbf: {  	s3 =	sand.u32 $0x4000, s31;
	s1 =	sadd.s32 s1, s30  }
0xc0: {  	s0 =	sor.u32 s3, s0;
	s1 =	sshll.u32 s1, $0x11  }
0xc1: {  	s0 =	sor.u32 s1, s0  }
0xc2: {  	s0 =	sadd.s32 $0x8F2B, s0  }
0xc3: {  	[sflag:s0] =	ssyncadd.remote.s32 $0x1  }
0xc4: {  	_ =	sfence.sel $0xFFFF  }
0xc5: {  	[dreg:$0x0] =	wrdreg $0xFFFFFFFF;
	(pc) =	sbr.abs _section_cstart, $3  }
0xc6: {  	[dreg:$0x1] =	wrdreg $0xFFFFFFFF  }
0xc7: {  	_ =	task.clear_ibuf [dreg:s7], $0x2FFFF;
	_ =	strace $0x9FFFFFFF  }
0xc8: {  	(tm) =	ssettm $0x7FFFFFFF  }
0xc9: {  	_ =	shalt  }
tec
execute0_lowered:
.L_overlay_start_1:
0x0: {  	(tag) =	ssettag $0x1  }
0x1: {  	s0 =	stileid.u32;
	s1 =	srdreg.scid  }
0x2: {  	s1 =	sand.u32 $0x1, s1;
	s2 =	sshll.u32 s0, $0x1  }
0x3: {  	s1 =	sor.u32 s2, s1  }
0x4: {  	s2 =	smul.u32 $0xB00, s1;
	_ =	sdelay $0x1  }
0x5: {  	s9 =	rddreg [dreg:$0x0];
	s7 =	ssub.s32 $0x58000, s2  }
0x6: {  	s3 =	rddreg [dreg:$0x1];
	s4 =	smulhi.u32 $0x5D175, s7  }
0x7: {  	s6 =	simm.s32 $0x2;
	s11 =	simm.s32 $0x3;
	s14 =	simm.s32 $0x0  }
0x8: {  	s13 =	simm.s32 $0x0;
	s5 =	sadd.s32 $0x3200, s9;
	s8 =	sshrl.u32 s4, $0x3  }
0x9: {  	s1 =	rddreg [dreg:$0x2];
	_ =	strace $0x8000004A;
	s10 =	smul.u32 $0x16000, s8  }
.Ltmp0:
0xa: {  	s12 =	smov.u32 s2;
	s4 =	simm.s32 $0x1;
	(pc) =	sbr.rel .LBB2_1-.Ltmp0, $4  }
0xb: {  	[sflag:s4] =	ssyncpa.u1 $0x0;
	p0 =	sne.s32 s7, s10;
	s10 =	simm.s32 $0x1  }
0xc: {  	[sflag:s6] =	ssyncpa.u1 $0x0;
	s7 =	sadd.s32 $0x9F600, s9;
	s10 =	simm.s32 @!p0 $0x0  }
0xd: {  	[sflag:s11] =	ssyncpa.u1 $0x0;
	s9 =	sadd.s32 $0xF7600, s9;
	s8 =	sadd.s32 s10, s8  }
0xe: {  	vm0 =	vmmov $0xffff;
	v0 =	vlaneseq.u32;
	s11 =	simm.s32 $0x0;
	p0 =	por $0x0, $0x0;
	s10 =	sadd.s32 $0x1, s8  }
.LBB2_4:
0xf: {  	_ =	sdelay $0x1  }
0x10: {  	(ifvalue) =	ssetifvalue $0x7FFFFFFF  }
0x11: {  	s17 =	sshll.u32 s14, $0x3;
	(ifvalue) =	ssetifvalue $0x7FFFFFFF  }
0x12: {  	[tilespmem:s23], [sflag:$0x1] =	stream.indirect_vreg.gather [hbm4b:s5+s11], $0x1, v1, vm0, $0x4038;
	[tilespmem:$0x17600] =	vst v63  }
0x13: {  	s30 =	sand.u32 $0x78, s14;
	s17 =	sand.u32 $0xFFFFFC00, s17  }
0x14: {  	_ =	swait.ge [sflag:s4], $0xB000;
	s14 =	sor.u32 s30, s17  }
0x15: {  	[sflag:s4] =	ssyncset.done $0x0;
	s14 =	sshrl.u32 s14, $0x3  }
0x16: {  	[sflag:s4] =	ssyncadd.s32 $0xFFFF5000;
	s31 =	sadd.s32 s7, s14  }
0x17: {  	[hbm:s31] =	stream.linear.scatter [tilespmem:s16], [sflag:$0x3], $0x5800, $0x38;
	[tilespmem:$0x17600] =	vst v63  }
0x18: {  	s15 =	sadd.s32 $0x6E00, s15;
	s14 =	sadd.s32 s14, s9  }
0x19: {  	[hbm:s14] =	stream.linear.scatter [tilespmem:s15], [sflag:$0x3], $0x5800, $0x38;
	[tilespmem:$0x17600] =	vst v63  }
.LBB2_5:
0x1a: {  	s16 =	sadd.s32 $0x16000, s12  }
0x1b: {  	p2 =	sgt.s32 s16, $0x57FFF  }
0x1c: {  	s16 =	smov.u32 @p2 s2;
	p2 =	sne.s32 s13, s10  }
.Ltmp1:
0x1d: {  	p1 =	slt.u32 s13, $0x2;
	(pc) =	sbr.rel @!p2 .LBB2_6-.Ltmp1, $4  }
0x1e: {  	s15 =	simm.s32 @!p1 $0x3  }
0x1f: {  	s17 =	sadd.s32 $0x1, s13;
	_ =	swait.ge @!p1 [sflag:s15], $0xB000  }
0x20: {  	s14 =	smov.u32 s12;
	p0 =	por !p0, !p0;
	[sflag:s15] =	ssyncset.done @!p1 $0x0  }
0x21: {  	s13 =	smov.u32 s17;
	s12 =	smov.u32 s16;
	[sflag:s15] =	ssyncadd.s32 @!p1 $0xFFFF5000  }
.LBB2_1:
0x22: {  	p1 =	sge.u32 s13, s8  }
0x23: {  	s15 =	sxor.u32 @!p1 $0xFFFFFFFF, s13  }
0x24: {  	s15 =	sand.u32 @!p1 $0x1, s15  }
0x25: {  	s15 =	smul.u32 @!p1 $0x2C00, s15  }
0x26: {  	s31 =	sadd.s32 $0xFFFFFFFF, s13;
	s16 =	sshrl.u32 @!p1 s12, $0x3  }
0x27: {  	s17 =	sand.u32 @!p1 $0x7, s12;
	s16 =	sadd.s32 @!p1 s3, s16;
	s15 =	sshrl.u32 @!p1 s15, $0x2  }
0x28: {  	[tilespmem:s15], [sflag:$0x2] =	stream.linear.gather @!p1 [hbm4b:s16+s17], $0xB00, $0x38;
	[tilespmem:$0x17600] =	vst v63  }
0x29: {  	p1 =	sge.u32 s31, s8  }
.Ltmp2:
0x2a: {  	_ = 	snop;
	(pc) =	sbr.rel @p1 .LBB2_5-.Ltmp2, $1  }
0x2b: {  	_ =	sdelay $0x3  }
0x2c: {  	s15 =	simm.s32 $0x1  }
0x2d: {  	s15 =	simm.s32 @!p0 $0x0  }
0x2e: {  	_ =	swait.ge [sflag:s6], $0xB00;
	s15 =	smul.u32 $0x2C00, s15  }
0x2f: {  	[sflag:s6] =	ssyncset.done $0x0  }
0x30: {  	[sflag:s6] =	ssyncadd.s32 $0xFFFFF500;
	s19 =	sshrl.u32 s15, $0x2  }
0x31: {  	v1 =	vld.msk [tilespmem:s19+$0x0 ss:$0x1], $0xffff;
	_ =	sdelay $0x2  }
0x32: {  	s20 =	ssub.s32 $0x58000, s14  }
0x33: {  	p1 =	slt.s32 s20, $0xB00  }
0x34: {  	s20 =	simm.s32 @!p1 $0xB00;
	vm1 =	vgt.s32 v1, $0x0  }
0x35: {  	p1 =	sgt.s32 s20, $0x0;
	s15 =	smov.u32 s20;
	v1 =	vnsel vm1, $0x0, v1  }
0x36: {  	s15 =	simm.s32 @!p1 $0x0;
	v1 =	vmin.u32 v1, $0x4E1FF  }
0x37: {  	s15 =	smin.u32 s15, $0x10;
	v2 =	vshll.u32 v1, $0x3  }
0x38: {  	s16 =	sand.u32 $0x1, s13;
	v3 =	vmov s15;
	v1 =	vand.u32 $0x7F, v1;
	v2 =	vand.u32 $0x3FFC00, v2  }
0x39: {  	s26 =	smul.u32 $0x2C000, s16;
	vm1 =	vgt.u32 v3, v0;
	v1 =	vor.u32 v1, v2  }
0x3a: {  	v2 =	vnsel vm1, $0x7FFFFFFF, v1  }
0x3b: {  	s18 =	simm.s32 $0x0;
	s15 =	sshrl.u32 s26, $0x2  }
0x3c: {  	s17 =	simm.s32 $0x0;
	s18 =	sand.u32 $0x7C00, s18;
	s16 =	sadd.s32 $0x1600, s15;
	v3 =	vor.u32 $0x80, v1  }
0x3d: {  	s21 =	sand.u32 $0x70, s17;
	(ifvalue) =	ssetifvalue $0x7FFFFFFF;
	s18 =	sadd.s32 s18, s16;
	v3 =	vnsel vm1, $0x7FFFFFFF, v3  }
0x3e: {  	(ifvalue) =	ssetifvalue $0x7FFFFFFF;
	s21 =	sadd.s32 s21, s18  }
0x3f: {  	v4 =	vor.u32 $0x100, v1;
	[tilespmem:s21], [sflag:$0x1] =	stream.indirect_vreg.gather [hbm4b:s5+s11], $0x1, v2, vm0, $0x4038;
	[tilespmem:$0x17600] =	vst v63  }
0x40: {  	v2 =	vnsel vm1, $0x7FFFFFFF, v4;
	(ifvalue) =	ssetifvalue $0x7FFFFFFF  }
0x41: {  	s18 =	sadd.s32 $0x80, s21;
	(ifvalue) =	ssetifvalue $0x7FFFFFFF  }
0x42: {  	v52 =	vor.u32 $0x180, v1;
	[tilespmem:s18], [sflag:$0x1] =	stream.indirect_vreg.gather [hbm4b:s5+s11], $0x1, v3, vm0, $0x4038;
	[tilespmem:$0x17600] =	vst v63  }
0x43: {  	v3 =	vnsel vm1, $0x7FFFFFFF, v52;
	(ifvalue) =	ssetifvalue $0x7FFFFFFF  }
0x44: {  	s28 =	sadd.s32 $0x100, s21;
	(ifvalue) =	ssetifvalue $0x7FFFFFFF  }
0x45: {  	v53 =	vor.u32 $0x200, v1;
	[tilespmem:s28], [sflag:$0x1] =	stream.indirect_vreg.gather [hbm4b:s5+s11], $0x1, v2, vm0, $0x4038;
	[tilespmem:$0x17600] =	vst v63  }
0x46: {  	v2 =	vnsel vm1, $0x7FFFFFFF, v53;
	(ifvalue) =	ssetifvalue $0x7FFFFFFF  }
0x47: {  	s29 =	sadd.s32 $0x180, s21;
	(ifvalue) =	ssetifvalue $0x7FFFFFFF  }
0x48: {  	v54 =	vor.u32 $0x280, v1;
	[tilespmem:s29], [sflag:$0x1] =	stream.indirect_vreg.gather [hbm4b:s5+s11], $0x1, v3, vm0, $0x4038;
	[tilespmem:$0x17600] =	vst v63  }
0x49: {  	v3 =	vnsel vm1, $0x7FFFFFFF, v54;
	(ifvalue) =	ssetifvalue $0x7FFFFFFF  }
0x4a: {  	s30 =	sadd.s32 $0x200, s21;
	(ifvalue) =	ssetifvalue $0x7FFFFFFF  }
0x4b: {  	v55 =	vor.u32 $0x300, v1;
	[tilespmem:s30], [sflag:$0x1] =	stream.indirect_vreg.gather [hbm4b:s5+s11], $0x1, v2, vm0, $0x4038;
	[tilespmem:$0x17600] =	vst v63  }
0x4c: {  	v2 =	vnsel vm1, $0x7FFFFFFF, v55;
	(ifvalue) =	ssetifvalue $0x7FFFFFFF  }
0x4d: {  	s31 =	sand.u32 $0x7, s17;
	s22 =	sadd.s32 $0x280, s21;
	(ifvalue) =	ssetifvalue $0x7FFFFFFF  }
0x4e: {  	v56 =	vor.u32 $0x380, v1;
	[tilespmem:s22], [sflag:$0x1] =	stream.indirect_vreg.gather [hbm4b:s5+s11], $0x1, v3, vm0, $0x4038;
	[tilespmem:$0x17600] =	vst v63  }
0x4f: {  	s18 =	sshll.u32 s31, $0x4;
	v3 =	vnsel vm1, $0x7FFFFFFF, v56;
	(ifvalue) =	ssetifvalue $0x7FFFFFFF  }
0x50: {  	s23 =	sadd.s32 $0x300, s21;
	s18 =	sadd.s32 $0x0, s18;
	(ifvalue) =	ssetifvalue $0x7FFFFFFF  }
0x51: {  	v57 =	vadd.s32 $0x271000, v1;
	[tilespmem:s23], [sflag:$0x1] =	stream.indirect_vreg.gather [hbm4b:s5+s11], $0x1, v2, vm0, $0x4038;
	[tilespmem:$0x17600] =	vst v63  }
0x52: {  	s18 =	sor.u32 $0x380, s18;
	v2 =	vnsel vm1, $0x7FFFFFFF, v57;
	(ifvalue) =	ssetifvalue $0x7FFFFFFF  }
0x53: {  	s18 =	sadd.s32 s18, s16;
	(ifvalue) =	ssetifvalue $0x7FFFFFFF  }
0x54: {  	v58 =	vadd.s32 $0x271080, v1;
	[tilespmem:s18], [sflag:$0x1] =	stream.indirect_vreg.gather [hbm4b:s5+s11], $0x1, v3, vm0, $0x4038;
	[tilespmem:$0x17600] =	vst v63  }
0x55: {  	v3 =	vnsel vm1, $0x7FFFFFFF, v58;
	(ifvalue) =	ssetifvalue $0x7FFFFFFF  }
0x56: {  	s24 =	sadd.s32 $0x5800, s21;
	(ifvalue) =	ssetifvalue $0x7FFFFFFF  }
0x57: {  	v59 =	vadd.s32 $0x271100, v1;
	[tilespmem:s24], [sflag:$0x1] =	stream.indirect_vreg.gather [hbm4b:s5+s11], $0x1, v2, vm0, $0x4038;
	[tilespmem:$0x17600] =	vst v63  }
0x58: {  	v2 =	vnsel vm1, $0x7FFFFFFF, v59;
	(ifvalue) =	ssetifvalue $0x7FFFFFFF  }
0x59: {  	s25 =	sadd.s32 $0x5880, s21;
	(ifvalue) =	ssetifvalue $0x7FFFFFFF  }
0x5a: {  	v60 =	vadd.s32 $0x271180, v1;
	[tilespmem:s25], [sflag:$0x1] =	stream.indirect_vreg.gather [hbm4b:s5+s11], $0x1, v3, vm0, $0x4038;
	[tilespmem:$0x17600] =	vst v63  }
0x5b: {  	v3 =	vnsel vm1, $0x7FFFFFFF, v60;
	(ifvalue) =	ssetifvalue $0x7FFFFFFF  }
0x5c: {  	s26 =	sadd.s32 $0x5900, s21;
	(ifvalue) =	ssetifvalue $0x7FFFFFFF  }
0x5d: {  	v61 =	vadd.s32 $0x271200, v1;
	[tilespmem:s26], [sflag:$0x1] =	stream.indirect_vreg.gather [hbm4b:s5+s11], $0x1, v2, vm0, $0x4038;
	[tilespmem:$0x17600] =	vst v63  }
0x5e: {  	v2 =	vnsel vm1, $0x7FFFFFFF, v61;
	(ifvalue) =	ssetifvalue $0x7FFFFFFF  }
0x5f: {  	s28 =	sadd.s32 $0x5980, s21;
	(ifvalue) =	ssetifvalue $0x7FFFFFFF  }
0x60: {  	v62 =	vadd.s32 $0x271280, v1;
	[tilespmem:s28], [sflag:$0x1] =	stream.indirect_vreg.gather [hbm4b:s5+s11], $0x1, v3, vm0, $0x4038;
	[tilespmem:$0x17600] =	vst v63  }
0x61: {  	v3 =	vnsel vm1, $0x7FFFFFFF, v62;
	(ifvalue) =	ssetifvalue $0x7FFFFFFF  }
0x62: {  	s29 =	sadd.s32 $0x5A00, s21;
	(ifvalue) =	ssetifvalue $0x7FFFFFFF  }
0x63: {  	v63 =	vadd.s32 $0x271300, v1;
	[tilespmem:s29], [sflag:$0x1] =	stream.indirect_vreg.gather [hbm4b:s5+s11], $0x1, v2, vm0, $0x4038;
	[tilespmem:$0x17600] =	vst v63  }
0x64: {  	s20 =	sadd.s32 $0xFFFFFFF0, s20;
	s19 =	sadd.s32 $0x10, s19;
	v2 =	vnsel vm1, $0x7FFFFFFF, v63;
	(ifvalue) =	ssetifvalue $0x7FFFFFFF  }
0x65: {  	s31 =	sadd.s32 $0x5B00, s21;
	s30 =	sadd.s32 $0x5A80, s21;
	(ifvalue) =	ssetifvalue $0x7FFFFFFF  }
0x66: {  	[tilespmem:s30], [sflag:$0x1] =	stream.indirect_vreg.gather [hbm4b:s5+s11], $0x1, v3, vm0, $0x4038;
	[tilespmem:$0x17600] =	vst v63  }
0x67: {  	v1 =	vadd.s32 $0x271380, v1;
	s22 =	simm.s32 $0x0;
	s23 =	sadd.s32 $0x5B80, s21;
	(ifvalue) =	ssetifvalue $0x7FFFFFFF  }
0x68: {  	v1 =	vnsel vm1, $0x7FFFFFFF, v1;
	s21 =	simm.s32 $0xFFFFA880;
	s18 =	simm.s32 $0x10;
	(ifvalue) =	ssetifvalue $0x7FFFFFFF  }
0x69: {  	[tilespmem:s31], [sflag:$0x1] =	stream.indirect_vreg.gather [hbm4b:s5+s11], $0x1, v2, vm0, $0x4038;
	[tilespmem:$0x17600] =	vst v63  }
.LBB2_3:
0x6a: {  	(ifvalue) =	ssetifvalue $0x7FFFFFFF  }
0x6b: {  	s17 =	sadd.s32 $0x80, s17;
	s22 =	sadd.s32 $0x1, s22;
	s24 =	smov.u32 s18  }
0x6c: {  	p1 =	sne.s32 s18, $0xAF0;
	s18 =	sadd.s32 $0x10, s18;
	(ifvalue) =	ssetifvalue $0x7FFFFFFF  }
0x6d: {  	[tilespmem:s23], [sflag:$0x1] =	stream.indirect_vreg.gather [hbm4b:s5+s11], $0x1, v1, vm0, $0x4038;
	[tilespmem:$0x17600] =	vst v63  }
0x6e: {  	v1 =	vld.msk [tilespmem:s19+$0x0 ss:$0x1], $0xffff;
	_ =	sdelay $0x4  }
0x6f: {  	p2 =	sgt.s32 s20, $0x0;
	s23 =	smov.u32 s20;
	vm1 =	vgt.s32 v1, $0x0  }
0x70: {  	s23 =	simm.s32 @!p2 $0x0;
	v1 =	vnsel vm1, $0x0, v1  }
0x71: {  	s23 =	smin.u32 s23, $0x10;
	v1 =	vmin.u32 v1, $0x4E1FF  }
0x72: {  	v2 =	vmov s23;
	v3 =	vshll.u32 v1, $0x3  }
0x73: {  	vm1 =	vgt.u32 v2, v0;
	v1 =	vand.u32 $0x7F, v1;
	v2 =	vand.u32 $0x3FFC00, v3  }
0x74: {  	v1 =	vor.u32 v1, v2  }
0x75: {  	s23 =	sadd.s32 $0x5800, s21;
	v2 =	vnsel vm1, $0x7FFFFFFF, v1  }
0x76: {  	s23 =	sand.u32 $0x7C00, s23;
	v3 =	vor.u32 $0x80, v1;
	v4 =	vor.u32 $0x100, v1;
	v5 =	vor.u32 $0x180, v1  }
0x77: {  	s24 =	sand.u32 $0x70, s24;
	s23 =	sadd.s32 s23, s16;
	v6 =	vor.u32 $0x200, v1;
	v3 =	vnsel vm1, $0x7FFFFFFF, v3;
	v4 =	vnsel vm1, $0x7FFFFFFF, v4;
	(ifvalue) =	ssetifvalue $0x7FFFFFFF  }
0x78: {  	s23 =	sadd.s32 s24, s23;
	v7 =	vor.u32 $0x280, v1;
	v8 =	vor.u32 $0x300, v1;
	v5 =	vnsel vm1, $0x7FFFFFFF, v5;
	(ifvalue) =	ssetifvalue $0x7FFFFFFF  }
0x79: {  	v9 =	vor.u32 $0x380, v1;
	v6 =	vnsel vm1, $0x7FFFFFFF, v6;
	v7 =	vnsel vm1, $0x7FFFFFFF, v7  }
0x7a: {  	v10 =	vadd.s32 $0x271000, v1;
	v11 =	vadd.s32 $0x271100, v1;
	v8 =	vnsel vm1, $0x7FFFFFFF, v8  }
0x7b: {  	[tilespmem:s23], [sflag:$0x1] =	stream.indirect_vreg.gather [hbm4b:s5+s11], $0x1, v2, vm0, $0x4038;
	v2 =	vnsel vm1, $0x7FFFFFFF, v9;
	v9 =	vnsel vm1, $0x7FFFFFFF, v10;
	v10 =	vadd.s32 $0x271080, v1;
	[tilespmem:$0x17600] =	vst v63  }
0x7c: {  	v12 =	vadd.s32 $0x271180, v1;
	(ifvalue) =	ssetifvalue $0x7FFFFFFF;
	v10 =	vnsel vm1, $0x7FFFFFFF, v10  }
0x7d: {  	s24 =	sadd.s32 $0x80, s23;
	v13 =	vadd.s32 $0x271280, v1;
	v11 =	vnsel vm1, $0x7FFFFFFF, v11;
	(ifvalue) =	ssetifvalue $0x7FFFFFFF  }
0x7e: {  	[tilespmem:s24], [sflag:$0x1] =	stream.indirect_vreg.gather [hbm4b:s5+s11], $0x1, v3, vm0, $0x4038;
	v3 =	vnsel vm1, $0x7FFFFFFF, v12;
	v12 =	vadd.s32 $0x271200, v1;
	[tilespmem:$0x17600] =	vst v63  }
0x7f: {  	v14 =	vadd.s32 $0x271300, v1;
	v13 =	vnsel vm1, $0x7FFFFFFF, v13;
	(ifvalue) =	ssetifvalue $0x7FFFFFFF;
	v12 =	vnsel vm1, $0x7FFFFFFF, v12  }
0x80: {  	v14 =	vnsel vm1, $0x7FFFFFFF, v14;
	s24 =	sadd.s32 $0x100, s23;
	v1 =	vadd.s32 $0x271380, v1;
	(ifvalue) =	ssetifvalue $0x7FFFFFFF  }
0x81: {  	v1 =	vnsel vm1, $0x7FFFFFFF, v1;
	[tilespmem:s24], [sflag:$0x1] =	stream.indirect_vreg.gather [hbm4b:s5+s11], $0x1, v4, vm0, $0x4038;
	[tilespmem:$0x17600] =	vst v63  }
0x82: {  	(ifvalue) =	ssetifvalue $0x7FFFFFFF  }
0x83: {  	s24 =	sadd.s32 $0x180, s23;
	(ifvalue) =	ssetifvalue $0x7FFFFFFF  }
0x84: {  	[tilespmem:s24], [sflag:$0x1] =	stream.indirect_vreg.gather [hbm4b:s5+s11], $0x1, v5, vm0, $0x4038;
	[tilespmem:$0x17600] =	vst v63  }
0x85: {  	(ifvalue) =	ssetifvalue $0x7FFFFFFF  }
0x86: {  	s24 =	sadd.s32 $0x200, s23;
	(ifvalue) =	ssetifvalue $0x7FFFFFFF  }
0x87: {  	[tilespmem:s24], [sflag:$0x1] =	stream.indirect_vreg.gather [hbm4b:s5+s11], $0x1, v6, vm0, $0x4038;
	[tilespmem:$0x17600] =	vst v63  }
0x88: {  	(ifvalue) =	ssetifvalue $0x7FFFFFFF  }
0x89: {  	s25 =	sadd.s32 $0x280, s23;
	s24 =	sand.u32 $0x7, s22;
	(ifvalue) =	ssetifvalue $0x7FFFFFFF  }
0x8a: {  	[tilespmem:s25], [sflag:$0x1] =	stream.indirect_vreg.gather [hbm4b:s5+s11], $0x1, v7, vm0, $0x4038;
	[tilespmem:$0x17600] =	vst v63  }
0x8b: {  	s24 =	sshll.u32 s24, $0x4;
	(ifvalue) =	ssetifvalue $0x7FFFFFFF  }
0x8c: {  	s24 =	sadd.s32 s24, s17;
	s25 =	sadd.s32 $0x300, s23;
	(ifvalue) =	ssetifvalue $0x7FFFFFFF  }
0x8d: {  	[tilespmem:s25], [sflag:$0x1] =	stream.indirect_vreg.gather [hbm4b:s5+s11], $0x1, v8, vm0, $0x4038;
	[tilespmem:$0x17600] =	vst v63  }
0x8e: {  	s24 =	sor.u32 $0x380, s24;
	(ifvalue) =	ssetifvalue $0x7FFFFFFF  }
0x8f: {  	s24 =	sadd.s32 s24, s16;
	(ifvalue) =	ssetifvalue $0x7FFFFFFF  }
0x90: {  	[tilespmem:s24], [sflag:$0x1] =	stream.indirect_vreg.gather [hbm4b:s5+s11], $0x1, v2, vm0, $0x4038;
	[tilespmem:$0x17600] =	vst v63  }
0x91: {  	(ifvalue) =	ssetifvalue $0x7FFFFFFF  }
0x92: {  	s24 =	sadd.s32 $0x5800, s23;
	(ifvalue) =	ssetifvalue $0x7FFFFFFF  }
0x93: {  	[tilespmem:s24], [sflag:$0x1] =	stream.indirect_vreg.gather [hbm4b:s5+s11], $0x1, v9, vm0, $0x4038;
	[tilespmem:$0x17600] =	vst v63  }
0x94: {  	(ifvalue) =	ssetifvalue $0x7FFFFFFF  }
0x95: {  	s24 =	sadd.s32 $0x5880, s23;
	(ifvalue) =	ssetifvalue $0x7FFFFFFF  }
0x96: {  	[tilespmem:s24], [sflag:$0x1] =	stream.indirect_vreg.gather [hbm4b:s5+s11], $0x1, v10, vm0, $0x4038;
	[tilespmem:$0x17600] =	vst v63  }
0x97: {  	(ifvalue) =	ssetifvalue $0x7FFFFFFF  }
0x98: {  	s24 =	sadd.s32 $0x5900, s23;
	(ifvalue) =	ssetifvalue $0x7FFFFFFF  }
0x99: {  	[tilespmem:s24], [sflag:$0x1] =	stream.indirect_vreg.gather [hbm4b:s5+s11], $0x1, v11, vm0, $0x4038;
	[tilespmem:$0x17600] =	vst v63  }
0x9a: {  	(ifvalue) =	ssetifvalue $0x7FFFFFFF  }
0x9b: {  	s25 =	sadd.s32 $0x5A00, s23;
	s24 =	sadd.s32 $0x5980, s23;
	(ifvalue) =	ssetifvalue $0x7FFFFFFF  }
0x9c: {  	[tilespmem:s24], [sflag:$0x1] =	stream.indirect_vreg.gather [hbm4b:s5+s11], $0x1, v3, vm0, $0x4038;
	[tilespmem:$0x17600] =	vst v63  }
0x9d: {  	(ifvalue) =	ssetifvalue $0x7FFFFFFF  }
0x9e: {  	s24 =	sadd.s32 $0x5A80, s23;
	(ifvalue) =	ssetifvalue $0x7FFFFFFF  }
0x9f: {  	[tilespmem:s25], [sflag:$0x1] =	stream.indirect_vreg.gather [hbm4b:s5+s11], $0x1, v12, vm0, $0x4038;
	[tilespmem:$0x17600] =	vst v63  }
0xa0: {  	(ifvalue) =	ssetifvalue $0x7FFFFFFF  }
.Ltmp3:
0xa1: {  	s25 =	sadd.s32 $0x5B00, s23;
	(ifvalue) =	ssetifvalue $0x7FFFFFFF;
	(pc) =	sbr.rel @p1 .LBB2_3-.Ltmp3, $4  }
0xa2: {  	[tilespmem:s24], [sflag:$0x1] =	stream.indirect_vreg.gather [hbm4b:s5+s11], $0x1, v13, vm0, $0x4038;
	[tilespmem:$0x17600] =	vst v63  }
0xa3: {  	s20 =	sadd.s32 $0xFFFFFFF0, s20;
	s19 =	sadd.s32 $0x10, s19;
	(ifvalue) =	ssetifvalue $0x7FFFFFFF  }
0xa4: {  	s21 =	sadd.s32 $0x80, s21;
	s23 =	sadd.s32 $0x5B80, s23;
	(ifvalue) =	ssetifvalue $0x7FFFFFFF  }
0xa5: {  	[tilespmem:s25], [sflag:$0x1] =	stream.indirect_vreg.gather [hbm4b:s5+s11], $0x1, v14, vm0, $0x4038;
	[tilespmem:$0x17600] =	vst v63  }
.Ltmp4:
0xa6: {  	_ = 	snop;
	(pc) =	sbr.rel .LBB2_4-.Ltmp4, $1  }
0xa7: {  	_ =	sdelay $0x3  }
.LBB2_6:
0xa8: {  	_ =	sfence.sel $0x180000  }
0xa9: {  	s2 =	simm.s32 $0x2;
	[bflag:$0x0] =	sbarrier.arrive $0xFFFF  }
0xaa: {  	s30 =	simm.s32 $0x3;
	[sflag:s2] =	ssyncpa.u1 $0x1  }
0xab: {  	s31 =	simm.s32 $0x1;
	[sflag:s30] =	ssyncpa.u1 $0x1  }
0xac: {  	[sflag:s31] =	ssyncpa.u1 $0x1  }
0xad: {  	p0 =	sne.s32 s0, $0x0;
	_ =	strace $0x9000004A  }
0xae: {  	s0 =	sadd.s32 @!p0 $0x100000, s1;
	[bflag:$0x2] =	sbarrier.arrive $0xFFFF  }
0xaf: {  	[sflag:s0] =	ssyncadd.tile.s32 @!p0 $0x1;
	_ =	shalt  }
.Lfunc_end2:
_tile_overlayer_lowered:
.L_overlay_start_2:
0xb0: {  	(tag) =	ssettag $0x2  }
0xb1: {  	s0 =	rddreg [dreg:$0x0];
	s2 =	stileid.u32  }
0xb2: {  	s1 =	rddreg [dreg:$0x1];
	p0 =	sne.s32 s2, $0x0  }
0xb3: {  	s3 =	rddreg [dreg:$0x2];
	[bflag:$0x3] =	sbarrier.arrive $0xFFFF;
	s2 =	simm.s32 @!p0 $0x1C01  }
0xb4: {  	[timem:s3], [sflag:s2] =	dma.local @!p0 [hbm:s0], s1  }
0xb5: {  	s0 =	simm.s32 @!p0 $0x1  }
0xb6: {  	_ =	swait.ge @!p0 [sflag:s0], s1  }
0xb7: {  	s1 =	ssub.s32 @!p0 $0x0, s1;
	[sflag:s0] =	ssyncset.done @!p0 $0x0  }
0xb8: {  	[sflag:s0] =	ssyncadd.s32 @!p0 s1  }
0xb9: {  	[bflag:$0x3] =	sbarrier.arrive $0xFFFF  }
0xba: {  	_ =	shalt  }

// kernel: gather_offload_async_start
scs
__scs_entry_jumppad:
0x0: {  	(pc) =	sbr.rel $0x88, $3  }
0x1: {  	(tag) =	ssettag $0x0;
	lr =	simm.s32 $0x1  }
0x2: {  	[smem:$0x3F92] =	sst lr;
	_ =	strace $0xD0000000  }
0x3: {  	_ = 	snop  }
0x4: {  	_ = 	snop  }
0x5: {  	_ = 	snop  }
0x6: {  	_ = 	snop  }
0x7: {  	_ = 	snop  }
__scs_overlays_trampoline_lowered:
0x8: {  	[smem:$0x3FA1] =	sst s0  }
0x9: {  	[smem:$0x3FA2] =	sst s1  }
0xa: {  	[smem:$0x3FA3] =	sst s2  }
0xb: {  	[smem:$0x3FA4] =	sst s3  }
0xc: {  	[smem:$0x3FA5] =	sst s4  }
0xd: {  	[smem:$0x3FA6] =	sst s5  }
0xe: {  	[smem:$0x3FA7] =	sst s6  }
0xf: {  	[smem:$0x3FA8] =	sst s7  }
0x10: {  	[smem:$0x3FA9] =	sst s8  }
0x11: {  	[smem:$0x3FAA] =	sst s9;
	s0 =	simm.s32 @!p0 $0x0  }
0x12: {  	s1 =	sld [smem:$0x3F90];
	s0 =	simm.s32 @p0 $0x1  }
0x13: {  	[smem:$0x3FAB] =	sst s0;
	s0 =	simm.s32 @!p1 $0x0  }
0x14: {  	s2 =	sld [smem:$0x3F8F];
	s0 =	simm.s32 @p1 $0x1  }
0x15: {  	[smem:$0x3FAC] =	sst s0;
	s0 =	simm.s32 @!p2 $0x0  }
0x16: {  	s3 =	sld [smem:$0x3FDB];
	s0 =	simm.s32 @p2 $0x1  }
0x17: {  	s4 =	simm.s32 $0x1BF5;
	[smem:$0x3FAE] =	sst s0  }
0x18: {  	s0 =	sld [smem:$0x3F91];
	_ =	swait.ge [sflag:s4], $0x0  }
0x19: {  	s7 =	sld [smem:$0x3F92]  }
0x1a: {  	s8 =	sadd.s32 $0xFFFFE003, lr  }
0x1b: {  	s9 =	sadd.s32 $0xFFFFFEF7, lr;
	s5 =	simm.s32 $0xFFFFFFFF;
	p2 =	slt.u32 s8, $0xFFFFF086  }
0x1c: {  	p1 =	slt.u32 s9, $0xF7A;
	s5 =	simm.s32 @!p2 $0x0  }
0x1d: {  	s5 =	simm.s32 @p1 $0x1;
	p0 =	seq.s32 s7, s2  }
0x1e: {  	s7 =	smul.u32 @!p0 $0xF7A, s2;
	p2 =	seq.s32 @!p0 s5, $0x0  }
0x1f: {  	s9 =	smul.u32 $0xF7A, s1;
	s8 =	simm.s32 @!p0 $0x1BF5;
	p2 =	por !p2, p0  }
0x20: {  	[sflag:s8] =	ssyncset.s32 @!p0 $0xFFFFF086;
	s6 =	sadd.s32 @!p0 s3, s7;
	s7 =	simm.s32 @!p0 $0x108  }
0x21: {  	s3 =	sadd.s32 s3, s9;
	s6 =	sadd.s32 @!p0 $0x88, s6;
	s7 =	simm.s32 @p2 $0x1082  }
0x22: {  	[simem:s7], [sflag:s8] =	dma.local @!p0 [hbm:s6], $0xF7A  }
0x23: {  	s9 =	sor.u32 $0xD0000000, s2;
	s6 =	simm.s32 $0x108;
	_ =	swait.ge @!p0 [sflag:s8], $0x0  }
0x24: {  	s3 =	sadd.s32 $0x88, s3;
	s6 =	simm.s32 @!p1 $0x1082;
	[sflag:s4] =	ssyncset.s32 $0xFFFFF086  }
0x25: {  	[simem:s6], [sflag:s4] =	dma.local [hbm:s3], $0xF7A  }
0x26: {  	[smem:$0x3F92] =	sst s1;
	(tag) =	ssettag s2;
	_ =	strace s9  }
0x27: {  	s1 =	sld [smem:$0x3FA2]  }
0x28: {  	s2 =	sld [smem:$0x3FA3]  }
0x29: {  	s4 =	sld [smem:$0x3FA5]  }
0x2a: {  	p0 =	seq.s32 s5, $0x0;
	s5 =	sld [smem:$0x3FA6]  }
0x2b: {  	s6 =	sld [smem:$0x3FA7]  }
0x2c: {  	s7 =	sld [smem:$0x3FA8]  }
0x2d: {  	s3 =	simm.s32 $0x108;
	s8 =	sld [smem:$0x3FA9]  }
0x2e: {  	s3 =	simm.s32 @!p0 $0x1082;
	s9 =	sld [smem:$0x3FAA]  }
0x2f: {  	lr =	sadd.s32 s0, s3;
	s0 =	sld [smem:$0x3FA1]  }
0x30: {  	s3 =	sld [smem:$0x3FA4]  }
0x31: {  	[smem:$0x3FAD] =	sst s10  }
0x32: {  	s10 =	sld [smem:$0x3FAB];
	_ =	sdelay $0x3  }
0x33: {  	p0 =	seq.s32 s10, $0x1;
	s10 =	sld [smem:$0x3FAD];
	_ =	sdelay $0x3  }
0x34: {  	[smem:$0x3FAD] =	sst s10  }
0x35: {  	s10 =	sld [smem:$0x3FAC];
	_ =	sdelay $0x3  }
0x36: {  	p1 =	seq.s32 s10, $0x1;
	s10 =	sld [smem:$0x3FAD];
	_ =	sdelay $0x3  }
0x37: {  	[smem:$0x3FAD] =	sst s10  }
0x38: {  	s10 =	sld [smem:$0x3FAE]  }
0x39: {  	_ = 	snop;
	(pc) =	sbr.ind lr, $3  }
0x3a: {  	_ = 	snop  }
0x3b: {  	_ = 	snop  }
0x3c: {  	p2 =	seq.s32 s10, $0x1;
	s10 =	sld [smem:$0x3FAD]  }
0x3d: {  	_ =	shalt  }
0x3e: {  	_ =	shalt  }
0x3f: {  	_ =	shalt  }
0x40: {  	_ =	shalt  }
0x41: {  	_ =	shalt  }
0x42: {  	_ =	shalt  }
0x43: {  	_ =	shalt  }
0x44: {  	_ =	shalt  }
0x45: {  	_ =	shalt  }
0x46: {  	_ =	shalt  }
0x47: {  	_ =	shalt  }
0x48: {  	_ =	shalt  }
0x49: {  	_ =	shalt  }
0x4a: {  	_ =	shalt  }
0x4b: {  	_ =	shalt  }
0x4c: {  	_ =	shalt  }
0x4d: {  	_ =	shalt  }
0x4e: {  	_ =	shalt  }
0x4f: {  	_ =	shalt  }
0x50: {  	_ =	shalt  }
0x51: {  	_ =	shalt  }
0x52: {  	_ =	shalt  }
0x53: {  	_ =	shalt  }
0x54: {  	_ =	shalt  }
0x55: {  	_ =	shalt  }
0x56: {  	_ =	shalt  }
0x57: {  	_ =	shalt  }
0x58: {  	_ =	shalt  }
0x59: {  	_ =	shalt  }
0x5a: {  	_ =	shalt  }
0x5b: {  	_ =	shalt  }
0x5c: {  	_ =	shalt  }
0x5d: {  	_ =	shalt  }
0x5e: {  	_ =	shalt  }
0x5f: {  	_ =	shalt  }
0x60: {  	_ =	shalt  }
0x61: {  	_ =	shalt  }
0x62: {  	_ =	shalt  }
0x63: {  	_ =	shalt  }
0x64: {  	_ =	shalt  }
0x65: {  	_ =	shalt  }
0x66: {  	_ =	shalt  }
0x67: {  	_ =	shalt  }
0x68: {  	_ =	shalt  }
0x69: {  	_ =	shalt  }
0x6a: {  	_ =	shalt  }
0x6b: {  	_ =	shalt  }
0x6c: {  	_ =	shalt  }
0x6d: {  	_ =	shalt  }
0x6e: {  	_ =	shalt  }
0x6f: {  	_ =	shalt  }
0x70: {  	_ =	shalt  }
0x71: {  	_ =	shalt  }
0x72: {  	_ =	shalt  }
0x73: {  	_ =	shalt  }
0x74: {  	_ =	shalt  }
0x75: {  	_ =	shalt  }
0x76: {  	_ =	shalt  }
0x77: {  	_ =	shalt  }
0x78: {  	_ =	shalt  }
0x79: {  	_ =	shalt  }
0x7a: {  	_ =	shalt  }
0x7b: {  	_ =	shalt  }
0x7c: {  	_ =	shalt  }
0x7d: {  	_ =	shalt  }
0x7e: {  	_ =	shalt  }
0x7f: {  	_ =	shalt  }
0x80: {  	_ =	shalt  }
0x81: {  	_ =	shalt  }
0x82: {  	_ =	shalt  }
0x83: {  	_ =	shalt  }
0x84: {  	_ =	shalt  }
0x85: {  	_ =	shalt  }
0x86: {  	_ =	shalt  }
0x87: {  	_ =	shalt  }
.Lfunc_end0:
.L_simem_size_0:
called_computation_lowered:
.L_overlay_start_0:
0x88: {  	s2 =	sld [smem:$0x3FD9]  }
0x89: {  	s3 =	sld [smem:$0x3FFE];
	_ =	sdelay $0x1  }
0x8a: {  	s1 =	srdreg.scid  }
0x8b: {  	s0 =	sand.u32 $0x1, s1  }
0x8c: {  	s14 =	sshll.u32 s0, $0xA;
	s2 =	sadd.s32 s3, s2  }
0x8d: {  	s2 =	sadd.s32 s2, s14  }
0x8e: {  	[smem:$0x3FB9] =	sst s2  }
0x8f: {  	_ = 	snop  }
0x90: {  	s2 =	sld [smem:$0x3FD0];
	_ =	sdelay $0x2  }
0x91: {  	s15 =	simm.s32 $0xA;
	s4 =	simm.s32 $0x10  }
0x92: {  	[smem:s4], [sflag:s15] =	dma.local [hbm:s2], $0x1  }
0x93: {  	_ =	swait.eq [sflag:s15], $0x1  }
0x94: {  	[sflag:s15] =	ssyncset.done $0x0  }
0x95: {  	[sflag:s15] =	ssyncadd.s32 $0xFFFFFFFF  }
0x96: {  	s16 =	sld [smem:$0x13];
	(tm) =	ssettm $0x1  }
0x97: {  	s17 =	sld [smem:$0x3FFB];
	_ =	sdelay $0x3  }
0x98: {  	_ =	strace s17  }
0x99: {  	s3 =	sld [smem:$0x3FFC];
	_ =	sdelay $0x3  }
0x9a: {  	_ =	strace s3  }
0x9b: {  	s3 =	sld [smem:$0x3FFD];
	_ =	sdelay $0x3  }
0x9c: {  	_ =	strace s3  }
0x9d: {  	_ =	strace $0x8FFFFFFF  }
0x9e: {  	s18 =	sld [smem:$0x3FDB];
	_ =	sdelay $0x1  }
0x9f: {  	s19 =	simm.s32 $_scs_section_size  }
0xa0: {  	s5 =	simm.s32 $_size__tile_overlayer_lowered;
	s6 =	simm.s32 $_tile_overlayer_lowered  }
0xa1: {  	s22 =	simm.s32 $0x1BFF;
	s21 =	sshll.u32 s6, $0x1;
	s3 =	sadd.s32 s19, s18  }
0xa2: {  	s7 =	simm.s32 $0x0;
	s20 =	sshll.u32 s5, $0x1;
	s5 =	sadd.s32 s21, s3  }
0xa3: {  	[timem:s7], [sflag:s22] =	dma.local [hbm:s5], s20  }
0xa4: {  	_ =	swait.ge [sflag:s22], s20  }
0xa5: {  	s4 =	ssub.s32 $0x0, s20;
	[sflag:s22] =	ssyncset.done $0x0  }
0xa6: {  	[sflag:s22] =	ssyncadd.s32 s4;
	_ =	sdelay $0x1  }
0xa7: {  	s23 =	simm.s32 $0x1B8B  }
0xa8: {  	_ =	swait.ge [sflag:s23], $0x1  }
0xa9: {  	[sflag:s23] =	ssyncset.done $0x0  }
0xaa: {  	s25 =	simm.s32 $0x1B8E;
	s24 =	sld [smem:$0x3FFE];
	[sflag:s23] =	ssyncadd.s32 $0xFFFFFFFF  }
0xab: {  	s26 =	simm.s32 $execute0_lowered;
	[smem:$0x3FD2] =	sst s25  }
0xac: {  	s5 =	sshll.u32 s26, $0x1;
	_ =	strace $0x80000046;
	[dreg:$0x1] =	wrdreg $0xFFFFFFFF  }
0xad: {  	s28 =	simm.s32 $_size_execute0_lowered;
	s3 =	sadd.s32 s3, s5;
	[dreg:$0x0] =	wrdreg $0x0  }
0xae: {  	s5 =	sshll.u32 s28, $0x1;
	[dreg:$0x2] =	wrdreg s3  }
0xaf: {  	[dreg:$0x3] =	wrdreg s5  }
0xb0: {  	[dreg:$0x4] =	wrdreg $0xC0  }
0xb1: {  	_ =	task [dreg:s7], $0x5FFFF  }
0xb2: {  	[dreg:$0x1] =	wrdreg $0xFFFFFFFF  }
0xb3: {  	[dreg:$0x0] =	wrdreg $0x60  }
0xb4: {  	[dreg:$0x2] =	wrdreg s24  }
0xb5: {  	[dreg:$0x3] =	wrdreg s16  }
0xb6: {  	[dreg:$0x4] =	wrdreg $0x9  }
0xb7: {  	_ =	task.clear_ibuf [dreg:s7], $0x5FFFF;
	_ =	strace $0x90000046  }
0xb8: {  	s29 =	simm.s32 $0x9;
	_ =	strace $0x80000048  }
0xb9: {  	_ =	swait.ge [sflag:s29], $0x1  }
0xba: {  	[sflag:s29] =	ssyncadd.s32 $0xFFFFFFFF  }
0xbb: {  	_ =	strace $0x90000048  }
0xbc: {  	_ =	sfence  }
0xbd: {  	s30 =	sld [smem:$0x0];
	_ =	sdelay $0x2  }
0xbe: {  	s31 =	sshll.u32 s1, $0xD;
	s1 =	sshrl.u32 s1, $0x2  }
0xbf: {  	s3 =	sand.u32 $0x4000, s31;
	s1 =	sadd.s32 s1, s30  }
0xc0: {  	s0 =	sor.u32 s3, s0;
	s1 =	sshll.u32 s1, $0x11  }
0xc1: {  	s0 =	sor.u32 s1, s0  }
0xc2: {  	s0 =	sadd.s32 $0x8F2B, s0  }
0xc3: {  	[sflag:s0] =	ssyncadd.remote.s32 $0x1  }
0xc4: {  	_ =	sfence.sel $0xFFFF  }
0xc5: {  	[dreg:$0x0] =	wrdreg $0xFFFFFFFF;
	(pc) =	sbr.abs _section_cstart, $3  }
0xc6: {  	[dreg:$0x1] =	wrdreg $0xFFFFFFFF  }
0xc7: {  	_ =	task.clear_ibuf [dreg:s7], $0x2FFFF;
	_ =	strace $0x9FFFFFFF  }
0xc8: {  	(tm) =	ssettm $0x7FFFFFFF  }
0xc9: {  	_ =	shalt  }
tec
execute0_lowered:
.L_overlay_start_1:
0x0: {  	(tag) =	ssettag $0x1  }
0x1: {  	s0 =	stileid.u32;
	s1 =	srdreg.scid  }
0x2: {  	s1 =	sand.u32 $0x1, s1;
	s2 =	sshll.u32 s0, $0x1  }
0x3: {  	s1 =	sor.u32 s2, s1  }
0x4: {  	s2 =	smul.u32 $0xC80, s1;
	_ =	sdelay $0x1  }
0x5: {  	s9 =	rddreg [dreg:$0x0];
	s7 =	ssub.s32 $0x4E200, s2  }
0x6: {  	s3 =	rddreg [dreg:$0x1];
	s4 =	smulhi.u32 $0xA3D71, s7  }
0x7: {  	s6 =	simm.s32 $0x2;
	s11 =	simm.s32 $0x3;
	s14 =	simm.s32 $0x0  }
0x8: {  	s13 =	simm.s32 $0x0;
	s5 =	sadd.s32 $0x3200, s9;
	s8 =	sshrl.u32 s4, $0x4  }
0x9: {  	s1 =	rddreg [dreg:$0x2];
	_ =	strace $0x80000047;
	s10 =	smul.u32 $0x19000, s8  }
.Ltmp0:
0xa: {  	s12 =	smov.u32 s2;
	s4 =	simm.s32 $0x1;
	(pc) =	sbr.rel .LBB2_1-.Ltmp0, $4  }
0xb: {  	[sflag:s4] =	ssyncpa.u1 $0x0;
	p0 =	sne.s32 s7, s10;
	s10 =	simm.s32 $0x1  }
0xc: {  	[sflag:s6] =	ssyncpa.u1 $0x0;
	s7 =	sadd.s32 $0x9F600, s9;
	s10 =	simm.s32 @!p0 $0x0  }
0xd: {  	[sflag:s11] =	ssyncpa.u1 $0x0;
	s9 =	sadd.s32 $0xED800, s9;
	s8 =	sadd.s32 s10, s8  }
0xe: {  	vm0 =	vmmov $0xffff;
	v0 =	vlaneseq.u32;
	s11 =	simm.s32 $0x0;
	p0 =	por $0x0, $0x0;
	s10 =	sadd.s32 $0x1, s8  }
.LBB2_4:
0xf: {  	_ =	sdelay $0x1  }
0x10: {  	(ifvalue) =	ssetifvalue $0x7FFFFFFF  }
0x11: {  	s17 =	sshll.u32 s14, $0x3;
	(ifvalue) =	ssetifvalue $0x7FFFFFFF  }
0x12: {  	[tilespmem:s23], [sflag:$0x1] =	stream.indirect_vreg.gather [hbm4b:s5+s11], $0x1, v1, vm0, $0x4038;
	[tilespmem:$0x1A900] =	vst v63  }
0x13: {  	s30 =	sand.u32 $0x78, s14;
	s17 =	sand.u32 $0xFFFFFC00, s17  }
0x14: {  	_ =	swait.ge [sflag:s4], $0xC800;
	s14 =	sor.u32 s30, s17  }
0x15: {  	[sflag:s4] =	ssyncset.done $0x0;
	s14 =	sshrl.u32 s14, $0x3  }
0x16: {  	[sflag:s4] =	ssyncadd.s32 $0xFFFF3800;
	s31 =	sadd.s32 s7, s14  }
0x17: {  	[hbm:s31] =	stream.linear.scatter [tilespmem:s16], [sflag:$0x3], $0x6400, $0x38;
	[tilespmem:$0x1A900] =	vst v63  }
0x18: {  	s15 =	sadd.s32 $0x7D00, s15;
	s14 =	sadd.s32 s14, s9  }
0x19: {  	[hbm:s14] =	stream.linear.scatter [tilespmem:s15], [sflag:$0x3], $0x6400, $0x38;
	[tilespmem:$0x1A900] =	vst v63  }
.LBB2_5:
0x1a: {  	s16 =	sadd.s32 $0x19000, s12  }
0x1b: {  	p2 =	sgt.s32 s16, $0x4E1FF  }
0x1c: {  	s16 =	smov.u32 @p2 s2;
	p2 =	sne.s32 s13, s10  }
.Ltmp1:
0x1d: {  	p1 =	slt.u32 s13, $0x2;
	(pc) =	sbr.rel @!p2 .LBB2_6-.Ltmp1, $4  }
0x1e: {  	s15 =	simm.s32 @!p1 $0x3  }
0x1f: {  	s17 =	sadd.s32 $0x1, s13;
	_ =	swait.ge @!p1 [sflag:s15], $0xC800  }
0x20: {  	s14 =	smov.u32 s12;
	p0 =	por !p0, !p0;
	[sflag:s15] =	ssyncset.done @!p1 $0x0  }
0x21: {  	s13 =	smov.u32 s17;
	s12 =	smov.u32 s16;
	[sflag:s15] =	ssyncadd.s32 @!p1 $0xFFFF3800  }
.LBB2_1:
0x22: {  	p1 =	sge.u32 s13, s8  }
0x23: {  	s15 =	sxor.u32 @!p1 $0xFFFFFFFF, s13  }
0x24: {  	s15 =	sand.u32 @!p1 $0x1, s15  }
0x25: {  	s15 =	smul.u32 @!p1 $0x3200, s15  }
0x26: {  	s31 =	sadd.s32 $0xFFFFFFFF, s13;
	s16 =	sshrl.u32 @!p1 s12, $0x3  }
0x27: {  	s17 =	sand.u32 @!p1 $0x7, s12;
	s16 =	sadd.s32 @!p1 s3, s16;
	s15 =	sshrl.u32 @!p1 s15, $0x2  }
0x28: {  	[tilespmem:s15], [sflag:$0x2] =	stream.linear.gather @!p1 [hbm4b:s16+s17], $0xC80, $0x38;
	[tilespmem:$0x1A900] =	vst v63  }
0x29: {  	p1 =	sge.u32 s31, s8  }
.Ltmp2:
0x2a: {  	_ = 	snop;
	(pc) =	sbr.rel @p1 .LBB2_5-.Ltmp2, $1  }
0x2b: {  	_ =	sdelay $0x3  }
0x2c: {  	s15 =	simm.s32 $0x1  }
0x2d: {  	s15 =	simm.s32 @!p0 $0x0  }
0x2e: {  	_ =	swait.ge [sflag:s6], $0xC80;
	s15 =	smul.u32 $0x3200, s15  }
0x2f: {  	[sflag:s6] =	ssyncset.done $0x0  }
0x30: {  	[sflag:s6] =	ssyncadd.s32 $0xFFFFF380;
	s19 =	sshrl.u32 s15, $0x2  }
0x31: {  	v1 =	vld.msk [tilespmem:s19+$0x0 ss:$0x1], $0xffff;
	_ =	sdelay $0x2  }
0x32: {  	s20 =	ssub.s32 $0x4E200, s14  }
0x33: {  	p1 =	slt.s32 s20, $0xC80  }
0x34: {  	s20 =	simm.s32 @!p1 $0xC80;
	vm1 =	vgt.s32 v1, $0x0  }
0x35: {  	p1 =	sgt.s32 s20, $0x0;
	s15 =	smov.u32 s20;
	v1 =	vnsel vm1, $0x0, v1  }
0x36: {  	s15 =	simm.s32 @!p1 $0x0;
	v1 =	vmin.u32 v1, $0x4E1FF  }
0x37: {  	s15 =	smin.u32 s15, $0x10;
	v2 =	vshll.u32 v1, $0x3  }
0x38: {  	s16 =	sand.u32 $0x1, s13;
	v3 =	vmov s15;
	v1 =	vand.u32 $0x7F, v1;
	v2 =	vand.u32 $0x3FFC00, v2  }
0x39: {  	s26 =	smul.u32 $0x32000, s16;
	vm1 =	vgt.u32 v3, v0;
	v1 =	vor.u32 v1, v2  }
0x3a: {  	v2 =	vnsel vm1, $0x7FFFFFFF, v1  }
0x3b: {  	s18 =	simm.s32 $0x0;
	s15 =	sshrl.u32 s26, $0x2  }
0x3c: {  	s17 =	simm.s32 $0x0;
	s18 =	sand.u32 $0x7C00, s18;
	s16 =	sadd.s32 $0x1900, s15;
	v3 =	vor.u32 $0x80, v1  }
0x3d: {  	s21 =	sand.u32 $0x70, s17;
	(ifvalue) =	ssetifvalue $0x7FFFFFFF;
	s18 =	sadd.s32 s18, s16;
	v3 =	vnsel vm1, $0x7FFFFFFF, v3  }
0x3e: {  	(ifvalue) =	ssetifvalue $0x7FFFFFFF;
	s21 =	sadd.s32 s21, s18  }
0x3f: {  	v4 =	vor.u32 $0x100, v1;
	[tilespmem:s21], [sflag:$0x1] =	stream.indirect_vreg.gather [hbm4b:s5+s11], $0x1, v2, vm0, $0x4038;
	[tilespmem:$0x1A900] =	vst v63  }
0x40: {  	v2 =	vnsel vm1, $0x7FFFFFFF, v4;
	(ifvalue) =	ssetifvalue $0x7FFFFFFF  }
0x41: {  	s18 =	sadd.s32 $0x80, s21;
	(ifvalue) =	ssetifvalue $0x7FFFFFFF  }
0x42: {  	v52 =	vor.u32 $0x180, v1;
	[tilespmem:s18], [sflag:$0x1] =	stream.indirect_vreg.gather [hbm4b:s5+s11], $0x1, v3, vm0, $0x4038;
	[tilespmem:$0x1A900] =	vst v63  }
0x43: {  	v3 =	vnsel vm1, $0x7FFFFFFF, v52;
	(ifvalue) =	ssetifvalue $0x7FFFFFFF  }
0x44: {  	s28 =	sadd.s32 $0x100, s21;
	(ifvalue) =	ssetifvalue $0x7FFFFFFF  }
0x45: {  	v53 =	vor.u32 $0x200, v1;
	[tilespmem:s28], [sflag:$0x1] =	stream.indirect_vreg.gather [hbm4b:s5+s11], $0x1, v2, vm0, $0x4038;
	[tilespmem:$0x1A900] =	vst v63  }
0x46: {  	v2 =	vnsel vm1, $0x7FFFFFFF, v53;
	(ifvalue) =	ssetifvalue $0x7FFFFFFF  }
0x47: {  	s29 =	sadd.s32 $0x180, s21;
	(ifvalue) =	ssetifvalue $0x7FFFFFFF  }
0x48: {  	v54 =	vor.u32 $0x280, v1;
	[tilespmem:s29], [sflag:$0x1] =	stream.indirect_vreg.gather [hbm4b:s5+s11], $0x1, v3, vm0, $0x4038;
	[tilespmem:$0x1A900] =	vst v63  }
0x49: {  	v3 =	vnsel vm1, $0x7FFFFFFF, v54;
	(ifvalue) =	ssetifvalue $0x7FFFFFFF  }
0x4a: {  	s30 =	sadd.s32 $0x200, s21;
	(ifvalue) =	ssetifvalue $0x7FFFFFFF  }
0x4b: {  	v55 =	vor.u32 $0x300, v1;
	[tilespmem:s30], [sflag:$0x1] =	stream.indirect_vreg.gather [hbm4b:s5+s11], $0x1, v2, vm0, $0x4038;
	[tilespmem:$0x1A900] =	vst v63  }
0x4c: {  	v2 =	vnsel vm1, $0x7FFFFFFF, v55;
	(ifvalue) =	ssetifvalue $0x7FFFFFFF  }
0x4d: {  	s31 =	sand.u32 $0x7, s17;
	s22 =	sadd.s32 $0x280, s21;
	(ifvalue) =	ssetifvalue $0x7FFFFFFF  }
0x4e: {  	v56 =	vor.u32 $0x380, v1;
	[tilespmem:s22], [sflag:$0x1] =	stream.indirect_vreg.gather [hbm4b:s5+s11], $0x1, v3, vm0, $0x4038;
	[tilespmem:$0x1A900] =	vst v63  }
0x4f: {  	s18 =	sshll.u32 s31, $0x4;
	v3 =	vnsel vm1, $0x7FFFFFFF, v56;
	(ifvalue) =	ssetifvalue $0x7FFFFFFF  }
0x50: {  	s23 =	sadd.s32 $0x300, s21;
	s18 =	sadd.s32 $0x0, s18;
	(ifvalue) =	ssetifvalue $0x7FFFFFFF  }
0x51: {  	v57 =	vadd.s32 $0x271000, v1;
	[tilespmem:s23], [sflag:$0x1] =	stream.indirect_vreg.gather [hbm4b:s5+s11], $0x1, v2, vm0, $0x4038;
	[tilespmem:$0x1A900] =	vst v63  }
0x52: {  	s18 =	sor.u32 $0x380, s18;
	v2 =	vnsel vm1, $0x7FFFFFFF, v57;
	(ifvalue) =	ssetifvalue $0x7FFFFFFF  }
0x53: {  	s18 =	sadd.s32 s18, s16;
	(ifvalue) =	ssetifvalue $0x7FFFFFFF  }
0x54: {  	v58 =	vadd.s32 $0x271080, v1;
	[tilespmem:s18], [sflag:$0x1] =	stream.indirect_vreg.gather [hbm4b:s5+s11], $0x1, v3, vm0, $0x4038;
	[tilespmem:$0x1A900] =	vst v63  }
0x55: {  	v3 =	vnsel vm1, $0x7FFFFFFF, v58;
	(ifvalue) =	ssetifvalue $0x7FFFFFFF  }
0x56: {  	s24 =	sadd.s32 $0x6400, s21;
	(ifvalue) =	ssetifvalue $0x7FFFFFFF  }
0x57: {  	v59 =	vadd.s32 $0x271100, v1;
	[tilespmem:s24], [sflag:$0x1] =	stream.indirect_vreg.gather [hbm4b:s5+s11], $0x1, v2, vm0, $0x4038;
	[tilespmem:$0x1A900] =	vst v63  }
0x58: {  	v2 =	vnsel vm1, $0x7FFFFFFF, v59;
	(ifvalue) =	ssetifvalue $0x7FFFFFFF  }
0x59: {  	s25 =	sadd.s32 $0x6480, s21;
	(ifvalue) =	ssetifvalue $0x7FFFFFFF  }
0x5a: {  	v60 =	vadd.s32 $0x271180, v1;
	[tilespmem:s25], [sflag:$0x1] =	stream.indirect_vreg.gather [hbm4b:s5+s11], $0x1, v3, vm0, $0x4038;
	[tilespmem:$0x1A900] =	vst v63  }
0x5b: {  	v3 =	vnsel vm1, $0x7FFFFFFF, v60;
	(ifvalue) =	ssetifvalue $0x7FFFFFFF  }
0x5c: {  	s26 =	sadd.s32 $0x6500, s21;
	(ifvalue) =	ssetifvalue $0x7FFFFFFF  }
0x5d: {  	v61 =	vadd.s32 $0x271200, v1;
	[tilespmem:s26], [sflag:$0x1] =	stream.indirect_vreg.gather [hbm4b:s5+s11], $0x1, v2, vm0, $0x4038;
	[tilespmem:$0x1A900] =	vst v63  }
0x5e: {  	v2 =	vnsel vm1, $0x7FFFFFFF, v61;
	(ifvalue) =	ssetifvalue $0x7FFFFFFF  }
0x5f: {  	s28 =	sadd.s32 $0x6580, s21;
	(ifvalue) =	ssetifvalue $0x7FFFFFFF  }
0x60: {  	v62 =	vadd.s32 $0x271280, v1;
	[tilespmem:s28], [sflag:$0x1] =	stream.indirect_vreg.gather [hbm4b:s5+s11], $0x1, v3, vm0, $0x4038;
	[tilespmem:$0x1A900] =	vst v63  }
0x61: {  	v3 =	vnsel vm1, $0x7FFFFFFF, v62;
	(ifvalue) =	ssetifvalue $0x7FFFFFFF  }
0x62: {  	s29 =	sadd.s32 $0x6600, s21;
	(ifvalue) =	ssetifvalue $0x7FFFFFFF  }
0x63: {  	v63 =	vadd.s32 $0x271300, v1;
	[tilespmem:s29], [sflag:$0x1] =	stream.indirect_vreg.gather [hbm4b:s5+s11], $0x1, v2, vm0, $0x4038;
	[tilespmem:$0x1A900] =	vst v63  }
0x64: {  	s20 =	sadd.s32 $0xFFFFFFF0, s20;
	s19 =	sadd.s32 $0x10, s19;
	v2 =	vnsel vm1, $0x7FFFFFFF, v63;
	(ifvalue) =	ssetifvalue $0x7FFFFFFF  }
0x65: {  	s31 =	sadd.s32 $0x6700, s21;
	s30 =	sadd.s32 $0x6680, s21;
	(ifvalue) =	ssetifvalue $0x7FFFFFFF  }
0x66: {  	[tilespmem:s30], [sflag:$0x1] =	stream.indirect_vreg.gather [hbm4b:s5+s11], $0x1, v3, vm0, $0x4038;
	[tilespmem:$0x1A900] =	vst v63  }
0x67: {  	v1 =	vadd.s32 $0x271380, v1;
	s22 =	simm.s32 $0x0;
	s23 =	sadd.s32 $0x6780, s21;
	(ifvalue) =	ssetifvalue $0x7FFFFFFF  }
0x68: {  	v1 =	vnsel vm1, $0x7FFFFFFF, v1;
	s21 =	simm.s32 $0xFFFF9C80;
	s18 =	simm.s32 $0x10;
	(ifvalue) =	ssetifvalue $0x7FFFFFFF  }
0x69: {  	[tilespmem:s31], [sflag:$0x1] =	stream.indirect_vreg.gather [hbm4b:s5+s11], $0x1, v2, vm0, $0x4038;
	[tilespmem:$0x1A900] =	vst v63  }
.LBB2_3:
0x6a: {  	(ifvalue) =	ssetifvalue $0x7FFFFFFF  }
0x6b: {  	s17 =	sadd.s32 $0x80, s17;
	s22 =	sadd.s32 $0x1, s22;
	s24 =	smov.u32 s18  }
0x6c: {  	p1 =	sne.s32 s18, $0xC70;
	s18 =	sadd.s32 $0x10, s18;
	(ifvalue) =	ssetifvalue $0x7FFFFFFF  }
0x6d: {  	[tilespmem:s23], [sflag:$0x1] =	stream.indirect_vreg.gather [hbm4b:s5+s11], $0x1, v1, vm0, $0x4038;
	[tilespmem:$0x1A900] =	vst v63  }
0x6e: {  	v1 =	vld.msk [tilespmem:s19+$0x0 ss:$0x1], $0xffff;
	_ =	sdelay $0x4  }
0x6f: {  	p2 =	sgt.s32 s20, $0x0;
	s23 =	smov.u32 s20;
	vm1 =	vgt.s32 v1, $0x0  }
0x70: {  	s23 =	simm.s32 @!p2 $0x0;
	v1 =	vnsel vm1, $0x0, v1  }
0x71: {  	s23 =	smin.u32 s23, $0x10;
	v1 =	vmin.u32 v1, $0x4E1FF  }
0x72: {  	v2 =	vmov s23;
	v3 =	vshll.u32 v1, $0x3  }
0x73: {  	vm1 =	vgt.u32 v2, v0;
	v1 =	vand.u32 $0x7F, v1;
	v2 =	vand.u32 $0x3FFC00, v3  }
0x74: {  	v1 =	vor.u32 v1, v2  }
0x75: {  	s23 =	sadd.s32 $0x6400, s21;
	v2 =	vnsel vm1, $0x7FFFFFFF, v1  }
0x76: {  	s23 =	sand.u32 $0x7C00, s23;
	v3 =	vor.u32 $0x80, v1;
	v4 =	vor.u32 $0x100, v1;
	v5 =	vor.u32 $0x180, v1  }
0x77: {  	s24 =	sand.u32 $0x70, s24;
	s23 =	sadd.s32 s23, s16;
	v6 =	vor.u32 $0x200, v1;
	v3 =	vnsel vm1, $0x7FFFFFFF, v3;
	v4 =	vnsel vm1, $0x7FFFFFFF, v4;
	(ifvalue) =	ssetifvalue $0x7FFFFFFF  }
0x78: {  	s23 =	sadd.s32 s24, s23;
	v7 =	vor.u32 $0x280, v1;
	v8 =	vor.u32 $0x300, v1;
	v5 =	vnsel vm1, $0x7FFFFFFF, v5;
	(ifvalue) =	ssetifvalue $0x7FFFFFFF  }
0x79: {  	v9 =	vor.u32 $0x380, v1;
	v6 =	vnsel vm1, $0x7FFFFFFF, v6;
	v7 =	vnsel vm1, $0x7FFFFFFF, v7  }
0x7a: {  	v10 =	vadd.s32 $0x271000, v1;
	v11 =	vadd.s32 $0x271100, v1;
	v8 =	vnsel vm1, $0x7FFFFFFF, v8  }
0x7b: {  	[tilespmem:s23], [sflag:$0x1] =	stream.indirect_vreg.gather [hbm4b:s5+s11], $0x1, v2, vm0, $0x4038;
	v2 =	vnsel vm1, $0x7FFFFFFF, v9;
	v9 =	vnsel vm1, $0x7FFFFFFF, v10;
	v10 =	vadd.s32 $0x271080, v1;
	[tilespmem:$0x1A900] =	vst v63  }
0x7c: {  	v12 =	vadd.s32 $0x271180, v1;
	(ifvalue) =	ssetifvalue $0x7FFFFFFF;
	v10 =	vnsel vm1, $0x7FFFFFFF, v10  }
0x7d: {  	s24 =	sadd.s32 $0x80, s23;
	v13 =	vadd.s32 $0x271280, v1;
	v11 =	vnsel vm1, $0x7FFFFFFF, v11;
	(ifvalue) =	ssetifvalue $0x7FFFFFFF  }
0x7e: {  	[tilespmem:s24], [sflag:$0x1] =	stream.indirect_vreg.gather [hbm4b:s5+s11], $0x1, v3, vm0, $0x4038;
	v3 =	vnsel vm1, $0x7FFFFFFF, v12;
	v12 =	vadd.s32 $0x271200, v1;
	[tilespmem:$0x1A900] =	vst v63  }
0x7f: {  	v14 =	vadd.s32 $0x271300, v1;
	v13 =	vnsel vm1, $0x7FFFFFFF, v13;
	(ifvalue) =	ssetifvalue $0x7FFFFFFF;
	v12 =	vnsel vm1, $0x7FFFFFFF, v12  }
0x80: {  	v14 =	vnsel vm1, $0x7FFFFFFF, v14;
	s24 =	sadd.s32 $0x100, s23;
	v1 =	vadd.s32 $0x271380, v1;
	(ifvalue) =	ssetifvalue $0x7FFFFFFF  }
0x81: {  	v1 =	vnsel vm1, $0x7FFFFFFF, v1;
	[tilespmem:s24], [sflag:$0x1] =	stream.indirect_vreg.gather [hbm4b:s5+s11], $0x1, v4, vm0, $0x4038;
	[tilespmem:$0x1A900] =	vst v63  }
0x82: {  	(ifvalue) =	ssetifvalue $0x7FFFFFFF  }
0x83: {  	s24 =	sadd.s32 $0x180, s23;
	(ifvalue) =	ssetifvalue $0x7FFFFFFF  }
0x84: {  	[tilespmem:s24], [sflag:$0x1] =	stream.indirect_vreg.gather [hbm4b:s5+s11], $0x1, v5, vm0, $0x4038;
	[tilespmem:$0x1A900] =	vst v63  }
0x85: {  	(ifvalue) =	ssetifvalue $0x7FFFFFFF  }
0x86: {  	s24 =	sadd.s32 $0x200, s23;
	(ifvalue) =	ssetifvalue $0x7FFFFFFF  }
0x87: {  	[tilespmem:s24], [sflag:$0x1] =	stream.indirect_vreg.gather [hbm4b:s5+s11], $0x1, v6, vm0, $0x4038;
	[tilespmem:$0x1A900] =	vst v63  }
0x88: {  	(ifvalue) =	ssetifvalue $0x7FFFFFFF  }
0x89: {  	s25 =	sadd.s32 $0x280, s23;
	s24 =	sand.u32 $0x7, s22;
	(ifvalue) =	ssetifvalue $0x7FFFFFFF  }
0x8a: {  	[tilespmem:s25], [sflag:$0x1] =	stream.indirect_vreg.gather [hbm4b:s5+s11], $0x1, v7, vm0, $0x4038;
	[tilespmem:$0x1A900] =	vst v63  }
0x8b: {  	s24 =	sshll.u32 s24, $0x4;
	(ifvalue) =	ssetifvalue $0x7FFFFFFF  }
0x8c: {  	s24 =	sadd.s32 s24, s17;
	s25 =	sadd.s32 $0x300, s23;
	(ifvalue) =	ssetifvalue $0x7FFFFFFF  }
0x8d: {  	[tilespmem:s25], [sflag:$0x1] =	stream.indirect_vreg.gather [hbm4b:s5+s11], $0x1, v8, vm0, $0x4038;
	[tilespmem:$0x1A900] =	vst v63  }
0x8e: {  	s24 =	sor.u32 $0x380, s24;
	(ifvalue) =	ssetifvalue $0x7FFFFFFF  }
0x8f: {  	s24 =	sadd.s32 s24, s16;
	(ifvalue) =	ssetifvalue $0x7FFFFFFF  }
0x90: {  	[tilespmem:s24], [sflag:$0x1] =	stream.indirect_vreg.gather [hbm4b:s5+s11], $0x1, v2, vm0, $0x4038;
	[tilespmem:$0x1A900] =	vst v63  }
0x91: {  	(ifvalue) =	ssetifvalue $0x7FFFFFFF  }
0x92: {  	s24 =	sadd.s32 $0x6400, s23;
	(ifvalue) =	ssetifvalue $0x7FFFFFFF  }
0x93: {  	[tilespmem:s24], [sflag:$0x1] =	stream.indirect_vreg.gather [hbm4b:s5+s11], $0x1, v9, vm0, $0x4038;
	[tilespmem:$0x1A900] =	vst v63  }
0x94: {  	(ifvalue) =	ssetifvalue $0x7FFFFFFF  }
0x95: {  	s24 =	sadd.s32 $0x6480, s23;
	(ifvalue) =	ssetifvalue $0x7FFFFFFF  }
0x96: {  	[tilespmem:s24], [sflag:$0x1] =	stream.indirect_vreg.gather [hbm4b:s5+s11], $0x1, v10, vm0, $0x4038;
	[tilespmem:$0x1A900] =	vst v63  }
0x97: {  	(ifvalue) =	ssetifvalue $0x7FFFFFFF  }
0x98: {  	s24 =	sadd.s32 $0x6500, s23;
	(ifvalue) =	ssetifvalue $0x7FFFFFFF  }
0x99: {  	[tilespmem:s24], [sflag:$0x1] =	stream.indirect_vreg.gather [hbm4b:s5+s11], $0x1, v11, vm0, $0x4038;
	[tilespmem:$0x1A900] =	vst v63  }
0x9a: {  	(ifvalue) =	ssetifvalue $0x7FFFFFFF  }
0x9b: {  	s25 =	sadd.s32 $0x6600, s23;
	s24 =	sadd.s32 $0x6580, s23;
	(ifvalue) =	ssetifvalue $0x7FFFFFFF  }
0x9c: {  	[tilespmem:s24], [sflag:$0x1] =	stream.indirect_vreg.gather [hbm4b:s5+s11], $0x1, v3, vm0, $0x4038;
	[tilespmem:$0x1A900] =	vst v63  }
0x9d: {  	(ifvalue) =	ssetifvalue $0x7FFFFFFF  }
0x9e: {  	s24 =	sadd.s32 $0x6680, s23;
	(ifvalue) =	ssetifvalue $0x7FFFFFFF  }
0x9f: {  	[tilespmem:s25], [sflag:$0x1] =	stream.indirect_vreg.gather [hbm4b:s5+s11], $0x1, v12, vm0, $0x4038;
	[tilespmem:$0x1A900] =	vst v63  }
0xa0: {  	(ifvalue) =	ssetifvalue $0x7FFFFFFF  }
.Ltmp3:
0xa1: {  	s25 =	sadd.s32 $0x6700, s23;
	(ifvalue) =	ssetifvalue $0x7FFFFFFF;
	(pc) =	sbr.rel @p1 .LBB2_3-.Ltmp3, $4  }
0xa2: {  	[tilespmem:s24], [sflag:$0x1] =	stream.indirect_vreg.gather [hbm4b:s5+s11], $0x1, v13, vm0, $0x4038;
	[tilespmem:$0x1A900] =	vst v63  }
0xa3: {  	s20 =	sadd.s32 $0xFFFFFFF0, s20;
	s19 =	sadd.s32 $0x10, s19;
	(ifvalue) =	ssetifvalue $0x7FFFFFFF  }
0xa4: {  	s21 =	sadd.s32 $0x80, s21;
	s23 =	sadd.s32 $0x6780, s23;
	(ifvalue) =	ssetifvalue $0x7FFFFFFF  }
0xa5: {  	[tilespmem:s25], [sflag:$0x1] =	stream.indirect_vreg.gather [hbm4b:s5+s11], $0x1, v14, vm0, $0x4038;
	[tilespmem:$0x1A900] =	vst v63  }
.Ltmp4:
0xa6: {  	_ = 	snop;
	(pc) =	sbr.rel .LBB2_4-.Ltmp4, $1  }
0xa7: {  	_ =	sdelay $0x3  }
.LBB2_6:
0xa8: {  	_ =	sfence.sel $0x180000  }
0xa9: {  	s2 =	simm.s32 $0x2;
	[bflag:$0x0] =	sbarrier.arrive $0xFFFF  }
0xaa: {  	s30 =	simm.s32 $0x3;
	[sflag:s2] =	ssyncpa.u1 $0x1  }
0xab: {  	s31 =	simm.s32 $0x1;
	[sflag:s30] =	ssyncpa.u1 $0x1  }
0xac: {  	[sflag:s31] =	ssyncpa.u1 $0x1  }
0xad: {  	p0 =	sne.s32 s0, $0x0;
	_ =	strace $0x90000047  }
0xae: {  	s0 =	sadd.s32 @!p0 $0x100000, s1;
	[bflag:$0x2] =	sbarrier.arrive $0xFFFF  }
0xaf: {  	[sflag:s0] =	ssyncadd.tile.s32 @!p0 $0x1;
	_ =	shalt  }
.Lfunc_end2:
_tile_overlayer_lowered:
.L_overlay_start_2:
0xb0: {  	(tag) =	ssettag $0x2  }
0xb1: {  	s0 =	rddreg [dreg:$0x0];
	s2 =	stileid.u32  }
0xb2: {  	s1 =	rddreg [dreg:$0x1];
	p0 =	sne.s32 s2, $0x0  }
0xb3: {  	s3 =	rddreg [dreg:$0x2];
	[bflag:$0x3] =	sbarrier.arrive $0xFFFF;
	s2 =	simm.s32 @!p0 $0x1C01  }
0xb4: {  	[timem:s3], [sflag:s2] =	dma.local @!p0 [hbm:s0], s1  }
0xb5: {  	s0 =	simm.s32 @!p0 $0x1  }
0xb6: {  	_ =	swait.ge @!p0 [sflag:s0], s1  }
0xb7: {  	s1 =	ssub.s32 @!p0 $0x0, s1;
	[sflag:s0] =	ssyncset.done @!p0 $0x0  }
0xb8: {  	[sflag:s0] =	ssyncadd.s32 @!p0 s1  }
0xb9: {  	[bflag:$0x3] =	sbarrier.arrive $0xFFFF  }
0xba: {  	_ =	shalt  }

// kernel: kernel.20.cloned.1.call-start
scs
__scs_entry_jumppad:
0x0: {  	(pc) =	sbr.rel $0x88, $3  }
0x1: {  	(tag) =	ssettag $0x0;
	lr =	simm.s32 $0x1  }
0x2: {  	[smem:$0x3F92] =	sst lr;
	_ =	strace $0xD0000000  }
0x3: {  	_ = 	snop  }
0x4: {  	_ = 	snop  }
0x5: {  	_ = 	snop  }
0x6: {  	_ = 	snop  }
0x7: {  	_ = 	snop  }
__scs_overlays_trampoline_lowered:
0x8: {  	[smem:$0x3FA1] =	sst s0  }
0x9: {  	[smem:$0x3FA2] =	sst s1  }
0xa: {  	[smem:$0x3FA3] =	sst s2  }
0xb: {  	[smem:$0x3FA4] =	sst s3  }
0xc: {  	[smem:$0x3FA5] =	sst s4  }
0xd: {  	[smem:$0x3FA6] =	sst s5  }
0xe: {  	[smem:$0x3FA7] =	sst s6  }
0xf: {  	[smem:$0x3FA8] =	sst s7  }
0x10: {  	[smem:$0x3FA9] =	sst s8  }
0x11: {  	[smem:$0x3FAA] =	sst s9;
	s0 =	simm.s32 @!p0 $0x0  }
0x12: {  	s1 =	sld [smem:$0x3F90];
	s0 =	simm.s32 @p0 $0x1  }
0x13: {  	[smem:$0x3FAB] =	sst s0;
	s0 =	simm.s32 @!p1 $0x0  }
0x14: {  	s2 =	sld [smem:$0x3F8F];
	s0 =	simm.s32 @p1 $0x1  }
0x15: {  	[smem:$0x3FAC] =	sst s0;
	s0 =	simm.s32 @!p2 $0x0  }
0x16: {  	s3 =	sld [smem:$0x3FDB];
	s0 =	simm.s32 @p2 $0x1  }
0x17: {  	s4 =	simm.s32 $0x1BF5;
	[smem:$0x3FAE] =	sst s0  }
0x18: {  	s0 =	sld [smem:$0x3F91];
	_ =	swait.ge [sflag:s4], $0x0  }
0x19: {  	s7 =	sld [smem:$0x3F92]  }
0x1a: {  	s8 =	sadd.s32 $0xFFFFE003, lr  }
0x1b: {  	s9 =	sadd.s32 $0xFFFFFEF7, lr;
	s5 =	simm.s32 $0xFFFFFFFF;
	p2 =	slt.u32 s8, $0xFFFFF086  }
0x1c: {  	p1 =	slt.u32 s9, $0xF7A;
	s5 =	simm.s32 @!p2 $0x0  }
0x1d: {  	s5 =	simm.s32 @p1 $0x1;
	p0 =	seq.s32 s7, s2  }
0x1e: {  	s7 =	smul.u32 @!p0 $0xF7A, s2;
	p2 =	seq.s32 @!p0 s5, $0x0  }
0x1f: {  	s9 =	smul.u32 $0xF7A, s1;
	s8 =	simm.s32 @!p0 $0x1BF5;
	p2 =	por !p2, p0  }
0x20: {  	[sflag:s8] =	ssyncset.s32 @!p0 $0xFFFFF086;
	s6 =	sadd.s32 @!p0 s3, s7;
	s7 =	simm.s32 @!p0 $0x108  }
0x21: {  	s3 =	sadd.s32 s3, s9;
	s6 =	sadd.s32 @!p0 $0x88, s6;
	s7 =	simm.s32 @p2 $0x1082  }
0x22: {  	[simem:s7], [sflag:s8] =	dma.local @!p0 [hbm:s6], $0xF7A  }
0x23: {  	s9 =	sor.u32 $0xD0000000, s2;
	s6 =	simm.s32 $0x108;
	_ =	swait.ge @!p0 [sflag:s8], $0x0  }
0x24: {  	s3 =	sadd.s32 $0x88, s3;
	s6 =	simm.s32 @!p1 $0x1082;
	[sflag:s4] =	ssyncset.s32 $0xFFFFF086  }
0x25: {  	[simem:s6], [sflag:s4] =	dma.local [hbm:s3], $0xF7A  }
0x26: {  	[smem:$0x3F92] =	sst s1;
	(tag) =	ssettag s2;
	_ =	strace s9  }
0x27: {  	s1 =	sld [smem:$0x3FA2]  }
0x28: {  	s2 =	sld [smem:$0x3FA3]  }
0x29: {  	s4 =	sld [smem:$0x3FA5]  }
0x2a: {  	p0 =	seq.s32 s5, $0x0;
	s5 =	sld [smem:$0x3FA6]  }
0x2b: {  	s6 =	sld [smem:$0x3FA7]  }
0x2c: {  	s7 =	sld [smem:$0x3FA8]  }
0x2d: {  	s3 =	simm.s32 $0x108;
	s8 =	sld [smem:$0x3FA9]  }
0x2e: {  	s3 =	simm.s32 @!p0 $0x1082;
	s9 =	sld [smem:$0x3FAA]  }
0x2f: {  	lr =	sadd.s32 s0, s3;
	s0 =	sld [smem:$0x3FA1]  }
0x30: {  	s3 =	sld [smem:$0x3FA4]  }
0x31: {  	[smem:$0x3FAD] =	sst s10  }
0x32: {  	s10 =	sld [smem:$0x3FAB];
	_ =	sdelay $0x3  }
0x33: {  	p0 =	seq.s32 s10, $0x1;
	s10 =	sld [smem:$0x3FAD];
	_ =	sdelay $0x3  }
0x34: {  	[smem:$0x3FAD] =	sst s10  }
0x35: {  	s10 =	sld [smem:$0x3FAC];
	_ =	sdelay $0x3  }
0x36: {  	p1 =	seq.s32 s10, $0x1;
	s10 =	sld [smem:$0x3FAD];
	_ =	sdelay $0x3  }
0x37: {  	[smem:$0x3FAD] =	sst s10  }
0x38: {  	s10 =	sld [smem:$0x3FAE]  }
0x39: {  	_ = 	snop;
	(pc) =	sbr.ind lr, $3  }
0x3a: {  	_ = 	snop  }
0x3b: {  	_ = 	snop  }
0x3c: {  	p2 =	seq.s32 s10, $0x1;
	s10 =	sld [smem:$0x3FAD]  }
0x3d: {  	_ =	shalt  }
0x3e: {  	_ =	shalt  }
0x3f: {  	_ =	shalt  }
0x40: {  	_ =	shalt  }
0x41: {  	_ =	shalt  }
0x42: {  	_ =	shalt  }
0x43: {  	_ =	shalt  }
0x44: {  	_ =	shalt  }
0x45: {  	_ =	shalt  }
0x46: {  	_ =	shalt  }
0x47: {  	_ =	shalt  }
0x48: {  	_ =	shalt  }
0x49: {  	_ =	shalt  }
0x4a: {  	_ =	shalt  }
0x4b: {  	_ =	shalt  }
0x4c: {  	_ =	shalt  }
0x4d: {  	_ =	shalt  }
0x4e: {  	_ =	shalt  }
0x4f: {  	_ =	shalt  }
0x50: {  	_ =	shalt  }
0x51: {  	_ =	shalt  }
0x52: {  	_ =	shalt  }
0x53: {  	_ =	shalt  }
0x54: {  	_ =	shalt  }
0x55: {  	_ =	shalt  }
0x56: {  	_ =	shalt  }
0x57: {  	_ =	shalt  }
0x58: {  	_ =	shalt  }
0x59: {  	_ =	shalt  }
0x5a: {  	_ =	shalt  }
0x5b: {  	_ =	shalt  }
0x5c: {  	_ =	shalt  }
0x5d: {  	_ =	shalt  }
0x5e: {  	_ =	shalt  }
0x5f: {  	_ =	shalt  }
0x60: {  	_ =	shalt  }
0x61: {  	_ =	shalt  }
0x62: {  	_ =	shalt  }
0x63: {  	_ =	shalt  }
0x64: {  	_ =	shalt  }
0x65: {  	_ =	shalt  }
0x66: {  	_ =	shalt  }
0x67: {  	_ =	shalt  }
0x68: {  	_ =	shalt  }
0x69: {  	_ =	shalt  }
0x6a: {  	_ =	shalt  }
0x6b: {  	_ =	shalt  }
0x6c: {  	_ =	shalt  }
0x6d: {  	_ =	shalt  }
0x6e: {  	_ =	shalt  }
0x6f: {  	_ =	shalt  }
0x70: {  	_ =	shalt  }
0x71: {  	_ =	shalt  }
0x72: {  	_ =	shalt  }
0x73: {  	_ =	shalt  }
0x74: {  	_ =	shalt  }
0x75: {  	_ =	shalt  }
0x76: {  	_ =	shalt  }
0x77: {  	_ =	shalt  }
0x78: {  	_ =	shalt  }
0x79: {  	_ =	shalt  }
0x7a: {  	_ =	shalt  }
0x7b: {  	_ =	shalt  }
0x7c: {  	_ =	shalt  }
0x7d: {  	_ =	shalt  }
0x7e: {  	_ =	shalt  }
0x7f: {  	_ =	shalt  }
0x80: {  	_ =	shalt  }
0x81: {  	_ =	shalt  }
0x82: {  	_ =	shalt  }
0x83: {  	_ =	shalt  }
0x84: {  	_ =	shalt  }
0x85: {  	_ =	shalt  }
0x86: {  	_ =	shalt  }
0x87: {  	_ =	shalt  }
.Lfunc_end0:
.L_simem_size_0:
called_computation.2_lowered:
.L_overlay_start_0:
0x88: {  	s2 =	sld [smem:$0x3FD9]  }
0x89: {  	s3 =	sld [smem:$0x3FFE];
	_ =	sdelay $0x1  }
0x8a: {  	s1 =	srdreg.scid  }
0x8b: {  	s0 =	sand.u32 $0x1, s1  }
0x8c: {  	s14 =	sshll.u32 s0, $0xA;
	s2 =	sadd.s32 s3, s2  }
0x8d: {  	s2 =	sadd.s32 s2, s14  }
0x8e: {  	[smem:$0x3FB9] =	sst s2  }
0x8f: {  	_ = 	snop  }
0x90: {  	s2 =	sld [smem:$0x3FD0];
	_ =	sdelay $0x2  }
0x91: {  	s15 =	simm.s32 $0xA;
	s4 =	simm.s32 $0x10  }
0x92: {  	[smem:s4], [sflag:s15] =	dma.local [hbm:s2], $0x1  }
0x93: {  	_ =	swait.eq [sflag:s15], $0x1  }
0x94: {  	[sflag:s15] =	ssyncset.done $0x0  }
0x95: {  	s16 =	sld [smem:$0x11];
	[sflag:s15] =	ssyncadd.s32 $0xFFFFFFFF  }
0x96: {  	s17 =	sld [smem:$0x13];
	(tm) =	ssettm $0x1  }
0x97: {  	s18 =	sld [smem:$0x3FFB];
	_ =	sdelay $0x3  }
0x98: {  	_ =	strace s18  }
0x99: {  	s4 =	sld [smem:$0x3FFC];
	_ =	sdelay $0x3  }
0x9a: {  	_ =	strace s4  }
0x9b: {  	s4 =	sld [smem:$0x3FFD];
	_ =	sdelay $0x3  }
0x9c: {  	_ =	strace s4  }
0x9d: {  	_ =	strace $0x8FFFFFFF  }
0x9e: {  	s19 =	sld [smem:$0x3FDB];
	_ =	sdelay $0x1  }
0x9f: {  	s5 =	simm.s32 $_scs_section_size  }
0xa0: {  	s6 =	simm.s32 $_size__tile_overlayer_lowered;
	s7 =	simm.s32 $_tile_overlayer_lowered  }
0xa1: {  	s22 =	simm.s32 $0x1BFF;
	s21 =	sshll.u32 s7, $0x1;
	s4 =	sadd.s32 s5, s19  }
0xa2: {  	s8 =	simm.s32 $0x0;
	s20 =	sshll.u32 s6, $0x1;
	s6 =	sadd.s32 s21, s4  }
0xa3: {  	[timem:s8], [sflag:s22] =	dma.local [hbm:s6], s20  }
0xa4: {  	_ =	swait.ge [sflag:s22], s20  }
0xa5: {  	s5 =	ssub.s32 $0x0, s20;
	[sflag:s22] =	ssyncset.done $0x0  }
0xa6: {  	[sflag:s22] =	ssyncadd.s32 s5;
	_ =	sdelay $0x1  }
0xa7: {  	s23 =	simm.s32 $0x1B8B  }
0xa8: {  	_ =	swait.ge [sflag:s23], $0x1  }
0xa9: {  	[sflag:s23] =	ssyncset.done $0x0  }
0xaa: {  	s25 =	simm.s32 $0x1B8E;
	s24 =	sld [smem:$0x3FFE];
	[sflag:s23] =	ssyncadd.s32 $0xFFFFFFFF  }
0xab: {  	s26 =	simm.s32 $execute0_lowered;
	[smem:$0x3FD2] =	sst s25  }
0xac: {  	s6 =	sshll.u32 s26, $0x1;
	_ =	strace $0x8000004C;
	[dreg:$0x1] =	wrdreg $0xFFFFFFFF  }
0xad: {  	s28 =	simm.s32 $_size_execute0_lowered;
	s4 =	sadd.s32 s4, s6;
	[dreg:$0x0] =	wrdreg $0x0  }
0xae: {  	s6 =	sshll.u32 s28, $0x1;
	[dreg:$0x2] =	wrdreg s4  }
0xaf: {  	[dreg:$0x3] =	wrdreg s6  }
0xb0: {  	[dreg:$0x4] =	wrdreg $0xC0  }
0xb1: {  	_ =	task [dreg:s8], $0x5FFFF  }
0xb2: {  	[dreg:$0x1] =	wrdreg $0xFFFFFFFF  }
0xb3: {  	[dreg:$0x0] =	wrdreg $0x60  }
0xb4: {  	[dreg:$0x2] =	wrdreg s24  }
0xb5: {  	[dreg:$0x3] =	wrdreg s17  }
0xb6: {  	[dreg:$0x4] =	wrdreg s16  }
0xb7: {  	[dreg:$0x5] =	wrdreg $0x130000  }
0xb8: {  	[dreg:$0x6] =	wrdreg $0x9  }
0xb9: {  	_ =	task.clear_ibuf [dreg:s8], $0x7FFFF;
	_ =	strace $0x9000004C  }
0xba: {  	s29 =	simm.s32 $0x9;
	_ =	strace $0x8000004E  }
0xbb: {  	_ =	swait.ge [sflag:s29], $0x1  }
0xbc: {  	[sflag:s29] =	ssyncadd.s32 $0xFFFFFFFF  }
0xbd: {  	_ =	strace $0x9000004E  }
0xbe: {  	_ =	sfence  }
0xbf: {  	s30 =	sld [smem:$0x0];
	_ =	sdelay $0x2  }
0xc0: {  	s31 =	sshll.u32 s1, $0xD;
	s1 =	sshrl.u32 s1, $0x2  }
0xc1: {  	s3 =	sand.u32 $0x4000, s31;
	s1 =	sadd.s32 s1, s30  }
0xc2: {  	s0 =	sor.u32 s3, s0;
	s1 =	sshll.u32 s1, $0x11  }
0xc3: {  	s0 =	sor.u32 s1, s0  }
0xc4: {  	s0 =	sadd.s32 $0x8F2B, s0  }
0xc5: {  	[sflag:s0] =	ssyncadd.remote.s32 $0x1  }
0xc6: {  	_ =	sfence.sel $0xFFFF  }
0xc7: {  	[dreg:$0x0] =	wrdreg $0xFFFFFFFF;
	(pc) =	sbr.abs _section_cstart, $3  }
0xc8: {  	[dreg:$0x1] =	wrdreg $0xFFFFFFFF  }
0xc9: {  	_ =	task.clear_ibuf [dreg:s8], $0x2FFFF;
	_ =	strace $0x9FFFFFFF  }
0xca: {  	(tm) =	ssettm $0x7FFFFFFF  }
0xcb: {  	_ =	shalt  }
tec
execute0_lowered:
.L_overlay_start_1:
0x0: {  	(tag) =	ssettag $0x1  }
0x1: {  	s0 =	rddreg [dreg:$0x0]  }
0x2: {  	s5 =	rddreg [dreg:$0x1]  }
0x3: {  	s6 =	rddreg [dreg:$0x2]  }
0x4: {  	s1 =	rddreg [dreg:$0x3];
	s2 =	srdreg.scid;
	s3 =	simm.s32 $0x0  }
0x5: {  	s26 =	stileid.u32;
	s12 =	simm.s32 $0x5;
	s13 =	simm.s32 $0x5800  }
0x6: {  	s14 =	simm.s32 $0xB000;
	s15 =	simm.s32 $0x80;
	s16 =	simm.s32 $0xD000  }
0x7: {  	s17 =	simm.s32 $0x100;
	s18 =	simm.s32 $0xF000;
	s19 =	simm.s32 $0x1  }
0x8: {  	s20 =	simm.s32 $0x11000;
	s21 =	simm.s32 $0x2;
	s7 =	sand.u32 $0x1, s2  }
0x9: {  	s22 =	simm.s32 $0x3;
	s23 =	simm.s32 $0x4;
	s4 =	sshll.u32 s7, $0x4  }
0xa: {  	s24 =	simm.s32 $0xAE00;
	s25 =	simm.s32 $0x5780;
	s8 =	sor.u32 s26, s4  }
0xb: {  	s28 =	simm.s32 $0xAF00;
	s29 =	simm.s32 $0xAF80;
	s9 =	smul.u32 $0x4E40, s8  }
0xc: {  	s30 =	simm.s32 $0x0;
	[smem:$0x7FF] =	sst s3;
	s10 =	smul.u32 $0x13900, s8  }
0xd: {  	_ =	strace $0x8000004D;
	s7 =	ssub.s32 $0x2, s7;
	s8 =	smul.u32 $0xB00, s8  }
0xe: {  	s4 =	sadd.s32 $0x14F600, s0;
	s31 =	sshrl.u32 s7, $0x1;
	s26 =	simm.s32 $0xAE80  }
0xf: {  	s11 =	sshrl.u32 s9, $0x3;
	s10 =	sshrl.u32 s10, $0x2;
	s5 =	sadd.s32 s5, s8  }
0x10: {  	s6 =	sadd.s32 s6, s8;
	s0 =	sadd.s32 s11, s0;
	s10 =	sadd.s32 s10, s1  }
0x11: {  	s11 =	ssub.s32 s7, s31;
	s7 =	sadd.s32 s9, s1;
	s8 =	sadd.s32 $0x2000, s10  }
0x12: {  	v0 =	vimm.f32 $0.0e+00;
	s9 =	sadd.s32 $0x4000, s10;
	s10 =	sadd.s32 $0x3200, s0;
	s11 =	smax.u32 s11, $0x1  }
.LBB2_1:
0x13: {  	[tilespmem:s3], [sflag:$0x5] =	stream.linear.gather [hbm4b:s5+s3], $0x5800, $0x38;
	[tilespmem:$0x1CE00] =	vst v63  }
0x14: {  	_ =	swait.ge [sflag:s12], $0x5800  }
0x15: {  	[sflag:s12] =	ssyncset.done $0x0  }
0x16: {  	[sflag:s12] =	ssyncadd.s32 $0xFFFFA800  }
0x17: {  	[tilespmem:s13], [sflag:$0x5] =	stream.linear.gather [hbm4b:s6+s3], $0x5800, $0x38;
	[tilespmem:$0x1CE00] =	vst v63  }
0x18: {  	_ =	swait.ge [sflag:s12], $0x5800  }
0x19: {  	[sflag:s12] =	ssyncset.done $0x0  }
0x1a: {  	s31 =	simm.s32 $0x100;
	s0 =	simm.s32 $0x0;
	[sflag:s12] =	ssyncadd.s32 $0xFFFFA800  }
.LBB2_2:
0x1b: {  	p0 =	sne.s32 s31, $0x7F00;
	[tilespmem:s0+$0xB030] =	vst v0;
	s2 =	smov.u32 s31;
	s31 =	sadd.s32 $0x100, s31  }
.Ltmp0:
0x1c: {  	[tilespmem:s0+$0xB020] =	vst v0;
	(pc) =	sbr.rel @p0 .LBB2_2-.Ltmp0, $3  }
0x1d: {  	[tilespmem:s0+$0xB000] =	vst v0  }
0x1e: {  	[tilespmem:s0+$0xB010] =	vst v0;
	_ =	sdelay $0x1  }
0x1f: {  	s0 =	sshra.s32 s2, $0x2  }
0x20: {  	[tilespmem:s0+$0xB030] =	vst v0  }
0x21: {  	[tilespmem:s0+$0xB020] =	vst v0  }
0x22: {  	[tilespmem:s0+$0xB000] =	vst v0  }
0x23: {  	[tilespmem:s0+$0xB010] =	vst v0  }
0x24: {  	[spmem:s7] =	stream.linear.scatter [tilespmem:s14], [sflag:$0x5], $0x2000, $0x38;
	[tilespmem:$0x1CE00] =	vst v63  }
0x25: {  	_ =	swait.ge [sflag:s12], $0x2000  }
0x26: {  	[sflag:s12] =	ssyncset.done $0x0  }
0x27: {  	[sflag:s12] =	ssyncadd.s32 $0xFFFFE000  }
0x28: {  	[spmem:s8] =	stream.linear.scatter [tilespmem:s14], [sflag:$0x5], $0x2000, $0x38;
	[tilespmem:$0x1CE00] =	vst v63  }
0x29: {  	_ =	swait.ge [sflag:s12], $0x2000  }
0x2a: {  	[sflag:s12] =	ssyncset.done $0x0  }
0x2b: {  	[sflag:s12] =	ssyncadd.s32 $0xFFFFE000  }
0x2c: {  	[spmem:s9] =	stream.linear.scatter [tilespmem:s14], [sflag:$0x5], $0xE40, $0x38;
	[tilespmem:$0x1CE00] =	vst v63  }
0x2d: {  	_ =	swait.ge [sflag:s12], $0xE40  }
0x2e: {  	[sflag:s12] =	ssyncset.done $0x0  }
0x2f: {  	s2 =	simm.s32 $0x0;
	[sflag:s12] =	ssyncadd.s32 $0xFFFFF1C0  }
0x30: {  	[tilespmem:s14], [sflag:$0x1] =	stream.indirect.gather [hbm4b:s4+s15], $0x40, s2, s15, $0xb8;
	[tilespmem:$0x1CE00] =	vst v63  }
0x31: {  	_ = 	snop  }
0x32: {  	[tilespmem:s16], [sflag:$0x2] =	stream.indirect.gather [hbm4b:s4+s15], $0x40, s15, s15, $0xb8;
	[tilespmem:$0x1CE00] =	vst v63  }
0x33: {  	_ = 	snop  }
0x34: {  	[tilespmem:s18], [sflag:$0x3] =	stream.indirect.gather [hbm4b:s4+s15], $0x40, s17, s15, $0xb8;
	[tilespmem:$0x1CE00] =	vst v63  }
0x35: {  	_ =	swait.ge [sflag:s19], $0x2000  }
0x36: {  	[sflag:s19] =	ssyncset.done $0x0  }
0x37: {  	s2 =	simm.s32 $0x5800;
	[sflag:s19] =	ssyncadd.s32 $0xFFFFE000  }
0x38: {  	[spmem:s1] =	stream.indirect.scatter.add.f32 [tilespmem:s14], [sflag:$0x5], $0x40, s2, s15, $0xb8;
	[tilespmem:$0x1CE00] =	vst v63  }
0x39: {  	_ =	swait.ge [sflag:s12], $0x2000  }
0x3a: {  	[sflag:s12] =	ssyncset.done $0x0  }
0x3b: {  	s2 =	simm.s32 $0x180;
	[sflag:s12] =	ssyncadd.s32 $0xFFFFE000  }
0x3c: {  	[tilespmem:s20], [sflag:$0x4] =	stream.indirect.gather [hbm4b:s4+s15], $0x40, s2, s15, $0xb8;
	[tilespmem:$0x1CE00] =	vst v63  }
0x3d: {  	_ =	swait.ge [sflag:s21], $0x2000  }
0x3e: {  	[sflag:s21] =	ssyncset.done $0x0  }
0x3f: {  	s2 =	simm.s32 $0x5880;
	[sflag:s21] =	ssyncadd.s32 $0xFFFFE000  }
0x40: {  	[spmem:s1] =	stream.indirect.scatter.add.f32 [tilespmem:s16], [sflag:$0x5], $0x40, s2, s15, $0xb8;
	[tilespmem:$0x1CE00] =	vst v63  }
0x41: {  	_ =	swait.ge [sflag:s12], $0x2000  }
0x42: {  	[sflag:s12] =	ssyncset.done $0x0  }
0x43: {  	s2 =	simm.s32 $0x200;
	[sflag:s12] =	ssyncadd.s32 $0xFFFFE000  }
0x44: {  	[tilespmem:s14], [sflag:$0x1] =	stream.indirect.gather [hbm4b:s4+s15], $0x40, s2, s15, $0xb8;
	[tilespmem:$0x1CE00] =	vst v63  }
0x45: {  	_ =	swait.ge [sflag:s22], $0x2000  }
0x46: {  	[sflag:s22] =	ssyncset.done $0x0  }
0x47: {  	s2 =	simm.s32 $0x5900;
	[sflag:s22] =	ssyncadd.s32 $0xFFFFE000  }
0x48: {  	[spmem:s1] =	stream.indirect.scatter.add.f32 [tilespmem:s18], [sflag:$0x5], $0x40, s2, s15, $0xb8;
	[tilespmem:$0x1CE00] =	vst v63  }
0x49: {  	_ =	swait.ge [sflag:s12], $0x2000  }
0x4a: {  	[sflag:s12] =	ssyncset.done $0x0  }
0x4b: {  	s2 =	simm.s32 $0x280;
	[sflag:s12] =	ssyncadd.s32 $0xFFFFE000  }
0x4c: {  	[tilespmem:s16], [sflag:$0x2] =	stream.indirect.gather [hbm4b:s4+s15], $0x40, s2, s15, $0xb8;
	[tilespmem:$0x1CE00] =	vst v63  }
0x4d: {  	_ =	swait.ge [sflag:s23], $0x2000  }
0x4e: {  	[sflag:s23] =	ssyncset.done $0x0  }
0x4f: {  	s2 =	simm.s32 $0x5980;
	[sflag:s23] =	ssyncadd.s32 $0xFFFFE000  }
0x50: {  	[spmem:s1] =	stream.indirect.scatter.add.f32 [tilespmem:s20], [sflag:$0x5], $0x40, s2, s15, $0xb8;
	[tilespmem:$0x1CE00] =	vst v63  }
0x51: {  	_ =	swait.ge [sflag:s12], $0x2000  }
0x52: {  	[sflag:s12] =	ssyncset.done $0x0  }
0x53: {  	s31 =	simm.s32 $0x800;
	s0 =	simm.s32 $0x300;
	[sflag:s12] =	ssyncadd.s32 $0xFFFFE000  }
.LBB2_4:
0x54: {  	[tilespmem:s18], [sflag:$0x3] =	stream.indirect.gather [hbm4b:s4+s15], $0x40, s0, s15, $0xb8;
	[tilespmem:$0x1CE00] =	vst v63  }
0x55: {  	s0 =	smov.u32 s31  }
0x56: {  	p0 =	sne.s32 s31, $0x15000;
	s31 =	sadd.s32 $0x800, s31;
	_ =	swait.ge [sflag:s19], $0x2000  }
0x57: {  	s0 =	sshra.s32 s0, $0x2;
	[sflag:s19] =	ssyncset.done $0x0  }
0x58: {  	s2 =	sadd.s32 $0x5800, s0;
	[sflag:s19] =	ssyncadd.s32 $0xFFFFE000  }
0x59: {  	[spmem:s1] =	stream.indirect.scatter.add.f32 [tilespmem:s14], [sflag:$0x5], $0x40, s2, s15, $0xb8;
	[tilespmem:$0x1CE00] =	vst v63  }
0x5a: {  	_ =	swait.ge [sflag:s12], $0x2000  }
0x5b: {  	[sflag:s12] =	ssyncset.done $0x0  }
0x5c: {  	s2 =	sadd.s32 $0x180, s0;
	[sflag:s12] =	ssyncadd.s32 $0xFFFFE000  }
0x5d: {  	[tilespmem:s20], [sflag:$0x4] =	stream.indirect.gather [hbm4b:s4+s15], $0x40, s2, s15, $0xb8;
	[tilespmem:$0x1CE00] =	vst v63  }
0x5e: {  	_ =	swait.ge [sflag:s21], $0x2000  }
0x5f: {  	[sflag:s21] =	ssyncset.done $0x0  }
0x60: {  	s2 =	sadd.s32 $0x5880, s0;
	[sflag:s21] =	ssyncadd.s32 $0xFFFFE000  }
0x61: {  	[spmem:s1] =	stream.indirect.scatter.add.f32 [tilespmem:s16], [sflag:$0x5], $0x40, s2, s15, $0xb8;
	[tilespmem:$0x1CE00] =	vst v63  }
0x62: {  	_ =	swait.ge [sflag:s12], $0x2000  }
0x63: {  	[sflag:s12] =	ssyncset.done $0x0  }
0x64: {  	s2 =	sadd.s32 $0x200, s0;
	[sflag:s12] =	ssyncadd.s32 $0xFFFFE000  }
0x65: {  	[tilespmem:s14], [sflag:$0x1] =	stream.indirect.gather [hbm4b:s4+s15], $0x40, s2, s15, $0xb8;
	[tilespmem:$0x1CE00] =	vst v63  }
0x66: {  	_ =	swait.ge [sflag:s22], $0x2000  }
0x67: {  	[sflag:s22] =	ssyncset.done $0x0  }
0x68: {  	s2 =	sadd.s32 $0x5900, s0;
	[sflag:s22] =	ssyncadd.s32 $0xFFFFE000  }
0x69: {  	[spmem:s1] =	stream.indirect.scatter.add.f32 [tilespmem:s18], [sflag:$0x5], $0x40, s2, s15, $0xb8;
	[tilespmem:$0x1CE00] =	vst v63  }
0x6a: {  	_ =	swait.ge [sflag:s12], $0x2000  }
0x6b: {  	[sflag:s12] =	ssyncset.done $0x0  }
0x6c: {  	s2 =	sadd.s32 $0x280, s0;
	[sflag:s12] =	ssyncadd.s32 $0xFFFFE000  }
0x6d: {  	[tilespmem:s16], [sflag:$0x2] =	stream.indirect.gather [hbm4b:s4+s15], $0x40, s2, s15, $0xb8;
	[tilespmem:$0x1CE00] =	vst v63  }
0x6e: {  	_ =	swait.ge [sflag:s23], $0x2000  }
0x6f: {  	[sflag:s23] =	ssyncset.done $0x0  }
.Ltmp1:
0x70: {  	s2 =	sadd.s32 $0x5980, s0;
	[sflag:s23] =	ssyncadd.s32 $0xFFFFE000;
	(pc) =	sbr.rel @p0 .LBB2_4-.Ltmp1, $4  }
0x71: {  	[spmem:s1] =	stream.indirect.scatter.add.f32 [tilespmem:s20], [sflag:$0x5], $0x40, s2, s15, $0xb8;
	[tilespmem:$0x1CE00] =	vst v63  }
0x72: {  	_ =	swait.ge [sflag:s12], $0x2000  }
0x73: {  	[sflag:s12] =	ssyncset.done $0x0  }
0x74: {  	s0 =	sadd.s32 $0x300, s0;
	[sflag:s12] =	ssyncadd.s32 $0xFFFFE000  }
0x75: {  	[tilespmem:s18], [sflag:$0x3] =	stream.indirect.gather [hbm4b:s4+s15], $0x40, s0, s15, $0xb8;
	[tilespmem:$0x1CE00] =	vst v63  }
0x76: {  	_ =	swait.ge [sflag:s19], $0x2000  }
0x77: {  	[sflag:s19] =	ssyncset.done $0x0  }
0x78: {  	[sflag:s19] =	ssyncadd.s32 $0xFFFFE000  }
0x79: {  	[spmem:s1] =	stream.indirect.scatter.add.f32 [tilespmem:s14], [sflag:$0x5], $0x40, s24, s15, $0xb8;
	[tilespmem:$0x1CE00] =	vst v63  }
0x7a: {  	_ =	swait.ge [sflag:s12], $0x2000  }
0x7b: {  	[sflag:s12] =	ssyncset.done $0x0  }
0x7c: {  	[sflag:s12] =	ssyncadd.s32 $0xFFFFE000  }
0x7d: {  	[tilespmem:s20], [sflag:$0x4] =	stream.indirect.gather [hbm4b:s4+s15], $0x40, s25, s15, $0xb8;
	[tilespmem:$0x1CE00] =	vst v63  }
0x7e: {  	_ =	swait.ge [sflag:s21], $0x2000  }
0x7f: {  	[sflag:s21] =	ssyncset.done $0x0  }
0x80: {  	[sflag:s21] =	ssyncadd.s32 $0xFFFFE000  }
0x81: {  	[spmem:s1] =	stream.indirect.scatter.add.f32 [tilespmem:s16], [sflag:$0x5], $0x40, s26, s15, $0xb8;
	[tilespmem:$0x1CE00] =	vst v63  }
0x82: {  	_ =	swait.ge [sflag:s12], $0x2000  }
0x83: {  	[sflag:s12] =	ssyncset.done $0x0  }
0x84: {  	[sflag:s12] =	ssyncadd.s32 $0xFFFFE000  }
0x85: {  	_ =	swait.ge [sflag:s22], $0x2000  }
0x86: {  	[sflag:s22] =	ssyncset.done $0x0  }
0x87: {  	[sflag:s22] =	ssyncadd.s32 $0xFFFFE000  }
0x88: {  	[spmem:s1] =	stream.indirect.scatter.add.f32 [tilespmem:s18], [sflag:$0x5], $0x40, s28, s15, $0xb8;
	[tilespmem:$0x1CE00] =	vst v63  }
0x89: {  	_ =	swait.ge [sflag:s12], $0x2000  }
0x8a: {  	[sflag:s12] =	ssyncset.done $0x0  }
0x8b: {  	[sflag:s12] =	ssyncadd.s32 $0xFFFFE000  }
0x8c: {  	_ =	swait.ge [sflag:s23], $0x2000  }
0x8d: {  	[sflag:s23] =	ssyncset.done $0x0  }
0x8e: {  	s31 =	stileid.u32;
	[sflag:s23] =	ssyncadd.s32 $0xFFFFE000  }
0x8f: {  	[spmem:s1] =	stream.indirect.scatter.add.f32 [tilespmem:s20], [sflag:$0x5], $0x40, s29, s15, $0xb8;
	[tilespmem:$0x1CE00] =	vst v63  }
0x90: {  	s2 =	sshrl.u32 s7, $0x3;
	s30 =	sadd.s32 $0x1, s30;
	_ =	swait.ge [sflag:s12], $0x2000  }
0x91: {  	s0 =	sshll.u32 s31, $0x6;
	p0 =	sne.s32 s30, s11;
	[sflag:s12] =	ssyncset.done $0x0  }
.Ltmp2:
0x92: {  	s0 =	sor.u32 $0x1C05, s0;
	[sflag:s12] =	ssyncadd.s32 $0xFFFFE000;
	(pc) =	sbr.rel @p0 .LBB2_1-.Ltmp2, $4  }
0x93: {  	[hbm:s10], [sflag:s0] =	dma.local [spmem:s2], $0x9C8  }
0x94: {  	_ =	swait.ge [sflag:s12], $0x9C8  }
0x95: {  	[sflag:s12] =	ssyncset.done $0x0  }
0x96: {  	[sflag:s12] =	ssyncadd.s32 $0xFFFFF638  }
0x97: {  	_ =	sfence.sel $0x180000  }
0x98: {  	[bflag:$0x0] =	sbarrier.arrive $0xFFFF  }
0x99: {  	_ =	strace $0x9000004D  }
0x9a: {  	s0 =	stileid.u32;
	[bflag:$0x2] =	sbarrier.arrive $0xFFFF  }
0x9b: {  	p0 =	sne.s32 s0, $0x0;
	s0 =	rddreg [dreg:$0x4]  }
0x9c: {  	s0 =	sadd.s32 @!p0 $0x100000, s0  }
0x9d: {  	[sflag:s0] =	ssyncadd.tile.s32 @!p0 $0x1;
	_ =	shalt  }
.Lfunc_end2:
_tile_overlayer_lowered:
.L_overlay_start_2:
0x9e: {  	(tag) =	ssettag $0x2  }
0x9f: {  	s0 =	rddreg [dreg:$0x0];
	s2 =	stileid.u32  }
0xa0: {  	s1 =	rddreg [dreg:$0x1];
	p0 =	sne.s32 s2, $0x0  }
0xa1: {  	s3 =	rddreg [dreg:$0x2];
	[bflag:$0x3] =	sbarrier.arrive $0xFFFF;
	s2 =	simm.s32 @!p0 $0x1C05  }
0xa2: {  	[timem:s3], [sflag:s2] =	dma.local @!p0 [hbm:s0], s1  }
0xa3: {  	s0 =	simm.s32 @!p0 $0x5  }
0xa4: {  	_ =	swait.ge @!p0 [sflag:s0], s1  }
0xa5: {  	s1 =	ssub.s32 @!p0 $0x0, s1;
	[sflag:s0] =	ssyncset.done @!p0 $0x0  }
0xa6: {  	[sflag:s0] =	ssyncadd.s32 @!p0 s1  }
0xa7: {  	[bflag:$0x3] =	sbarrier.arrive $0xFFFF  }
0xa8: {  	_ =	shalt  }

// kernel: kernel.23.cloned.1.call-start
scs
__scs_entry_jumppad:
0x0: {  	(pc) =	sbr.rel $0x88, $3  }
0x1: {  	(tag) =	ssettag $0x0;
	lr =	simm.s32 $0x1  }
0x2: {  	[smem:$0x3F92] =	sst lr;
	_ =	strace $0xD0000000  }
0x3: {  	_ = 	snop  }
0x4: {  	_ = 	snop  }
0x5: {  	_ = 	snop  }
0x6: {  	_ = 	snop  }
0x7: {  	_ = 	snop  }
__scs_overlays_trampoline_lowered:
0x8: {  	[smem:$0x3FA1] =	sst s0  }
0x9: {  	[smem:$0x3FA2] =	sst s1  }
0xa: {  	[smem:$0x3FA3] =	sst s2  }
0xb: {  	[smem:$0x3FA4] =	sst s3  }
0xc: {  	[smem:$0x3FA5] =	sst s4  }
0xd: {  	[smem:$0x3FA6] =	sst s5  }
0xe: {  	[smem:$0x3FA7] =	sst s6  }
0xf: {  	[smem:$0x3FA8] =	sst s7  }
0x10: {  	[smem:$0x3FA9] =	sst s8  }
0x11: {  	[smem:$0x3FAA] =	sst s9;
	s0 =	simm.s32 @!p0 $0x0  }
0x12: {  	s1 =	sld [smem:$0x3F90];
	s0 =	simm.s32 @p0 $0x1  }
0x13: {  	[smem:$0x3FAB] =	sst s0;
	s0 =	simm.s32 @!p1 $0x0  }
0x14: {  	s2 =	sld [smem:$0x3F8F];
	s0 =	simm.s32 @p1 $0x1  }
0x15: {  	[smem:$0x3FAC] =	sst s0;
	s0 =	simm.s32 @!p2 $0x0  }
0x16: {  	s3 =	sld [smem:$0x3FDB];
	s0 =	simm.s32 @p2 $0x1  }
0x17: {  	s4 =	simm.s32 $0x1BF5;
	[smem:$0x3FAE] =	sst s0  }
0x18: {  	s0 =	sld [smem:$0x3F91];
	_ =	swait.ge [sflag:s4], $0x0  }
0x19: {  	s7 =	sld [smem:$0x3F92]  }
0x1a: {  	s8 =	sadd.s32 $0xFFFFE003, lr  }
0x1b: {  	s9 =	sadd.s32 $0xFFFFFEF7, lr;
	s5 =	simm.s32 $0xFFFFFFFF;
	p2 =	slt.u32 s8, $0xFFFFF086  }
0x1c: {  	p1 =	slt.u32 s9, $0xF7A;
	s5 =	simm.s32 @!p2 $0x0  }
0x1d: {  	s5 =	simm.s32 @p1 $0x1;
	p0 =	seq.s32 s7, s2  }
0x1e: {  	s7 =	smul.u32 @!p0 $0xF7A, s2;
	p2 =	seq.s32 @!p0 s5, $0x0  }
0x1f: {  	s9 =	smul.u32 $0xF7A, s1;
	s8 =	simm.s32 @!p0 $0x1BF5;
	p2 =	por !p2, p0  }
0x20: {  	[sflag:s8] =	ssyncset.s32 @!p0 $0xFFFFF086;
	s6 =	sadd.s32 @!p0 s3, s7;
	s7 =	simm.s32 @!p0 $0x108  }
0x21: {  	s3 =	sadd.s32 s3, s9;
	s6 =	sadd.s32 @!p0 $0x88, s6;
	s7 =	simm.s32 @p2 $0x1082  }
0x22: {  	[simem:s7], [sflag:s8] =	dma.local @!p0 [hbm:s6], $0xF7A  }
0x23: {  	s9 =	sor.u32 $0xD0000000, s2;
	s6 =	simm.s32 $0x108;
	_ =	swait.ge @!p0 [sflag:s8], $0x0  }
0x24: {  	s3 =	sadd.s32 $0x88, s3;
	s6 =	simm.s32 @!p1 $0x1082;
	[sflag:s4] =	ssyncset.s32 $0xFFFFF086  }
0x25: {  	[simem:s6], [sflag:s4] =	dma.local [hbm:s3], $0xF7A  }
0x26: {  	[smem:$0x3F92] =	sst s1;
	(tag) =	ssettag s2;
	_ =	strace s9  }
0x27: {  	s1 =	sld [smem:$0x3FA2]  }
0x28: {  	s2 =	sld [smem:$0x3FA3]  }
0x29: {  	s4 =	sld [smem:$0x3FA5]  }
0x2a: {  	p0 =	seq.s32 s5, $0x0;
	s5 =	sld [smem:$0x3FA6]  }
0x2b: {  	s6 =	sld [smem:$0x3FA7]  }
0x2c: {  	s7 =	sld [smem:$0x3FA8]  }
0x2d: {  	s3 =	simm.s32 $0x108;
	s8 =	sld [smem:$0x3FA9]  }
0x2e: {  	s3 =	simm.s32 @!p0 $0x1082;
	s9 =	sld [smem:$0x3FAA]  }
0x2f: {  	lr =	sadd.s32 s0, s3;
	s0 =	sld [smem:$0x3FA1]  }
0x30: {  	s3 =	sld [smem:$0x3FA4]  }
0x31: {  	[smem:$0x3FAD] =	sst s10  }
0x32: {  	s10 =	sld [smem:$0x3FAB];
	_ =	sdelay $0x3  }
0x33: {  	p0 =	seq.s32 s10, $0x1;
	s10 =	sld [smem:$0x3FAD];
	_ =	sdelay $0x3  }
0x34: {  	[smem:$0x3FAD] =	sst s10  }
0x35: {  	s10 =	sld [smem:$0x3FAC];
	_ =	sdelay $0x3  }
0x36: {  	p1 =	seq.s32 s10, $0x1;
	s10 =	sld [smem:$0x3FAD];
	_ =	sdelay $0x3  }
0x37: {  	[smem:$0x3FAD] =	sst s10  }
0x38: {  	s10 =	sld [smem:$0x3FAE]  }
0x39: {  	_ = 	snop;
	(pc) =	sbr.ind lr, $3  }
0x3a: {  	_ = 	snop  }
0x3b: {  	_ = 	snop  }
0x3c: {  	p2 =	seq.s32 s10, $0x1;
	s10 =	sld [smem:$0x3FAD]  }
0x3d: {  	_ =	shalt  }
0x3e: {  	_ =	shalt  }
0x3f: {  	_ =	shalt  }
0x40: {  	_ =	shalt  }
0x41: {  	_ =	shalt  }
0x42: {  	_ =	shalt  }
0x43: {  	_ =	shalt  }
0x44: {  	_ =	shalt  }
0x45: {  	_ =	shalt  }
0x46: {  	_ =	shalt  }
0x47: {  	_ =	shalt  }
0x48: {  	_ =	shalt  }
0x49: {  	_ =	shalt  }
0x4a: {  	_ =	shalt  }
0x4b: {  	_ =	shalt  }
0x4c: {  	_ =	shalt  }
0x4d: {  	_ =	shalt  }
0x4e: {  	_ =	shalt  }
0x4f: {  	_ =	shalt  }
0x50: {  	_ =	shalt  }
0x51: {  	_ =	shalt  }
0x52: {  	_ =	shalt  }
0x53: {  	_ =	shalt  }
0x54: {  	_ =	shalt  }
0x55: {  	_ =	shalt  }
0x56: {  	_ =	shalt  }
0x57: {  	_ =	shalt  }
0x58: {  	_ =	shalt  }
0x59: {  	_ =	shalt  }
0x5a: {  	_ =	shalt  }
0x5b: {  	_ =	shalt  }
0x5c: {  	_ =	shalt  }
0x5d: {  	_ =	shalt  }
0x5e: {  	_ =	shalt  }
0x5f: {  	_ =	shalt  }
0x60: {  	_ =	shalt  }
0x61: {  	_ =	shalt  }
0x62: {  	_ =	shalt  }
0x63: {  	_ =	shalt  }
0x64: {  	_ =	shalt  }
0x65: {  	_ =	shalt  }
0x66: {  	_ =	shalt  }
0x67: {  	_ =	shalt  }
0x68: {  	_ =	shalt  }
0x69: {  	_ =	shalt  }
0x6a: {  	_ =	shalt  }
0x6b: {  	_ =	shalt  }
0x6c: {  	_ =	shalt  }
0x6d: {  	_ =	shalt  }
0x6e: {  	_ =	shalt  }
0x6f: {  	_ =	shalt  }
0x70: {  	_ =	shalt  }
0x71: {  	_ =	shalt  }
0x72: {  	_ =	shalt  }
0x73: {  	_ =	shalt  }
0x74: {  	_ =	shalt  }
0x75: {  	_ =	shalt  }
0x76: {  	_ =	shalt  }
0x77: {  	_ =	shalt  }
0x78: {  	_ =	shalt  }
0x79: {  	_ =	shalt  }
0x7a: {  	_ =	shalt  }
0x7b: {  	_ =	shalt  }
0x7c: {  	_ =	shalt  }
0x7d: {  	_ =	shalt  }
0x7e: {  	_ =	shalt  }
0x7f: {  	_ =	shalt  }
0x80: {  	_ =	shalt  }
0x81: {  	_ =	shalt  }
0x82: {  	_ =	shalt  }
0x83: {  	_ =	shalt  }
0x84: {  	_ =	shalt  }
0x85: {  	_ =	shalt  }
0x86: {  	_ =	shalt  }
0x87: {  	_ =	shalt  }
.Lfunc_end0:
.L_simem_size_0:
called_computation.3_lowered:
.L_overlay_start_0:
0x88: {  	s2 =	sld [smem:$0x3FD9]  }
0x89: {  	s3 =	sld [smem:$0x3FFE];
	_ =	sdelay $0x1  }
0x8a: {  	s1 =	srdreg.scid  }
0x8b: {  	s0 =	sand.u32 $0x1, s1  }
0x8c: {  	s14 =	sshll.u32 s0, $0xA;
	s2 =	sadd.s32 s3, s2  }
0x8d: {  	s2 =	sadd.s32 s2, s14  }
0x8e: {  	[smem:$0x3FB9] =	sst s2  }
0x8f: {  	_ = 	snop  }
0x90: {  	s2 =	sld [smem:$0x3FD0];
	_ =	sdelay $0x2  }
0x91: {  	s15 =	simm.s32 $0xA;
	s4 =	simm.s32 $0x10  }
0x92: {  	[smem:s4], [sflag:s15] =	dma.local [hbm:s2], $0x1  }
0x93: {  	_ =	swait.eq [sflag:s15], $0x1  }
0x94: {  	[sflag:s15] =	ssyncset.done $0x0  }
0x95: {  	s16 =	sld [smem:$0x11];
	[sflag:s15] =	ssyncadd.s32 $0xFFFFFFFF  }
0x96: {  	s17 =	sld [smem:$0x13];
	(tm) =	ssettm $0x1  }
0x97: {  	s18 =	sld [smem:$0x3FFB];
	_ =	sdelay $0x3  }
0x98: {  	_ =	strace s18  }
0x99: {  	s4 =	sld [smem:$0x3FFC];
	_ =	sdelay $0x3  }
0x9a: {  	_ =	strace s4  }
0x9b: {  	s4 =	sld [smem:$0x3FFD];
	_ =	sdelay $0x3  }
0x9c: {  	_ =	strace s4  }
0x9d: {  	_ =	strace $0x8FFFFFFF  }
0x9e: {  	s19 =	sld [smem:$0x3FDB];
	_ =	sdelay $0x1  }
0x9f: {  	s5 =	simm.s32 $_scs_section_size  }
0xa0: {  	s6 =	simm.s32 $_size__tile_overlayer_lowered;
	s7 =	simm.s32 $_tile_overlayer_lowered  }
0xa1: {  	s22 =	simm.s32 $0x1BFF;
	s21 =	sshll.u32 s7, $0x1;
	s4 =	sadd.s32 s5, s19  }
0xa2: {  	s8 =	simm.s32 $0x0;
	s20 =	sshll.u32 s6, $0x1;
	s6 =	sadd.s32 s21, s4  }
0xa3: {  	[timem:s8], [sflag:s22] =	dma.local [hbm:s6], s20  }
0xa4: {  	_ =	swait.ge [sflag:s22], s20  }
0xa5: {  	s5 =	ssub.s32 $0x0, s20;
	[sflag:s22] =	ssyncset.done $0x0  }
0xa6: {  	[sflag:s22] =	ssyncadd.s32 s5;
	_ =	sdelay $0x1  }
0xa7: {  	s23 =	simm.s32 $0x1B8B  }
0xa8: {  	_ =	swait.ge [sflag:s23], $0x1  }
0xa9: {  	[sflag:s23] =	ssyncset.done $0x0  }
0xaa: {  	s25 =	simm.s32 $0x1B8E;
	s24 =	sld [smem:$0x3FFE];
	[sflag:s23] =	ssyncadd.s32 $0xFFFFFFFF  }
0xab: {  	s26 =	simm.s32 $execute0_lowered;
	[smem:$0x3FD2] =	sst s25  }
0xac: {  	s6 =	sshll.u32 s26, $0x1;
	_ =	strace $0x8000004F;
	[dreg:$0x1] =	wrdreg $0xFFFFFFFF  }
0xad: {  	s28 =	simm.s32 $_size_execute0_lowered;
	s4 =	sadd.s32 s4, s6;
	[dreg:$0x0] =	wrdreg $0x0  }
0xae: {  	s6 =	sshll.u32 s28, $0x1;
	[dreg:$0x2] =	wrdreg s4  }
0xaf: {  	[dreg:$0x3] =	wrdreg s6  }
0xb0: {  	[dreg:$0x4] =	wrdreg $0xC0  }
0xb1: {  	_ =	task [dreg:s8], $0x5FFFF  }
0xb2: {  	[dreg:$0x1] =	wrdreg $0xFFFFFFFF  }
0xb3: {  	[dreg:$0x0] =	wrdreg $0x60  }
0xb4: {  	[dreg:$0x2] =	wrdreg s24  }
0xb5: {  	[dreg:$0x3] =	wrdreg s17  }
0xb6: {  	[dreg:$0x4] =	wrdreg s16  }
0xb7: {  	[dreg:$0x5] =	wrdreg $0x130000  }
0xb8: {  	[dreg:$0x6] =	wrdreg $0x9  }
0xb9: {  	_ =	task.clear_ibuf [dreg:s8], $0x7FFFF;
	_ =	strace $0x9000004F  }
0xba: {  	s29 =	simm.s32 $0x9;
	_ =	strace $0x80000051  }
0xbb: {  	_ =	swait.ge [sflag:s29], $0x1  }
0xbc: {  	[sflag:s29] =	ssyncadd.s32 $0xFFFFFFFF  }
0xbd: {  	_ =	strace $0x90000051  }
0xbe: {  	_ =	sfence  }
0xbf: {  	s30 =	sld [smem:$0x0];
	_ =	sdelay $0x2  }
0xc0: {  	s31 =	sshll.u32 s1, $0xD;
	s1 =	sshrl.u32 s1, $0x2  }
0xc1: {  	s3 =	sand.u32 $0x4000, s31;
	s1 =	sadd.s32 s1, s30  }
0xc2: {  	s0 =	sor.u32 s3, s0;
	s1 =	sshll.u32 s1, $0x11  }
0xc3: {  	s0 =	sor.u32 s1, s0  }
0xc4: {  	s0 =	sadd.s32 $0x8F2B, s0  }
0xc5: {  	[sflag:s0] =	ssyncadd.remote.s32 $0x1  }
0xc6: {  	_ =	sfence.sel $0xFFFF  }
0xc7: {  	[dreg:$0x0] =	wrdreg $0xFFFFFFFF;
	(pc) =	sbr.abs _section_cstart, $3  }
0xc8: {  	[dreg:$0x1] =	wrdreg $0xFFFFFFFF  }
0xc9: {  	_ =	task.clear_ibuf [dreg:s8], $0x2FFFF;
	_ =	strace $0x9FFFFFFF  }
0xca: {  	(tm) =	ssettm $0x7FFFFFFF  }
0xcb: {  	_ =	shalt  }
tec
execute0_lowered:
.L_overlay_start_1:
0x0: {  	(tag) =	ssettag $0x1  }
0x1: {  	s0 =	rddreg [dreg:$0x0]  }
0x2: {  	s5 =	rddreg [dreg:$0x1]  }
0x3: {  	s1 =	srdreg.scid;
	s6 =	rddreg [dreg:$0x2]  }
0x4: {  	s2 =	rddreg [dreg:$0x3];
	s26 =	stileid.u32  }
0x5: {  	s3 =	simm.s32 $0x0;
	s12 =	simm.s32 $0x5;
	s13 =	simm.s32 $0x5800  }
0x6: {  	s14 =	simm.s32 $0xB000;
	s15 =	simm.s32 $0x80;
	s16 =	simm.s32 $0xD000  }
0x7: {  	s17 =	simm.s32 $0x100;
	s18 =	simm.s32 $0xF000;
	s19 =	simm.s32 $0x1  }
0x8: {  	s20 =	simm.s32 $0x11000;
	s21 =	simm.s32 $0x2;
	s7 =	sand.u32 $0x1, s1  }
0x9: {  	s22 =	simm.s32 $0x3;
	s23 =	simm.s32 $0x4;
	s4 =	sshll.u32 s7, $0x4  }
0xa: {  	s24 =	simm.s32 $0xAE00;
	s25 =	simm.s32 $0x5780;
	s8 =	sor.u32 s26, s4  }
0xb: {  	s28 =	simm.s32 $0xAF00;
	s29 =	simm.s32 $0xAF80;
	s9 =	smul.u32 $0x4E40, s8  }
0xc: {  	s30 =	simm.s32 $0x0;
	[smem:$0x7FF] =	sst s3;
	s10 =	smul.u32 $0x13900, s8  }
0xd: {  	_ =	strace $0x80000050;
	s7 =	ssub.s32 $0x2, s7;
	s8 =	smul.u32 $0xB00, s8  }
0xe: {  	s4 =	sadd.s32 $0x3200, s0;
	s31 =	sshrl.u32 s7, $0x1;
	s26 =	simm.s32 $0xAE80  }
0xf: {  	s11 =	sshrl.u32 s9, $0x3;
	s10 =	sshrl.u32 s10, $0x2;
	s5 =	sadd.s32 s5, s8  }
0x10: {  	s6 =	sadd.s32 s6, s8;
	s0 =	sadd.s32 s11, s0;
	s10 =	sadd.s32 s10, s2  }
0x11: {  	s11 =	ssub.s32 s7, s31;
	s7 =	sadd.s32 s9, s2;
	s8 =	sadd.s32 $0x2000, s10  }
0x12: {  	v0 =	vimm.f32 $0.0e+00;
	s9 =	sadd.s32 $0x4000, s10;
	s10 =	sadd.s32 $0x16C00, s0;
	s11 =	smax.u32 s11, $0x1  }
.LBB2_1:
0x13: {  	[tilespmem:s3], [sflag:$0x5] =	stream.linear.gather [hbm4b:s5+s3], $0x5800, $0x38;
	[tilespmem:$0x1CE00] =	vst v63  }
0x14: {  	_ =	swait.ge [sflag:s12], $0x5800  }
0x15: {  	[sflag:s12] =	ssyncset.done $0x0  }
0x16: {  	[sflag:s12] =	ssyncadd.s32 $0xFFFFA800  }
0x17: {  	[tilespmem:s13], [sflag:$0x5] =	stream.linear.gather [hbm4b:s6+s3], $0x5800, $0x38;
	[tilespmem:$0x1CE00] =	vst v63  }
0x18: {  	_ =	swait.ge [sflag:s12], $0x5800  }
0x19: {  	[sflag:s12] =	ssyncset.done $0x0  }
0x1a: {  	s31 =	simm.s32 $0x100;
	s0 =	simm.s32 $0x0;
	[sflag:s12] =	ssyncadd.s32 $0xFFFFA800  }
.LBB2_2:
0x1b: {  	p0 =	sne.s32 s31, $0x7F00;
	[tilespmem:s0+$0xB030] =	vst v0;
	s1 =	smov.u32 s31;
	s31 =	sadd.s32 $0x100, s31  }
.Ltmp0:
0x1c: {  	[tilespmem:s0+$0xB020] =	vst v0;
	(pc) =	sbr.rel @p0 .LBB2_2-.Ltmp0, $3  }
0x1d: {  	[tilespmem:s0+$0xB000] =	vst v0  }
0x1e: {  	[tilespmem:s0+$0xB010] =	vst v0;
	_ =	sdelay $0x1  }
0x1f: {  	s0 =	sshra.s32 s1, $0x2  }
0x20: {  	[tilespmem:s0+$0xB030] =	vst v0  }
0x21: {  	[tilespmem:s0+$0xB020] =	vst v0  }
0x22: {  	[tilespmem:s0+$0xB000] =	vst v0  }
0x23: {  	[tilespmem:s0+$0xB010] =	vst v0  }
0x24: {  	[spmem:s7] =	stream.linear.scatter [tilespmem:s14], [sflag:$0x5], $0x2000, $0x38;
	[tilespmem:$0x1CE00] =	vst v63  }
0x25: {  	_ =	swait.ge [sflag:s12], $0x2000  }
0x26: {  	[sflag:s12] =	ssyncset.done $0x0  }
0x27: {  	[sflag:s12] =	ssyncadd.s32 $0xFFFFE000  }
0x28: {  	[spmem:s8] =	stream.linear.scatter [tilespmem:s14], [sflag:$0x5], $0x2000, $0x38;
	[tilespmem:$0x1CE00] =	vst v63  }
0x29: {  	_ =	swait.ge [sflag:s12], $0x2000  }
0x2a: {  	[sflag:s12] =	ssyncset.done $0x0  }
0x2b: {  	[sflag:s12] =	ssyncadd.s32 $0xFFFFE000  }
0x2c: {  	[spmem:s9] =	stream.linear.scatter [tilespmem:s14], [sflag:$0x5], $0xE40, $0x38;
	[tilespmem:$0x1CE00] =	vst v63  }
0x2d: {  	_ =	swait.ge [sflag:s12], $0xE40  }
0x2e: {  	[sflag:s12] =	ssyncset.done $0x0  }
0x2f: {  	s1 =	simm.s32 $0x0;
	[sflag:s12] =	ssyncadd.s32 $0xFFFFF1C0  }
0x30: {  	[tilespmem:s14], [sflag:$0x1] =	stream.indirect.gather [hbm4b:s4+s15], $0x40, s1, s15, $0xb8;
	[tilespmem:$0x1CE00] =	vst v63  }
0x31: {  	_ = 	snop  }
0x32: {  	[tilespmem:s16], [sflag:$0x2] =	stream.indirect.gather [hbm4b:s4+s15], $0x40, s15, s15, $0xb8;
	[tilespmem:$0x1CE00] =	vst v63  }
0x33: {  	_ = 	snop  }
0x34: {  	[tilespmem:s18], [sflag:$0x3] =	stream.indirect.gather [hbm4b:s4+s15], $0x40, s17, s15, $0xb8;
	[tilespmem:$0x1CE00] =	vst v63  }
0x35: {  	_ =	swait.ge [sflag:s19], $0x2000  }
0x36: {  	[sflag:s19] =	ssyncset.done $0x0  }
0x37: {  	s1 =	simm.s32 $0x5800;
	[sflag:s19] =	ssyncadd.s32 $0xFFFFE000  }
0x38: {  	[spmem:s2] =	stream.indirect.scatter.add.f32 [tilespmem:s14], [sflag:$0x5], $0x40, s1, s15, $0xb8;
	[tilespmem:$0x1CE00] =	vst v63  }
0x39: {  	_ =	swait.ge [sflag:s12], $0x2000  }
0x3a: {  	[sflag:s12] =	ssyncset.done $0x0  }
0x3b: {  	s1 =	simm.s32 $0x180;
	[sflag:s12] =	ssyncadd.s32 $0xFFFFE000  }
0x3c: {  	[tilespmem:s20], [sflag:$0x4] =	stream.indirect.gather [hbm4b:s4+s15], $0x40, s1, s15, $0xb8;
	[tilespmem:$0x1CE00] =	vst v63  }
0x3d: {  	_ =	swait.ge [sflag:s21], $0x2000  }
0x3e: {  	[sflag:s21] =	ssyncset.done $0x0  }
0x3f: {  	s1 =	simm.s32 $0x5880;
	[sflag:s21] =	ssyncadd.s32 $0xFFFFE000  }
0x40: {  	[spmem:s2] =	stream.indirect.scatter.add.f32 [tilespmem:s16], [sflag:$0x5], $0x40, s1, s15, $0xb8;
	[tilespmem:$0x1CE00] =	vst v63  }
0x41: {  	_ =	swait.ge [sflag:s12], $0x2000  }
0x42: {  	[sflag:s12] =	ssyncset.done $0x0  }
0x43: {  	s1 =	simm.s32 $0x200;
	[sflag:s12] =	ssyncadd.s32 $0xFFFFE000  }
0x44: {  	[tilespmem:s14], [sflag:$0x1] =	stream.indirect.gather [hbm4b:s4+s15], $0x40, s1, s15, $0xb8;
	[tilespmem:$0x1CE00] =	vst v63  }
0x45: {  	_ =	swait.ge [sflag:s22], $0x2000  }
0x46: {  	[sflag:s22] =	ssyncset.done $0x0  }
0x47: {  	s1 =	simm.s32 $0x5900;
	[sflag:s22] =	ssyncadd.s32 $0xFFFFE000  }
0x48: {  	[spmem:s2] =	stream.indirect.scatter.add.f32 [tilespmem:s18], [sflag:$0x5], $0x40, s1, s15, $0xb8;
	[tilespmem:$0x1CE00] =	vst v63  }
0x49: {  	_ =	swait.ge [sflag:s12], $0x2000  }
0x4a: {  	[sflag:s12] =	ssyncset.done $0x0  }
0x4b: {  	s1 =	simm.s32 $0x280;
	[sflag:s12] =	ssyncadd.s32 $0xFFFFE000  }
0x4c: {  	[tilespmem:s16], [sflag:$0x2] =	stream.indirect.gather [hbm4b:s4+s15], $0x40, s1, s15, $0xb8;
	[tilespmem:$0x1CE00] =	vst v63  }
0x4d: {  	_ =	swait.ge [sflag:s23], $0x2000  }
0x4e: {  	[sflag:s23] =	ssyncset.done $0x0  }
0x4f: {  	s1 =	simm.s32 $0x5980;
	[sflag:s23] =	ssyncadd.s32 $0xFFFFE000  }
0x50: {  	[spmem:s2] =	stream.indirect.scatter.add.f32 [tilespmem:s20], [sflag:$0x5], $0x40, s1, s15, $0xb8;
	[tilespmem:$0x1CE00] =	vst v63  }
0x51: {  	_ =	swait.ge [sflag:s12], $0x2000  }
0x52: {  	[sflag:s12] =	ssyncset.done $0x0  }
0x53: {  	s31 =	simm.s32 $0x800;
	s0 =	simm.s32 $0x300;
	[sflag:s12] =	ssyncadd.s32 $0xFFFFE000  }
.LBB2_4:
0x54: {  	[tilespmem:s18], [sflag:$0x3] =	stream.indirect.gather [hbm4b:s4+s15], $0x40, s0, s15, $0xb8;
	[tilespmem:$0x1CE00] =	vst v63  }
0x55: {  	s0 =	smov.u32 s31  }
0x56: {  	p0 =	sne.s32 s31, $0x15000;
	s31 =	sadd.s32 $0x800, s31;
	_ =	swait.ge [sflag:s19], $0x2000  }
0x57: {  	s0 =	sshra.s32 s0, $0x2;
	[sflag:s19] =	ssyncset.done $0x0  }
0x58: {  	s1 =	sadd.s32 $0x5800, s0;
	[sflag:s19] =	ssyncadd.s32 $0xFFFFE000  }
0x59: {  	[spmem:s2] =	stream.indirect.scatter.add.f32 [tilespmem:s14], [sflag:$0x5], $0x40, s1, s15, $0xb8;
	[tilespmem:$0x1CE00] =	vst v63  }
0x5a: {  	_ =	swait.ge [sflag:s12], $0x2000  }
0x5b: {  	[sflag:s12] =	ssyncset.done $0x0  }
0x5c: {  	s1 =	sadd.s32 $0x180, s0;
	[sflag:s12] =	ssyncadd.s32 $0xFFFFE000  }
0x5d: {  	[tilespmem:s20], [sflag:$0x4] =	stream.indirect.gather [hbm4b:s4+s15], $0x40, s1, s15, $0xb8;
	[tilespmem:$0x1CE00] =	vst v63  }
0x5e: {  	_ =	swait.ge [sflag:s21], $0x2000  }
0x5f: {  	[sflag:s21] =	ssyncset.done $0x0  }
0x60: {  	s1 =	sadd.s32 $0x5880, s0;
	[sflag:s21] =	ssyncadd.s32 $0xFFFFE000  }
0x61: {  	[spmem:s2] =	stream.indirect.scatter.add.f32 [tilespmem:s16], [sflag:$0x5], $0x40, s1, s15, $0xb8;
	[tilespmem:$0x1CE00] =	vst v63  }
0x62: {  	_ =	swait.ge [sflag:s12], $0x2000  }
0x63: {  	[sflag:s12] =	ssyncset.done $0x0  }
0x64: {  	s1 =	sadd.s32 $0x200, s0;
	[sflag:s12] =	ssyncadd.s32 $0xFFFFE000  }
0x65: {  	[tilespmem:s14], [sflag:$0x1] =	stream.indirect.gather [hbm4b:s4+s15], $0x40, s1, s15, $0xb8;
	[tilespmem:$0x1CE00] =	vst v63  }
0x66: {  	_ =	swait.ge [sflag:s22], $0x2000  }
0x67: {  	[sflag:s22] =	ssyncset.done $0x0  }
0x68: {  	s1 =	sadd.s32 $0x5900, s0;
	[sflag:s22] =	ssyncadd.s32 $0xFFFFE000  }
0x69: {  	[spmem:s2] =	stream.indirect.scatter.add.f32 [tilespmem:s18], [sflag:$0x5], $0x40, s1, s15, $0xb8;
	[tilespmem:$0x1CE00] =	vst v63  }
0x6a: {  	_ =	swait.ge [sflag:s12], $0x2000  }
0x6b: {  	[sflag:s12] =	ssyncset.done $0x0  }
0x6c: {  	s1 =	sadd.s32 $0x280, s0;
	[sflag:s12] =	ssyncadd.s32 $0xFFFFE000  }
0x6d: {  	[tilespmem:s16], [sflag:$0x2] =	stream.indirect.gather [hbm4b:s4+s15], $0x40, s1, s15, $0xb8;
	[tilespmem:$0x1CE00] =	vst v63  }
0x6e: {  	_ =	swait.ge [sflag:s23], $0x2000  }
0x6f: {  	[sflag:s23] =	ssyncset.done $0x0  }
.Ltmp1:
0x70: {  	s1 =	sadd.s32 $0x5980, s0;
	[sflag:s23] =	ssyncadd.s32 $0xFFFFE000;
	(pc) =	sbr.rel @p0 .LBB2_4-.Ltmp1, $4  }
0x71: {  	[spmem:s2] =	stream.indirect.scatter.add.f32 [tilespmem:s20], [sflag:$0x5], $0x40, s1, s15, $0xb8;
	[tilespmem:$0x1CE00] =	vst v63  }
0x72: {  	_ =	swait.ge [sflag:s12], $0x2000  }
0x73: {  	[sflag:s12] =	ssyncset.done $0x0  }
0x74: {  	s0 =	sadd.s32 $0x300, s0;
	[sflag:s12] =	ssyncadd.s32 $0xFFFFE000  }
0x75: {  	[tilespmem:s18], [sflag:$0x3] =	stream.indirect.gather [hbm4b:s4+s15], $0x40, s0, s15, $0xb8;
	[tilespmem:$0x1CE00] =	vst v63  }
0x76: {  	_ =	swait.ge [sflag:s19], $0x2000  }
0x77: {  	[sflag:s19] =	ssyncset.done $0x0  }
0x78: {  	[sflag:s19] =	ssyncadd.s32 $0xFFFFE000  }
0x79: {  	[spmem:s2] =	stream.indirect.scatter.add.f32 [tilespmem:s14], [sflag:$0x5], $0x40, s24, s15, $0xb8;
	[tilespmem:$0x1CE00] =	vst v63  }
0x7a: {  	_ =	swait.ge [sflag:s12], $0x2000  }
0x7b: {  	[sflag:s12] =	ssyncset.done $0x0  }
0x7c: {  	[sflag:s12] =	ssyncadd.s32 $0xFFFFE000  }
0x7d: {  	[tilespmem:s20], [sflag:$0x4] =	stream.indirect.gather [hbm4b:s4+s15], $0x40, s25, s15, $0xb8;
	[tilespmem:$0x1CE00] =	vst v63  }
0x7e: {  	_ =	swait.ge [sflag:s21], $0x2000  }
0x7f: {  	[sflag:s21] =	ssyncset.done $0x0  }
0x80: {  	[sflag:s21] =	ssyncadd.s32 $0xFFFFE000  }
0x81: {  	[spmem:s2] =	stream.indirect.scatter.add.f32 [tilespmem:s16], [sflag:$0x5], $0x40, s26, s15, $0xb8;
	[tilespmem:$0x1CE00] =	vst v63  }
0x82: {  	_ =	swait.ge [sflag:s12], $0x2000  }
0x83: {  	[sflag:s12] =	ssyncset.done $0x0  }
0x84: {  	[sflag:s12] =	ssyncadd.s32 $0xFFFFE000  }
0x85: {  	_ =	swait.ge [sflag:s22], $0x2000  }
0x86: {  	[sflag:s22] =	ssyncset.done $0x0  }
0x87: {  	[sflag:s22] =	ssyncadd.s32 $0xFFFFE000  }
0x88: {  	[spmem:s2] =	stream.indirect.scatter.add.f32 [tilespmem:s18], [sflag:$0x5], $0x40, s28, s15, $0xb8;
	[tilespmem:$0x1CE00] =	vst v63  }
0x89: {  	_ =	swait.ge [sflag:s12], $0x2000  }
0x8a: {  	[sflag:s12] =	ssyncset.done $0x0  }
0x8b: {  	[sflag:s12] =	ssyncadd.s32 $0xFFFFE000  }
0x8c: {  	_ =	swait.ge [sflag:s23], $0x2000  }
0x8d: {  	[sflag:s23] =	ssyncset.done $0x0  }
0x8e: {  	s31 =	stileid.u32;
	[sflag:s23] =	ssyncadd.s32 $0xFFFFE000  }
0x8f: {  	[spmem:s2] =	stream.indirect.scatter.add.f32 [tilespmem:s20], [sflag:$0x5], $0x40, s29, s15, $0xb8;
	[tilespmem:$0x1CE00] =	vst v63  }
0x90: {  	s1 =	sshrl.u32 s7, $0x3;
	s30 =	sadd.s32 $0x1, s30;
	_ =	swait.ge [sflag:s12], $0x2000  }
0x91: {  	s0 =	sshll.u32 s31, $0x6;
	p0 =	sne.s32 s30, s11;
	[sflag:s12] =	ssyncset.done $0x0  }
.Ltmp2:
0x92: {  	s0 =	sor.u32 $0x1C05, s0;
	[sflag:s12] =	ssyncadd.s32 $0xFFFFE000;
	(pc) =	sbr.rel @p0 .LBB2_1-.Ltmp2, $4  }
0x93: {  	[hbm:s10], [sflag:s0] =	dma.local [spmem:s1], $0x9C8  }
0x94: {  	_ =	swait.ge [sflag:s12], $0x9C8  }
0x95: {  	[sflag:s12] =	ssyncset.done $0x0  }
0x96: {  	[sflag:s12] =	ssyncadd.s32 $0xFFFFF638  }
0x97: {  	_ =	sfence.sel $0x180000  }
0x98: {  	[bflag:$0x0] =	sbarrier.arrive $0xFFFF  }
0x99: {  	_ =	strace $0x90000050  }
0x9a: {  	s0 =	stileid.u32;
	[bflag:$0x2] =	sbarrier.arrive $0xFFFF  }
0x9b: {  	p0 =	sne.s32 s0, $0x0;
	s0 =	rddreg [dreg:$0x4]  }
0x9c: {  	s0 =	sadd.s32 @!p0 $0x100000, s0  }
0x9d: {  	[sflag:s0] =	ssyncadd.tile.s32 @!p0 $0x1;
	_ =	shalt  }
.Lfunc_end2:
_tile_overlayer_lowered:
.L_overlay_start_2:
0x9e: {  	(tag) =	ssettag $0x2  }
0x9f: {  	s0 =	rddreg [dreg:$0x0];
	s2 =	stileid.u32  }
0xa0: {  	s1 =	rddreg [dreg:$0x1];
	p0 =	sne.s32 s2, $0x0  }
0xa1: {  	s3 =	rddreg [dreg:$0x2];
	[bflag:$0x3] =	sbarrier.arrive $0xFFFF;
	s2 =	simm.s32 @!p0 $0x1C05  }
0xa2: {  	[timem:s3], [sflag:s2] =	dma.local @!p0 [hbm:s0], s1  }
0xa3: {  	s0 =	simm.s32 @!p0 $0x5  }
0xa4: {  	_ =	swait.ge @!p0 [sflag:s0], s1  }
0xa5: {  	s1 =	ssub.s32 @!p0 $0x0, s1;
	[sflag:s0] =	ssyncset.done @!p0 $0x0  }
0xa6: {  	[sflag:s0] =	ssyncadd.s32 @!p0 s1  }
0xa7: {  	[bflag:$0x3] =	sbarrier.arrive $0xFFFF  }
0xa8: {  	_ =	shalt  }

// kernel: kernel.26.cloned.1.call-start
scs
__scs_entry_jumppad:
0x0: {  	(pc) =	sbr.rel $0x88, $3  }
0x1: {  	(tag) =	ssettag $0x0;
	lr =	simm.s32 $0x1  }
0x2: {  	[smem:$0x3F92] =	sst lr;
	_ =	strace $0xD0000000  }
0x3: {  	_ = 	snop  }
0x4: {  	_ = 	snop  }
0x5: {  	_ = 	snop  }
0x6: {  	_ = 	snop  }
0x7: {  	_ = 	snop  }
__scs_overlays_trampoline_lowered:
0x8: {  	[smem:$0x3FA1] =	sst s0  }
0x9: {  	[smem:$0x3FA2] =	sst s1  }
0xa: {  	[smem:$0x3FA3] =	sst s2  }
0xb: {  	[smem:$0x3FA4] =	sst s3  }
0xc: {  	[smem:$0x3FA5] =	sst s4  }
0xd: {  	[smem:$0x3FA6] =	sst s5  }
0xe: {  	[smem:$0x3FA7] =	sst s6  }
0xf: {  	[smem:$0x3FA8] =	sst s7  }
0x10: {  	[smem:$0x3FA9] =	sst s8  }
0x11: {  	[smem:$0x3FAA] =	sst s9;
	s0 =	simm.s32 @!p0 $0x0  }
0x12: {  	s1 =	sld [smem:$0x3F90];
	s0 =	simm.s32 @p0 $0x1  }
0x13: {  	[smem:$0x3FAB] =	sst s0;
	s0 =	simm.s32 @!p1 $0x0  }
0x14: {  	s2 =	sld [smem:$0x3F8F];
	s0 =	simm.s32 @p1 $0x1  }
0x15: {  	[smem:$0x3FAC] =	sst s0;
	s0 =	simm.s32 @!p2 $0x0  }
0x16: {  	s3 =	sld [smem:$0x3FDB];
	s0 =	simm.s32 @p2 $0x1  }
0x17: {  	s4 =	simm.s32 $0x1BF5;
	[smem:$0x3FAE] =	sst s0  }
0x18: {  	s0 =	sld [smem:$0x3F91];
	_ =	swait.ge [sflag:s4], $0x0  }
0x19: {  	s7 =	sld [smem:$0x3F92]  }
0x1a: {  	s8 =	sadd.s32 $0xFFFFE003, lr  }
0x1b: {  	s9 =	sadd.s32 $0xFFFFFEF7, lr;
	s5 =	simm.s32 $0xFFFFFFFF;
	p2 =	slt.u32 s8, $0xFFFFF086  }
0x1c: {  	p1 =	slt.u32 s9, $0xF7A;
	s5 =	simm.s32 @!p2 $0x0  }
0x1d: {  	s5 =	simm.s32 @p1 $0x1;
	p0 =	seq.s32 s7, s2  }
0x1e: {  	s7 =	smul.u32 @!p0 $0xF7A, s2;
	p2 =	seq.s32 @!p0 s5, $0x0  }
0x1f: {  	s9 =	smul.u32 $0xF7A, s1;
	s8 =	simm.s32 @!p0 $0x1BF5;
	p2 =	por !p2, p0  }
0x20: {  	[sflag:s8] =	ssyncset.s32 @!p0 $0xFFFFF086;
	s6 =	sadd.s32 @!p0 s3, s7;
	s7 =	simm.s32 @!p0 $0x108  }
0x21: {  	s3 =	sadd.s32 s3, s9;
	s6 =	sadd.s32 @!p0 $0x88, s6;
	s7 =	simm.s32 @p2 $0x1082  }
0x22: {  	[simem:s7], [sflag:s8] =	dma.local @!p0 [hbm:s6], $0xF7A  }
0x23: {  	s9 =	sor.u32 $0xD0000000, s2;
	s6 =	simm.s32 $0x108;
	_ =	swait.ge @!p0 [sflag:s8], $0x0  }
0x24: {  	s3 =	sadd.s32 $0x88, s3;
	s6 =	simm.s32 @!p1 $0x1082;
	[sflag:s4] =	ssyncset.s32 $0xFFFFF086  }
0x25: {  	[simem:s6], [sflag:s4] =	dma.local [hbm:s3], $0xF7A  }
0x26: {  	[smem:$0x3F92] =	sst s1;
	(tag) =	ssettag s2;
	_ =	strace s9  }
0x27: {  	s1 =	sld [smem:$0x3FA2]  }
0x28: {  	s2 =	sld [smem:$0x3FA3]  }
0x29: {  	s4 =	sld [smem:$0x3FA5]  }
0x2a: {  	p0 =	seq.s32 s5, $0x0;
	s5 =	sld [smem:$0x3FA6]  }
0x2b: {  	s6 =	sld [smem:$0x3FA7]  }
0x2c: {  	s7 =	sld [smem:$0x3FA8]  }
0x2d: {  	s3 =	simm.s32 $0x108;
	s8 =	sld [smem:$0x3FA9]  }
0x2e: {  	s3 =	simm.s32 @!p0 $0x1082;
	s9 =	sld [smem:$0x3FAA]  }
0x2f: {  	lr =	sadd.s32 s0, s3;
	s0 =	sld [smem:$0x3FA1]  }
0x30: {  	s3 =	sld [smem:$0x3FA4]  }
0x31: {  	[smem:$0x3FAD] =	sst s10  }
0x32: {  	s10 =	sld [smem:$0x3FAB];
	_ =	sdelay $0x3  }
0x33: {  	p0 =	seq.s32 s10, $0x1;
	s10 =	sld [smem:$0x3FAD];
	_ =	sdelay $0x3  }
0x34: {  	[smem:$0x3FAD] =	sst s10  }
0x35: {  	s10 =	sld [smem:$0x3FAC];
	_ =	sdelay $0x3  }
0x36: {  	p1 =	seq.s32 s10, $0x1;
	s10 =	sld [smem:$0x3FAD];
	_ =	sdelay $0x3  }
0x37: {  	[smem:$0x3FAD] =	sst s10  }
0x38: {  	s10 =	sld [smem:$0x3FAE]  }
0x39: {  	_ = 	snop;
	(pc) =	sbr.ind lr, $3  }
0x3a: {  	_ = 	snop  }
0x3b: {  	_ = 	snop  }
0x3c: {  	p2 =	seq.s32 s10, $0x1;
	s10 =	sld [smem:$0x3FAD]  }
0x3d: {  	_ =	shalt  }
0x3e: {  	_ =	shalt  }
0x3f: {  	_ =	shalt  }
0x40: {  	_ =	shalt  }
0x41: {  	_ =	shalt  }
0x42: {  	_ =	shalt  }
0x43: {  	_ =	shalt  }
0x44: {  	_ =	shalt  }
0x45: {  	_ =	shalt  }
0x46: {  	_ =	shalt  }
0x47: {  	_ =	shalt  }
0x48: {  	_ =	shalt  }
0x49: {  	_ =	shalt  }
0x4a: {  	_ =	shalt  }
0x4b: {  	_ =	shalt  }
0x4c: {  	_ =	shalt  }
0x4d: {  	_ =	shalt  }
0x4e: {  	_ =	shalt  }
0x4f: {  	_ =	shalt  }
0x50: {  	_ =	shalt  }
0x51: {  	_ =	shalt  }
0x52: {  	_ =	shalt  }
0x53: {  	_ =	shalt  }
0x54: {  	_ =	shalt  }
0x55: {  	_ =	shalt  }
0x56: {  	_ =	shalt  }
0x57: {  	_ =	shalt  }
0x58: {  	_ =	shalt  }
0x59: {  	_ =	shalt  }
0x5a: {  	_ =	shalt  }
0x5b: {  	_ =	shalt  }
0x5c: {  	_ =	shalt  }
0x5d: {  	_ =	shalt  }
0x5e: {  	_ =	shalt  }
0x5f: {  	_ =	shalt  }
0x60: {  	_ =	shalt  }
0x61: {  	_ =	shalt  }
0x62: {  	_ =	shalt  }
0x63: {  	_ =	shalt  }
0x64: {  	_ =	shalt  }
0x65: {  	_ =	shalt  }
0x66: {  	_ =	shalt  }
0x67: {  	_ =	shalt  }
0x68: {  	_ =	shalt  }
0x69: {  	_ =	shalt  }
0x6a: {  	_ =	shalt  }
0x6b: {  	_ =	shalt  }
0x6c: {  	_ =	shalt  }
0x6d: {  	_ =	shalt  }
0x6e: {  	_ =	shalt  }
0x6f: {  	_ =	shalt  }
0x70: {  	_ =	shalt  }
0x71: {  	_ =	shalt  }
0x72: {  	_ =	shalt  }
0x73: {  	_ =	shalt  }
0x74: {  	_ =	shalt  }
0x75: {  	_ =	shalt  }
0x76: {  	_ =	shalt  }
0x77: {  	_ =	shalt  }
0x78: {  	_ =	shalt  }
0x79: {  	_ =	shalt  }
0x7a: {  	_ =	shalt  }
0x7b: {  	_ =	shalt  }
0x7c: {  	_ =	shalt  }
0x7d: {  	_ =	shalt  }
0x7e: {  	_ =	shalt  }
0x7f: {  	_ =	shalt  }
0x80: {  	_ =	shalt  }
0x81: {  	_ =	shalt  }
0x82: {  	_ =	shalt  }
0x83: {  	_ =	shalt  }
0x84: {  	_ =	shalt  }
0x85: {  	_ =	shalt  }
0x86: {  	_ =	shalt  }
0x87: {  	_ =	shalt  }
.Lfunc_end0:
.L_simem_size_0:
called_computation.4_lowered:
.L_overlay_start_0:
0x88: {  	s2 =	sld [smem:$0x3FD9]  }
0x89: {  	s3 =	sld [smem:$0x3FFE];
	_ =	sdelay $0x1  }
0x8a: {  	s1 =	srdreg.scid  }
0x8b: {  	s0 =	sand.u32 $0x1, s1  }
0x8c: {  	s14 =	sshll.u32 s0, $0xA;
	s2 =	sadd.s32 s3, s2  }
0x8d: {  	s2 =	sadd.s32 s2, s14  }
0x8e: {  	[smem:$0x3FB9] =	sst s2  }
0x8f: {  	_ = 	snop  }
0x90: {  	s2 =	sld [smem:$0x3FD0];
	_ =	sdelay $0x2  }
0x91: {  	s15 =	simm.s32 $0xA;
	s4 =	simm.s32 $0x10  }
0x92: {  	[smem:s4], [sflag:s15] =	dma.local [hbm:s2], $0x1  }
0x93: {  	_ =	swait.eq [sflag:s15], $0x1  }
0x94: {  	[sflag:s15] =	ssyncset.done $0x0  }
0x95: {  	s16 =	sld [smem:$0x11];
	[sflag:s15] =	ssyncadd.s32 $0xFFFFFFFF  }
0x96: {  	s17 =	sld [smem:$0x13];
	(tm) =	ssettm $0x1  }
0x97: {  	s18 =	sld [smem:$0x3FFB];
	_ =	sdelay $0x3  }
0x98: {  	_ =	strace s18  }
0x99: {  	s4 =	sld [smem:$0x3FFC];
	_ =	sdelay $0x3  }
0x9a: {  	_ =	strace s4  }
0x9b: {  	s4 =	sld [smem:$0x3FFD];
	_ =	sdelay $0x3  }
0x9c: {  	_ =	strace s4  }
0x9d: {  	_ =	strace $0x8FFFFFFF  }
0x9e: {  	s19 =	sld [smem:$0x3FDB];
	_ =	sdelay $0x1  }
0x9f: {  	s5 =	simm.s32 $_scs_section_size  }
0xa0: {  	s6 =	simm.s32 $_size__tile_overlayer_lowered;
	s7 =	simm.s32 $_tile_overlayer_lowered  }
0xa1: {  	s22 =	simm.s32 $0x1BFF;
	s21 =	sshll.u32 s7, $0x1;
	s4 =	sadd.s32 s5, s19  }
0xa2: {  	s8 =	simm.s32 $0x0;
	s20 =	sshll.u32 s6, $0x1;
	s6 =	sadd.s32 s21, s4  }
0xa3: {  	[timem:s8], [sflag:s22] =	dma.local [hbm:s6], s20  }
0xa4: {  	_ =	swait.ge [sflag:s22], s20  }
0xa5: {  	s5 =	ssub.s32 $0x0, s20;
	[sflag:s22] =	ssyncset.done $0x0  }
0xa6: {  	[sflag:s22] =	ssyncadd.s32 s5;
	_ =	sdelay $0x1  }
0xa7: {  	s23 =	simm.s32 $0x1B8B  }
0xa8: {  	_ =	swait.ge [sflag:s23], $0x1  }
0xa9: {  	[sflag:s23] =	ssyncset.done $0x0  }
0xaa: {  	s25 =	simm.s32 $0x1B8E;
	s24 =	sld [smem:$0x3FFE];
	[sflag:s23] =	ssyncadd.s32 $0xFFFFFFFF  }
0xab: {  	s26 =	simm.s32 $execute0_lowered;
	[smem:$0x3FD2] =	sst s25  }
0xac: {  	s6 =	sshll.u32 s26, $0x1;
	_ =	strace $0x80000052;
	[dreg:$0x1] =	wrdreg $0xFFFFFFFF  }
0xad: {  	s28 =	simm.s32 $_size_execute0_lowered;
	s4 =	sadd.s32 s4, s6;
	[dreg:$0x0] =	wrdreg $0x0  }
0xae: {  	s6 =	sshll.u32 s28, $0x1;
	[dreg:$0x2] =	wrdreg s4  }
0xaf: {  	[dreg:$0x3] =	wrdreg s6  }
0xb0: {  	[dreg:$0x4] =	wrdreg $0xC0  }
0xb1: {  	_ =	task [dreg:s8], $0x5FFFF  }
0xb2: {  	[dreg:$0x1] =	wrdreg $0xFFFFFFFF  }
0xb3: {  	[dreg:$0x0] =	wrdreg $0x60  }
0xb4: {  	[dreg:$0x2] =	wrdreg s24  }
0xb5: {  	[dreg:$0x3] =	wrdreg s17  }
0xb6: {  	[dreg:$0x4] =	wrdreg s16  }
0xb7: {  	[dreg:$0x5] =	wrdreg $0x130000  }
0xb8: {  	[dreg:$0x6] =	wrdreg $0x9  }
0xb9: {  	_ =	task.clear_ibuf [dreg:s8], $0x7FFFF;
	_ =	strace $0x90000052  }
0xba: {  	s29 =	simm.s32 $0x9;
	_ =	strace $0x80000054  }
0xbb: {  	_ =	swait.ge [sflag:s29], $0x1  }
0xbc: {  	[sflag:s29] =	ssyncadd.s32 $0xFFFFFFFF  }
0xbd: {  	_ =	strace $0x90000054  }
0xbe: {  	_ =	sfence  }
0xbf: {  	s30 =	sld [smem:$0x0];
	_ =	sdelay $0x2  }
0xc0: {  	s31 =	sshll.u32 s1, $0xD;
	s1 =	sshrl.u32 s1, $0x2  }
0xc1: {  	s3 =	sand.u32 $0x4000, s31;
	s1 =	sadd.s32 s1, s30  }
0xc2: {  	s0 =	sor.u32 s3, s0;
	s1 =	sshll.u32 s1, $0x11  }
0xc3: {  	s0 =	sor.u32 s1, s0  }
0xc4: {  	s0 =	sadd.s32 $0x8F2B, s0  }
0xc5: {  	[sflag:s0] =	ssyncadd.remote.s32 $0x1  }
0xc6: {  	_ =	sfence.sel $0xFFFF  }
0xc7: {  	[dreg:$0x0] =	wrdreg $0xFFFFFFFF;
	(pc) =	sbr.abs _section_cstart, $3  }
0xc8: {  	[dreg:$0x1] =	wrdreg $0xFFFFFFFF  }
0xc9: {  	_ =	task.clear_ibuf [dreg:s8], $0x2FFFF;
	_ =	strace $0x9FFFFFFF  }
0xca: {  	(tm) =	ssettm $0x7FFFFFFF  }
0xcb: {  	_ =	shalt  }
tec
execute0_lowered:
.L_overlay_start_1:
0x0: {  	(tag) =	ssettag $0x1  }
0x1: {  	s0 =	rddreg [dreg:$0x0]  }
0x2: {  	s5 =	rddreg [dreg:$0x1]  }
0x3: {  	s1 =	srdreg.scid;
	s6 =	rddreg [dreg:$0x2]  }
0x4: {  	s2 =	rddreg [dreg:$0x3];
	s26 =	stileid.u32  }
0x5: {  	s3 =	simm.s32 $0x0;
	s12 =	simm.s32 $0x5;
	s13 =	simm.s32 $0x5800  }
0x6: {  	s14 =	simm.s32 $0xB000;
	s15 =	simm.s32 $0x80;
	s16 =	simm.s32 $0xD000  }
0x7: {  	s17 =	simm.s32 $0x100;
	s18 =	simm.s32 $0xF000;
	s19 =	simm.s32 $0x1  }
0x8: {  	s20 =	simm.s32 $0x11000;
	s21 =	simm.s32 $0x2;
	s7 =	sand.u32 $0x1, s1  }
0x9: {  	s22 =	simm.s32 $0x3;
	s23 =	simm.s32 $0x4;
	s4 =	sshll.u32 s7, $0x4  }
0xa: {  	s24 =	simm.s32 $0xAE00;
	s25 =	simm.s32 $0x5780;
	s8 =	sor.u32 s26, s4  }
0xb: {  	s28 =	simm.s32 $0xAF00;
	s29 =	simm.s32 $0xAF80;
	s9 =	smul.u32 $0x4E40, s8  }
0xc: {  	s30 =	simm.s32 $0x0;
	[smem:$0x7FF] =	sst s3;
	s10 =	smul.u32 $0x13900, s8  }
0xd: {  	_ =	strace $0x80000053;
	s7 =	ssub.s32 $0x2, s7;
	s8 =	smul.u32 $0xB00, s8  }
0xe: {  	s4 =	sadd.s32 $0x3200, s0;
	s31 =	sshrl.u32 s7, $0x1;
	s26 =	simm.s32 $0xAE80  }
0xf: {  	s11 =	sshrl.u32 s9, $0x3;
	s10 =	sshrl.u32 s10, $0x2;
	s5 =	sadd.s32 s5, s8  }
0x10: {  	s6 =	sadd.s32 s6, s8;
	s0 =	sadd.s32 s11, s0;
	s10 =	sadd.s32 s10, s2  }
0x11: {  	s11 =	ssub.s32 s7, s31;
	s7 =	sadd.s32 s9, s2;
	s8 =	sadd.s32 $0x2000, s10  }
0x12: {  	v0 =	vimm.f32 $0.0e+00;
	s9 =	sadd.s32 $0x4000, s10;
	s10 =	sadd.s32 $0x16C00, s0;
	s11 =	smax.u32 s11, $0x1  }
.LBB2_1:
0x13: {  	[tilespmem:s3], [sflag:$0x5] =	stream.linear.gather [hbm4b:s5+s3], $0x5800, $0x38;
	[tilespmem:$0x1CE00] =	vst v63  }
0x14: {  	_ =	swait.ge [sflag:s12], $0x5800  }
0x15: {  	[sflag:s12] =	ssyncset.done $0x0  }
0x16: {  	[sflag:s12] =	ssyncadd.s32 $0xFFFFA800  }
0x17: {  	[tilespmem:s13], [sflag:$0x5] =	stream.linear.gather [hbm4b:s6+s3], $0x5800, $0x38;
	[tilespmem:$0x1CE00] =	vst v63  }
0x18: {  	_ =	swait.ge [sflag:s12], $0x5800  }
0x19: {  	[sflag:s12] =	ssyncset.done $0x0  }
0x1a: {  	s31 =	simm.s32 $0x100;
	s0 =	simm.s32 $0x0;
	[sflag:s12] =	ssyncadd.s32 $0xFFFFA800  }
.LBB2_2:
0x1b: {  	p0 =	sne.s32 s31, $0x7F00;
	[tilespmem:s0+$0xB030] =	vst v0;
	s1 =	smov.u32 s31;
	s31 =	sadd.s32 $0x100, s31  }
.Ltmp0:
0x1c: {  	[tilespmem:s0+$0xB020] =	vst v0;
	(pc) =	sbr.rel @p0 .LBB2_2-.Ltmp0, $3  }
0x1d: {  	[tilespmem:s0+$0xB000] =	vst v0  }
0x1e: {  	[tilespmem:s0+$0xB010] =	vst v0;
	_ =	sdelay $0x1  }
0x1f: {  	s0 =	sshra.s32 s1, $0x2  }
0x20: {  	[tilespmem:s0+$0xB030] =	vst v0  }
0x21: {  	[tilespmem:s0+$0xB020] =	vst v0  }
0x22: {  	[tilespmem:s0+$0xB000] =	vst v0  }
0x23: {  	[tilespmem:s0+$0xB010] =	vst v0  }
0x24: {  	[spmem:s7] =	stream.linear.scatter [tilespmem:s14], [sflag:$0x5], $0x2000, $0x38;
	[tilespmem:$0x1CE00] =	vst v63  }
0x25: {  	_ =	swait.ge [sflag:s12], $0x2000  }
0x26: {  	[sflag:s12] =	ssyncset.done $0x0  }
0x27: {  	[sflag:s12] =	ssyncadd.s32 $0xFFFFE000  }
0x28: {  	[spmem:s8] =	stream.linear.scatter [tilespmem:s14], [sflag:$0x5], $0x2000, $0x38;
	[tilespmem:$0x1CE00] =	vst v63  }
0x29: {  	_ =	swait.ge [sflag:s12], $0x2000  }
0x2a: {  	[sflag:s12] =	ssyncset.done $0x0  }
0x2b: {  	[sflag:s12] =	ssyncadd.s32 $0xFFFFE000  }
0x2c: {  	[spmem:s9] =	stream.linear.scatter [tilespmem:s14], [sflag:$0x5], $0xE40, $0x38;
	[tilespmem:$0x1CE00] =	vst v63  }
0x2d: {  	_ =	swait.ge [sflag:s12], $0xE40  }
0x2e: {  	[sflag:s12] =	ssyncset.done $0x0  }
0x2f: {  	s1 =	simm.s32 $0x0;
	[sflag:s12] =	ssyncadd.s32 $0xFFFFF1C0  }
0x30: {  	[tilespmem:s14], [sflag:$0x1] =	stream.indirect.gather [hbm4b:s4+s15], $0x40, s1, s15, $0xb8;
	[tilespmem:$0x1CE00] =	vst v63  }
0x31: {  	_ = 	snop  }
0x32: {  	[tilespmem:s16], [sflag:$0x2] =	stream.indirect.gather [hbm4b:s4+s15], $0x40, s15, s15, $0xb8;
	[tilespmem:$0x1CE00] =	vst v63  }
0x33: {  	_ = 	snop  }
0x34: {  	[tilespmem:s18], [sflag:$0x3] =	stream.indirect.gather [hbm4b:s4+s15], $0x40, s17, s15, $0xb8;
	[tilespmem:$0x1CE00] =	vst v63  }
0x35: {  	_ =	swait.ge [sflag:s19], $0x2000  }
0x36: {  	[sflag:s19] =	ssyncset.done $0x0  }
0x37: {  	s1 =	simm.s32 $0x5800;
	[sflag:s19] =	ssyncadd.s32 $0xFFFFE000  }
0x38: {  	[spmem:s2] =	stream.indirect.scatter.add.f32 [tilespmem:s14], [sflag:$0x5], $0x40, s1, s15, $0xb8;
	[tilespmem:$0x1CE00] =	vst v63  }
0x39: {  	_ =	swait.ge [sflag:s12], $0x2000  }
0x3a: {  	[sflag:s12] =	ssyncset.done $0x0  }
0x3b: {  	s1 =	simm.s32 $0x180;
	[sflag:s12] =	ssyncadd.s32 $0xFFFFE000  }
0x3c: {  	[tilespmem:s20], [sflag:$0x4] =	stream.indirect.gather [hbm4b:s4+s15], $0x40, s1, s15, $0xb8;
	[tilespmem:$0x1CE00] =	vst v63  }
0x3d: {  	_ =	swait.ge [sflag:s21], $0x2000  }
0x3e: {  	[sflag:s21] =	ssyncset.done $0x0  }
0x3f: {  	s1 =	simm.s32 $0x5880;
	[sflag:s21] =	ssyncadd.s32 $0xFFFFE000  }
0x40: {  	[spmem:s2] =	stream.indirect.scatter.add.f32 [tilespmem:s16], [sflag:$0x5], $0x40, s1, s15, $0xb8;
	[tilespmem:$0x1CE00] =	vst v63  }
0x41: {  	_ =	swait.ge [sflag:s12], $0x2000  }
0x42: {  	[sflag:s12] =	ssyncset.done $0x0  }
0x43: {  	s1 =	simm.s32 $0x200;
	[sflag:s12] =	ssyncadd.s32 $0xFFFFE000  }
0x44: {  	[tilespmem:s14], [sflag:$0x1] =	stream.indirect.gather [hbm4b:s4+s15], $0x40, s1, s15, $0xb8;
	[tilespmem:$0x1CE00] =	vst v63  }
0x45: {  	_ =	swait.ge [sflag:s22], $0x2000  }
0x46: {  	[sflag:s22] =	ssyncset.done $0x0  }
0x47: {  	s1 =	simm.s32 $0x5900;
	[sflag:s22] =	ssyncadd.s32 $0xFFFFE000  }
0x48: {  	[spmem:s2] =	stream.indirect.scatter.add.f32 [tilespmem:s18], [sflag:$0x5], $0x40, s1, s15, $0xb8;
	[tilespmem:$0x1CE00] =	vst v63  }
0x49: {  	_ =	swait.ge [sflag:s12], $0x2000  }
0x4a: {  	[sflag:s12] =	ssyncset.done $0x0  }
0x4b: {  	s1 =	simm.s32 $0x280;
	[sflag:s12] =	ssyncadd.s32 $0xFFFFE000  }
0x4c: {  	[tilespmem:s16], [sflag:$0x2] =	stream.indirect.gather [hbm4b:s4+s15], $0x40, s1, s15, $0xb8;
	[tilespmem:$0x1CE00] =	vst v63  }
0x4d: {  	_ =	swait.ge [sflag:s23], $0x2000  }
0x4e: {  	[sflag:s23] =	ssyncset.done $0x0  }
0x4f: {  	s1 =	simm.s32 $0x5980;
	[sflag:s23] =	ssyncadd.s32 $0xFFFFE000  }
0x50: {  	[spmem:s2] =	stream.indirect.scatter.add.f32 [tilespmem:s20], [sflag:$0x5], $0x40, s1, s15, $0xb8;
	[tilespmem:$0x1CE00] =	vst v63  }
0x51: {  	_ =	swait.ge [sflag:s12], $0x2000  }
0x52: {  	[sflag:s12] =	ssyncset.done $0x0  }
0x53: {  	s31 =	simm.s32 $0x800;
	s0 =	simm.s32 $0x300;
	[sflag:s12] =	ssyncadd.s32 $0xFFFFE000  }
.LBB2_4:
0x54: {  	[tilespmem:s18], [sflag:$0x3] =	stream.indirect.gather [hbm4b:s4+s15], $0x40, s0, s15, $0xb8;
	[tilespmem:$0x1CE00] =	vst v63  }
0x55: {  	s0 =	smov.u32 s31  }
0x56: {  	p0 =	sne.s32 s31, $0x15000;
	s31 =	sadd.s32 $0x800, s31;
	_ =	swait.ge [sflag:s19], $0x2000  }
0x57: {  	s0 =	sshra.s32 s0, $0x2;
	[sflag:s19] =	ssyncset.done $0x0  }
0x58: {  	s1 =	sadd.s32 $0x5800, s0;
	[sflag:s19] =	ssyncadd.s32 $0xFFFFE000  }
0x59: {  	[spmem:s2] =	stream.indirect.scatter.add.f32 [tilespmem:s14], [sflag:$0x5], $0x40, s1, s15, $0xb8;
	[tilespmem:$0x1CE00] =	vst v63  }
0x5a: {  	_ =	swait.ge [sflag:s12], $0x2000  }
0x5b: {  	[sflag:s12] =	ssyncset.done $0x0  }
0x5c: {  	s1 =	sadd.s32 $0x180, s0;
	[sflag:s12] =	ssyncadd.s32 $0xFFFFE000  }
0x5d: {  	[tilespmem:s20], [sflag:$0x4] =	stream.indirect.gather [hbm4b:s4+s15], $0x40, s1, s15, $0xb8;
	[tilespmem:$0x1CE00] =	vst v63  }
0x5e: {  	_ =	swait.ge [sflag:s21], $0x2000  }
0x5f: {  	[sflag:s21] =	ssyncset.done $0x0  }
0x60: {  	s1 =	sadd.s32 $0x5880, s0;
	[sflag:s21] =	ssyncadd.s32 $0xFFFFE000  }
0x61: {  	[spmem:s2] =	stream.indirect.scatter.add.f32 [tilespmem:s16], [sflag:$0x5], $0x40, s1, s15, $0xb8;
	[tilespmem:$0x1CE00] =	vst v63  }
0x62: {  	_ =	swait.ge [sflag:s12], $0x2000  }
0x63: {  	[sflag:s12] =	ssyncset.done $0x0  }
0x64: {  	s1 =	sadd.s32 $0x200, s0;
	[sflag:s12] =	ssyncadd.s32 $0xFFFFE000  }
0x65: {  	[tilespmem:s14], [sflag:$0x1] =	stream.indirect.gather [hbm4b:s4+s15], $0x40, s1, s15, $0xb8;
	[tilespmem:$0x1CE00] =	vst v63  }
0x66: {  	_ =	swait.ge [sflag:s22], $0x2000  }
0x67: {  	[sflag:s22] =	ssyncset.done $0x0  }
0x68: {  	s1 =	sadd.s32 $0x5900, s0;
	[sflag:s22] =	ssyncadd.s32 $0xFFFFE000  }
0x69: {  	[spmem:s2] =	stream.indirect.scatter.add.f32 [tilespmem:s18], [sflag:$0x5], $0x40, s1, s15, $0xb8;
	[tilespmem:$0x1CE00] =	vst v63  }
0x6a: {  	_ =	swait.ge [sflag:s12], $0x2000  }
0x6b: {  	[sflag:s12] =	ssyncset.done $0x0  }
0x6c: {  	s1 =	sadd.s32 $0x280, s0;
	[sflag:s12] =	ssyncadd.s32 $0xFFFFE000  }
0x6d: {  	[tilespmem:s16], [sflag:$0x2] =	stream.indirect.gather [hbm4b:s4+s15], $0x40, s1, s15, $0xb8;
	[tilespmem:$0x1CE00] =	vst v63  }
0x6e: {  	_ =	swait.ge [sflag:s23], $0x2000  }
0x6f: {  	[sflag:s23] =	ssyncset.done $0x0  }
.Ltmp1:
0x70: {  	s1 =	sadd.s32 $0x5980, s0;
	[sflag:s23] =	ssyncadd.s32 $0xFFFFE000;
	(pc) =	sbr.rel @p0 .LBB2_4-.Ltmp1, $4  }
0x71: {  	[spmem:s2] =	stream.indirect.scatter.add.f32 [tilespmem:s20], [sflag:$0x5], $0x40, s1, s15, $0xb8;
	[tilespmem:$0x1CE00] =	vst v63  }
0x72: {  	_ =	swait.ge [sflag:s12], $0x2000  }
0x73: {  	[sflag:s12] =	ssyncset.done $0x0  }
0x74: {  	s0 =	sadd.s32 $0x300, s0;
	[sflag:s12] =	ssyncadd.s32 $0xFFFFE000  }
0x75: {  	[tilespmem:s18], [sflag:$0x3] =	stream.indirect.gather [hbm4b:s4+s15], $0x40, s0, s15, $0xb8;
	[tilespmem:$0x1CE00] =	vst v63  }
0x76: {  	_ =	swait.ge [sflag:s19], $0x2000  }
0x77: {  	[sflag:s19] =	ssyncset.done $0x0  }
0x78: {  	[sflag:s19] =	ssyncadd.s32 $0xFFFFE000  }
0x79: {  	[spmem:s2] =	stream.indirect.scatter.add.f32 [tilespmem:s14], [sflag:$0x5], $0x40, s24, s15, $0xb8;
	[tilespmem:$0x1CE00] =	vst v63  }
0x7a: {  	_ =	swait.ge [sflag:s12], $0x2000  }
0x7b: {  	[sflag:s12] =	ssyncset.done $0x0  }
0x7c: {  	[sflag:s12] =	ssyncadd.s32 $0xFFFFE000  }
0x7d: {  	[tilespmem:s20], [sflag:$0x4] =	stream.indirect.gather [hbm4b:s4+s15], $0x40, s25, s15, $0xb8;
	[tilespmem:$0x1CE00] =	vst v63  }
0x7e: {  	_ =	swait.ge [sflag:s21], $0x2000  }
0x7f: {  	[sflag:s21] =	ssyncset.done $0x0  }
0x80: {  	[sflag:s21] =	ssyncadd.s32 $0xFFFFE000  }
0x81: {  	[spmem:s2] =	stream.indirect.scatter.add.f32 [tilespmem:s16], [sflag:$0x5], $0x40, s26, s15, $0xb8;
	[tilespmem:$0x1CE00] =	vst v63  }
0x82: {  	_ =	swait.ge [sflag:s12], $0x2000  }
0x83: {  	[sflag:s12] =	ssyncset.done $0x0  }
0x84: {  	[sflag:s12] =	ssyncadd.s32 $0xFFFFE000  }
0x85: {  	_ =	swait.ge [sflag:s22], $0x2000  }
0x86: {  	[sflag:s22] =	ssyncset.done $0x0  }
0x87: {  	[sflag:s22] =	ssyncadd.s32 $0xFFFFE000  }
0x88: {  	[spmem:s2] =	stream.indirect.scatter.add.f32 [tilespmem:s18], [sflag:$0x5], $0x40, s28, s15, $0xb8;
	[tilespmem:$0x1CE00] =	vst v63  }
0x89: {  	_ =	swait.ge [sflag:s12], $0x2000  }
0x8a: {  	[sflag:s12] =	ssyncset.done $0x0  }
0x8b: {  	[sflag:s12] =	ssyncadd.s32 $0xFFFFE000  }
0x8c: {  	_ =	swait.ge [sflag:s23], $0x2000  }
0x8d: {  	[sflag:s23] =	ssyncset.done $0x0  }
0x8e: {  	s31 =	stileid.u32;
	[sflag:s23] =	ssyncadd.s32 $0xFFFFE000  }
0x8f: {  	[spmem:s2] =	stream.indirect.scatter.add.f32 [tilespmem:s20], [sflag:$0x5], $0x40, s29, s15, $0xb8;
	[tilespmem:$0x1CE00] =	vst v63  }
0x90: {  	s1 =	sshrl.u32 s7, $0x3;
	s30 =	sadd.s32 $0x1, s30;
	_ =	swait.ge [sflag:s12], $0x2000  }
0x91: {  	s0 =	sshll.u32 s31, $0x6;
	p0 =	sne.s32 s30, s11;
	[sflag:s12] =	ssyncset.done $0x0  }
.Ltmp2:
0x92: {  	s0 =	sor.u32 $0x1C05, s0;
	[sflag:s12] =	ssyncadd.s32 $0xFFFFE000;
	(pc) =	sbr.rel @p0 .LBB2_1-.Ltmp2, $4  }
0x93: {  	[hbm:s10], [sflag:s0] =	dma.local [spmem:s1], $0x9C8  }
0x94: {  	_ =	swait.ge [sflag:s12], $0x9C8  }
0x95: {  	[sflag:s12] =	ssyncset.done $0x0  }
0x96: {  	[sflag:s12] =	ssyncadd.s32 $0xFFFFF638  }
0x97: {  	_ =	sfence.sel $0x180000  }
0x98: {  	[bflag:$0x0] =	sbarrier.arrive $0xFFFF  }
0x99: {  	_ =	strace $0x90000053  }
0x9a: {  	s0 =	stileid.u32;
	[bflag:$0x2] =	sbarrier.arrive $0xFFFF  }
0x9b: {  	p0 =	sne.s32 s0, $0x0;
	s0 =	rddreg [dreg:$0x4]  }
0x9c: {  	s0 =	sadd.s32 @!p0 $0x100000, s0  }
0x9d: {  	[sflag:s0] =	ssyncadd.tile.s32 @!p0 $0x1;
	_ =	shalt  }
.Lfunc_end2:
_tile_overlayer_lowered:
.L_overlay_start_2:
0x9e: {  	(tag) =	ssettag $0x2  }
0x9f: {  	s0 =	rddreg [dreg:$0x0];
	s2 =	stileid.u32  }
0xa0: {  	s1 =	rddreg [dreg:$0x1];
	p0 =	sne.s32 s2, $0x0  }
0xa1: {  	s3 =	rddreg [dreg:$0x2];
	[bflag:$0x3] =	sbarrier.arrive $0xFFFF;
	s2 =	simm.s32 @!p0 $0x1C05  }
0xa2: {  	[timem:s3], [sflag:s2] =	dma.local @!p0 [hbm:s0], s1  }
0xa3: {  	s0 =	simm.s32 @!p0 $0x5  }
0xa4: {  	_ =	swait.ge @!p0 [sflag:s0], s1  }
0xa5: {  	s1 =	ssub.s32 @!p0 $0x0, s1;
	[sflag:s0] =	ssyncset.done @!p0 $0x0  }
0xa6: {  	[sflag:s0] =	ssyncadd.s32 @!p0 s1  }
0xa7: {  	[bflag:$0x3] =	sbarrier.arrive $0xFFFF  }
0xa8: {  	_ =	shalt  }

// kernel: kernel.29.cloned.1.call-start
scs
__scs_entry_jumppad:
0x0: {  	(pc) =	sbr.rel $0x88, $3  }
0x1: {  	(tag) =	ssettag $0x0;
	lr =	simm.s32 $0x1  }
0x2: {  	[smem:$0x3F92] =	sst lr;
	_ =	strace $0xD0000000  }
0x3: {  	_ = 	snop  }
0x4: {  	_ = 	snop  }
0x5: {  	_ = 	snop  }
0x6: {  	_ = 	snop  }
0x7: {  	_ = 	snop  }
__scs_overlays_trampoline_lowered:
0x8: {  	[smem:$0x3FA1] =	sst s0  }
0x9: {  	[smem:$0x3FA2] =	sst s1  }
0xa: {  	[smem:$0x3FA3] =	sst s2  }
0xb: {  	[smem:$0x3FA4] =	sst s3  }
0xc: {  	[smem:$0x3FA5] =	sst s4  }
0xd: {  	[smem:$0x3FA6] =	sst s5  }
0xe: {  	[smem:$0x3FA7] =	sst s6  }
0xf: {  	[smem:$0x3FA8] =	sst s7  }
0x10: {  	[smem:$0x3FA9] =	sst s8  }
0x11: {  	[smem:$0x3FAA] =	sst s9;
	s0 =	simm.s32 @!p0 $0x0  }
0x12: {  	s1 =	sld [smem:$0x3F90];
	s0 =	simm.s32 @p0 $0x1  }
0x13: {  	[smem:$0x3FAB] =	sst s0;
	s0 =	simm.s32 @!p1 $0x0  }
0x14: {  	s2 =	sld [smem:$0x3F8F];
	s0 =	simm.s32 @p1 $0x1  }
0x15: {  	[smem:$0x3FAC] =	sst s0;
	s0 =	simm.s32 @!p2 $0x0  }
0x16: {  	s3 =	sld [smem:$0x3FDB];
	s0 =	simm.s32 @p2 $0x1  }
0x17: {  	s4 =	simm.s32 $0x1BF5;
	[smem:$0x3FAE] =	sst s0  }
0x18: {  	s0 =	sld [smem:$0x3F91];
	_ =	swait.ge [sflag:s4], $0x0  }
0x19: {  	s7 =	sld [smem:$0x3F92]  }
0x1a: {  	s8 =	sadd.s32 $0xFFFFE003, lr  }
0x1b: {  	s9 =	sadd.s32 $0xFFFFFEF7, lr;
	s5 =	simm.s32 $0xFFFFFFFF;
	p2 =	slt.u32 s8, $0xFFFFF086  }
0x1c: {  	p1 =	slt.u32 s9, $0xF7A;
	s5 =	simm.s32 @!p2 $0x0  }
0x1d: {  	s5 =	simm.s32 @p1 $0x1;
	p0 =	seq.s32 s7, s2  }
0x1e: {  	s7 =	smul.u32 @!p0 $0xF7A, s2;
	p2 =	seq.s32 @!p0 s5, $0x0  }
0x1f: {  	s9 =	smul.u32 $0xF7A, s1;
	s8 =	simm.s32 @!p0 $0x1BF5;
	p2 =	por !p2, p0  }
0x20: {  	[sflag:s8] =	ssyncset.s32 @!p0 $0xFFFFF086;
	s6 =	sadd.s32 @!p0 s3, s7;
	s7 =	simm.s32 @!p0 $0x108  }
0x21: {  	s3 =	sadd.s32 s3, s9;
	s6 =	sadd.s32 @!p0 $0x88, s6;
	s7 =	simm.s32 @p2 $0x1082  }
0x22: {  	[simem:s7], [sflag:s8] =	dma.local @!p0 [hbm:s6], $0xF7A  }
0x23: {  	s9 =	sor.u32 $0xD0000000, s2;
	s6 =	simm.s32 $0x108;
	_ =	swait.ge @!p0 [sflag:s8], $0x0  }
0x24: {  	s3 =	sadd.s32 $0x88, s3;
	s6 =	simm.s32 @!p1 $0x1082;
	[sflag:s4] =	ssyncset.s32 $0xFFFFF086  }
0x25: {  	[simem:s6], [sflag:s4] =	dma.local [hbm:s3], $0xF7A  }
0x26: {  	[smem:$0x3F92] =	sst s1;
	(tag) =	ssettag s2;
	_ =	strace s9  }
0x27: {  	s1 =	sld [smem:$0x3FA2]  }
0x28: {  	s2 =	sld [smem:$0x3FA3]  }
0x29: {  	s4 =	sld [smem:$0x3FA5]  }
0x2a: {  	p0 =	seq.s32 s5, $0x0;
	s5 =	sld [smem:$0x3FA6]  }
0x2b: {  	s6 =	sld [smem:$0x3FA7]  }
0x2c: {  	s7 =	sld [smem:$0x3FA8]  }
0x2d: {  	s3 =	simm.s32 $0x108;
	s8 =	sld [smem:$0x3FA9]  }
0x2e: {  	s3 =	simm.s32 @!p0 $0x1082;
	s9 =	sld [smem:$0x3FAA]  }
0x2f: {  	lr =	sadd.s32 s0, s3;
	s0 =	sld [smem:$0x3FA1]  }
0x30: {  	s3 =	sld [smem:$0x3FA4]  }
0x31: {  	[smem:$0x3FAD] =	sst s10  }
0x32: {  	s10 =	sld [smem:$0x3FAB];
	_ =	sdelay $0x3  }
0x33: {  	p0 =	seq.s32 s10, $0x1;
	s10 =	sld [smem:$0x3FAD];
	_ =	sdelay $0x3  }
0x34: {  	[smem:$0x3FAD] =	sst s10  }
0x35: {  	s10 =	sld [smem:$0x3FAC];
	_ =	sdelay $0x3  }
0x36: {  	p1 =	seq.s32 s10, $0x1;
	s10 =	sld [smem:$0x3FAD];
	_ =	sdelay $0x3  }
0x37: {  	[smem:$0x3FAD] =	sst s10  }
0x38: {  	s10 =	sld [smem:$0x3FAE]  }
0x39: {  	_ = 	snop;
	(pc) =	sbr.ind lr, $3  }
0x3a: {  	_ = 	snop  }
0x3b: {  	_ = 	snop  }
0x3c: {  	p2 =	seq.s32 s10, $0x1;
	s10 =	sld [smem:$0x3FAD]  }
0x3d: {  	_ =	shalt  }
0x3e: {  	_ =	shalt  }
0x3f: {  	_ =	shalt  }
0x40: {  	_ =	shalt  }
0x41: {  	_ =	shalt  }
0x42: {  	_ =	shalt  }
0x43: {  	_ =	shalt  }
0x44: {  	_ =	shalt  }
0x45: {  	_ =	shalt  }
0x46: {  	_ =	shalt  }
0x47: {  	_ =	shalt  }
0x48: {  	_ =	shalt  }
0x49: {  	_ =	shalt  }
0x4a: {  	_ =	shalt  }
0x4b: {  	_ =	shalt  }
0x4c: {  	_ =	shalt  }
0x4d: {  	_ =	shalt  }
0x4e: {  	_ =	shalt  }
0x4f: {  	_ =	shalt  }
0x50: {  	_ =	shalt  }
0x51: {  	_ =	shalt  }
0x52: {  	_ =	shalt  }
0x53: {  	_ =	shalt  }
0x54: {  	_ =	shalt  }
0x55: {  	_ =	shalt  }
0x56: {  	_ =	shalt  }
0x57: {  	_ =	shalt  }
0x58: {  	_ =	shalt  }
0x59: {  	_ =	shalt  }
0x5a: {  	_ =	shalt  }
0x5b: {  	_ =	shalt  }
0x5c: {  	_ =	shalt  }
0x5d: {  	_ =	shalt  }
0x5e: {  	_ =	shalt  }
0x5f: {  	_ =	shalt  }
0x60: {  	_ =	shalt  }
0x61: {  	_ =	shalt  }
0x62: {  	_ =	shalt  }
0x63: {  	_ =	shalt  }
0x64: {  	_ =	shalt  }
0x65: {  	_ =	shalt  }
0x66: {  	_ =	shalt  }
0x67: {  	_ =	shalt  }
0x68: {  	_ =	shalt  }
0x69: {  	_ =	shalt  }
0x6a: {  	_ =	shalt  }
0x6b: {  	_ =	shalt  }
0x6c: {  	_ =	shalt  }
0x6d: {  	_ =	shalt  }
0x6e: {  	_ =	shalt  }
0x6f: {  	_ =	shalt  }
0x70: {  	_ =	shalt  }
0x71: {  	_ =	shalt  }
0x72: {  	_ =	shalt  }
0x73: {  	_ =	shalt  }
0x74: {  	_ =	shalt  }
0x75: {  	_ =	shalt  }
0x76: {  	_ =	shalt  }
0x77: {  	_ =	shalt  }
0x78: {  	_ =	shalt  }
0x79: {  	_ =	shalt  }
0x7a: {  	_ =	shalt  }
0x7b: {  	_ =	shalt  }
0x7c: {  	_ =	shalt  }
0x7d: {  	_ =	shalt  }
0x7e: {  	_ =	shalt  }
0x7f: {  	_ =	shalt  }
0x80: {  	_ =	shalt  }
0x81: {  	_ =	shalt  }
0x82: {  	_ =	shalt  }
0x83: {  	_ =	shalt  }
0x84: {  	_ =	shalt  }
0x85: {  	_ =	shalt  }
0x86: {  	_ =	shalt  }
0x87: {  	_ =	shalt  }
.Lfunc_end0:
.L_simem_size_0:
called_computation.5_lowered:
.L_overlay_start_0:
0x88: {  	s2 =	sld [smem:$0x3FD9]  }
0x89: {  	s3 =	sld [smem:$0x3FFE];
	_ =	sdelay $0x1  }
0x8a: {  	s1 =	srdreg.scid  }
0x8b: {  	s0 =	sand.u32 $0x1, s1  }
0x8c: {  	s14 =	sshll.u32 s0, $0xA;
	s2 =	sadd.s32 s3, s2  }
0x8d: {  	s2 =	sadd.s32 s2, s14  }
0x8e: {  	[smem:$0x3FB9] =	sst s2  }
0x8f: {  	_ = 	snop  }
0x90: {  	s2 =	sld [smem:$0x3FD0];
	_ =	sdelay $0x2  }
0x91: {  	s15 =	simm.s32 $0xA;
	s4 =	simm.s32 $0x10  }
0x92: {  	[smem:s4], [sflag:s15] =	dma.local [hbm:s2], $0x1  }
0x93: {  	_ =	swait.eq [sflag:s15], $0x1  }
0x94: {  	[sflag:s15] =	ssyncset.done $0x0  }
0x95: {  	s16 =	sld [smem:$0x11];
	[sflag:s15] =	ssyncadd.s32 $0xFFFFFFFF  }
0x96: {  	s17 =	sld [smem:$0x13];
	(tm) =	ssettm $0x1  }
0x97: {  	s18 =	sld [smem:$0x3FFB];
	_ =	sdelay $0x3  }
0x98: {  	_ =	strace s18  }
0x99: {  	s4 =	sld [smem:$0x3FFC];
	_ =	sdelay $0x3  }
0x9a: {  	_ =	strace s4  }
0x9b: {  	s4 =	sld [smem:$0x3FFD];
	_ =	sdelay $0x3  }
0x9c: {  	_ =	strace s4  }
0x9d: {  	_ =	strace $0x8FFFFFFF  }
0x9e: {  	s19 =	sld [smem:$0x3FDB];
	_ =	sdelay $0x1  }
0x9f: {  	s5 =	simm.s32 $_scs_section_size  }
0xa0: {  	s6 =	simm.s32 $_size__tile_overlayer_lowered;
	s7 =	simm.s32 $_tile_overlayer_lowered  }
0xa1: {  	s22 =	simm.s32 $0x1BFF;
	s21 =	sshll.u32 s7, $0x1;
	s4 =	sadd.s32 s5, s19  }
0xa2: {  	s8 =	simm.s32 $0x0;
	s20 =	sshll.u32 s6, $0x1;
	s6 =	sadd.s32 s21, s4  }
0xa3: {  	[timem:s8], [sflag:s22] =	dma.local [hbm:s6], s20  }
0xa4: {  	_ =	swait.ge [sflag:s22], s20  }
0xa5: {  	s5 =	ssub.s32 $0x0, s20;
	[sflag:s22] =	ssyncset.done $0x0  }
0xa6: {  	[sflag:s22] =	ssyncadd.s32 s5;
	_ =	sdelay $0x1  }
0xa7: {  	s23 =	simm.s32 $0x1B8B  }
0xa8: {  	_ =	swait.ge [sflag:s23], $0x1  }
0xa9: {  	[sflag:s23] =	ssyncset.done $0x0  }
0xaa: {  	s25 =	simm.s32 $0x1B8E;
	s24 =	sld [smem:$0x3FFE];
	[sflag:s23] =	ssyncadd.s32 $0xFFFFFFFF  }
0xab: {  	s26 =	simm.s32 $execute0_lowered;
	[smem:$0x3FD2] =	sst s25  }
0xac: {  	s6 =	sshll.u32 s26, $0x1;
	_ =	strace $0x80000055;
	[dreg:$0x1] =	wrdreg $0xFFFFFFFF  }
0xad: {  	s28 =	simm.s32 $_size_execute0_lowered;
	s4 =	sadd.s32 s4, s6;
	[dreg:$0x0] =	wrdreg $0x0  }
0xae: {  	s6 =	sshll.u32 s28, $0x1;
	[dreg:$0x2] =	wrdreg s4  }
0xaf: {  	[dreg:$0x3] =	wrdreg s6  }
0xb0: {  	[dreg:$0x4] =	wrdreg $0xC0  }
0xb1: {  	_ =	task [dreg:s8], $0x5FFFF  }
0xb2: {  	[dreg:$0x1] =	wrdreg $0xFFFFFFFF  }
0xb3: {  	[dreg:$0x0] =	wrdreg $0x60  }
0xb4: {  	[dreg:$0x2] =	wrdreg s24  }
0xb5: {  	[dreg:$0x3] =	wrdreg s17  }
0xb6: {  	[dreg:$0x4] =	wrdreg s16  }
0xb7: {  	[dreg:$0x5] =	wrdreg $0x130000  }
0xb8: {  	[dreg:$0x6] =	wrdreg $0x9  }
0xb9: {  	_ =	task.clear_ibuf [dreg:s8], $0x7FFFF;
	_ =	strace $0x90000055  }
0xba: {  	s29 =	simm.s32 $0x9;
	_ =	strace $0x80000057  }
0xbb: {  	_ =	swait.ge [sflag:s29], $0x1  }
0xbc: {  	[sflag:s29] =	ssyncadd.s32 $0xFFFFFFFF  }
0xbd: {  	_ =	strace $0x90000057  }
0xbe: {  	_ =	sfence  }
0xbf: {  	s30 =	sld [smem:$0x0];
	_ =	sdelay $0x2  }
0xc0: {  	s31 =	sshll.u32 s1, $0xD;
	s1 =	sshrl.u32 s1, $0x2  }
0xc1: {  	s3 =	sand.u32 $0x4000, s31;
	s1 =	sadd.s32 s1, s30  }
0xc2: {  	s0 =	sor.u32 s3, s0;
	s1 =	sshll.u32 s1, $0x11  }
0xc3: {  	s0 =	sor.u32 s1, s0  }
0xc4: {  	s0 =	sadd.s32 $0x8F2B, s0  }
0xc5: {  	[sflag:s0] =	ssyncadd.remote.s32 $0x1  }
0xc6: {  	_ =	sfence.sel $0xFFFF  }
0xc7: {  	[dreg:$0x0] =	wrdreg $0xFFFFFFFF;
	(pc) =	sbr.abs _section_cstart, $3  }
0xc8: {  	[dreg:$0x1] =	wrdreg $0xFFFFFFFF  }
0xc9: {  	_ =	task.clear_ibuf [dreg:s8], $0x2FFFF;
	_ =	strace $0x9FFFFFFF  }
0xca: {  	(tm) =	ssettm $0x7FFFFFFF  }
0xcb: {  	_ =	shalt  }
tec
execute0_lowered:
.L_overlay_start_1:
0x0: {  	(tag) =	ssettag $0x1  }
0x1: {  	s0 =	rddreg [dreg:$0x0]  }
0x2: {  	s5 =	rddreg [dreg:$0x1]  }
0x3: {  	s1 =	srdreg.scid;
	s6 =	rddreg [dreg:$0x2]  }
0x4: {  	s2 =	rddreg [dreg:$0x3];
	s26 =	stileid.u32  }
0x5: {  	s3 =	simm.s32 $0x0;
	s12 =	simm.s32 $0x5;
	s13 =	simm.s32 $0x5800  }
0x6: {  	s14 =	simm.s32 $0xB000;
	s15 =	simm.s32 $0x80;
	s16 =	simm.s32 $0xD000  }
0x7: {  	s17 =	simm.s32 $0x100;
	s18 =	simm.s32 $0xF000;
	s19 =	simm.s32 $0x1  }
0x8: {  	s20 =	simm.s32 $0x11000;
	s21 =	simm.s32 $0x2;
	s7 =	sand.u32 $0x1, s1  }
0x9: {  	s22 =	simm.s32 $0x3;
	s23 =	simm.s32 $0x4;
	s4 =	sshll.u32 s7, $0x4  }
0xa: {  	s24 =	simm.s32 $0xAE00;
	s25 =	simm.s32 $0x5780;
	s8 =	sor.u32 s26, s4  }
0xb: {  	s28 =	simm.s32 $0xAF00;
	s29 =	simm.s32 $0xAF80;
	s9 =	smul.u32 $0x4E40, s8  }
0xc: {  	s30 =	simm.s32 $0x0;
	[smem:$0x7FF] =	sst s3;
	s10 =	smul.u32 $0x13900, s8  }
0xd: {  	_ =	strace $0x80000056;
	s7 =	ssub.s32 $0x2, s7;
	s8 =	smul.u32 $0xB00, s8  }
0xe: {  	s4 =	sadd.s32 $0x3200, s0;
	s31 =	sshrl.u32 s7, $0x1;
	s26 =	simm.s32 $0xAE80  }
0xf: {  	s11 =	sshrl.u32 s9, $0x3;
	s10 =	sshrl.u32 s10, $0x2;
	s5 =	sadd.s32 s5, s8  }
0x10: {  	s6 =	sadd.s32 s6, s8;
	s0 =	sadd.s32 s11, s0;
	s10 =	sadd.s32 s10, s2  }
0x11: {  	s11 =	ssub.s32 s7, s31;
	s7 =	sadd.s32 s9, s2;
	s8 =	sadd.s32 $0x2000, s10  }
0x12: {  	v0 =	vimm.f32 $0.0e+00;
	s9 =	sadd.s32 $0x4000, s10;
	s10 =	sadd.s32 $0x16C00, s0;
	s11 =	smax.u32 s11, $0x1  }
.LBB2_1:
0x13: {  	[tilespmem:s3], [sflag:$0x5] =	stream.linear.gather [hbm4b:s5+s3], $0x5800, $0x38;
	[tilespmem:$0x1CE00] =	vst v63  }
0x14: {  	_ =	swait.ge [sflag:s12], $0x5800  }
0x15: {  	[sflag:s12] =	ssyncset.done $0x0  }
0x16: {  	[sflag:s12] =	ssyncadd.s32 $0xFFFFA800  }
0x17: {  	[tilespmem:s13], [sflag:$0x5] =	stream.linear.gather [hbm4b:s6+s3], $0x5800, $0x38;
	[tilespmem:$0x1CE00] =	vst v63  }
0x18: {  	_ =	swait.ge [sflag:s12], $0x5800  }
0x19: {  	[sflag:s12] =	ssyncset.done $0x0  }
0x1a: {  	s31 =	simm.s32 $0x100;
	s0 =	simm.s32 $0x0;
	[sflag:s12] =	ssyncadd.s32 $0xFFFFA800  }
.LBB2_2:
0x1b: {  	p0 =	sne.s32 s31, $0x7F00;
	[tilespmem:s0+$0xB030] =	vst v0;
	s1 =	smov.u32 s31;
	s31 =	sadd.s32 $0x100, s31  }
.Ltmp0:
0x1c: {  	[tilespmem:s0+$0xB020] =	vst v0;
	(pc) =	sbr.rel @p0 .LBB2_2-.Ltmp0, $3  }
0x1d: {  	[tilespmem:s0+$0xB000] =	vst v0  }
0x1e: {  	[tilespmem:s0+$0xB010] =	vst v0;
	_ =	sdelay $0x1  }
0x1f: {  	s0 =	sshra.s32 s1, $0x2  }
0x20: {  	[tilespmem:s0+$0xB030] =	vst v0  }
0x21: {  	[tilespmem:s0+$0xB020] =	vst v0  }
0x22: {  	[tilespmem:s0+$0xB000] =	vst v0  }
0x23: {  	[tilespmem:s0+$0xB010] =	vst v0  }
0x24: {  	[spmem:s7] =	stream.linear.scatter [tilespmem:s14], [sflag:$0x5], $0x2000, $0x38;
	[tilespmem:$0x1CE00] =	vst v63  }
0x25: {  	_ =	swait.ge [sflag:s12], $0x2000  }
0x26: {  	[sflag:s12] =	ssyncset.done $0x0  }
0x27: {  	[sflag:s12] =	ssyncadd.s32 $0xFFFFE000  }
0x28: {  	[spmem:s8] =	stream.linear.scatter [tilespmem:s14], [sflag:$0x5], $0x2000, $0x38;
	[tilespmem:$0x1CE00] =	vst v63  }
0x29: {  	_ =	swait.ge [sflag:s12], $0x2000  }
0x2a: {  	[sflag:s12] =	ssyncset.done $0x0  }
0x2b: {  	[sflag:s12] =	ssyncadd.s32 $0xFFFFE000  }
0x2c: {  	[spmem:s9] =	stream.linear.scatter [tilespmem:s14], [sflag:$0x5], $0xE40, $0x38;
	[tilespmem:$0x1CE00] =	vst v63  }
0x2d: {  	_ =	swait.ge [sflag:s12], $0xE40  }
0x2e: {  	[sflag:s12] =	ssyncset.done $0x0  }
0x2f: {  	s1 =	simm.s32 $0x0;
	[sflag:s12] =	ssyncadd.s32 $0xFFFFF1C0  }
0x30: {  	[tilespmem:s14], [sflag:$0x1] =	stream.indirect.gather [hbm4b:s4+s15], $0x40, s1, s15, $0xb8;
	[tilespmem:$0x1CE00] =	vst v63  }
0x31: {  	_ = 	snop  }
0x32: {  	[tilespmem:s16], [sflag:$0x2] =	stream.indirect.gather [hbm4b:s4+s15], $0x40, s15, s15, $0xb8;
	[tilespmem:$0x1CE00] =	vst v63  }
0x33: {  	_ = 	snop  }
0x34: {  	[tilespmem:s18], [sflag:$0x3] =	stream.indirect.gather [hbm4b:s4+s15], $0x40, s17, s15, $0xb8;
	[tilespmem:$0x1CE00] =	vst v63  }
0x35: {  	_ =	swait.ge [sflag:s19], $0x2000  }
0x36: {  	[sflag:s19] =	ssyncset.done $0x0  }
0x37: {  	s1 =	simm.s32 $0x5800;
	[sflag:s19] =	ssyncadd.s32 $0xFFFFE000  }
0x38: {  	[spmem:s2] =	stream.indirect.scatter.add.f32 [tilespmem:s14], [sflag:$0x5], $0x40, s1, s15, $0xb8;
	[tilespmem:$0x1CE00] =	vst v63  }
0x39: {  	_ =	swait.ge [sflag:s12], $0x2000  }
0x3a: {  	[sflag:s12] =	ssyncset.done $0x0  }
0x3b: {  	s1 =	simm.s32 $0x180;
	[sflag:s12] =	ssyncadd.s32 $0xFFFFE000  }
0x3c: {  	[tilespmem:s20], [sflag:$0x4] =	stream.indirect.gather [hbm4b:s4+s15], $0x40, s1, s15, $0xb8;
	[tilespmem:$0x1CE00] =	vst v63  }
0x3d: {  	_ =	swait.ge [sflag:s21], $0x2000  }
0x3e: {  	[sflag:s21] =	ssyncset.done $0x0  }
0x3f: {  	s1 =	simm.s32 $0x5880;
	[sflag:s21] =	ssyncadd.s32 $0xFFFFE000  }
0x40: {  	[spmem:s2] =	stream.indirect.scatter.add.f32 [tilespmem:s16], [sflag:$0x5], $0x40, s1, s15, $0xb8;
	[tilespmem:$0x1CE00] =	vst v63  }
0x41: {  	_ =	swait.ge [sflag:s12], $0x2000  }
0x42: {  	[sflag:s12] =	ssyncset.done $0x0  }
0x43: {  	s1 =	simm.s32 $0x200;
	[sflag:s12] =	ssyncadd.s32 $0xFFFFE000  }
0x44: {  	[tilespmem:s14], [sflag:$0x1] =	stream.indirect.gather [hbm4b:s4+s15], $0x40, s1, s15, $0xb8;
	[tilespmem:$0x1CE00] =	vst v63  }
0x45: {  	_ =	swait.ge [sflag:s22], $0x2000  }
0x46: {  	[sflag:s22] =	ssyncset.done $0x0  }
0x47: {  	s1 =	simm.s32 $0x5900;
	[sflag:s22] =	ssyncadd.s32 $0xFFFFE000  }
0x48: {  	[spmem:s2] =	stream.indirect.scatter.add.f32 [tilespmem:s18], [sflag:$0x5], $0x40, s1, s15, $0xb8;
	[tilespmem:$0x1CE00] =	vst v63  }
0x49: {  	_ =	swait.ge [sflag:s12], $0x2000  }
0x4a: {  	[sflag:s12] =	ssyncset.done $0x0  }
0x4b: {  	s1 =	simm.s32 $0x280;
	[sflag:s12] =	ssyncadd.s32 $0xFFFFE000  }
0x4c: {  	[tilespmem:s16], [sflag:$0x2] =	stream.indirect.gather [hbm4b:s4+s15], $0x40, s1, s15, $0xb8;
	[tilespmem:$0x1CE00] =	vst v63  }
0x4d: {  	_ =	swait.ge [sflag:s23], $0x2000  }
0x4e: {  	[sflag:s23] =	ssyncset.done $0x0  }
0x4f: {  	s1 =	simm.s32 $0x5980;
	[sflag:s23] =	ssyncadd.s32 $0xFFFFE000  }
0x50: {  	[spmem:s2] =	stream.indirect.scatter.add.f32 [tilespmem:s20], [sflag:$0x5], $0x40, s1, s15, $0xb8;
	[tilespmem:$0x1CE00] =	vst v63  }
0x51: {  	_ =	swait.ge [sflag:s12], $0x2000  }
0x52: {  	[sflag:s12] =	ssyncset.done $0x0  }
0x53: {  	s31 =	simm.s32 $0x800;
	s0 =	simm.s32 $0x300;
	[sflag:s12] =	ssyncadd.s32 $0xFFFFE000  }
.LBB2_4:
0x54: {  	[tilespmem:s18], [sflag:$0x3] =	stream.indirect.gather [hbm4b:s4+s15], $0x40, s0, s15, $0xb8;
	[tilespmem:$0x1CE00] =	vst v63  }
0x55: {  	s0 =	smov.u32 s31  }
0x56: {  	p0 =	sne.s32 s31, $0x15000;
	s31 =	sadd.s32 $0x800, s31;
	_ =	swait.ge [sflag:s19], $0x2000  }
0x57: {  	s0 =	sshra.s32 s0, $0x2;
	[sflag:s19] =	ssyncset.done $0x0  }
0x58: {  	s1 =	sadd.s32 $0x5800, s0;
	[sflag:s19] =	ssyncadd.s32 $0xFFFFE000  }
0x59: {  	[spmem:s2] =	stream.indirect.scatter.add.f32 [tilespmem:s14], [sflag:$0x5], $0x40, s1, s15, $0xb8;
	[tilespmem:$0x1CE00] =	vst v63  }
0x5a: {  	_ =	swait.ge [sflag:s12], $0x2000  }
0x5b: {  	[sflag:s12] =	ssyncset.done $0x0  }
0x5c: {  	s1 =	sadd.s32 $0x180, s0;
	[sflag:s12] =	ssyncadd.s32 $0xFFFFE000  }
0x5d: {  	[tilespmem:s20], [sflag:$0x4] =	stream.indirect.gather [hbm4b:s4+s15], $0x40, s1, s15, $0xb8;
	[tilespmem:$0x1CE00] =	vst v63  }
0x5e: {  	_ =	swait.ge [sflag:s21], $0x2000  }
0x5f: {  	[sflag:s21] =	ssyncset.done $0x0  }
0x60: {  	s1 =	sadd.s32 $0x5880, s0;
	[sflag:s21] =	ssyncadd.s32 $0xFFFFE000  }
0x61: {  	[spmem:s2] =	stream.indirect.scatter.add.f32 [tilespmem:s16], [sflag:$0x5], $0x40, s1, s15, $0xb8;
	[tilespmem:$0x1CE00] =	vst v63  }
0x62: {  	_ =	swait.ge [sflag:s12], $0x2000  }
0x63: {  	[sflag:s12] =	ssyncset.done $0x0  }
0x64: {  	s1 =	sadd.s32 $0x200, s0;
	[sflag:s12] =	ssyncadd.s32 $0xFFFFE000  }
0x65: {  	[tilespmem:s14], [sflag:$0x1] =	stream.indirect.gather [hbm4b:s4+s15], $0x40, s1, s15, $0xb8;
	[tilespmem:$0x1CE00] =	vst v63  }
0x66: {  	_ =	swait.ge [sflag:s22], $0x2000  }
0x67: {  	[sflag:s22] =	ssyncset.done $0x0  }
0x68: {  	s1 =	sadd.s32 $0x5900, s0;
	[sflag:s22] =	ssyncadd.s32 $0xFFFFE000  }
0x69: {  	[spmem:s2] =	stream.indirect.scatter.add.f32 [tilespmem:s18], [sflag:$0x5], $0x40, s1, s15, $0xb8;
	[tilespmem:$0x1CE00] =	vst v63  }
0x6a: {  	_ =	swait.ge [sflag:s12], $0x2000  }
0x6b: {  	[sflag:s12] =	ssyncset.done $0x0  }
0x6c: {  	s1 =	sadd.s32 $0x280, s0;
	[sflag:s12] =	ssyncadd.s32 $0xFFFFE000  }
0x6d: {  	[tilespmem:s16], [sflag:$0x2] =	stream.indirect.gather [hbm4b:s4+s15], $0x40, s1, s15, $0xb8;
	[tilespmem:$0x1CE00] =	vst v63  }
0x6e: {  	_ =	swait.ge [sflag:s23], $0x2000  }
0x6f: {  	[sflag:s23] =	ssyncset.done $0x0  }
.Ltmp1:
0x70: {  	s1 =	sadd.s32 $0x5980, s0;
	[sflag:s23] =	ssyncadd.s32 $0xFFFFE000;
	(pc) =	sbr.rel @p0 .LBB2_4-.Ltmp1, $4  }
0x71: {  	[spmem:s2] =	stream.indirect.scatter.add.f32 [tilespmem:s20], [sflag:$0x5], $0x40, s1, s15, $0xb8;
	[tilespmem:$0x1CE00] =	vst v63  }
0x72: {  	_ =	swait.ge [sflag:s12], $0x2000  }
0x73: {  	[sflag:s12] =	ssyncset.done $0x0  }
0x74: {  	s0 =	sadd.s32 $0x300, s0;
	[sflag:s12] =	ssyncadd.s32 $0xFFFFE000  }
0x75: {  	[tilespmem:s18], [sflag:$0x3] =	stream.indirect.gather [hbm4b:s4+s15], $0x40, s0, s15, $0xb8;
	[tilespmem:$0x1CE00] =	vst v63  }
0x76: {  	_ =	swait.ge [sflag:s19], $0x2000  }
0x77: {  	[sflag:s19] =	ssyncset.done $0x0  }
0x78: {  	[sflag:s19] =	ssyncadd.s32 $0xFFFFE000  }
0x79: {  	[spmem:s2] =	stream.indirect.scatter.add.f32 [tilespmem:s14], [sflag:$0x5], $0x40, s24, s15, $0xb8;
	[tilespmem:$0x1CE00] =	vst v63  }
0x7a: {  	_ =	swait.ge [sflag:s12], $0x2000  }
0x7b: {  	[sflag:s12] =	ssyncset.done $0x0  }
0x7c: {  	[sflag:s12] =	ssyncadd.s32 $0xFFFFE000  }
0x7d: {  	[tilespmem:s20], [sflag:$0x4] =	stream.indirect.gather [hbm4b:s4+s15], $0x40, s25, s15, $0xb8;
	[tilespmem:$0x1CE00] =	vst v63  }
0x7e: {  	_ =	swait.ge [sflag:s21], $0x2000  }
0x7f: {  	[sflag:s21] =	ssyncset.done $0x0  }
0x80: {  	[sflag:s21] =	ssyncadd.s32 $0xFFFFE000  }
0x81: {  	[spmem:s2] =	stream.indirect.scatter.add.f32 [tilespmem:s16], [sflag:$0x5], $0x40, s26, s15, $0xb8;
	[tilespmem:$0x1CE00] =	vst v63  }
0x82: {  	_ =	swait.ge [sflag:s12], $0x2000  }
0x83: {  	[sflag:s12] =	ssyncset.done $0x0  }
0x84: {  	[sflag:s12] =	ssyncadd.s32 $0xFFFFE000  }
0x85: {  	_ =	swait.ge [sflag:s22], $0x2000  }
0x86: {  	[sflag:s22] =	ssyncset.done $0x0  }
0x87: {  	[sflag:s22] =	ssyncadd.s32 $0xFFFFE000  }
0x88: {  	[spmem:s2] =	stream.indirect.scatter.add.f32 [tilespmem:s18], [sflag:$0x5], $0x40, s28, s15, $0xb8;
	[tilespmem:$0x1CE00] =	vst v63  }
0x89: {  	_ =	swait.ge [sflag:s12], $0x2000  }
0x8a: {  	[sflag:s12] =	ssyncset.done $0x0  }
0x8b: {  	[sflag:s12] =	ssyncadd.s32 $0xFFFFE000  }
0x8c: {  	_ =	swait.ge [sflag:s23], $0x2000  }
0x8d: {  	[sflag:s23] =	ssyncset.done $0x0  }
0x8e: {  	s31 =	stileid.u32;
	[sflag:s23] =	ssyncadd.s32 $0xFFFFE000  }
0x8f: {  	[spmem:s2] =	stream.indirect.scatter.add.f32 [tilespmem:s20], [sflag:$0x5], $0x40, s29, s15, $0xb8;
	[tilespmem:$0x1CE00] =	vst v63  }
0x90: {  	s1 =	sshrl.u32 s7, $0x3;
	s30 =	sadd.s32 $0x1, s30;
	_ =	swait.ge [sflag:s12], $0x2000  }
0x91: {  	s0 =	sshll.u32 s31, $0x6;
	p0 =	sne.s32 s30, s11;
	[sflag:s12] =	ssyncset.done $0x0  }
.Ltmp2:
0x92: {  	s0 =	sor.u32 $0x1C05, s0;
	[sflag:s12] =	ssyncadd.s32 $0xFFFFE000;
	(pc) =	sbr.rel @p0 .LBB2_1-.Ltmp2, $4  }
0x93: {  	[hbm:s10], [sflag:s0] =	dma.local [spmem:s1], $0x9C8  }
0x94: {  	_ =	swait.ge [sflag:s12], $0x9C8  }
0x95: {  	[sflag:s12] =	ssyncset.done $0x0  }
0x96: {  	[sflag:s12] =	ssyncadd.s32 $0xFFFFF638  }
0x97: {  	_ =	sfence.sel $0x180000  }
0x98: {  	[bflag:$0x0] =	sbarrier.arrive $0xFFFF  }
0x99: {  	_ =	strace $0x90000056  }
0x9a: {  	s0 =	stileid.u32;
	[bflag:$0x2] =	sbarrier.arrive $0xFFFF  }
0x9b: {  	p0 =	sne.s32 s0, $0x0;
	s0 =	rddreg [dreg:$0x4]  }
0x9c: {  	s0 =	sadd.s32 @!p0 $0x100000, s0  }
0x9d: {  	[sflag:s0] =	ssyncadd.tile.s32 @!p0 $0x1;
	_ =	shalt  }
.Lfunc_end2:
_tile_overlayer_lowered:
.L_overlay_start_2:
0x9e: {  	(tag) =	ssettag $0x2  }
0x9f: {  	s0 =	rddreg [dreg:$0x0];
	s2 =	stileid.u32  }
0xa0: {  	s1 =	rddreg [dreg:$0x1];
	p0 =	sne.s32 s2, $0x0  }
0xa1: {  	s3 =	rddreg [dreg:$0x2];
	[bflag:$0x3] =	sbarrier.arrive $0xFFFF;
	s2 =	simm.s32 @!p0 $0x1C05  }
0xa2: {  	[timem:s3], [sflag:s2] =	dma.local @!p0 [hbm:s0], s1  }
0xa3: {  	s0 =	simm.s32 @!p0 $0x5  }
0xa4: {  	_ =	swait.ge @!p0 [sflag:s0], s1  }
0xa5: {  	s1 =	ssub.s32 @!p0 $0x0, s1;
	[sflag:s0] =	ssyncset.done @!p0 $0x0  }
0xa6: {  	[sflag:s0] =	ssyncadd.s32 @!p0 s1  }
0xa7: {  	[bflag:$0x3] =	sbarrier.arrive $0xFFFF  }
0xa8: {  	_ =	shalt  }

</sc_bundles>
